<compile_context>
chip_gen: v7x
topology: tpu7x:2x2x1
jax: 0.10.2.dev20260603
libtpu: 0.0.44.dev20260713+nightly
codegen_flags: <defaults>
</compile_context>

<pallas_src>
import functools

import jax
import jax.numpy as jnp
from jax import lax
from jax.experimental import pallas as pl
from jax.experimental.pallas import tpu as pltpu
from jax.experimental.pallas import tpu_sc as plsc

B = 16
N = 4096
D = 64
TEMPERATURE = 0.05

NW = 32
CHUNK = 128
NCHUNK = N // CHUNK
GROUPS = CHUNK // 16


def _bce_weighted(dots, t, wv):
    l = dots * (1.0 / TEMPERATURE)
    al = jnp.abs(l)
    u = jnp.exp(-al)
    z = u / (u + 2.0)
    z2 = z * z
    lp = (2.0 * z) * (1.0 + z2 * (1.0 / 3 + z2 * (1.0 / 5 + z2 * (1.0 / 7 + z2 * (1.0 / 9)))))
    loss = jnp.maximum(l, 0.0) - l * t + lp
    return loss * wv


def _sc_loss_parts(lengths, output_embeddings, supervision_embeddings,
                   supervision_weights, supervision_ratings):
    mesh = plsc.VectorSubcoreMesh(core_axis_name="c", subcore_axis_name="s")

    @functools.partial(
        pl.kernel,
        mesh=mesh,
        compiler_params=pltpu.CompilerParams(needs_layout_passes=False),
        out_type=[
            jax.ShapeDtypeStruct((NW, 16), jnp.float32),
            jax.ShapeDtypeStruct((NW, 16), jnp.float32),
        ],
        scratch_types=[
            pltpu.VMEM((B,), jnp.int32),
            pltpu.VMEM((CHUNK, D), jnp.float32),
            pltpu.VMEM((CHUNK, D), jnp.float32),
            pltpu.VMEM((CHUNK, D), jnp.float32),
            pltpu.VMEM((CHUNK, D), jnp.float32),
            pltpu.VMEM((B * CHUNK,), jnp.float32),
            pltpu.VMEM((B * CHUNK,), jnp.float32),
            pltpu.VMEM((16,), jnp.float32),
            pltpu.VMEM((16,), jnp.float32),
            pltpu.SemaphoreType.DMA,
            pltpu.SemaphoreType.DMA,
            pltpu.SemaphoreType.DMA,
        ],
    )
    def sc_kernel(len_hbm, oe_hbm, se_hbm, sw_hbm, sr_hbm,
                  wl_out, w_out,
                  len_v, a0_v, a1_v, c0_v, c1_v, w_v, r_v, awl_v, aw_v,
                  sem0, sem1, semwr):
        wid = lax.axis_index("s") * 2 + lax.axis_index("c")
        lane = lax.iota(jnp.int32, 16)

        for b in range(B):
            base = ((wid + 2 * b) & (NCHUNK - 1)) * CHUNK
            pltpu.async_copy(sw_hbm.at[b, pl.ds(base, CHUNK)],
                             w_v.at[pl.ds(b * CHUNK, CHUNK)], semwr)
            pltpu.async_copy(sr_hbm.at[b, pl.ds(base, CHUNK)],
                             r_v.at[pl.ds(b * CHUNK, CHUNK)], semwr)
        pltpu.sync_copy(len_hbm, len_v)
        for b in range(B):
            base = ((wid + 2 * b) & (NCHUNK - 1)) * CHUNK
            pltpu.make_async_copy(sw_hbm.at[b, pl.ds(base, CHUNK)],
                                  w_v.at[pl.ds(b * CHUNK, CHUNK)], semwr).wait()
            pltpu.make_async_copy(sr_hbm.at[b, pl.ds(base, CHUNK)],
                                  r_v.at[pl.ds(b * CHUNK, CHUNK)], semwr).wait()

        awl_v[...] = jnp.zeros((16,), jnp.float32)
        aw_v[...] = jnp.zeros((16,), jnp.float32)
        len_all = len_v[...]

        def binfo(b):
            base = ((wid + 2 * b) & (NCHUNK - 1)) * CHUNK
            len_b = jnp.max(jnp.where(lane == b, len_all, 0))
            return b * N + base, base, len_b

        def issue(b, a_buf, c_buf, sem):
            grow, base, len_b = binfo(b)

            @pl.when(base < len_b)
            def _():
                pltpu.async_copy(oe_hbm.at[pl.ds(grow, CHUNK)], a_buf, sem)
                pltpu.async_copy(se_hbm.at[pl.ds(grow, CHUNK)], c_buf, sem)

        def compute(b, a_buf, c_buf, sem):
            grow, base, len_b = binfo(b)

            @pl.when(base < len_b)
            def _():
                pltpu.make_async_copy(oe_hbm.at[pl.ds(grow, CHUNK)], a_buf, sem).wait()
                pltpu.make_async_copy(se_hbm.at[pl.ds(grow, CHUNK)], c_buf, sem).wait()

                def group_body(g, _):
                    row0 = g * 16
                    rows = row0 + lane
                    accs = [jnp.zeros((16,), jnp.float32) for _ in range(4)]
                    for d in range(D):
                        dvec = (lane + d) & (D - 1)
                        a = plsc.load_gather(a_buf, [rows, dvec])
                        c = plsc.load_gather(c_buf, [rows, dvec])
                        accs[d & 3] = accs[d & 3] + a * c
                    dots = (accs[0] + accs[1]) + (accs[2] + accs[3])
                    off = b * CHUNK + row0
                    t = r_v[pl.ds(off, 16)]
                    wv = w_v[pl.ds(off, 16)]
                    valid = (base + rows) < len_b
                    wv = jnp.where(valid, wv, 0.0)
                    awl_v[...] += _bce_weighted(dots, t, wv)
                    aw_v[...] += wv
                    return _

                lax.fori_loop(0, GROUPS, group_body, None)

        issue(0, a0_v, c0_v, sem0)

        def pipe_body(i, _):
            b0 = 2 * i
            issue(b0 + 1, a1_v, c1_v, sem1)
            compute(b0, a0_v, c0_v, sem0)

            @pl.when(i < B // 2 - 1)
            def _():
                issue(b0 + 2, a0_v, c0_v, sem0)

            compute(b0 + 1, a1_v, c1_v, sem1)
            return _

        lax.fori_loop(0, B // 2, pipe_body, None)

        pltpu.sync_copy(awl_v, wl_out.at[wid])
        pltpu.sync_copy(aw_v, w_out.at[wid])

    return sc_kernel(lengths,
                     output_embeddings.reshape(B * N, D),
                     supervision_embeddings.reshape(B * N, D),
                     supervision_weights, supervision_ratings)


def kernel(lengths, output_embeddings, supervision_ids, supervision_embeddings,
           supervision_weights, supervision_ratings):
    del supervision_ids
    wl, w = _sc_loss_parts(lengths, output_embeddings, supervision_embeddings,
                           supervision_weights, supervision_ratings)
    return jnp.sum(wl) / jnp.sum(w)

# --- scband reference (transcript-rebuilt; emitter-appended) ---
"""Pipeline reference for scband-bceloss-with-ratings-15109694947788 (READ-ONLY COPY).

The authoritative reference and input builder live on the scoring server;
editing this copy changes nothing except your own understanding.
"""

import jax, jax.numpy as jnp
import numpy as np

B = 16
N = 4096
D = 64
VOCAB = 100000
TEMPERATURE = 0.05


def setup_inputs(seed: int = 0) -> dict:
    key = jax.random.key(seed)
    k1, k2, k3, k4, k5, k6 = jax.random.split(key, 6)
    lengths = jax.random.randint(k1, (B,), 1, N + 1).astype(jnp.int32)
    output_embeddings = jax.random.normal(k2, (B, N, D), dtype=jnp.float32)
    supervision_ids = jax.random.randint(k3, (B, N), 0, VOCAB).astype(jnp.int64)
    supervision_embeddings = jax.random.normal(k4, (B, N, D), dtype=jnp.float32)
    supervision_weights = jax.random.uniform(k5, (B, N), dtype=jnp.float32)
    supervision_ratings = jax.random.uniform(k6, (B, N), dtype=jnp.float32)
    return {
        "lengths": lengths,
        "output_embeddings": output_embeddings,
        "supervision_ids": supervision_ids,
        "supervision_embeddings": supervision_embeddings,
        "supervision_weights": supervision_weights,
        "supervision_ratings": supervision_ratings,
    }


def _bce_with_logits(logits, targets):
    # numerically-stable BCEWithLogits, reduction='none'
    return jnp.maximum(logits, 0.0) - logits * targets + jnp.log1p(jnp.exp(-jnp.abs(logits)))


def reference(lengths, output_embeddings, supervision_ids, supervision_embeddings, supervision_weights, supervision_ratings) -> jnp.ndarray:
    # dense_to_jagged(x, lengths) keeps only the first lengths[b] positions of
    # each row. Since the loss is sum(bce * w) / sum(w), zeroing the weights
    # outside the valid region is mathematically identical to jagged gather.
    valid = (jnp.arange(N)[None, :] < lengths[:, None]).astype(jnp.float32)
    # NDP interaction = dot-product similarity between output and target embeddings
    target_logits = jnp.sum(output_embeddings * supervision_embeddings, axis=-1) / TEMPERATURE
    losses = _bce_with_logits(target_logits, supervision_ratings)
    w = supervision_weights * valid
    weighted_losses = losses * w
    return jnp.sum(weighted_losses) / jnp.sum(w)

if __name__ == "__main__":
    import jax
    _d = setup_inputs()
    print(jax.jit(kernel)(*tuple(_d.values())))

</pallas_src>

<mosaic_0001>
#map = affine_map<(d0, d1) -> (0)>
#map1 = affine_map<(d0, d1) -> (0, 0)>
module attributes {stable_mosaic.version = 14 : i64} {
  func.func @sc_kernel(%arg0: i32, %arg1: i32, %arg2: memref<16xi32, #tpu.memory_space<hbm>>, %arg3: memref<65536x64xf32, #tpu.memory_space<hbm>>, %arg4: memref<65536x64xf32, #tpu.memory_space<hbm>>, %arg5: memref<16x4096xf32, #tpu.memory_space<hbm>>, %arg6: memref<16x4096xf32, #tpu.memory_space<hbm>>, %arg7: memref<32x16xf32, #tpu.memory_space<hbm>>, %arg8: memref<32x16xf32, #tpu.memory_space<hbm>>, %arg9: memref<16xi32, #tpu.memory_space<vmem>>, %arg10: memref<128x64xf32, #tpu.memory_space<vmem>>, %arg11: memref<128x64xf32, #tpu.memory_space<vmem>>, %arg12: memref<128x64xf32, #tpu.memory_space<vmem>>, %arg13: memref<128x64xf32, #tpu.memory_space<vmem>>, %arg14: memref<2048xf32, #tpu.memory_space<vmem>>, %arg15: memref<2048xf32, #tpu.memory_space<vmem>>, %arg16: memref<16xf32, #tpu.memory_space<vmem>>, %arg17: memref<16xf32, #tpu.memory_space<vmem>>, %arg18: memref<!tpu.dma_semaphore, #tpu.memory_space<semaphore_mem>>, %arg19: memref<!tpu.dma_semaphore, #tpu.memory_space<semaphore_mem>>, %arg20: memref<!tpu.dma_semaphore, #tpu.memory_space<semaphore_mem>>) attributes {dimension_semantics = [#tpu.dimension_semantics<core_parallel>, #tpu.dimension_semantics<subcore_parallel>], iteration_bounds = array<i64: 2, 16>, scalar_prefetch = 0 : i64, scratch_operands = 12 : i64, tpu.core_type = #tpu.core_type<sc_vector_subcore>, window_params = [{transform_indices = #map}, {transform_indices = #map1}, {transform_indices = #map1}, {transform_indices = #map1}, {transform_indices = #map1}, {transform_indices = #map1}, {transform_indices = #map1}]} {
    %mul3A = arith.constant 2 : i32
    %mul3A_0 = arith.muli %arg1, %mul3A : i32
    %add3A = arith.addi %mul3A_0, %arg0 : i32
    %iota3A = tpu.iota {dimensions = array<i32: 0>} : vector<16xi32>
    %add3A_1 = arith.constant 0 : i32
    %add3A_2 = arith.addi %add3A, %add3A_1 : i32
    %and3A = arith.constant 31 : i32
    %and3A_3 = arith.andi %add3A_2, %and3A : i32
    %mul3A_4 = arith.constant 128 : i32
    %mul3A_5 = arith.muli %and3A_3, %mul3A_4 : i32
    %dma_start3A = arith.constant 0 : i32
    %dma_start3A_6 = arith.constant 0 : i32
    %dma_start3A_7 = tpu.memref_slice %arg14[%dma_start3A_6] : memref<2048xf32, #tpu.memory_space<vmem>> -> memref<128xf32, #tpu.memory_space<vmem>>
    %dma_start3A_8 = tpu.memref_slice %arg5[%dma_start3A, %mul3A_5] : memref<16x4096xf32, #tpu.memory_space<hbm>> -> memref<1x128xf32, #tpu.memory_space<hbm>>
    %dma_start3A_9 = tpu.memref_squeeze %dma_start3A_8 : memref<1x128xf32, #tpu.memory_space<hbm>> -> memref<128xf32, #tpu.memory_space<hbm>>
    %dma_start3A_10 = arith.constant 0 : i32
    %dma_start3A_11 = tpu.memref_slice %arg14[%dma_start3A_10] : memref<2048xf32, #tpu.memory_space<vmem>> -> memref<128xf32, #tpu.memory_space<vmem>>
    %dma_start3A_12 = tpu.memref_slice %arg5[%dma_start3A, %mul3A_5] : memref<16x4096xf32, #tpu.memory_space<hbm>> -> memref<1x128xf32, #tpu.memory_space<hbm>>
    %dma_start3A_13 = tpu.memref_squeeze %dma_start3A_12 : memref<1x128xf32, #tpu.memory_space<hbm>> -> memref<128xf32, #tpu.memory_space<hbm>>
    tpu.enqueue_dma source(%dma_start3A_13 : memref<128xf32, #tpu.memory_space<hbm>>) target(%dma_start3A_11 : memref<128xf32, #tpu.memory_space<vmem>>) target_semaphore(%arg20 : memref<!tpu.dma_semaphore, #tpu.memory_space<semaphore_mem>>)
    %dma_start3A_14 = arith.constant 0 : i32
    %dma_start3A_15 = arith.constant 0 : i32
    %dma_start3A_16 = tpu.memref_slice %arg15[%dma_start3A_15] : memref<2048xf32, #tpu.memory_space<vmem>> -> memref<128xf32, #tpu.memory_space<vmem>>
    %dma_start3A_17 = tpu.memref_slice %arg6[%dma_start3A_14, %mul3A_5] : memref<16x4096xf32, #tpu.memory_space<hbm>> -> memref<1x128xf32, #tpu.memory_space<hbm>>
    %dma_start3A_18 = tpu.memref_squeeze %dma_start3A_17 : memref<1x128xf32, #tpu.memory_space<hbm>> -> memref<128xf32, #tpu.memory_space<hbm>>
    %dma_start3A_19 = arith.constant 0 : i32
    %dma_start3A_20 = tpu.memref_slice %arg15[%dma_start3A_19] : memref<2048xf32, #tpu.memory_space<vmem>> -> memref<128xf32, #tpu.memory_space<vmem>>
    %dma_start3A_21 = tpu.memref_slice %arg6[%dma_start3A_14, %mul3A_5] : memref<16x4096xf32, #tpu.memory_space<hbm>> -> memref<1x128xf32, #tpu.memory_space<hbm>>
    %dma_start3A_22 = tpu.memref_squeeze %dma_start3A_21 : memref<1x128xf32, #tpu.memory_space<hbm>> -> memref<128xf32, #tpu.memory_space<hbm>>
    tpu.enqueue_dma source(%dma_start3A_22 : memref<128xf32, #tpu.memory_space<hbm>>) target(%dma_start3A_20 : memref<128xf32, #tpu.memory_space<vmem>>) target_semaphore(%arg20 : memref<!tpu.dma_semaphore, #tpu.memory_space<semaphore_mem>>)
    %add3A_23 = arith.constant 2 : i32
    %add3A_24 = arith.addi %add3A, %add3A_23 : i32
    %and3A_25 = arith.constant 31 : i32
    %and3A_26 = arith.andi %add3A_24, %and3A_25 : i32
    %mul3A_27 = arith.constant 128 : i32
    %mul3A_28 = arith.muli %and3A_26, %mul3A_27 : i32
    %dma_start3A_29 = arith.constant 1 : i32
    %dma_start3A_30 = arith.constant 128 : i32
    %dma_start3A_31 = tpu.memref_slice %arg14[%dma_start3A_30] : memref<2048xf32, #tpu.memory_space<vmem>> -> memref<128xf32, #tpu.memory_space<vmem>>
    %dma_start3A_32 = tpu.memref_slice %arg5[%dma_start3A_29, %mul3A_28] : memref<16x4096xf32, #tpu.memory_space<hbm>> -> memref<1x128xf32, #tpu.memory_space<hbm>>
    %dma_start3A_33 = tpu.memref_squeeze %dma_start3A_32 : memref<1x128xf32, #tpu.memory_space<hbm>> -> memref<128xf32, #tpu.memory_space<hbm>>
    %dma_start3A_34 = arith.constant 128 : i32
    %dma_start3A_35 = tpu.memref_slice %arg14[%dma_start3A_34] : memref<2048xf32, #tpu.memory_space<vmem>> -> memref<128xf32, #tpu.memory_space<vmem>>
    %dma_start3A_36 = tpu.memref_slice %arg5[%dma_start3A_29, %mul3A_28] : memref<16x4096xf32, #tpu.memory_space<hbm>> -> memref<1x128xf32, #tpu.memory_space<hbm>>
    %dma_start3A_37 = tpu.memref_squeeze %dma_start3A_36 : memref<1x128xf32, #tpu.memory_space<hbm>> -> memref<128xf32, #tpu.memory_space<hbm>>
    tpu.enqueue_dma source(%dma_start3A_37 : memref<128xf32, #tpu.memory_space<hbm>>) target(%dma_start3A_35 : memref<128xf32, #tpu.memory_space<vmem>>) target_semaphore(%arg20 : memref<!tpu.dma_semaphore, #tpu.memory_space<semaphore_mem>>)
    %dma_start3A_38 = arith.constant 1 : i32
    %dma_start3A_39 = arith.constant 128 : i32
    %dma_start3A_40 = tpu.memref_slice %arg15[%dma_start3A_39] : memref<2048xf32, #tpu.memory_space<vmem>> -> memref<128xf32, #tpu.memory_space<vmem>>
    %dma_start3A_41 = tpu.memref_slice %arg6[%dma_start3A_38, %mul3A_28] : memref<16x4096xf32, #tpu.memory_space<hbm>> -> memref<1x128xf32, #tpu.memory_space<hbm>>
    %dma_start3A_42 = tpu.memref_squeeze %dma_start3A_41 : memref<1x128xf32, #tpu.memory_space<hbm>> -> memref<128xf32, #tpu.memory_space<hbm>>
    %dma_start3A_43 = arith.constant 128 : i32
    %dma_start3A_44 = tpu.memref_slice %arg15[%dma_start3A_43] : memref<2048xf32, #tpu.memory_space<vmem>> -> memref<128xf32, #tpu.memory_space<vmem>>
    %dma_start3A_45 = tpu.memref_slice %arg6[%dma_start3A_38, %mul3A_28] : memref<16x4096xf32, #tpu.memory_space<hbm>> -> memref<1x128xf32, #tpu.memory_space<hbm>>
    %dma_start3A_46 = tpu.memref_squeeze %dma_start3A_45 : memref<1x128xf32, #tpu.memory_space<hbm>> -> memref<128xf32, #tpu.memory_space<hbm>>
    tpu.enqueue_dma source(%dma_start3A_46 : memref<128xf32, #tpu.memory_space<hbm>>) target(%dma_start3A_44 : memref<128xf32, #tpu.memory_space<vmem>>) target_semaphore(%arg20 : memref<!tpu.dma_semaphore, #tpu.memory_space<semaphore_mem>>)
    %add3A_47 = arith.constant 4 : i32
    %add3A_48 = arith.addi %add3A, %add3A_47 : i32
    %and3A_49 = arith.constant 31 : i32
    %and3A_50 = arith.andi %add3A_48, %and3A_49 : i32
    %mul3A_51 = arith.constant 128 : i32
    %mul3A_52 = arith.muli %and3A_50, %mul3A_51 : i32
    %dma_start3A_53 = arith.constant 2 : i32
    %dma_start3A_54 = arith.constant 256 : i32
    %dma_start3A_55 = tpu.memref_slice %arg14[%dma_start3A_54] : memref<2048xf32, #tpu.memory_space<vmem>> -> memref<128xf32, #tpu.memory_space<vmem>>
    %dma_start3A_56 = tpu.memref_slice %arg5[%dma_start3A_53, %mul3A_52] : memref<16x4096xf32, #tpu.memory_space<hbm>> -> memref<1x128xf32, #tpu.memory_space<hbm>>
    %dma_start3A_57 = tpu.memref_squeeze %dma_start3A_56 : memref<1x128xf32, #tpu.memory_space<hbm>> -> memref<128xf32, #tpu.memory_space<hbm>>
    %dma_start3A_58 = arith.constant 256 : i32
    %dma_start3A_59 = tpu.memref_slice %arg14[%dma_start3A_58] : memref<2048xf32, #tpu.memory_space<vmem>> -> memref<128xf32, #tpu.memory_space<vmem>>
    %dma_start3A_60 = tpu.memref_slice %arg5[%dma_start3A_53, %mul3A_52] : memref<16x4096xf32, #tpu.memory_space<hbm>> -> memref<1x128xf32, #tpu.memory_space<hbm>>
    %dma_start3A_61 = tpu.memref_squeeze %dma_start3A_60 : memref<1x128xf32, #tpu.memory_space<hbm>> -> memref<128xf32, #tpu.memory_space<hbm>>
    tpu.enqueue_dma source(%dma_start3A_61 : memref<128xf32, #tpu.memory_space<hbm>>) target(%dma_start3A_59 : memref<128xf32, #tpu.memory_space<vmem>>) target_semaphore(%arg20 : memref<!tpu.dma_semaphore, #tpu.memory_space<semaphore_mem>>)
    %dma_start3A_62 = arith.constant 2 : i32
    %dma_start3A_63 = arith.constant 256 : i32
    %dma_start3A_64 = tpu.memref_slice %arg15[%dma_start3A_63] : memref<2048xf32, #tpu.memory_space<vmem>> -> memref<128xf32, #tpu.memory_space<vmem>>
    %dma_start3A_65 = tpu.memref_slice %arg6[%dma_start3A_62, %mul3A_52] : memref<16x4096xf32, #tpu.memory_space<hbm>> -> memref<1x128xf32, #tpu.memory_space<hbm>>
    %dma_start3A_66 = tpu.memref_squeeze %dma_start3A_65 : memref<1x128xf32, #tpu.memory_space<hbm>> -> memref<128xf32, #tpu.memory_space<hbm>>
    %dma_start3A_67 = arith.constant 256 : i32
    %dma_start3A_68 = tpu.memref_slice %arg15[%dma_start3A_67] : memref<2048xf32, #tpu.memory_space<vmem>> -> memref<128xf32, #tpu.memory_space<vmem>>
    %dma_start3A_69 = tpu.memref_slice %arg6[%dma_start3A_62, %mul3A_52] : memref<16x4096xf32, #tpu.memory_space<hbm>> -> memref<1x128xf32, #tpu.memory_space<hbm>>
    %dma_start3A_70 = tpu.memref_squeeze %dma_start3A_69 : memref<1x128xf32, #tpu.memory_space<hbm>> -> memref<128xf32, #tpu.memory_space<hbm>>
    tpu.enqueue_dma source(%dma_start3A_70 : memref<128xf32, #tpu.memory_space<hbm>>) target(%dma_start3A_68 : memref<128xf32, #tpu.memory_space<vmem>>) target_semaphore(%arg20 : memref<!tpu.dma_semaphore, #tpu.memory_space<semaphore_mem>>)
    %add3A_71 = arith.constant 6 : i32
    %add3A_72 = arith.addi %add3A, %add3A_71 : i32
    %and3A_73 = arith.constant 31 : i32
    %and3A_74 = arith.andi %add3A_72, %and3A_73 : i32
    %mul3A_75 = arith.constant 128 : i32
    %mul3A_76 = arith.muli %and3A_74, %mul3A_75 : i32
    %dma_start3A_77 = arith.constant 3 : i32
    %dma_start3A_78 = arith.constant 384 : i32
    %dma_start3A_79 = tpu.memref_slice %arg14[%dma_start3A_78] : memref<2048xf32, #tpu.memory_space<vmem>> -> memref<128xf32, #tpu.memory_space<vmem>>
    %dma_start3A_80 = tpu.memref_slice %arg5[%dma_start3A_77, %mul3A_76] : memref<16x4096xf32, #tpu.memory_space<hbm>> -> memref<1x128xf32, #tpu.memory_space<hbm>>
    %dma_start3A_81 = tpu.memref_squeeze %dma_start3A_80 : memref<1x128xf32, #tpu.memory_space<hbm>> -> memref<128xf32, #tpu.memory_space<hbm>>
    %dma_start3A_82 = arith.constant 384 : i32
    %dma_start3A_83 = tpu.memref_slice %arg14[%dma_start3A_82] : memref<2048xf32, #tpu.memory_space<vmem>> -> memref<128xf32, #tpu.memory_space<vmem>>
    %dma_start3A_84 = tpu.memref_slice %arg5[%dma_start3A_77, %mul3A_76] : memref<16x4096xf32, #tpu.memory_space<hbm>> -> memref<1x128xf32, #tpu.memory_space<hbm>>
    %dma_start3A_85 = tpu.memref_squeeze %dma_start3A_84 : memref<1x128xf32, #tpu.memory_space<hbm>> -> memref<128xf32, #tpu.memory_space<hbm>>
    tpu.enqueue_dma source(%dma_start3A_85 : memref<128xf32, #tpu.memory_space<hbm>>) target(%dma_start3A_83 : memref<128xf32, #tpu.memory_space<vmem>>) target_semaphore(%arg20 : memref<!tpu.dma_semaphore, #tpu.memory_space<semaphore_mem>>)
    %dma_start3A_86 = arith.constant 3 : i32
    %dma_start3A_87 = arith.constant 384 : i32
    %dma_start3A_88 = tpu.memref_slice %arg15[%dma_start3A_87] : memref<2048xf32, #tpu.memory_space<vmem>> -> memref<128xf32, #tpu.memory_space<vmem>>
    %dma_start3A_89 = tpu.memref_slice %arg6[%dma_start3A_86, %mul3A_76] : memref<16x4096xf32, #tpu.memory_space<hbm>> -> memref<1x128xf32, #tpu.memory_space<hbm>>
    %dma_start3A_90 = tpu.memref_squeeze %dma_start3A_89 : memref<1x128xf32, #tpu.memory_space<hbm>> -> memref<128xf32, #tpu.memory_space<hbm>>
    %dma_start3A_91 = arith.constant 384 : i32
    %dma_start3A_92 = tpu.memref_slice %arg15[%dma_start3A_91] : memref<2048xf32, #tpu.memory_space<vmem>> -> memref<128xf32, #tpu.memory_space<vmem>>
    %dma_start3A_93 = tpu.memref_slice %arg6[%dma_start3A_86, %mul3A_76] : memref<16x4096xf32, #tpu.memory_space<hbm>> -> memref<1x128xf32, #tpu.memory_space<hbm>>
    %dma_start3A_94 = tpu.memref_squeeze %dma_start3A_93 : memref<1x128xf32, #tpu.memory_space<hbm>> -> memref<128xf32, #tpu.memory_space<hbm>>
    tpu.enqueue_dma source(%dma_start3A_94 : memref<128xf32, #tpu.memory_space<hbm>>) target(%dma_start3A_92 : memref<128xf32, #tpu.memory_space<vmem>>) target_semaphore(%arg20 : memref<!tpu.dma_semaphore, #tpu.memory_space<semaphore_mem>>)
    %add3A_95 = arith.constant 8 : i32
    %add3A_96 = arith.addi %add3A, %add3A_95 : i32
    %and3A_97 = arith.constant 31 : i32
    %and3A_98 = arith.andi %add3A_96, %and3A_97 : i32
    %mul3A_99 = arith.constant 128 : i32
    %mul3A_100 = arith.muli %and3A_98, %mul3A_99 : i32
    %dma_start3A_101 = arith.constant 4 : i32
    %dma_start3A_102 = arith.constant 512 : i32
    %dma_start3A_103 = tpu.memref_slice %arg14[%dma_start3A_102] : memref<2048xf32, #tpu.memory_space<vmem>> -> memref<128xf32, #tpu.memory_space<vmem>>
    %dma_start3A_104 = tpu.memref_slice %arg5[%dma_start3A_101, %mul3A_100] : memref<16x4096xf32, #tpu.memory_space<hbm>> -> memref<1x128xf32, #tpu.memory_space<hbm>>
    %dma_start3A_105 = tpu.memref_squeeze %dma_start3A_104 : memref<1x128xf32, #tpu.memory_space<hbm>> -> memref<128xf32, #tpu.memory_space<hbm>>
    %dma_start3A_106 = arith.constant 512 : i32
    %dma_start3A_107 = tpu.memref_slice %arg14[%dma_start3A_106] : memref<2048xf32, #tpu.memory_space<vmem>> -> memref<128xf32, #tpu.memory_space<vmem>>
    %dma_start3A_108 = tpu.memref_slice %arg5[%dma_start3A_101, %mul3A_100] : memref<16x4096xf32, #tpu.memory_space<hbm>> -> memref<1x128xf32, #tpu.memory_space<hbm>>
    %dma_start3A_109 = tpu.memref_squeeze %dma_start3A_108 : memref<1x128xf32, #tpu.memory_space<hbm>> -> memref<128xf32, #tpu.memory_space<hbm>>
    tpu.enqueue_dma source(%dma_start3A_109 : memref<128xf32, #tpu.memory_space<hbm>>) target(%dma_start3A_107 : memref<128xf32, #tpu.memory_space<vmem>>) target_semaphore(%arg20 : memref<!tpu.dma_semaphore, #tpu.memory_space<semaphore_mem>>)
    %dma_start3A_110 = arith.constant 4 : i32
    %dma_start3A_111 = arith.constant 512 : i32
    %dma_start3A_112 = tpu.memref_slice %arg15[%dma_start3A_111] : memref<2048xf32, #tpu.memory_space<vmem>> -> memref<128xf32, #tpu.memory_space<vmem>>
    %dma_start3A_113 = tpu.memref_slice %arg6[%dma_start3A_110, %mul3A_100] : memref<16x4096xf32, #tpu.memory_space<hbm>> -> memref<1x128xf32, #tpu.memory_space<hbm>>
    %dma_start3A_114 = tpu.memref_squeeze %dma_start3A_113 : memref<1x128xf32, #tpu.memory_space<hbm>> -> memref<128xf32, #tpu.memory_space<hbm>>
    %dma_start3A_115 = arith.constant 512 : i32
    %dma_start3A_116 = tpu.memref_slice %arg15[%dma_start3A_115] : memref<2048xf32, #tpu.memory_space<vmem>> -> memref<128xf32, #tpu.memory_space<vmem>>
    %dma_start3A_117 = tpu.memref_slice %arg6[%dma_start3A_110, %mul3A_100] : memref<16x4096xf32, #tpu.memory_space<hbm>> -> memref<1x128xf32, #tpu.memory_space<hbm>>
    %dma_start3A_118 = tpu.memref_squeeze %dma_start3A_117 : memref<1x128xf32, #tpu.memory_space<hbm>> -> memref<128xf32, #tpu.memory_space<hbm>>
    tpu.enqueue_dma source(%dma_start3A_118 : memref<128xf32, #tpu.memory_space<hbm>>) target(%dma_start3A_116 : memref<128xf32, #tpu.memory_space<vmem>>) target_semaphore(%arg20 : memref<!tpu.dma_semaphore, #tpu.memory_space<semaphore_mem>>)
    %add3A_119 = arith.constant 10 : i32
    %add3A_120 = arith.addi %add3A, %add3A_119 : i32
    %and3A_121 = arith.constant 31 : i32
    %and3A_122 = arith.andi %add3A_120, %and3A_121 : i32
    %mul3A_123 = arith.constant 128 : i32
    %mul3A_124 = arith.muli %and3A_122, %mul3A_123 : i32
    %dma_start3A_125 = arith.constant 5 : i32
    %dma_start3A_126 = arith.constant 640 : i32
    %dma_start3A_127 = tpu.memref_slice %arg14[%dma_start3A_126] : memref<2048xf32, #tpu.memory_space<vmem>> -> memref<128xf32, #tpu.memory_space<vmem>>
    %dma_start3A_128 = tpu.memref_slice %arg5[%dma_start3A_125, %mul3A_124] : memref<16x4096xf32, #tpu.memory_space<hbm>> -> memref<1x128xf32, #tpu.memory_space<hbm>>
    %dma_start3A_129 = tpu.memref_squeeze %dma_start3A_128 : memref<1x128xf32, #tpu.memory_space<hbm>> -> memref<128xf32, #tpu.memory_space<hbm>>
    %dma_start3A_130 = arith.constant 640 : i32
    %dma_start3A_131 = tpu.memref_slice %arg14[%dma_start3A_130] : memref<2048xf32, #tpu.memory_space<vmem>> -> memref<128xf32, #tpu.memory_space<vmem>>
    %dma_start3A_132 = tpu.memref_slice %arg5[%dma_start3A_125, %mul3A_124] : memref<16x4096xf32, #tpu.memory_space<hbm>> -> memref<1x128xf32, #tpu.memory_space<hbm>>
    %dma_start3A_133 = tpu.memref_squeeze %dma_start3A_132 : memref<1x128xf32, #tpu.memory_space<hbm>> -> memref<128xf32, #tpu.memory_space<hbm>>
    tpu.enqueue_dma source(%dma_start3A_133 : memref<128xf32, #tpu.memory_space<hbm>>) target(%dma_start3A_131 : memref<128xf32, #tpu.memory_space<vmem>>) target_semaphore(%arg20 : memref<!tpu.dma_semaphore, #tpu.memory_space<semaphore_mem>>)
    %dma_start3A_134 = arith.constant 5 : i32
    %dma_start3A_135 = arith.constant 640 : i32
    %dma_start3A_136 = tpu.memref_slice %arg15[%dma_start3A_135] : memref<2048xf32, #tpu.memory_space<vmem>> -> memref<128xf32, #tpu.memory_space<vmem>>
    %dma_start3A_137 = tpu.memref_slice %arg6[%dma_start3A_134, %mul3A_124] : memref<16x4096xf32, #tpu.memory_space<hbm>> -> memref<1x128xf32, #tpu.memory_space<hbm>>
    %dma_start3A_138 = tpu.memref_squeeze %dma_start3A_137 : memref<1x128xf32, #tpu.memory_space<hbm>> -> memref<128xf32, #tpu.memory_space<hbm>>
    %dma_start3A_139 = arith.constant 640 : i32
    %dma_start3A_140 = tpu.memref_slice %arg15[%dma_start3A_139] : memref<2048xf32, #tpu.memory_space<vmem>> -> memref<128xf32, #tpu.memory_space<vmem>>
    %dma_start3A_141 = tpu.memref_slice %arg6[%dma_start3A_134, %mul3A_124] : memref<16x4096xf32, #tpu.memory_space<hbm>> -> memref<1x128xf32, #tpu.memory_space<hbm>>
    %dma_start3A_142 = tpu.memref_squeeze %dma_start3A_141 : memref<1x128xf32, #tpu.memory_space<hbm>> -> memref<128xf32, #tpu.memory_space<hbm>>
    tpu.enqueue_dma source(%dma_start3A_142 : memref<128xf32, #tpu.memory_space<hbm>>) target(%dma_start3A_140 : memref<128xf32, #tpu.memory_space<vmem>>) target_semaphore(%arg20 : memref<!tpu.dma_semaphore, #tpu.memory_space<semaphore_mem>>)
    %add3A_143 = arith.constant 12 : i32
    %add3A_144 = arith.addi %add3A, %add3A_143 : i32
    %and3A_145 = arith.constant 31 : i32
    %and3A_146 = arith.andi %add3A_144, %and3A_145 : i32
    %mul3A_147 = arith.constant 128 : i32
    %mul3A_148 = arith.muli %and3A_146, %mul3A_147 : i32
    %dma_start3A_149 = arith.constant 6 : i32
    %dma_start3A_150 = arith.constant 768 : i32
    %dma_start3A_151 = tpu.memref_slice %arg14[%dma_start3A_150] : memref<2048xf32, #tpu.memory_space<vmem>> -> memref<128xf32, #tpu.memory_space<vmem>>
    %dma_start3A_152 = tpu.memref_slice %arg5[%dma_start3A_149, %mul3A_148] : memref<16x4096xf32, #tpu.memory_space<hbm>> -> memref<1x128xf32, #tpu.memory_space<hbm>>
    %dma_start3A_153 = tpu.memref_squeeze %dma_start3A_152 : memref<1x128xf32, #tpu.memory_space<hbm>> -> memref<128xf32, #tpu.memory_space<hbm>>
    %dma_start3A_154 = arith.constant 768 : i32
    %dma_start3A_155 = tpu.memref_slice %arg14[%dma_start3A_154] : memref<2048xf32, #tpu.memory_space<vmem>> -> memref<128xf32, #tpu.memory_space<vmem>>
    %dma_start3A_156 = tpu.memref_slice %arg5[%dma_start3A_149, %mul3A_148] : memref<16x4096xf32, #tpu.memory_space<hbm>> -> memref<1x128xf32, #tpu.memory_space<hbm>>
    %dma_start3A_157 = tpu.memref_squeeze %dma_start3A_156 : memref<1x128xf32, #tpu.memory_space<hbm>> -> memref<128xf32, #tpu.memory_space<hbm>>
    tpu.enqueue_dma source(%dma_start3A_157 : memref<128xf32, #tpu.memory_space<hbm>>) target(%dma_start3A_155 : memref<128xf32, #tpu.memory_space<vmem>>) target_semaphore(%arg20 : memref<!tpu.dma_semaphore, #tpu.memory_space<semaphore_mem>>)
    %dma_start3A_158 = arith.constant 6 : i32
    %dma_start3A_159 = arith.constant 768 : i32
    %dma_start3A_160 = tpu.memref_slice %arg15[%dma_start3A_159] : memref<2048xf32, #tpu.memory_space<vmem>> -> memref<128xf32, #tpu.memory_space<vmem>>
    %dma_start3A_161 = tpu.memref_slice %arg6[%dma_start3A_158, %mul3A_148] : memref<16x4096xf32, #tpu.memory_space<hbm>> -> memref<1x128xf32, #tpu.memory_space<hbm>>
    %dma_start3A_162 = tpu.memref_squeeze %dma_start3A_161 : memref<1x128xf32, #tpu.memory_space<hbm>> -> memref<128xf32, #tpu.memory_space<hbm>>
    %dma_start3A_163 = arith.constant 768 : i32
    %dma_start3A_164 = tpu.memref_slice %arg15[%dma_start3A_163] : memref<2048xf32, #tpu.memory_space<vmem>> -> memref<128xf32, #tpu.memory_space<vmem>>
    %dma_start3A_165 = tpu.memref_slice %arg6[%dma_start3A_158, %mul3A_148] : memref<16x4096xf32, #tpu.memory_space<hbm>> -> memref<1x128xf32, #tpu.memory_space<hbm>>
    %dma_start3A_166 = tpu.memref_squeeze %dma_start3A_165 : memref<1x128xf32, #tpu.memory_space<hbm>> -> memref<128xf32, #tpu.memory_space<hbm>>
    tpu.enqueue_dma source(%dma_start3A_166 : memref<128xf32, #tpu.memory_space<hbm>>) target(%dma_start3A_164 : memref<128xf32, #tpu.memory_space<vmem>>) target_semaphore(%arg20 : memref<!tpu.dma_semaphore, #tpu.memory_space<semaphore_mem>>)
    %add3A_167 = arith.constant 14 : i32
    %add3A_168 = arith.addi %add3A, %add3A_167 : i32
    %and3A_169 = arith.constant 31 : i32
    %and3A_170 = arith.andi %add3A_168, %and3A_169 : i32
    %mul3A_171 = arith.constant 128 : i32
    %mul3A_172 = arith.muli %and3A_170, %mul3A_171 : i32
    %dma_start3A_173 = arith.constant 7 : i32
    %dma_start3A_174 = arith.constant 896 : i32
    %dma_start3A_175 = tpu.memref_slice %arg14[%dma_start3A_174] : memref<2048xf32, #tpu.memory_space<vmem>> -> memref<128xf32, #tpu.memory_space<vmem>>
    %dma_start3A_176 = tpu.memref_slice %arg5[%dma_start3A_173, %mul3A_172] : memref<16x4096xf32, #tpu.memory_space<hbm>> -> memref<1x128xf32, #tpu.memory_space<hbm>>
    %dma_start3A_177 = tpu.memref_squeeze %dma_start3A_176 : memref<1x128xf32, #tpu.memory_space<hbm>> -> memref<128xf32, #tpu.memory_space<hbm>>
    %dma_start3A_178 = arith.constant 896 : i32
    %dma_start3A_179 = tpu.memref_slice %arg14[%dma_start3A_178] : memref<2048xf32, #tpu.memory_space<vmem>> -> memref<128xf32, #tpu.memory_space<vmem>>
    %dma_start3A_180 = tpu.memref_slice %arg5[%dma_start3A_173, %mul3A_172] : memref<16x4096xf32, #tpu.memory_space<hbm>> -> memref<1x128xf32, #tpu.memory_space<hbm>>
    %dma_start3A_181 = tpu.memref_squeeze %dma_start3A_180 : memref<1x128xf32, #tpu.memory_space<hbm>> -> memref<128xf32, #tpu.memory_space<hbm>>
    tpu.enqueue_dma source(%dma_start3A_181 : memref<128xf32, #tpu.memory_space<hbm>>) target(%dma_start3A_179 : memref<128xf32, #tpu.memory_space<vmem>>) target_semaphore(%arg20 : memref<!tpu.dma_semaphore, #tpu.memory_space<semaphore_mem>>)
    %dma_start3A_182 = arith.constant 7 : i32
    %dma_start3A_183 = arith.constant 896 : i32
    %dma_start3A_184 = tpu.memref_slice %arg15[%dma_start3A_183] : memref<2048xf32, #tpu.memory_space<vmem>> -> memref<128xf32, #tpu.memory_space<vmem>>
    %dma_start3A_185 = tpu.memref_slice %arg6[%dma_start3A_182, %mul3A_172] : memref<16x4096xf32, #tpu.memory_space<hbm>> -> memref<1x128xf32, #tpu.memory_space<hbm>>
    %dma_start3A_186 = tpu.memref_squeeze %dma_start3A_185 : memref<1x128xf32, #tpu.memory_space<hbm>> -> memref<128xf32, #tpu.memory_space<hbm>>
    %dma_start3A_187 = arith.constant 896 : i32
    %dma_start3A_188 = tpu.memref_slice %arg15[%dma_start3A_187] : memref<2048xf32, #tpu.memory_space<vmem>> -> memref<128xf32, #tpu.memory_space<vmem>>
    %dma_start3A_189 = tpu.memref_slice %arg6[%dma_start3A_182, %mul3A_172] : memref<16x4096xf32, #tpu.memory_space<hbm>> -> memref<1x128xf32, #tpu.memory_space<hbm>>
    %dma_start3A_190 = tpu.memref_squeeze %dma_start3A_189 : memref<1x128xf32, #tpu.memory_space<hbm>> -> memref<128xf32, #tpu.memory_space<hbm>>
    tpu.enqueue_dma source(%dma_start3A_190 : memref<128xf32, #tpu.memory_space<hbm>>) target(%dma_start3A_188 : memref<128xf32, #tpu.memory_space<vmem>>) target_semaphore(%arg20 : memref<!tpu.dma_semaphore, #tpu.memory_space<semaphore_mem>>)
    %add3A_191 = arith.constant 16 : i32
    %add3A_192 = arith.addi %add3A, %add3A_191 : i32
    %and3A_193 = arith.constant 31 : i32
    %and3A_194 = arith.andi %add3A_192, %and3A_193 : i32
    %mul3A_195 = arith.constant 128 : i32
    %mul3A_196 = arith.muli %and3A_194, %mul3A_195 : i32
    %dma_start3A_197 = arith.constant 8 : i32
    %dma_start3A_198 = arith.constant 1024 : i32
    %dma_start3A_199 = tpu.memref_slice %arg14[%dma_start3A_198] : memref<2048xf32, #tpu.memory_space<vmem>> -> memref<128xf32, #tpu.memory_space<vmem>>
    %dma_start3A_200 = tpu.memref_slice %arg5[%dma_start3A_197, %mul3A_196] : memref<16x4096xf32, #tpu.memory_space<hbm>> -> memref<1x128xf32, #tpu.memory_space<hbm>>
    %dma_start3A_201 = tpu.memref_squeeze %dma_start3A_200 : memref<1x128xf32, #tpu.memory_space<hbm>> -> memref<128xf32, #tpu.memory_space<hbm>>
    %dma_start3A_202 = arith.constant 1024 : i32
    %dma_start3A_203 = tpu.memref_slice %arg14[%dma_start3A_202] : memref<2048xf32, #tpu.memory_space<vmem>> -> memref<128xf32, #tpu.memory_space<vmem>>
    %dma_start3A_204 = tpu.memref_slice %arg5[%dma_start3A_197, %mul3A_196] : memref<16x4096xf32, #tpu.memory_space<hbm>> -> memref<1x128xf32, #tpu.memory_space<hbm>>
    %dma_start3A_205 = tpu.memref_squeeze %dma_start3A_204 : memref<1x128xf32, #tpu.memory_space<hbm>> -> memref<128xf32, #tpu.memory_space<hbm>>
    tpu.enqueue_dma source(%dma_start3A_205 : memref<128xf32, #tpu.memory_space<hbm>>) target(%dma_start3A_203 : memref<128xf32, #tpu.memory_space<vmem>>) target_semaphore(%arg20 : memref<!tpu.dma_semaphore, #tpu.memory_space<semaphore_mem>>)
    %dma_start3A_206 = arith.constant 8 : i32
    %dma_start3A_207 = arith.constant 1024 : i32
    %dma_start3A_208 = tpu.memref_slice %arg15[%dma_start3A_207] : memref<2048xf32, #tpu.memory_space<vmem>> -> memref<128xf32, #tpu.memory_space<vmem>>
    %dma_start3A_209 = tpu.memref_slice %arg6[%dma_start3A_206, %mul3A_196] : memref<16x4096xf32, #tpu.memory_space<hbm>> -> memref<1x128xf32, #tpu.memory_space<hbm>>
    %dma_start3A_210 = tpu.memref_squeeze %dma_start3A_209 : memref<1x128xf32, #tpu.memory_space<hbm>> -> memref<128xf32, #tpu.memory_space<hbm>>
    %dma_start3A_211 = arith.constant 1024 : i32
    %dma_start3A_212 = tpu.memref_slice %arg15[%dma_start3A_211] : memref<2048xf32, #tpu.memory_space<vmem>> -> memref<128xf32, #tpu.memory_space<vmem>>
    %dma_start3A_213 = tpu.memref_slice %arg6[%dma_start3A_206, %mul3A_196] : memref<16x4096xf32, #tpu.memory_space<hbm>> -> memref<1x128xf32, #tpu.memory_space<hbm>>
    %dma_start3A_214 = tpu.memref_squeeze %dma_start3A_213 : memref<1x128xf32, #tpu.memory_space<hbm>> -> memref<128xf32, #tpu.memory_space<hbm>>
    tpu.enqueue_dma source(%dma_start3A_214 : memref<128xf32, #tpu.memory_space<hbm>>) target(%dma_start3A_212 : memref<128xf32, #tpu.memory_space<vmem>>) target_semaphore(%arg20 : memref<!tpu.dma_semaphore, #tpu.memory_space<semaphore_mem>>)
    %add3A_215 = arith.constant 18 : i32
    %add3A_216 = arith.addi %add3A, %add3A_215 : i32
    %and3A_217 = arith.constant 31 : i32
    %and3A_218 = arith.andi %add3A_216, %and3A_217 : i32
    %mul3A_219 = arith.constant 128 : i32
    %mul3A_220 = arith.muli %and3A_218, %mul3A_219 : i32
    %dma_start3A_221 = arith.constant 9 : i32
    %dma_start3A_222 = arith.constant 1152 : i32
    %dma_start3A_223 = tpu.memref_slice %arg14[%dma_start3A_222] : memref<2048xf32, #tpu.memory_space<vmem>> -> memref<128xf32, #tpu.memory_space<vmem>>
    %dma_start3A_224 = tpu.memref_slice %arg5[%dma_start3A_221, %mul3A_220] : memref<16x4096xf32, #tpu.memory_space<hbm>> -> memref<1x128xf32, #tpu.memory_space<hbm>>
    %dma_start3A_225 = tpu.memref_squeeze %dma_start3A_224 : memref<1x128xf32, #tpu.memory_space<hbm>> -> memref<128xf32, #tpu.memory_space<hbm>>
    %dma_start3A_226 = arith.constant 1152 : i32
    %dma_start3A_227 = tpu.memref_slice %arg14[%dma_start3A_226] : memref<2048xf32, #tpu.memory_space<vmem>> -> memref<128xf32, #tpu.memory_space<vmem>>
    %dma_start3A_228 = tpu.memref_slice %arg5[%dma_start3A_221, %mul3A_220] : memref<16x4096xf32, #tpu.memory_space<hbm>> -> memref<1x128xf32, #tpu.memory_space<hbm>>
    %dma_start3A_229 = tpu.memref_squeeze %dma_start3A_228 : memref<1x128xf32, #tpu.memory_space<hbm>> -> memref<128xf32, #tpu.memory_space<hbm>>
    tpu.enqueue_dma source(%dma_start3A_229 : memref<128xf32, #tpu.memory_space<hbm>>) target(%dma_start3A_227 : memref<128xf32, #tpu.memory_space<vmem>>) target_semaphore(%arg20 : memref<!tpu.dma_semaphore, #tpu.memory_space<semaphore_mem>>)
    %dma_start3A_230 = arith.constant 9 : i32
    %dma_start3A_231 = arith.constant 1152 : i32
    %dma_start3A_232 = tpu.memref_slice %arg15[%dma_start3A_231] : memref<2048xf32, #tpu.memory_space<vmem>> -> memref<128xf32, #tpu.memory_space<vmem>>
    %dma_start3A_233 = tpu.memref_slice %arg6[%dma_start3A_230, %mul3A_220] : memref<16x4096xf32, #tpu.memory_space<hbm>> -> memref<1x128xf32, #tpu.memory_space<hbm>>
    %dma_start3A_234 = tpu.memref_squeeze %dma_start3A_233 : memref<1x128xf32, #tpu.memory_space<hbm>> -> memref<128xf32, #tpu.memory_space<hbm>>
    %dma_start3A_235 = arith.constant 1152 : i32
    %dma_start3A_236 = tpu.memref_slice %arg15[%dma_start3A_235] : memref<2048xf32, #tpu.memory_space<vmem>> -> memref<128xf32, #tpu.memory_space<vmem>>
    %dma_start3A_237 = tpu.memref_slice %arg6[%dma_start3A_230, %mul3A_220] : memref<16x4096xf32, #tpu.memory_space<hbm>> -> memref<1x128xf32, #tpu.memory_space<hbm>>
    %dma_start3A_238 = tpu.memref_squeeze %dma_start3A_237 : memref<1x128xf32, #tpu.memory_space<hbm>> -> memref<128xf32, #tpu.memory_space<hbm>>
    tpu.enqueue_dma source(%dma_start3A_238 : memref<128xf32, #tpu.memory_space<hbm>>) target(%dma_start3A_236 : memref<128xf32, #tpu.memory_space<vmem>>) target_semaphore(%arg20 : memref<!tpu.dma_semaphore, #tpu.memory_space<semaphore_mem>>)
    %add3A_239 = arith.constant 20 : i32
    %add3A_240 = arith.addi %add3A, %add3A_239 : i32
    %and3A_241 = arith.constant 31 : i32
    %and3A_242 = arith.andi %add3A_240, %and3A_241 : i32
    %mul3A_243 = arith.constant 128 : i32
    %mul3A_244 = arith.muli %and3A_242, %mul3A_243 : i32
    %dma_start3A_245 = arith.constant 10 : i32
    %dma_start3A_246 = arith.constant 1280 : i32
    %dma_start3A_247 = tpu.memref_slice %arg14[%dma_start3A_246] : memref<2048xf32, #tpu.memory_space<vmem>> -> memref<128xf32, #tpu.memory_space<vmem>>
    %dma_start3A_248 = tpu.memref_slice %arg5[%dma_start3A_245, %mul3A_244] : memref<16x4096xf32, #tpu.memory_space<hbm>> -> memref<1x128xf32, #tpu.memory_space<hbm>>
    %dma_start3A_249 = tpu.memref_squeeze %dma_start3A_248 : memref<1x128xf32, #tpu.memory_space<hbm>> -> memref<128xf32, #tpu.memory_space<hbm>>
    %dma_start3A_250 = arith.constant 1280 : i32
    %dma_start3A_251 = tpu.memref_slice %arg14[%dma_start3A_250] : memref<2048xf32, #tpu.memory_space<vmem>> -> memref<128xf32, #tpu.memory_space<vmem>>
    %dma_start3A_252 = tpu.memref_slice %arg5[%dma_start3A_245, %mul3A_244] : memref<16x4096xf32, #tpu.memory_space<hbm>> -> memref<1x128xf32, #tpu.memory_space<hbm>>
    %dma_start3A_253 = tpu.memref_squeeze %dma_start3A_252 : memref<1x128xf32, #tpu.memory_space<hbm>> -> memref<128xf32, #tpu.memory_space<hbm>>
    tpu.enqueue_dma source(%dma_start3A_253 : memref<128xf32, #tpu.memory_space<hbm>>) target(%dma_start3A_251 : memref<128xf32, #tpu.memory_space<vmem>>) target_semaphore(%arg20 : memref<!tpu.dma_semaphore, #tpu.memory_space<semaphore_mem>>)
    %dma_start3A_254 = arith.constant 10 : i32
    %dma_start3A_255 = arith.constant 1280 : i32
    %dma_start3A_256 = tpu.memref_slice %arg15[%dma_start3A_255] : memref<2048xf32, #tpu.memory_space<vmem>> -> memref<128xf32, #tpu.memory_space<vmem>>
    %dma_start3A_257 = tpu.memref_slice %arg6[%dma_start3A_254, %mul3A_244] : memref<16x4096xf32, #tpu.memory_space<hbm>> -> memref<1x128xf32, #tpu.memory_space<hbm>>
    %dma_start3A_258 = tpu.memref_squeeze %dma_start3A_257 : memref<1x128xf32, #tpu.memory_space<hbm>> -> memref<128xf32, #tpu.memory_space<hbm>>
    %dma_start3A_259 = arith.constant 1280 : i32
    %dma_start3A_260 = tpu.memref_slice %arg15[%dma_start3A_259] : memref<2048xf32, #tpu.memory_space<vmem>> -> memref<128xf32, #tpu.memory_space<vmem>>
    %dma_start3A_261 = tpu.memref_slice %arg6[%dma_start3A_254, %mul3A_244] : memref<16x4096xf32, #tpu.memory_space<hbm>> -> memref<1x128xf32, #tpu.memory_space<hbm>>
    %dma_start3A_262 = tpu.memref_squeeze %dma_start3A_261 : memref<1x128xf32, #tpu.memory_space<hbm>> -> memref<128xf32, #tpu.memory_space<hbm>>
    tpu.enqueue_dma source(%dma_start3A_262 : memref<128xf32, #tpu.memory_space<hbm>>) target(%dma_start3A_260 : memref<128xf32, #tpu.memory_space<vmem>>) target_semaphore(%arg20 : memref<!tpu.dma_semaphore, #tpu.memory_space<semaphore_mem>>)
    %add3A_263 = arith.constant 22 : i32
    %add3A_264 = arith.addi %add3A, %add3A_263 : i32
    %and3A_265 = arith.constant 31 : i32
    %and3A_266 = arith.andi %add3A_264, %and3A_265 : i32
    %mul3A_267 = arith.constant 128 : i32
    %mul3A_268 = arith.muli %and3A_266, %mul3A_267 : i32
    %dma_start3A_269 = arith.constant 11 : i32
    %dma_start3A_270 = arith.constant 1408 : i32
    %dma_start3A_271 = tpu.memref_slice %arg14[%dma_start3A_270] : memref<2048xf32, #tpu.memory_space<vmem>> -> memref<128xf32, #tpu.memory_space<vmem>>
    %dma_start3A_272 = tpu.memref_slice %arg5[%dma_start3A_269, %mul3A_268] : memref<16x4096xf32, #tpu.memory_space<hbm>> -> memref<1x128xf32, #tpu.memory_space<hbm>>
    %dma_start3A_273 = tpu.memref_squeeze %dma_start3A_272 : memref<1x128xf32, #tpu.memory_space<hbm>> -> memref<128xf32, #tpu.memory_space<hbm>>
    %dma_start3A_274 = arith.constant 1408 : i32
    %dma_start3A_275 = tpu.memref_slice %arg14[%dma_start3A_274] : memref<2048xf32, #tpu.memory_space<vmem>> -> memref<128xf32, #tpu.memory_space<vmem>>
    %dma_start3A_276 = tpu.memref_slice %arg5[%dma_start3A_269, %mul3A_268] : memref<16x4096xf32, #tpu.memory_space<hbm>> -> memref<1x128xf32, #tpu.memory_space<hbm>>
    %dma_start3A_277 = tpu.memref_squeeze %dma_start3A_276 : memref<1x128xf32, #tpu.memory_space<hbm>> -> memref<128xf32, #tpu.memory_space<hbm>>
    tpu.enqueue_dma source(%dma_start3A_277 : memref<128xf32, #tpu.memory_space<hbm>>) target(%dma_start3A_275 : memref<128xf32, #tpu.memory_space<vmem>>) target_semaphore(%arg20 : memref<!tpu.dma_semaphore, #tpu.memory_space<semaphore_mem>>)
    %dma_start3A_278 = arith.constant 11 : i32
    %dma_start3A_279 = arith.constant 1408 : i32
    %dma_start3A_280 = tpu.memref_slice %arg15[%dma_start3A_279] : memref<2048xf32, #tpu.memory_space<vmem>> -> memref<128xf32, #tpu.memory_space<vmem>>
    %dma_start3A_281 = tpu.memref_slice %arg6[%dma_start3A_278, %mul3A_268] : memref<16x4096xf32, #tpu.memory_space<hbm>> -> memref<1x128xf32, #tpu.memory_space<hbm>>
    %dma_start3A_282 = tpu.memref_squeeze %dma_start3A_281 : memref<1x128xf32, #tpu.memory_space<hbm>> -> memref<128xf32, #tpu.memory_space<hbm>>
    %dma_start3A_283 = arith.constant 1408 : i32
    %dma_start3A_284 = tpu.memref_slice %arg15[%dma_start3A_283] : memref<2048xf32, #tpu.memory_space<vmem>> -> memref<128xf32, #tpu.memory_space<vmem>>
    %dma_start3A_285 = tpu.memref_slice %arg6[%dma_start3A_278, %mul3A_268] : memref<16x4096xf32, #tpu.memory_space<hbm>> -> memref<1x128xf32, #tpu.memory_space<hbm>>
    %dma_start3A_286 = tpu.memref_squeeze %dma_start3A_285 : memref<1x128xf32, #tpu.memory_space<hbm>> -> memref<128xf32, #tpu.memory_space<hbm>>
    tpu.enqueue_dma source(%dma_start3A_286 : memref<128xf32, #tpu.memory_space<hbm>>) target(%dma_start3A_284 : memref<128xf32, #tpu.memory_space<vmem>>) target_semaphore(%arg20 : memref<!tpu.dma_semaphore, #tpu.memory_space<semaphore_mem>>)
    %add3A_287 = arith.constant 24 : i32
    %add3A_288 = arith.addi %add3A, %add3A_287 : i32
    %and3A_289 = arith.constant 31 : i32
    %and3A_290 = arith.andi %add3A_288, %and3A_289 : i32
    %mul3A_291 = arith.constant 128 : i32
    %mul3A_292 = arith.muli %and3A_290, %mul3A_291 : i32
    %dma_start3A_293 = arith.constant 12 : i32
    %dma_start3A_294 = arith.constant 1536 : i32
    %dma_start3A_295 = tpu.memref_slice %arg14[%dma_start3A_294] : memref<2048xf32, #tpu.memory_space<vmem>> -> memref<128xf32, #tpu.memory_space<vmem>>
    %dma_start3A_296 = tpu.memref_slice %arg5[%dma_start3A_293, %mul3A_292] : memref<16x4096xf32, #tpu.memory_space<hbm>> -> memref<1x128xf32, #tpu.memory_space<hbm>>
    %dma_start3A_297 = tpu.memref_squeeze %dma_start3A_296 : memref<1x128xf32, #tpu.memory_space<hbm>> -> memref<128xf32, #tpu.memory_space<hbm>>
    %dma_start3A_298 = arith.constant 1536 : i32
    %dma_start3A_299 = tpu.memref_slice %arg14[%dma_start3A_298] : memref<2048xf32, #tpu.memory_space<vmem>> -> memref<128xf32, #tpu.memory_space<vmem>>
    %dma_start3A_300 = tpu.memref_slice %arg5[%dma_start3A_293, %mul3A_292] : memref<16x4096xf32, #tpu.memory_space<hbm>> -> memref<1x128xf32, #tpu.memory_space<hbm>>
    %dma_start3A_301 = tpu.memref_squeeze %dma_start3A_300 : memref<1x128xf32, #tpu.memory_space<hbm>> -> memref<128xf32, #tpu.memory_space<hbm>>
    tpu.enqueue_dma source(%dma_start3A_301 : memref<128xf32, #tpu.memory_space<hbm>>) target(%dma_start3A_299 : memref<128xf32, #tpu.memory_space<vmem>>) target_semaphore(%arg20 : memref<!tpu.dma_semaphore, #tpu.memory_space<semaphore_mem>>)
    %dma_start3A_302 = arith.constant 12 : i32
    %dma_start3A_303 = arith.constant 1536 : i32
    %dma_start3A_304 = tpu.memref_slice %arg15[%dma_start3A_303] : memref<2048xf32, #tpu.memory_space<vmem>> -> memref<128xf32, #tpu.memory_space<vmem>>
    %dma_start3A_305 = tpu.memref_slice %arg6[%dma_start3A_302, %mul3A_292] : memref<16x4096xf32, #tpu.memory_space<hbm>> -> memref<1x128xf32, #tpu.memory_space<hbm>>
    %dma_start3A_306 = tpu.memref_squeeze %dma_start3A_305 : memref<1x128xf32, #tpu.memory_space<hbm>> -> memref<128xf32, #tpu.memory_space<hbm>>
    %dma_start3A_307 = arith.constant 1536 : i32
    %dma_start3A_308 = tpu.memref_slice %arg15[%dma_start3A_307] : memref<2048xf32, #tpu.memory_space<vmem>> -> memref<128xf32, #tpu.memory_space<vmem>>
    %dma_start3A_309 = tpu.memref_slice %arg6[%dma_start3A_302, %mul3A_292] : memref<16x4096xf32, #tpu.memory_space<hbm>> -> memref<1x128xf32, #tpu.memory_space<hbm>>
    %dma_start3A_310 = tpu.memref_squeeze %dma_start3A_309 : memref<1x128xf32, #tpu.memory_space<hbm>> -> memref<128xf32, #tpu.memory_space<hbm>>
    tpu.enqueue_dma source(%dma_start3A_310 : memref<128xf32, #tpu.memory_space<hbm>>) target(%dma_start3A_308 : memref<128xf32, #tpu.memory_space<vmem>>) target_semaphore(%arg20 : memref<!tpu.dma_semaphore, #tpu.memory_space<semaphore_mem>>)
    %add3A_311 = arith.constant 26 : i32
    %add3A_312 = arith.addi %add3A, %add3A_311 : i32
    %and3A_313 = arith.constant 31 : i32
    %and3A_314 = arith.andi %add3A_312, %and3A_313 : i32
    %mul3A_315 = arith.constant 128 : i32
    %mul3A_316 = arith.muli %and3A_314, %mul3A_315 : i32
    %dma_start3A_317 = arith.constant 13 : i32
    %dma_start3A_318 = arith.constant 1664 : i32
    %dma_start3A_319 = tpu.memref_slice %arg14[%dma_start3A_318] : memref<2048xf32, #tpu.memory_space<vmem>> -> memref<128xf32, #tpu.memory_space<vmem>>
    %dma_start3A_320 = tpu.memref_slice %arg5[%dma_start3A_317, %mul3A_316] : memref<16x4096xf32, #tpu.memory_space<hbm>> -> memref<1x128xf32, #tpu.memory_space<hbm>>
    %dma_start3A_321 = tpu.memref_squeeze %dma_start3A_320 : memref<1x128xf32, #tpu.memory_space<hbm>> -> memref<128xf32, #tpu.memory_space<hbm>>
    %dma_start3A_322 = arith.constant 1664 : i32
    %dma_start3A_323 = tpu.memref_slice %arg14[%dma_start3A_322] : memref<2048xf32, #tpu.memory_space<vmem>> -> memref<128xf32, #tpu.memory_space<vmem>>
    %dma_start3A_324 = tpu.memref_slice %arg5[%dma_start3A_317, %mul3A_316] : memref<16x4096xf32, #tpu.memory_space<hbm>> -> memref<1x128xf32, #tpu.memory_space<hbm>>
    %dma_start3A_325 = tpu.memref_squeeze %dma_start3A_324 : memref<1x128xf32, #tpu.memory_space<hbm>> -> memref<128xf32, #tpu.memory_space<hbm>>
    tpu.enqueue_dma source(%dma_start3A_325 : memref<128xf32, #tpu.memory_space<hbm>>) target(%dma_start3A_323 : memref<128xf32, #tpu.memory_space<vmem>>) target_semaphore(%arg20 : memref<!tpu.dma_semaphore, #tpu.memory_space<semaphore_mem>>)
    %dma_start3A_326 = arith.constant 13 : i32
    %dma_start3A_327 = arith.constant 1664 : i32
    %dma_start3A_328 = tpu.memref_slice %arg15[%dma_start3A_327] : memref<2048xf32, #tpu.memory_space<vmem>> -> memref<128xf32, #tpu.memory_space<vmem>>
    %dma_start3A_329 = tpu.memref_slice %arg6[%dma_start3A_326, %mul3A_316] : memref<16x4096xf32, #tpu.memory_space<hbm>> -> memref<1x128xf32, #tpu.memory_space<hbm>>
    %dma_start3A_330 = tpu.memref_squeeze %dma_start3A_329 : memref<1x128xf32, #tpu.memory_space<hbm>> -> memref<128xf32, #tpu.memory_space<hbm>>
    %dma_start3A_331 = arith.constant 1664 : i32
    %dma_start3A_332 = tpu.memref_slice %arg15[%dma_start3A_331] : memref<2048xf32, #tpu.memory_space<vmem>> -> memref<128xf32, #tpu.memory_space<vmem>>
    %dma_start3A_333 = tpu.memref_slice %arg6[%dma_start3A_326, %mul3A_316] : memref<16x4096xf32, #tpu.memory_space<hbm>> -> memref<1x128xf32, #tpu.memory_space<hbm>>
    %dma_start3A_334 = tpu.memref_squeeze %dma_start3A_333 : memref<1x128xf32, #tpu.memory_space<hbm>> -> memref<128xf32, #tpu.memory_space<hbm>>
    tpu.enqueue_dma source(%dma_start3A_334 : memref<128xf32, #tpu.memory_space<hbm>>) target(%dma_start3A_332 : memref<128xf32, #tpu.memory_space<vmem>>) target_semaphore(%arg20 : memref<!tpu.dma_semaphore, #tpu.memory_space<semaphore_mem>>)
    %add3A_335 = arith.constant 28 : i32
    %add3A_336 = arith.addi %add3A, %add3A_335 : i32
    %and3A_337 = arith.constant 31 : i32
    %and3A_338 = arith.andi %add3A_336, %and3A_337 : i32
    %mul3A_339 = arith.constant 128 : i32
    %mul3A_340 = arith.muli %and3A_338, %mul3A_339 : i32
    %dma_start3A_341 = arith.constant 14 : i32
    %dma_start3A_342 = arith.constant 1792 : i32
    %dma_start3A_343 = tpu.memref_slice %arg14[%dma_start3A_342] : memref<2048xf32, #tpu.memory_space<vmem>> -> memref<128xf32, #tpu.memory_space<vmem>>
    %dma_start3A_344 = tpu.memref_slice %arg5[%dma_start3A_341, %mul3A_340] : memref<16x4096xf32, #tpu.memory_space<hbm>> -> memref<1x128xf32, #tpu.memory_space<hbm>>
    %dma_start3A_345 = tpu.memref_squeeze %dma_start3A_344 : memref<1x128xf32, #tpu.memory_space<hbm>> -> memref<128xf32, #tpu.memory_space<hbm>>
    %dma_start3A_346 = arith.constant 1792 : i32
    %dma_start3A_347 = tpu.memref_slice %arg14[%dma_start3A_346] : memref<2048xf32, #tpu.memory_space<vmem>> -> memref<128xf32, #tpu.memory_space<vmem>>
    %dma_start3A_348 = tpu.memref_slice %arg5[%dma_start3A_341, %mul3A_340] : memref<16x4096xf32, #tpu.memory_space<hbm>> -> memref<1x128xf32, #tpu.memory_space<hbm>>
    %dma_start3A_349 = tpu.memref_squeeze %dma_start3A_348 : memref<1x128xf32, #tpu.memory_space<hbm>> -> memref<128xf32, #tpu.memory_space<hbm>>
    tpu.enqueue_dma source(%dma_start3A_349 : memref<128xf32, #tpu.memory_space<hbm>>) target(%dma_start3A_347 : memref<128xf32, #tpu.memory_space<vmem>>) target_semaphore(%arg20 : memref<!tpu.dma_semaphore, #tpu.memory_space<semaphore_mem>>)
    %dma_start3A_350 = arith.constant 14 : i32
    %dma_start3A_351 = arith.constant 1792 : i32
    %dma_start3A_352 = tpu.memref_slice %arg15[%dma_start3A_351] : memref<2048xf32, #tpu.memory_space<vmem>> -> memref<128xf32, #tpu.memory_space<vmem>>
    %dma_start3A_353 = tpu.memref_slice %arg6[%dma_start3A_350, %mul3A_340] : memref<16x4096xf32, #tpu.memory_space<hbm>> -> memref<1x128xf32, #tpu.memory_space<hbm>>
    %dma_start3A_354 = tpu.memref_squeeze %dma_start3A_353 : memref<1x128xf32, #tpu.memory_space<hbm>> -> memref<128xf32, #tpu.memory_space<hbm>>
    %dma_start3A_355 = arith.constant 1792 : i32
    %dma_start3A_356 = tpu.memref_slice %arg15[%dma_start3A_355] : memref<2048xf32, #tpu.memory_space<vmem>> -> memref<128xf32, #tpu.memory_space<vmem>>
    %dma_start3A_357 = tpu.memref_slice %arg6[%dma_start3A_350, %mul3A_340] : memref<16x4096xf32, #tpu.memory_space<hbm>> -> memref<1x128xf32, #tpu.memory_space<hbm>>
    %dma_start3A_358 = tpu.memref_squeeze %dma_start3A_357 : memref<1x128xf32, #tpu.memory_space<hbm>> -> memref<128xf32, #tpu.memory_space<hbm>>
    tpu.enqueue_dma source(%dma_start3A_358 : memref<128xf32, #tpu.memory_space<hbm>>) target(%dma_start3A_356 : memref<128xf32, #tpu.memory_space<vmem>>) target_semaphore(%arg20 : memref<!tpu.dma_semaphore, #tpu.memory_space<semaphore_mem>>)
    %add3A_359 = arith.constant 30 : i32
    %add3A_360 = arith.addi %add3A, %add3A_359 : i32
    %and3A_361 = arith.constant 31 : i32
    %and3A_362 = arith.andi %add3A_360, %and3A_361 : i32
    %mul3A_363 = arith.constant 128 : i32
    %mul3A_364 = arith.muli %and3A_362, %mul3A_363 : i32
    %dma_start3A_365 = arith.constant 15 : i32
    %dma_start3A_366 = arith.constant 1920 : i32
    %dma_start3A_367 = tpu.memref_slice %arg14[%dma_start3A_366] : memref<2048xf32, #tpu.memory_space<vmem>> -> memref<128xf32, #tpu.memory_space<vmem>>
    %dma_start3A_368 = tpu.memref_slice %arg5[%dma_start3A_365, %mul3A_364] : memref<16x4096xf32, #tpu.memory_space<hbm>> -> memref<1x128xf32, #tpu.memory_space<hbm>>
    %dma_start3A_369 = tpu.memref_squeeze %dma_start3A_368 : memref<1x128xf32, #tpu.memory_space<hbm>> -> memref<128xf32, #tpu.memory_space<hbm>>
    %dma_start3A_370 = arith.constant 1920 : i32
    %dma_start3A_371 = tpu.memref_slice %arg14[%dma_start3A_370] : memref<2048xf32, #tpu.memory_space<vmem>> -> memref<128xf32, #tpu.memory_space<vmem>>
    %dma_start3A_372 = tpu.memref_slice %arg5[%dma_start3A_365, %mul3A_364] : memref<16x4096xf32, #tpu.memory_space<hbm>> -> memref<1x128xf32, #tpu.memory_space<hbm>>
    %dma_start3A_373 = tpu.memref_squeeze %dma_start3A_372 : memref<1x128xf32, #tpu.memory_space<hbm>> -> memref<128xf32, #tpu.memory_space<hbm>>
    tpu.enqueue_dma source(%dma_start3A_373 : memref<128xf32, #tpu.memory_space<hbm>>) target(%dma_start3A_371 : memref<128xf32, #tpu.memory_space<vmem>>) target_semaphore(%arg20 : memref<!tpu.dma_semaphore, #tpu.memory_space<semaphore_mem>>)
    %dma_start3A_374 = arith.constant 15 : i32
    %dma_start3A_375 = arith.constant 1920 : i32
    %dma_start3A_376 = tpu.memref_slice %arg15[%dma_start3A_375] : memref<2048xf32, #tpu.memory_space<vmem>> -> memref<128xf32, #tpu.memory_space<vmem>>
    %dma_start3A_377 = tpu.memref_slice %arg6[%dma_start3A_374, %mul3A_364] : memref<16x4096xf32, #tpu.memory_space<hbm>> -> memref<1x128xf32, #tpu.memory_space<hbm>>
    %dma_start3A_378 = tpu.memref_squeeze %dma_start3A_377 : memref<1x128xf32, #tpu.memory_space<hbm>> -> memref<128xf32, #tpu.memory_space<hbm>>
    %dma_start3A_379 = arith.constant 1920 : i32
    %dma_start3A_380 = tpu.memref_slice %arg15[%dma_start3A_379] : memref<2048xf32, #tpu.memory_space<vmem>> -> memref<128xf32, #tpu.memory_space<vmem>>
    %dma_start3A_381 = tpu.memref_slice %arg6[%dma_start3A_374, %mul3A_364] : memref<16x4096xf32, #tpu.memory_space<hbm>> -> memref<1x128xf32, #tpu.memory_space<hbm>>
    %dma_start3A_382 = tpu.memref_squeeze %dma_start3A_381 : memref<1x128xf32, #tpu.memory_space<hbm>> -> memref<128xf32, #tpu.memory_space<hbm>>
    tpu.enqueue_dma source(%dma_start3A_382 : memref<128xf32, #tpu.memory_space<hbm>>) target(%dma_start3A_380 : memref<128xf32, #tpu.memory_space<vmem>>) target_semaphore(%arg20 : memref<!tpu.dma_semaphore, #tpu.memory_space<semaphore_mem>>)
    "tpu.region"() ({
      %run_scoped3A = tpu.sem_alloc : memref<!tpu.dma_semaphore, #tpu.memory_space<semaphore_mem>>
      tpu.enqueue_dma source(%arg2 : memref<16xi32, #tpu.memory_space<hbm>>) target(%arg9 : memref<16xi32, #tpu.memory_space<vmem>>) target_semaphore(%run_scoped3A : memref<!tpu.dma_semaphore, #tpu.memory_space<semaphore_mem>>)
      tpu.wait_dma2 semaphore(%run_scoped3A : memref<!tpu.dma_semaphore, #tpu.memory_space<semaphore_mem>>) src(%arg2 : memref<16xi32, #tpu.memory_space<hbm>>) dst(%arg9 : memref<16xi32, #tpu.memory_space<vmem>>)
      tpu.yield
    }) : () -> ()
    %add3A_383 = arith.constant 0 : i32
    %add3A_384 = arith.addi %add3A, %add3A_383 : i32
    %and3A_385 = arith.constant 31 : i32
    %and3A_386 = arith.andi %add3A_384, %and3A_385 : i32
    %mul3A_387 = arith.constant 128 : i32
    %mul3A_388 = arith.muli %and3A_386, %mul3A_387 : i32
    %dma_wait3A = arith.constant 0 : i32
    %dma_wait3A_389 = arith.constant 0 : i32
    %dma_wait3A_390 = tpu.memref_slice %arg14[%dma_wait3A_389] : memref<2048xf32, #tpu.memory_space<vmem>> -> memref<128xf32, #tpu.memory_space<vmem>>
    %dma_wait3A_391 = tpu.memref_slice %arg5[%dma_wait3A, %mul3A_388] : memref<16x4096xf32, #tpu.memory_space<hbm>> -> memref<1x128xf32, #tpu.memory_space<hbm>>
    %dma_wait3A_392 = tpu.memref_squeeze %dma_wait3A_391 : memref<1x128xf32, #tpu.memory_space<hbm>> -> memref<128xf32, #tpu.memory_space<hbm>>
    %dma_wait3A_393 = arith.constant 0 : i32
    %dma_wait3A_394 = tpu.memref_slice %arg14[%dma_wait3A_393] : memref<2048xf32, #tpu.memory_space<vmem>> -> memref<128xf32, #tpu.memory_space<vmem>>
    %dma_wait3A_395 = tpu.memref_slice %arg5[%dma_wait3A, %mul3A_388] : memref<16x4096xf32, #tpu.memory_space<hbm>> -> memref<1x128xf32, #tpu.memory_space<hbm>>
    %dma_wait3A_396 = tpu.memref_squeeze %dma_wait3A_395 : memref<1x128xf32, #tpu.memory_space<hbm>> -> memref<128xf32, #tpu.memory_space<hbm>>
    tpu.wait_dma2 semaphore(%arg20 : memref<!tpu.dma_semaphore, #tpu.memory_space<semaphore_mem>>) src(%dma_wait3A_396 : memref<128xf32, #tpu.memory_space<hbm>>) dst(%dma_wait3A_394 : memref<128xf32, #tpu.memory_space<vmem>>)
    %dma_wait3A_397 = arith.constant 0 : i32
    %dma_wait3A_398 = arith.constant 0 : i32
    %dma_wait3A_399 = tpu.memref_slice %arg15[%dma_wait3A_398] : memref<2048xf32, #tpu.memory_space<vmem>> -> memref<128xf32, #tpu.memory_space<vmem>>
    %dma_wait3A_400 = tpu.memref_slice %arg6[%dma_wait3A_397, %mul3A_388] : memref<16x4096xf32, #tpu.memory_space<hbm>> -> memref<1x128xf32, #tpu.memory_space<hbm>>
    %dma_wait3A_401 = tpu.memref_squeeze %dma_wait3A_400 : memref<1x128xf32, #tpu.memory_space<hbm>> -> memref<128xf32, #tpu.memory_space<hbm>>
    %dma_wait3A_402 = arith.constant 0 : i32
    %dma_wait3A_403 = tpu.memref_slice %arg15[%dma_wait3A_402] : memref<2048xf32, #tpu.memory_space<vmem>> -> memref<128xf32, #tpu.memory_space<vmem>>
    %dma_wait3A_404 = tpu.memref_slice %arg6[%dma_wait3A_397, %mul3A_388] : memref<16x4096xf32, #tpu.memory_space<hbm>> -> memref<1x128xf32, #tpu.memory_space<hbm>>
    %dma_wait3A_405 = tpu.memref_squeeze %dma_wait3A_404 : memref<1x128xf32, #tpu.memory_space<hbm>> -> memref<128xf32, #tpu.memory_space<hbm>>
    tpu.wait_dma2 semaphore(%arg20 : memref<!tpu.dma_semaphore, #tpu.memory_space<semaphore_mem>>) src(%dma_wait3A_405 : memref<128xf32, #tpu.memory_space<hbm>>) dst(%dma_wait3A_403 : memref<128xf32, #tpu.memory_space<vmem>>)
    %add3A_406 = arith.constant 2 : i32
    %add3A_407 = arith.addi %add3A, %add3A_406 : i32
    %and3A_408 = arith.constant 31 : i32
    %and3A_409 = arith.andi %add3A_407, %and3A_408 : i32
    %mul3A_410 = arith.constant 128 : i32
    %mul3A_411 = arith.muli %and3A_409, %mul3A_410 : i32
    %dma_wait3A_412 = arith.constant 1 : i32
    %dma_wait3A_413 = arith.constant 128 : i32
    %dma_wait3A_414 = tpu.memref_slice %arg14[%dma_wait3A_413] : memref<2048xf32, #tpu.memory_space<vmem>> -> memref<128xf32, #tpu.memory_space<vmem>>
    %dma_wait3A_415 = tpu.memref_slice %arg5[%dma_wait3A_412, %mul3A_411] : memref<16x4096xf32, #tpu.memory_space<hbm>> -> memref<1x128xf32, #tpu.memory_space<hbm>>
    %dma_wait3A_416 = tpu.memref_squeeze %dma_wait3A_415 : memref<1x128xf32, #tpu.memory_space<hbm>> -> memref<128xf32, #tpu.memory_space<hbm>>
    %dma_wait3A_417 = arith.constant 128 : i32
    %dma_wait3A_418 = tpu.memref_slice %arg14[%dma_wait3A_417] : memref<2048xf32, #tpu.memory_space<vmem>> -> memref<128xf32, #tpu.memory_space<vmem>>
    %dma_wait3A_419 = tpu.memref_slice %arg5[%dma_wait3A_412, %mul3A_411] : memref<16x4096xf32, #tpu.memory_space<hbm>> -> memref<1x128xf32, #tpu.memory_space<hbm>>
    %dma_wait3A_420 = tpu.memref_squeeze %dma_wait3A_419 : memref<1x128xf32, #tpu.memory_space<hbm>> -> memref<128xf32, #tpu.memory_space<hbm>>
    tpu.wait_dma2 semaphore(%arg20 : memref<!tpu.dma_semaphore, #tpu.memory_space<semaphore_mem>>) src(%dma_wait3A_420 : memref<128xf32, #tpu.memory_space<hbm>>) dst(%dma_wait3A_418 : memref<128xf32, #tpu.memory_space<vmem>>)
    %dma_wait3A_421 = arith.constant 1 : i32
    %dma_wait3A_422 = arith.constant 128 : i32
    %dma_wait3A_423 = tpu.memref_slice %arg15[%dma_wait3A_422] : memref<2048xf32, #tpu.memory_space<vmem>> -> memref<128xf32, #tpu.memory_space<vmem>>
    %dma_wait3A_424 = tpu.memref_slice %arg6[%dma_wait3A_421, %mul3A_411] : memref<16x4096xf32, #tpu.memory_space<hbm>> -> memref<1x128xf32, #tpu.memory_space<hbm>>
    %dma_wait3A_425 = tpu.memref_squeeze %dma_wait3A_424 : memref<1x128xf32, #tpu.memory_space<hbm>> -> memref<128xf32, #tpu.memory_space<hbm>>
    %dma_wait3A_426 = arith.constant 128 : i32
    %dma_wait3A_427 = tpu.memref_slice %arg15[%dma_wait3A_426] : memref<2048xf32, #tpu.memory_space<vmem>> -> memref<128xf32, #tpu.memory_space<vmem>>
    %dma_wait3A_428 = tpu.memref_slice %arg6[%dma_wait3A_421, %mul3A_411] : memref<16x4096xf32, #tpu.memory_space<hbm>> -> memref<1x128xf32, #tpu.memory_space<hbm>>
    %dma_wait3A_429 = tpu.memref_squeeze %dma_wait3A_428 : memref<1x128xf32, #tpu.memory_space<hbm>> -> memref<128xf32, #tpu.memory_space<hbm>>
    tpu.wait_dma2 semaphore(%arg20 : memref<!tpu.dma_semaphore, #tpu.memory_space<semaphore_mem>>) src(%dma_wait3A_429 : memref<128xf32, #tpu.memory_space<hbm>>) dst(%dma_wait3A_427 : memref<128xf32, #tpu.memory_space<vmem>>)
    %add3A_430 = arith.constant 4 : i32
    %add3A_431 = arith.addi %add3A, %add3A_430 : i32
    %and3A_432 = arith.constant 31 : i32
    %and3A_433 = arith.andi %add3A_431, %and3A_432 : i32
    %mul3A_434 = arith.constant 128 : i32
    %mul3A_435 = arith.muli %and3A_433, %mul3A_434 : i32
    %dma_wait3A_436 = arith.constant 2 : i32
    %dma_wait3A_437 = arith.constant 256 : i32
    %dma_wait3A_438 = tpu.memref_slice %arg14[%dma_wait3A_437] : memref<2048xf32, #tpu.memory_space<vmem>> -> memref<128xf32, #tpu.memory_space<vmem>>
    %dma_wait3A_439 = tpu.memref_slice %arg5[%dma_wait3A_436, %mul3A_435] : memref<16x4096xf32, #tpu.memory_space<hbm>> -> memref<1x128xf32, #tpu.memory_space<hbm>>
    %dma_wait3A_440 = tpu.memref_squeeze %dma_wait3A_439 : memref<1x128xf32, #tpu.memory_space<hbm>> -> memref<128xf32, #tpu.memory_space<hbm>>
    %dma_wait3A_441 = arith.constant 256 : i32
    %dma_wait3A_442 = tpu.memref_slice %arg14[%dma_wait3A_441] : memref<2048xf32, #tpu.memory_space<vmem>> -> memref<128xf32, #tpu.memory_space<vmem>>
    %dma_wait3A_443 = tpu.memref_slice %arg5[%dma_wait3A_436, %mul3A_435] : memref<16x4096xf32, #tpu.memory_space<hbm>> -> memref<1x128xf32, #tpu.memory_space<hbm>>
    %dma_wait3A_444 = tpu.memref_squeeze %dma_wait3A_443 : memref<1x128xf32, #tpu.memory_space<hbm>> -> memref<128xf32, #tpu.memory_space<hbm>>
    tpu.wait_dma2 semaphore(%arg20 : memref<!tpu.dma_semaphore, #tpu.memory_space<semaphore_mem>>) src(%dma_wait3A_444 : memref<128xf32, #tpu.memory_space<hbm>>) dst(%dma_wait3A_442 : memref<128xf32, #tpu.memory_space<vmem>>)
    %dma_wait3A_445 = arith.constant 2 : i32
    %dma_wait3A_446 = arith.constant 256 : i32
    %dma_wait3A_447 = tpu.memref_slice %arg15[%dma_wait3A_446] : memref<2048xf32, #tpu.memory_space<vmem>> -> memref<128xf32, #tpu.memory_space<vmem>>
    %dma_wait3A_448 = tpu.memref_slice %arg6[%dma_wait3A_445, %mul3A_435] : memref<16x4096xf32, #tpu.memory_space<hbm>> -> memref<1x128xf32, #tpu.memory_space<hbm>>
    %dma_wait3A_449 = tpu.memref_squeeze %dma_wait3A_448 : memref<1x128xf32, #tpu.memory_space<hbm>> -> memref<128xf32, #tpu.memory_space<hbm>>
    %dma_wait3A_450 = arith.constant 256 : i32
    %dma_wait3A_451 = tpu.memref_slice %arg15[%dma_wait3A_450] : memref<2048xf32, #tpu.memory_space<vmem>> -> memref<128xf32, #tpu.memory_space<vmem>>
    %dma_wait3A_452 = tpu.memref_slice %arg6[%dma_wait3A_445, %mul3A_435] : memref<16x4096xf32, #tpu.memory_space<hbm>> -> memref<1x128xf32, #tpu.memory_space<hbm>>
    %dma_wait3A_453 = tpu.memref_squeeze %dma_wait3A_452 : memref<1x128xf32, #tpu.memory_space<hbm>> -> memref<128xf32, #tpu.memory_space<hbm>>
    tpu.wait_dma2 semaphore(%arg20 : memref<!tpu.dma_semaphore, #tpu.memory_space<semaphore_mem>>) src(%dma_wait3A_453 : memref<128xf32, #tpu.memory_space<hbm>>) dst(%dma_wait3A_451 : memref<128xf32, #tpu.memory_space<vmem>>)
    %add3A_454 = arith.constant 6 : i32
    %add3A_455 = arith.addi %add3A, %add3A_454 : i32
    %and3A_456 = arith.constant 31 : i32
    %and3A_457 = arith.andi %add3A_455, %and3A_456 : i32
    %mul3A_458 = arith.constant 128 : i32
    %mul3A_459 = arith.muli %and3A_457, %mul3A_458 : i32
    %dma_wait3A_460 = arith.constant 3 : i32
    %dma_wait3A_461 = arith.constant 384 : i32
    %dma_wait3A_462 = tpu.memref_slice %arg14[%dma_wait3A_461] : memref<2048xf32, #tpu.memory_space<vmem>> -> memref<128xf32, #tpu.memory_space<vmem>>
    %dma_wait3A_463 = tpu.memref_slice %arg5[%dma_wait3A_460, %mul3A_459] : memref<16x4096xf32, #tpu.memory_space<hbm>> -> memref<1x128xf32, #tpu.memory_space<hbm>>
    %dma_wait3A_464 = tpu.memref_squeeze %dma_wait3A_463 : memref<1x128xf32, #tpu.memory_space<hbm>> -> memref<128xf32, #tpu.memory_space<hbm>>
    %dma_wait3A_465 = arith.constant 384 : i32
    %dma_wait3A_466 = tpu.memref_slice %arg14[%dma_wait3A_465] : memref<2048xf32, #tpu.memory_space<vmem>> -> memref<128xf32, #tpu.memory_space<vmem>>
    %dma_wait3A_467 = tpu.memref_slice %arg5[%dma_wait3A_460, %mul3A_459] : memref<16x4096xf32, #tpu.memory_space<hbm>> -> memref<1x128xf32, #tpu.memory_space<hbm>>
    %dma_wait3A_468 = tpu.memref_squeeze %dma_wait3A_467 : memref<1x128xf32, #tpu.memory_space<hbm>> -> memref<128xf32, #tpu.memory_space<hbm>>
    tpu.wait_dma2 semaphore(%arg20 : memref<!tpu.dma_semaphore, #tpu.memory_space<semaphore_mem>>) src(%dma_wait3A_468 : memref<128xf32, #tpu.memory_space<hbm>>) dst(%dma_wait3A_466 : memref<128xf32, #tpu.memory_space<vmem>>)
    %dma_wait3A_469 = arith.constant 3 : i32
    %dma_wait3A_470 = arith.constant 384 : i32
    %dma_wait3A_471 = tpu.memref_slice %arg15[%dma_wait3A_470] : memref<2048xf32, #tpu.memory_space<vmem>> -> memref<128xf32, #tpu.memory_space<vmem>>
    %dma_wait3A_472 = tpu.memref_slice %arg6[%dma_wait3A_469, %mul3A_459] : memref<16x4096xf32, #tpu.memory_space<hbm>> -> memref<1x128xf32, #tpu.memory_space<hbm>>
    %dma_wait3A_473 = tpu.memref_squeeze %dma_wait3A_472 : memref<1x128xf32, #tpu.memory_space<hbm>> -> memref<128xf32, #tpu.memory_space<hbm>>
    %dma_wait3A_474 = arith.constant 384 : i32
    %dma_wait3A_475 = tpu.memref_slice %arg15[%dma_wait3A_474] : memref<2048xf32, #tpu.memory_space<vmem>> -> memref<128xf32, #tpu.memory_space<vmem>>
    %dma_wait3A_476 = tpu.memref_slice %arg6[%dma_wait3A_469, %mul3A_459] : memref<16x4096xf32, #tpu.memory_space<hbm>> -> memref<1x128xf32, #tpu.memory_space<hbm>>
    %dma_wait3A_477 = tpu.memref_squeeze %dma_wait3A_476 : memref<1x128xf32, #tpu.memory_space<hbm>> -> memref<128xf32, #tpu.memory_space<hbm>>
    tpu.wait_dma2 semaphore(%arg20 : memref<!tpu.dma_semaphore, #tpu.memory_space<semaphore_mem>>) src(%dma_wait3A_477 : memref<128xf32, #tpu.memory_space<hbm>>) dst(%dma_wait3A_475 : memref<128xf32, #tpu.memory_space<vmem>>)
    %add3A_478 = arith.constant 8 : i32
    %add3A_479 = arith.addi %add3A, %add3A_478 : i32
    %and3A_480 = arith.constant 31 : i32
    %and3A_481 = arith.andi %add3A_479, %and3A_480 : i32
    %mul3A_482 = arith.constant 128 : i32
    %mul3A_483 = arith.muli %and3A_481, %mul3A_482 : i32
    %dma_wait3A_484 = arith.constant 4 : i32
    %dma_wait3A_485 = arith.constant 512 : i32
    %dma_wait3A_486 = tpu.memref_slice %arg14[%dma_wait3A_485] : memref<2048xf32, #tpu.memory_space<vmem>> -> memref<128xf32, #tpu.memory_space<vmem>>
    %dma_wait3A_487 = tpu.memref_slice %arg5[%dma_wait3A_484, %mul3A_483] : memref<16x4096xf32, #tpu.memory_space<hbm>> -> memref<1x128xf32, #tpu.memory_space<hbm>>
    %dma_wait3A_488 = tpu.memref_squeeze %dma_wait3A_487 : memref<1x128xf32, #tpu.memory_space<hbm>> -> memref<128xf32, #tpu.memory_space<hbm>>
    %dma_wait3A_489 = arith.constant 512 : i32
    %dma_wait3A_490 = tpu.memref_slice %arg14[%dma_wait3A_489] : memref<2048xf32, #tpu.memory_space<vmem>> -> memref<128xf32, #tpu.memory_space<vmem>>
    %dma_wait3A_491 = tpu.memref_slice %arg5[%dma_wait3A_484, %mul3A_483] : memref<16x4096xf32, #tpu.memory_space<hbm>> -> memref<1x128xf32, #tpu.memory_space<hbm>>
    %dma_wait3A_492 = tpu.memref_squeeze %dma_wait3A_491 : memref<1x128xf32, #tpu.memory_space<hbm>> -> memref<128xf32, #tpu.memory_space<hbm>>
    tpu.wait_dma2 semaphore(%arg20 : memref<!tpu.dma_semaphore, #tpu.memory_space<semaphore_mem>>) src(%dma_wait3A_492 : memref<128xf32, #tpu.memory_space<hbm>>) dst(%dma_wait3A_490 : memref<128xf32, #tpu.memory_space<vmem>>)
    %dma_wait3A_493 = arith.constant 4 : i32
    %dma_wait3A_494 = arith.constant 512 : i32
    %dma_wait3A_495 = tpu.memref_slice %arg15[%dma_wait3A_494] : memref<2048xf32, #tpu.memory_space<vmem>> -> memref<128xf32, #tpu.memory_space<vmem>>
    %dma_wait3A_496 = tpu.memref_slice %arg6[%dma_wait3A_493, %mul3A_483] : memref<16x4096xf32, #tpu.memory_space<hbm>> -> memref<1x128xf32, #tpu.memory_space<hbm>>
    %dma_wait3A_497 = tpu.memref_squeeze %dma_wait3A_496 : memref<1x128xf32, #tpu.memory_space<hbm>> -> memref<128xf32, #tpu.memory_space<hbm>>
    %dma_wait3A_498 = arith.constant 512 : i32
    %dma_wait3A_499 = tpu.memref_slice %arg15[%dma_wait3A_498] : memref<2048xf32, #tpu.memory_space<vmem>> -> memref<128xf32, #tpu.memory_space<vmem>>
    %dma_wait3A_500 = tpu.memref_slice %arg6[%dma_wait3A_493, %mul3A_483] : memref<16x4096xf32, #tpu.memory_space<hbm>> -> memref<1x128xf32, #tpu.memory_space<hbm>>
    %dma_wait3A_501 = tpu.memref_squeeze %dma_wait3A_500 : memref<1x128xf32, #tpu.memory_space<hbm>> -> memref<128xf32, #tpu.memory_space<hbm>>
    tpu.wait_dma2 semaphore(%arg20 : memref<!tpu.dma_semaphore, #tpu.memory_space<semaphore_mem>>) src(%dma_wait3A_501 : memref<128xf32, #tpu.memory_space<hbm>>) dst(%dma_wait3A_499 : memref<128xf32, #tpu.memory_space<vmem>>)
    %add3A_502 = arith.constant 10 : i32
    %add3A_503 = arith.addi %add3A, %add3A_502 : i32
    %and3A_504 = arith.constant 31 : i32
    %and3A_505 = arith.andi %add3A_503, %and3A_504 : i32
    %mul3A_506 = arith.constant 128 : i32
    %mul3A_507 = arith.muli %and3A_505, %mul3A_506 : i32
    %dma_wait3A_508 = arith.constant 5 : i32
    %dma_wait3A_509 = arith.constant 640 : i32
    %dma_wait3A_510 = tpu.memref_slice %arg14[%dma_wait3A_509] : memref<2048xf32, #tpu.memory_space<vmem>> -> memref<128xf32, #tpu.memory_space<vmem>>
    %dma_wait3A_511 = tpu.memref_slice %arg5[%dma_wait3A_508, %mul3A_507] : memref<16x4096xf32, #tpu.memory_space<hbm>> -> memref<1x128xf32, #tpu.memory_space<hbm>>
    %dma_wait3A_512 = tpu.memref_squeeze %dma_wait3A_511 : memref<1x128xf32, #tpu.memory_space<hbm>> -> memref<128xf32, #tpu.memory_space<hbm>>
    %dma_wait3A_513 = arith.constant 640 : i32
    %dma_wait3A_514 = tpu.memref_slice %arg14[%dma_wait3A_513] : memref<2048xf32, #tpu.memory_space<vmem>> -> memref<128xf32, #tpu.memory_space<vmem>>
    %dma_wait3A_515 = tpu.memref_slice %arg5[%dma_wait3A_508, %mul3A_507] : memref<16x4096xf32, #tpu.memory_space<hbm>> -> memref<1x128xf32, #tpu.memory_space<hbm>>
    %dma_wait3A_516 = tpu.memref_squeeze %dma_wait3A_515 : memref<1x128xf32, #tpu.memory_space<hbm>> -> memref<128xf32, #tpu.memory_space<hbm>>
    tpu.wait_dma2 semaphore(%arg20 : memref<!tpu.dma_semaphore, #tpu.memory_space<semaphore_mem>>) src(%dma_wait3A_516 : memref<128xf32, #tpu.memory_space<hbm>>) dst(%dma_wait3A_514 : memref<128xf32, #tpu.memory_space<vmem>>)
    %dma_wait3A_517 = arith.constant 5 : i32
    %dma_wait3A_518 = arith.constant 640 : i32
    %dma_wait3A_519 = tpu.memref_slice %arg15[%dma_wait3A_518] : memref<2048xf32, #tpu.memory_space<vmem>> -> memref<128xf32, #tpu.memory_space<vmem>>
    %dma_wait3A_520 = tpu.memref_slice %arg6[%dma_wait3A_517, %mul3A_507] : memref<16x4096xf32, #tpu.memory_space<hbm>> -> memref<1x128xf32, #tpu.memory_space<hbm>>
    %dma_wait3A_521 = tpu.memref_squeeze %dma_wait3A_520 : memref<1x128xf32, #tpu.memory_space<hbm>> -> memref<128xf32, #tpu.memory_space<hbm>>
    %dma_wait3A_522 = arith.constant 640 : i32
    %dma_wait3A_523 = tpu.memref_slice %arg15[%dma_wait3A_522] : memref<2048xf32, #tpu.memory_space<vmem>> -> memref<128xf32, #tpu.memory_space<vmem>>
    %dma_wait3A_524 = tpu.memref_slice %arg6[%dma_wait3A_517, %mul3A_507] : memref<16x4096xf32, #tpu.memory_space<hbm>> -> memref<1x128xf32, #tpu.memory_space<hbm>>
    %dma_wait3A_525 = tpu.memref_squeeze %dma_wait3A_524 : memref<1x128xf32, #tpu.memory_space<hbm>> -> memref<128xf32, #tpu.memory_space<hbm>>
    tpu.wait_dma2 semaphore(%arg20 : memref<!tpu.dma_semaphore, #tpu.memory_space<semaphore_mem>>) src(%dma_wait3A_525 : memref<128xf32, #tpu.memory_space<hbm>>) dst(%dma_wait3A_523 : memref<128xf32, #tpu.memory_space<vmem>>)
    %add3A_526 = arith.constant 12 : i32
    %add3A_527 = arith.addi %add3A, %add3A_526 : i32
    %and3A_528 = arith.constant 31 : i32
    %and3A_529 = arith.andi %add3A_527, %and3A_528 : i32
    %mul3A_530 = arith.constant 128 : i32
    %mul3A_531 = arith.muli %and3A_529, %mul3A_530 : i32
    %dma_wait3A_532 = arith.constant 6 : i32
    %dma_wait3A_533 = arith.constant 768 : i32
    %dma_wait3A_534 = tpu.memref_slice %arg14[%dma_wait3A_533] : memref<2048xf32, #tpu.memory_space<vmem>> -> memref<128xf32, #tpu.memory_space<vmem>>
    %dma_wait3A_535 = tpu.memref_slice %arg5[%dma_wait3A_532, %mul3A_531] : memref<16x4096xf32, #tpu.memory_space<hbm>> -> memref<1x128xf32, #tpu.memory_space<hbm>>
    %dma_wait3A_536 = tpu.memref_squeeze %dma_wait3A_535 : memref<1x128xf32, #tpu.memory_space<hbm>> -> memref<128xf32, #tpu.memory_space<hbm>>
    %dma_wait3A_537 = arith.constant 768 : i32
    %dma_wait3A_538 = tpu.memref_slice %arg14[%dma_wait3A_537] : memref<2048xf32, #tpu.memory_space<vmem>> -> memref<128xf32, #tpu.memory_space<vmem>>
    %dma_wait3A_539 = tpu.memref_slice %arg5[%dma_wait3A_532, %mul3A_531] : memref<16x4096xf32, #tpu.memory_space<hbm>> -> memref<1x128xf32, #tpu.memory_space<hbm>>
    %dma_wait3A_540 = tpu.memref_squeeze %dma_wait3A_539 : memref<1x128xf32, #tpu.memory_space<hbm>> -> memref<128xf32, #tpu.memory_space<hbm>>
    tpu.wait_dma2 semaphore(%arg20 : memref<!tpu.dma_semaphore, #tpu.memory_space<semaphore_mem>>) src(%dma_wait3A_540 : memref<128xf32, #tpu.memory_space<hbm>>) dst(%dma_wait3A_538 : memref<128xf32, #tpu.memory_space<vmem>>)
    %dma_wait3A_541 = arith.constant 6 : i32
    %dma_wait3A_542 = arith.constant 768 : i32
    %dma_wait3A_543 = tpu.memref_slice %arg15[%dma_wait3A_542] : memref<2048xf32, #tpu.memory_space<vmem>> -> memref<128xf32, #tpu.memory_space<vmem>>
    %dma_wait3A_544 = tpu.memref_slice %arg6[%dma_wait3A_541, %mul3A_531] : memref<16x4096xf32, #tpu.memory_space<hbm>> -> memref<1x128xf32, #tpu.memory_space<hbm>>
    %dma_wait3A_545 = tpu.memref_squeeze %dma_wait3A_544 : memref<1x128xf32, #tpu.memory_space<hbm>> -> memref<128xf32, #tpu.memory_space<hbm>>
    %dma_wait3A_546 = arith.constant 768 : i32
    %dma_wait3A_547 = tpu.memref_slice %arg15[%dma_wait3A_546] : memref<2048xf32, #tpu.memory_space<vmem>> -> memref<128xf32, #tpu.memory_space<vmem>>
    %dma_wait3A_548 = tpu.memref_slice %arg6[%dma_wait3A_541, %mul3A_531] : memref<16x4096xf32, #tpu.memory_space<hbm>> -> memref<1x128xf32, #tpu.memory_space<hbm>>
    %dma_wait3A_549 = tpu.memref_squeeze %dma_wait3A_548 : memref<1x128xf32, #tpu.memory_space<hbm>> -> memref<128xf32, #tpu.memory_space<hbm>>
    tpu.wait_dma2 semaphore(%arg20 : memref<!tpu.dma_semaphore, #tpu.memory_space<semaphore_mem>>) src(%dma_wait3A_549 : memref<128xf32, #tpu.memory_space<hbm>>) dst(%dma_wait3A_547 : memref<128xf32, #tpu.memory_space<vmem>>)
    %add3A_550 = arith.constant 14 : i32
    %add3A_551 = arith.addi %add3A, %add3A_550 : i32
    %and3A_552 = arith.constant 31 : i32
    %and3A_553 = arith.andi %add3A_551, %and3A_552 : i32
    %mul3A_554 = arith.constant 128 : i32
    %mul3A_555 = arith.muli %and3A_553, %mul3A_554 : i32
    %dma_wait3A_556 = arith.constant 7 : i32
    %dma_wait3A_557 = arith.constant 896 : i32
    %dma_wait3A_558 = tpu.memref_slice %arg14[%dma_wait3A_557] : memref<2048xf32, #tpu.memory_space<vmem>> -> memref<128xf32, #tpu.memory_space<vmem>>
    %dma_wait3A_559 = tpu.memref_slice %arg5[%dma_wait3A_556, %mul3A_555] : memref<16x4096xf32, #tpu.memory_space<hbm>> -> memref<1x128xf32, #tpu.memory_space<hbm>>
    %dma_wait3A_560 = tpu.memref_squeeze %dma_wait3A_559 : memref<1x128xf32, #tpu.memory_space<hbm>> -> memref<128xf32, #tpu.memory_space<hbm>>
    %dma_wait3A_561 = arith.constant 896 : i32
    %dma_wait3A_562 = tpu.memref_slice %arg14[%dma_wait3A_561] : memref<2048xf32, #tpu.memory_space<vmem>> -> memref<128xf32, #tpu.memory_space<vmem>>
    %dma_wait3A_563 = tpu.memref_slice %arg5[%dma_wait3A_556, %mul3A_555] : memref<16x4096xf32, #tpu.memory_space<hbm>> -> memref<1x128xf32, #tpu.memory_space<hbm>>
    %dma_wait3A_564 = tpu.memref_squeeze %dma_wait3A_563 : memref<1x128xf32, #tpu.memory_space<hbm>> -> memref<128xf32, #tpu.memory_space<hbm>>
    tpu.wait_dma2 semaphore(%arg20 : memref<!tpu.dma_semaphore, #tpu.memory_space<semaphore_mem>>) src(%dma_wait3A_564 : memref<128xf32, #tpu.memory_space<hbm>>) dst(%dma_wait3A_562 : memref<128xf32, #tpu.memory_space<vmem>>)
    %dma_wait3A_565 = arith.constant 7 : i32
    %dma_wait3A_566 = arith.constant 896 : i32
    %dma_wait3A_567 = tpu.memref_slice %arg15[%dma_wait3A_566] : memref<2048xf32, #tpu.memory_space<vmem>> -> memref<128xf32, #tpu.memory_space<vmem>>
    %dma_wait3A_568 = tpu.memref_slice %arg6[%dma_wait3A_565, %mul3A_555] : memref<16x4096xf32, #tpu.memory_space<hbm>> -> memref<1x128xf32, #tpu.memory_space<hbm>>
    %dma_wait3A_569 = tpu.memref_squeeze %dma_wait3A_568 : memref<1x128xf32, #tpu.memory_space<hbm>> -> memref<128xf32, #tpu.memory_space<hbm>>
    %dma_wait3A_570 = arith.constant 896 : i32
    %dma_wait3A_571 = tpu.memref_slice %arg15[%dma_wait3A_570] : memref<2048xf32, #tpu.memory_space<vmem>> -> memref<128xf32, #tpu.memory_space<vmem>>
    %dma_wait3A_572 = tpu.memref_slice %arg6[%dma_wait3A_565, %mul3A_555] : memref<16x4096xf32, #tpu.memory_space<hbm>> -> memref<1x128xf32, #tpu.memory_space<hbm>>
    %dma_wait3A_573 = tpu.memref_squeeze %dma_wait3A_572 : memref<1x128xf32, #tpu.memory_space<hbm>> -> memref<128xf32, #tpu.memory_space<hbm>>
    tpu.wait_dma2 semaphore(%arg20 : memref<!tpu.dma_semaphore, #tpu.memory_space<semaphore_mem>>) src(%dma_wait3A_573 : memref<128xf32, #tpu.memory_space<hbm>>) dst(%dma_wait3A_571 : memref<128xf32, #tpu.memory_space<vmem>>)
    %add3A_574 = arith.constant 16 : i32
    %add3A_575 = arith.addi %add3A, %add3A_574 : i32
    %and3A_576 = arith.constant 31 : i32
    %and3A_577 = arith.andi %add3A_575, %and3A_576 : i32
    %mul3A_578 = arith.constant 128 : i32
    %mul3A_579 = arith.muli %and3A_577, %mul3A_578 : i32
    %dma_wait3A_580 = arith.constant 8 : i32
    %dma_wait3A_581 = arith.constant 1024 : i32
    %dma_wait3A_582 = tpu.memref_slice %arg14[%dma_wait3A_581] : memref<2048xf32, #tpu.memory_space<vmem>> -> memref<128xf32, #tpu.memory_space<vmem>>
    %dma_wait3A_583 = tpu.memref_slice %arg5[%dma_wait3A_580, %mul3A_579] : memref<16x4096xf32, #tpu.memory_space<hbm>> -> memref<1x128xf32, #tpu.memory_space<hbm>>
    %dma_wait3A_584 = tpu.memref_squeeze %dma_wait3A_583 : memref<1x128xf32, #tpu.memory_space<hbm>> -> memref<128xf32, #tpu.memory_space<hbm>>
    %dma_wait3A_585 = arith.constant 1024 : i32
    %dma_wait3A_586 = tpu.memref_slice %arg14[%dma_wait3A_585] : memref<2048xf32, #tpu.memory_space<vmem>> -> memref<128xf32, #tpu.memory_space<vmem>>
    %dma_wait3A_587 = tpu.memref_slice %arg5[%dma_wait3A_580, %mul3A_579] : memref<16x4096xf32, #tpu.memory_space<hbm>> -> memref<1x128xf32, #tpu.memory_space<hbm>>
    %dma_wait3A_588 = tpu.memref_squeeze %dma_wait3A_587 : memref<1x128xf32, #tpu.memory_space<hbm>> -> memref<128xf32, #tpu.memory_space<hbm>>
    tpu.wait_dma2 semaphore(%arg20 : memref<!tpu.dma_semaphore, #tpu.memory_space<semaphore_mem>>) src(%dma_wait3A_588 : memref<128xf32, #tpu.memory_space<hbm>>) dst(%dma_wait3A_586 : memref<128xf32, #tpu.memory_space<vmem>>)
    %dma_wait3A_589 = arith.constant 8 : i32
    %dma_wait3A_590 = arith.constant 1024 : i32
    %dma_wait3A_591 = tpu.memref_slice %arg15[%dma_wait3A_590] : memref<2048xf32, #tpu.memory_space<vmem>> -> memref<128xf32, #tpu.memory_space<vmem>>
    %dma_wait3A_592 = tpu.memref_slice %arg6[%dma_wait3A_589, %mul3A_579] : memref<16x4096xf32, #tpu.memory_space<hbm>> -> memref<1x128xf32, #tpu.memory_space<hbm>>
    %dma_wait3A_593 = tpu.memref_squeeze %dma_wait3A_592 : memref<1x128xf32, #tpu.memory_space<hbm>> -> memref<128xf32, #tpu.memory_space<hbm>>
    %dma_wait3A_594 = arith.constant 1024 : i32
    %dma_wait3A_595 = tpu.memref_slice %arg15[%dma_wait3A_594] : memref<2048xf32, #tpu.memory_space<vmem>> -> memref<128xf32, #tpu.memory_space<vmem>>
    %dma_wait3A_596 = tpu.memref_slice %arg6[%dma_wait3A_589, %mul3A_579] : memref<16x4096xf32, #tpu.memory_space<hbm>> -> memref<1x128xf32, #tpu.memory_space<hbm>>
    %dma_wait3A_597 = tpu.memref_squeeze %dma_wait3A_596 : memref<1x128xf32, #tpu.memory_space<hbm>> -> memref<128xf32, #tpu.memory_space<hbm>>
    tpu.wait_dma2 semaphore(%arg20 : memref<!tpu.dma_semaphore, #tpu.memory_space<semaphore_mem>>) src(%dma_wait3A_597 : memref<128xf32, #tpu.memory_space<hbm>>) dst(%dma_wait3A_595 : memref<128xf32, #tpu.memory_space<vmem>>)
    %add3A_598 = arith.constant 18 : i32
    %add3A_599 = arith.addi %add3A, %add3A_598 : i32
    %and3A_600 = arith.constant 31 : i32
    %and3A_601 = arith.andi %add3A_599, %and3A_600 : i32
    %mul3A_602 = arith.constant 128 : i32
    %mul3A_603 = arith.muli %and3A_601, %mul3A_602 : i32
    %dma_wait3A_604 = arith.constant 9 : i32
    %dma_wait3A_605 = arith.constant 1152 : i32
    %dma_wait3A_606 = tpu.memref_slice %arg14[%dma_wait3A_605] : memref<2048xf32, #tpu.memory_space<vmem>> -> memref<128xf32, #tpu.memory_space<vmem>>
    %dma_wait3A_607 = tpu.memref_slice %arg5[%dma_wait3A_604, %mul3A_603] : memref<16x4096xf32, #tpu.memory_space<hbm>> -> memref<1x128xf32, #tpu.memory_space<hbm>>
    %dma_wait3A_608 = tpu.memref_squeeze %dma_wait3A_607 : memref<1x128xf32, #tpu.memory_space<hbm>> -> memref<128xf32, #tpu.memory_space<hbm>>
    %dma_wait3A_609 = arith.constant 1152 : i32
    %dma_wait3A_610 = tpu.memref_slice %arg14[%dma_wait3A_609] : memref<2048xf32, #tpu.memory_space<vmem>> -> memref<128xf32, #tpu.memory_space<vmem>>
    %dma_wait3A_611 = tpu.memref_slice %arg5[%dma_wait3A_604, %mul3A_603] : memref<16x4096xf32, #tpu.memory_space<hbm>> -> memref<1x128xf32, #tpu.memory_space<hbm>>
    %dma_wait3A_612 = tpu.memref_squeeze %dma_wait3A_611 : memref<1x128xf32, #tpu.memory_space<hbm>> -> memref<128xf32, #tpu.memory_space<hbm>>
    tpu.wait_dma2 semaphore(%arg20 : memref<!tpu.dma_semaphore, #tpu.memory_space<semaphore_mem>>) src(%dma_wait3A_612 : memref<128xf32, #tpu.memory_space<hbm>>) dst(%dma_wait3A_610 : memref<128xf32, #tpu.memory_space<vmem>>)
    %dma_wait3A_613 = arith.constant 9 : i32
    %dma_wait3A_614 = arith.constant 1152 : i32
    %dma_wait3A_615 = tpu.memref_slice %arg15[%dma_wait3A_614] : memref<2048xf32, #tpu.memory_space<vmem>> -> memref<128xf32, #tpu.memory_space<vmem>>
    %dma_wait3A_616 = tpu.memref_slice %arg6[%dma_wait3A_613, %mul3A_603] : memref<16x4096xf32, #tpu.memory_space<hbm>> -> memref<1x128xf32, #tpu.memory_space<hbm>>
    %dma_wait3A_617 = tpu.memref_squeeze %dma_wait3A_616 : memref<1x128xf32, #tpu.memory_space<hbm>> -> memref<128xf32, #tpu.memory_space<hbm>>
    %dma_wait3A_618 = arith.constant 1152 : i32
    %dma_wait3A_619 = tpu.memref_slice %arg15[%dma_wait3A_618] : memref<2048xf32, #tpu.memory_space<vmem>> -> memref<128xf32, #tpu.memory_space<vmem>>
    %dma_wait3A_620 = tpu.memref_slice %arg6[%dma_wait3A_613, %mul3A_603] : memref<16x4096xf32, #tpu.memory_space<hbm>> -> memref<1x128xf32, #tpu.memory_space<hbm>>
    %dma_wait3A_621 = tpu.memref_squeeze %dma_wait3A_620 : memref<1x128xf32, #tpu.memory_space<hbm>> -> memref<128xf32, #tpu.memory_space<hbm>>
    tpu.wait_dma2 semaphore(%arg20 : memref<!tpu.dma_semaphore, #tpu.memory_space<semaphore_mem>>) src(%dma_wait3A_621 : memref<128xf32, #tpu.memory_space<hbm>>) dst(%dma_wait3A_619 : memref<128xf32, #tpu.memory_space<vmem>>)
    %add3A_622 = arith.constant 20 : i32
    %add3A_623 = arith.addi %add3A, %add3A_622 : i32
    %and3A_624 = arith.constant 31 : i32
    %and3A_625 = arith.andi %add3A_623, %and3A_624 : i32
    %mul3A_626 = arith.constant 128 : i32
    %mul3A_627 = arith.muli %and3A_625, %mul3A_626 : i32
    %dma_wait3A_628 = arith.constant 10 : i32
    %dma_wait3A_629 = arith.constant 1280 : i32
    %dma_wait3A_630 = tpu.memref_slice %arg14[%dma_wait3A_629] : memref<2048xf32, #tpu.memory_space<vmem>> -> memref<128xf32, #tpu.memory_space<vmem>>
    %dma_wait3A_631 = tpu.memref_slice %arg5[%dma_wait3A_628, %mul3A_627] : memref<16x4096xf32, #tpu.memory_space<hbm>> -> memref<1x128xf32, #tpu.memory_space<hbm>>
    %dma_wait3A_632 = tpu.memref_squeeze %dma_wait3A_631 : memref<1x128xf32, #tpu.memory_space<hbm>> -> memref<128xf32, #tpu.memory_space<hbm>>
    %dma_wait3A_633 = arith.constant 1280 : i32
    %dma_wait3A_634 = tpu.memref_slice %arg14[%dma_wait3A_633] : memref<2048xf32, #tpu.memory_space<vmem>> -> memref<128xf32, #tpu.memory_space<vmem>>
    %dma_wait3A_635 = tpu.memref_slice %arg5[%dma_wait3A_628, %mul3A_627] : memref<16x4096xf32, #tpu.memory_space<hbm>> -> memref<1x128xf32, #tpu.memory_space<hbm>>
    %dma_wait3A_636 = tpu.memref_squeeze %dma_wait3A_635 : memref<1x128xf32, #tpu.memory_space<hbm>> -> memref<128xf32, #tpu.memory_space<hbm>>
    tpu.wait_dma2 semaphore(%arg20 : memref<!tpu.dma_semaphore, #tpu.memory_space<semaphore_mem>>) src(%dma_wait3A_636 : memref<128xf32, #tpu.memory_space<hbm>>) dst(%dma_wait3A_634 : memref<128xf32, #tpu.memory_space<vmem>>)
    %dma_wait3A_637 = arith.constant 10 : i32
    %dma_wait3A_638 = arith.constant 1280 : i32
    %dma_wait3A_639 = tpu.memref_slice %arg15[%dma_wait3A_638] : memref<2048xf32, #tpu.memory_space<vmem>> -> memref<128xf32, #tpu.memory_space<vmem>>
    %dma_wait3A_640 = tpu.memref_slice %arg6[%dma_wait3A_637, %mul3A_627] : memref<16x4096xf32, #tpu.memory_space<hbm>> -> memref<1x128xf32, #tpu.memory_space<hbm>>
    %dma_wait3A_641 = tpu.memref_squeeze %dma_wait3A_640 : memref<1x128xf32, #tpu.memory_space<hbm>> -> memref<128xf32, #tpu.memory_space<hbm>>
    %dma_wait3A_642 = arith.constant 1280 : i32
    %dma_wait3A_643 = tpu.memref_slice %arg15[%dma_wait3A_642] : memref<2048xf32, #tpu.memory_space<vmem>> -> memref<128xf32, #tpu.memory_space<vmem>>
    %dma_wait3A_644 = tpu.memref_slice %arg6[%dma_wait3A_637, %mul3A_627] : memref<16x4096xf32, #tpu.memory_space<hbm>> -> memref<1x128xf32, #tpu.memory_space<hbm>>
    %dma_wait3A_645 = tpu.memref_squeeze %dma_wait3A_644 : memref<1x128xf32, #tpu.memory_space<hbm>> -> memref<128xf32, #tpu.memory_space<hbm>>
    tpu.wait_dma2 semaphore(%arg20 : memref<!tpu.dma_semaphore, #tpu.memory_space<semaphore_mem>>) src(%dma_wait3A_645 : memref<128xf32, #tpu.memory_space<hbm>>) dst(%dma_wait3A_643 : memref<128xf32, #tpu.memory_space<vmem>>)
    %add3A_646 = arith.constant 22 : i32
    %add3A_647 = arith.addi %add3A, %add3A_646 : i32
    %and3A_648 = arith.constant 31 : i32
    %and3A_649 = arith.andi %add3A_647, %and3A_648 : i32
    %mul3A_650 = arith.constant 128 : i32
    %mul3A_651 = arith.muli %and3A_649, %mul3A_650 : i32
    %dma_wait3A_652 = arith.constant 11 : i32
    %dma_wait3A_653 = arith.constant 1408 : i32
    %dma_wait3A_654 = tpu.memref_slice %arg14[%dma_wait3A_653] : memref<2048xf32, #tpu.memory_space<vmem>> -> memref<128xf32, #tpu.memory_space<vmem>>
    %dma_wait3A_655 = tpu.memref_slice %arg5[%dma_wait3A_652, %mul3A_651] : memref<16x4096xf32, #tpu.memory_space<hbm>> -> memref<1x128xf32, #tpu.memory_space<hbm>>
    %dma_wait3A_656 = tpu.memref_squeeze %dma_wait3A_655 : memref<1x128xf32, #tpu.memory_space<hbm>> -> memref<128xf32, #tpu.memory_space<hbm>>
    %dma_wait3A_657 = arith.constant 1408 : i32
    %dma_wait3A_658 = tpu.memref_slice %arg14[%dma_wait3A_657] : memref<2048xf32, #tpu.memory_space<vmem>> -> memref<128xf32, #tpu.memory_space<vmem>>
    %dma_wait3A_659 = tpu.memref_slice %arg5[%dma_wait3A_652, %mul3A_651] : memref<16x4096xf32, #tpu.memory_space<hbm>> -> memref<1x128xf32, #tpu.memory_space<hbm>>
    %dma_wait3A_660 = tpu.memref_squeeze %dma_wait3A_659 : memref<1x128xf32, #tpu.memory_space<hbm>> -> memref<128xf32, #tpu.memory_space<hbm>>
    tpu.wait_dma2 semaphore(%arg20 : memref<!tpu.dma_semaphore, #tpu.memory_space<semaphore_mem>>) src(%dma_wait3A_660 : memref<128xf32, #tpu.memory_space<hbm>>) dst(%dma_wait3A_658 : memref<128xf32, #tpu.memory_space<vmem>>)
    %dma_wait3A_661 = arith.constant 11 : i32
    %dma_wait3A_662 = arith.constant 1408 : i32
    %dma_wait3A_663 = tpu.memref_slice %arg15[%dma_wait3A_662] : memref<2048xf32, #tpu.memory_space<vmem>> -> memref<128xf32, #tpu.memory_space<vmem>>
    %dma_wait3A_664 = tpu.memref_slice %arg6[%dma_wait3A_661, %mul3A_651] : memref<16x4096xf32, #tpu.memory_space<hbm>> -> memref<1x128xf32, #tpu.memory_space<hbm>>
    %dma_wait3A_665 = tpu.memref_squeeze %dma_wait3A_664 : memref<1x128xf32, #tpu.memory_space<hbm>> -> memref<128xf32, #tpu.memory_space<hbm>>
    %dma_wait3A_666 = arith.constant 1408 : i32
    %dma_wait3A_667 = tpu.memref_slice %arg15[%dma_wait3A_666] : memref<2048xf32, #tpu.memory_space<vmem>> -> memref<128xf32, #tpu.memory_space<vmem>>
    %dma_wait3A_668 = tpu.memref_slice %arg6[%dma_wait3A_661, %mul3A_651] : memref<16x4096xf32, #tpu.memory_space<hbm>> -> memref<1x128xf32, #tpu.memory_space<hbm>>
    %dma_wait3A_669 = tpu.memref_squeeze %dma_wait3A_668 : memref<1x128xf32, #tpu.memory_space<hbm>> -> memref<128xf32, #tpu.memory_space<hbm>>
    tpu.wait_dma2 semaphore(%arg20 : memref<!tpu.dma_semaphore, #tpu.memory_space<semaphore_mem>>) src(%dma_wait3A_669 : memref<128xf32, #tpu.memory_space<hbm>>) dst(%dma_wait3A_667 : memref<128xf32, #tpu.memory_space<vmem>>)
    %add3A_670 = arith.constant 24 : i32
    %add3A_671 = arith.addi %add3A, %add3A_670 : i32
    %and3A_672 = arith.constant 31 : i32
    %and3A_673 = arith.andi %add3A_671, %and3A_672 : i32
    %mul3A_674 = arith.constant 128 : i32
    %mul3A_675 = arith.muli %and3A_673, %mul3A_674 : i32
    %dma_wait3A_676 = arith.constant 12 : i32
    %dma_wait3A_677 = arith.constant 1536 : i32
    %dma_wait3A_678 = tpu.memref_slice %arg14[%dma_wait3A_677] : memref<2048xf32, #tpu.memory_space<vmem>> -> memref<128xf32, #tpu.memory_space<vmem>>
    %dma_wait3A_679 = tpu.memref_slice %arg5[%dma_wait3A_676, %mul3A_675] : memref<16x4096xf32, #tpu.memory_space<hbm>> -> memref<1x128xf32, #tpu.memory_space<hbm>>
    %dma_wait3A_680 = tpu.memref_squeeze %dma_wait3A_679 : memref<1x128xf32, #tpu.memory_space<hbm>> -> memref<128xf32, #tpu.memory_space<hbm>>
    %dma_wait3A_681 = arith.constant 1536 : i32
    %dma_wait3A_682 = tpu.memref_slice %arg14[%dma_wait3A_681] : memref<2048xf32, #tpu.memory_space<vmem>> -> memref<128xf32, #tpu.memory_space<vmem>>
    %dma_wait3A_683 = tpu.memref_slice %arg5[%dma_wait3A_676, %mul3A_675] : memref<16x4096xf32, #tpu.memory_space<hbm>> -> memref<1x128xf32, #tpu.memory_space<hbm>>
    %dma_wait3A_684 = tpu.memref_squeeze %dma_wait3A_683 : memref<1x128xf32, #tpu.memory_space<hbm>> -> memref<128xf32, #tpu.memory_space<hbm>>
    tpu.wait_dma2 semaphore(%arg20 : memref<!tpu.dma_semaphore, #tpu.memory_space<semaphore_mem>>) src(%dma_wait3A_684 : memref<128xf32, #tpu.memory_space<hbm>>) dst(%dma_wait3A_682 : memref<128xf32, #tpu.memory_space<vmem>>)
    %dma_wait3A_685 = arith.constant 12 : i32
    %dma_wait3A_686 = arith.constant 1536 : i32
    %dma_wait3A_687 = tpu.memref_slice %arg15[%dma_wait3A_686] : memref<2048xf32, #tpu.memory_space<vmem>> -> memref<128xf32, #tpu.memory_space<vmem>>
    %dma_wait3A_688 = tpu.memref_slice %arg6[%dma_wait3A_685, %mul3A_675] : memref<16x4096xf32, #tpu.memory_space<hbm>> -> memref<1x128xf32, #tpu.memory_space<hbm>>
    %dma_wait3A_689 = tpu.memref_squeeze %dma_wait3A_688 : memref<1x128xf32, #tpu.memory_space<hbm>> -> memref<128xf32, #tpu.memory_space<hbm>>
    %dma_wait3A_690 = arith.constant 1536 : i32
    %dma_wait3A_691 = tpu.memref_slice %arg15[%dma_wait3A_690] : memref<2048xf32, #tpu.memory_space<vmem>> -> memref<128xf32, #tpu.memory_space<vmem>>
    %dma_wait3A_692 = tpu.memref_slice %arg6[%dma_wait3A_685, %mul3A_675] : memref<16x4096xf32, #tpu.memory_space<hbm>> -> memref<1x128xf32, #tpu.memory_space<hbm>>
    %dma_wait3A_693 = tpu.memref_squeeze %dma_wait3A_692 : memref<1x128xf32, #tpu.memory_space<hbm>> -> memref<128xf32, #tpu.memory_space<hbm>>
    tpu.wait_dma2 semaphore(%arg20 : memref<!tpu.dma_semaphore, #tpu.memory_space<semaphore_mem>>) src(%dma_wait3A_693 : memref<128xf32, #tpu.memory_space<hbm>>) dst(%dma_wait3A_691 : memref<128xf32, #tpu.memory_space<vmem>>)
    %add3A_694 = arith.constant 26 : i32
    %add3A_695 = arith.addi %add3A, %add3A_694 : i32
    %and3A_696 = arith.constant 31 : i32
    %and3A_697 = arith.andi %add3A_695, %and3A_696 : i32
    %mul3A_698 = arith.constant 128 : i32
    %mul3A_699 = arith.muli %and3A_697, %mul3A_698 : i32
    %dma_wait3A_700 = arith.constant 13 : i32
    %dma_wait3A_701 = arith.constant 1664 : i32
    %dma_wait3A_702 = tpu.memref_slice %arg14[%dma_wait3A_701] : memref<2048xf32, #tpu.memory_space<vmem>> -> memref<128xf32, #tpu.memory_space<vmem>>
    %dma_wait3A_703 = tpu.memref_slice %arg5[%dma_wait3A_700, %mul3A_699] : memref<16x4096xf32, #tpu.memory_space<hbm>> -> memref<1x128xf32, #tpu.memory_space<hbm>>
    %dma_wait3A_704 = tpu.memref_squeeze %dma_wait3A_703 : memref<1x128xf32, #tpu.memory_space<hbm>> -> memref<128xf32, #tpu.memory_space<hbm>>
    %dma_wait3A_705 = arith.constant 1664 : i32
    %dma_wait3A_706 = tpu.memref_slice %arg14[%dma_wait3A_705] : memref<2048xf32, #tpu.memory_space<vmem>> -> memref<128xf32, #tpu.memory_space<vmem>>
    %dma_wait3A_707 = tpu.memref_slice %arg5[%dma_wait3A_700, %mul3A_699] : memref<16x4096xf32, #tpu.memory_space<hbm>> -> memref<1x128xf32, #tpu.memory_space<hbm>>
    %dma_wait3A_708 = tpu.memref_squeeze %dma_wait3A_707 : memref<1x128xf32, #tpu.memory_space<hbm>> -> memref<128xf32, #tpu.memory_space<hbm>>
    tpu.wait_dma2 semaphore(%arg20 : memref<!tpu.dma_semaphore, #tpu.memory_space<semaphore_mem>>) src(%dma_wait3A_708 : memref<128xf32, #tpu.memory_space<hbm>>) dst(%dma_wait3A_706 : memref<128xf32, #tpu.memory_space<vmem>>)
    %dma_wait3A_709 = arith.constant 13 : i32
    %dma_wait3A_710 = arith.constant 1664 : i32
    %dma_wait3A_711 = tpu.memref_slice %arg15[%dma_wait3A_710] : memref<2048xf32, #tpu.memory_space<vmem>> -> memref<128xf32, #tpu.memory_space<vmem>>
    %dma_wait3A_712 = tpu.memref_slice %arg6[%dma_wait3A_709, %mul3A_699] : memref<16x4096xf32, #tpu.memory_space<hbm>> -> memref<1x128xf32, #tpu.memory_space<hbm>>
    %dma_wait3A_713 = tpu.memref_squeeze %dma_wait3A_712 : memref<1x128xf32, #tpu.memory_space<hbm>> -> memref<128xf32, #tpu.memory_space<hbm>>
    %dma_wait3A_714 = arith.constant 1664 : i32
    %dma_wait3A_715 = tpu.memref_slice %arg15[%dma_wait3A_714] : memref<2048xf32, #tpu.memory_space<vmem>> -> memref<128xf32, #tpu.memory_space<vmem>>
    %dma_wait3A_716 = tpu.memref_slice %arg6[%dma_wait3A_709, %mul3A_699] : memref<16x4096xf32, #tpu.memory_space<hbm>> -> memref<1x128xf32, #tpu.memory_space<hbm>>
    %dma_wait3A_717 = tpu.memref_squeeze %dma_wait3A_716 : memref<1x128xf32, #tpu.memory_space<hbm>> -> memref<128xf32, #tpu.memory_space<hbm>>
    tpu.wait_dma2 semaphore(%arg20 : memref<!tpu.dma_semaphore, #tpu.memory_space<semaphore_mem>>) src(%dma_wait3A_717 : memref<128xf32, #tpu.memory_space<hbm>>) dst(%dma_wait3A_715 : memref<128xf32, #tpu.memory_space<vmem>>)
    %add3A_718 = arith.constant 28 : i32
    %add3A_719 = arith.addi %add3A, %add3A_718 : i32
    %and3A_720 = arith.constant 31 : i32
    %and3A_721 = arith.andi %add3A_719, %and3A_720 : i32
    %mul3A_722 = arith.constant 128 : i32
    %mul3A_723 = arith.muli %and3A_721, %mul3A_722 : i32
    %dma_wait3A_724 = arith.constant 14 : i32
    %dma_wait3A_725 = arith.constant 1792 : i32
    %dma_wait3A_726 = tpu.memref_slice %arg14[%dma_wait3A_725] : memref<2048xf32, #tpu.memory_space<vmem>> -> memref<128xf32, #tpu.memory_space<vmem>>
    %dma_wait3A_727 = tpu.memref_slice %arg5[%dma_wait3A_724, %mul3A_723] : memref<16x4096xf32, #tpu.memory_space<hbm>> -> memref<1x128xf32, #tpu.memory_space<hbm>>
    %dma_wait3A_728 = tpu.memref_squeeze %dma_wait3A_727 : memref<1x128xf32, #tpu.memory_space<hbm>> -> memref<128xf32, #tpu.memory_space<hbm>>
    %dma_wait3A_729 = arith.constant 1792 : i32
    %dma_wait3A_730 = tpu.memref_slice %arg14[%dma_wait3A_729] : memref<2048xf32, #tpu.memory_space<vmem>> -> memref<128xf32, #tpu.memory_space<vmem>>
    %dma_wait3A_731 = tpu.memref_slice %arg5[%dma_wait3A_724, %mul3A_723] : memref<16x4096xf32, #tpu.memory_space<hbm>> -> memref<1x128xf32, #tpu.memory_space<hbm>>
    %dma_wait3A_732 = tpu.memref_squeeze %dma_wait3A_731 : memref<1x128xf32, #tpu.memory_space<hbm>> -> memref<128xf32, #tpu.memory_space<hbm>>
    tpu.wait_dma2 semaphore(%arg20 : memref<!tpu.dma_semaphore, #tpu.memory_space<semaphore_mem>>) src(%dma_wait3A_732 : memref<128xf32, #tpu.memory_space<hbm>>) dst(%dma_wait3A_730 : memref<128xf32, #tpu.memory_space<vmem>>)
    %dma_wait3A_733 = arith.constant 14 : i32
    %dma_wait3A_734 = arith.constant 1792 : i32
    %dma_wait3A_735 = tpu.memref_slice %arg15[%dma_wait3A_734] : memref<2048xf32, #tpu.memory_space<vmem>> -> memref<128xf32, #tpu.memory_space<vmem>>
    %dma_wait3A_736 = tpu.memref_slice %arg6[%dma_wait3A_733, %mul3A_723] : memref<16x4096xf32, #tpu.memory_space<hbm>> -> memref<1x128xf32, #tpu.memory_space<hbm>>
    %dma_wait3A_737 = tpu.memref_squeeze %dma_wait3A_736 : memref<1x128xf32, #tpu.memory_space<hbm>> -> memref<128xf32, #tpu.memory_space<hbm>>
    %dma_wait3A_738 = arith.constant 1792 : i32
    %dma_wait3A_739 = tpu.memref_slice %arg15[%dma_wait3A_738] : memref<2048xf32, #tpu.memory_space<vmem>> -> memref<128xf32, #tpu.memory_space<vmem>>
    %dma_wait3A_740 = tpu.memref_slice %arg6[%dma_wait3A_733, %mul3A_723] : memref<16x4096xf32, #tpu.memory_space<hbm>> -> memref<1x128xf32, #tpu.memory_space<hbm>>
    %dma_wait3A_741 = tpu.memref_squeeze %dma_wait3A_740 : memref<1x128xf32, #tpu.memory_space<hbm>> -> memref<128xf32, #tpu.memory_space<hbm>>
    tpu.wait_dma2 semaphore(%arg20 : memref<!tpu.dma_semaphore, #tpu.memory_space<semaphore_mem>>) src(%dma_wait3A_741 : memref<128xf32, #tpu.memory_space<hbm>>) dst(%dma_wait3A_739 : memref<128xf32, #tpu.memory_space<vmem>>)
    %add3A_742 = arith.constant 30 : i32
    %add3A_743 = arith.addi %add3A, %add3A_742 : i32
    %and3A_744 = arith.constant 31 : i32
    %and3A_745 = arith.andi %add3A_743, %and3A_744 : i32
    %mul3A_746 = arith.constant 128 : i32
    %mul3A_747 = arith.muli %and3A_745, %mul3A_746 : i32
    %dma_wait3A_748 = arith.constant 15 : i32
    %dma_wait3A_749 = arith.constant 1920 : i32
    %dma_wait3A_750 = tpu.memref_slice %arg14[%dma_wait3A_749] : memref<2048xf32, #tpu.memory_space<vmem>> -> memref<128xf32, #tpu.memory_space<vmem>>
    %dma_wait3A_751 = tpu.memref_slice %arg5[%dma_wait3A_748, %mul3A_747] : memref<16x4096xf32, #tpu.memory_space<hbm>> -> memref<1x128xf32, #tpu.memory_space<hbm>>
    %dma_wait3A_752 = tpu.memref_squeeze %dma_wait3A_751 : memref<1x128xf32, #tpu.memory_space<hbm>> -> memref<128xf32, #tpu.memory_space<hbm>>
    %dma_wait3A_753 = arith.constant 1920 : i32
    %dma_wait3A_754 = tpu.memref_slice %arg14[%dma_wait3A_753] : memref<2048xf32, #tpu.memory_space<vmem>> -> memref<128xf32, #tpu.memory_space<vmem>>
    %dma_wait3A_755 = tpu.memref_slice %arg5[%dma_wait3A_748, %mul3A_747] : memref<16x4096xf32, #tpu.memory_space<hbm>> -> memref<1x128xf32, #tpu.memory_space<hbm>>
    %dma_wait3A_756 = tpu.memref_squeeze %dma_wait3A_755 : memref<1x128xf32, #tpu.memory_space<hbm>> -> memref<128xf32, #tpu.memory_space<hbm>>
    tpu.wait_dma2 semaphore(%arg20 : memref<!tpu.dma_semaphore, #tpu.memory_space<semaphore_mem>>) src(%dma_wait3A_756 : memref<128xf32, #tpu.memory_space<hbm>>) dst(%dma_wait3A_754 : memref<128xf32, #tpu.memory_space<vmem>>)
    %dma_wait3A_757 = arith.constant 15 : i32
    %dma_wait3A_758 = arith.constant 1920 : i32
    %dma_wait3A_759 = tpu.memref_slice %arg15[%dma_wait3A_758] : memref<2048xf32, #tpu.memory_space<vmem>> -> memref<128xf32, #tpu.memory_space<vmem>>
    %dma_wait3A_760 = tpu.memref_slice %arg6[%dma_wait3A_757, %mul3A_747] : memref<16x4096xf32, #tpu.memory_space<hbm>> -> memref<1x128xf32, #tpu.memory_space<hbm>>
    %dma_wait3A_761 = tpu.memref_squeeze %dma_wait3A_760 : memref<1x128xf32, #tpu.memory_space<hbm>> -> memref<128xf32, #tpu.memory_space<hbm>>
    %dma_wait3A_762 = arith.constant 1920 : i32
    %dma_wait3A_763 = tpu.memref_slice %arg15[%dma_wait3A_762] : memref<2048xf32, #tpu.memory_space<vmem>> -> memref<128xf32, #tpu.memory_space<vmem>>
    %dma_wait3A_764 = tpu.memref_slice %arg6[%dma_wait3A_757, %mul3A_747] : memref<16x4096xf32, #tpu.memory_space<hbm>> -> memref<1x128xf32, #tpu.memory_space<hbm>>
    %dma_wait3A_765 = tpu.memref_squeeze %dma_wait3A_764 : memref<1x128xf32, #tpu.memory_space<hbm>> -> memref<128xf32, #tpu.memory_space<hbm>>
    tpu.wait_dma2 semaphore(%arg20 : memref<!tpu.dma_semaphore, #tpu.memory_space<semaphore_mem>>) src(%dma_wait3A_765 : memref<128xf32, #tpu.memory_space<hbm>>) dst(%dma_wait3A_763 : memref<128xf32, #tpu.memory_space<vmem>>)
    %broadcast_in_dim3A = arith.constant 0.000000e+00 : f32
    %broadcast_in_dim3A_766 = vector.broadcast %broadcast_in_dim3A : f32 to vector<16xf32>
    %swap3A = arith.constant 0 : index
    %swap3A_767 = tpu.vector_load %arg16[%swap3A] {strides = array<i32>} : memref<16xf32, #tpu.memory_space<vmem>>, vector<16xf32>,
    tpu.vector_store %arg16[%swap3A], %broadcast_in_dim3A_766 {strides = array<i32>} : memref<16xf32, #tpu.memory_space<vmem>>, vector<16xf32>,
    %broadcast_in_dim3A_768 = arith.constant 0.000000e+00 : f32
    %broadcast_in_dim3A_769 = vector.broadcast %broadcast_in_dim3A_768 : f32 to vector<16xf32>
    %swap3A_770 = arith.constant 0 : index
    %swap3A_771 = tpu.vector_load %arg17[%swap3A_770] {strides = array<i32>} : memref<16xf32, #tpu.memory_space<vmem>>, vector<16xf32>,
    tpu.vector_store %arg17[%swap3A_770], %broadcast_in_dim3A_769 {strides = array<i32>} : memref<16xf32, #tpu.memory_space<vmem>>, vector<16xf32>,
    %get3A = arith.constant 0 : index
    %get3A_772 = tpu.vector_load %arg9[%get3A] {strides = array<i32>} : memref<16xi32, #tpu.memory_space<vmem>>, vector<16xi32>,
    %add3A_773 = arith.constant 0 : i32
    %add3A_774 = arith.addi %add3A, %add3A_773 : i32
    %and3A_775 = arith.constant 31 : i32
    %and3A_776 = arith.andi %add3A_774, %and3A_775 : i32
    %mul3A_777 = arith.constant 128 : i32
    %mul3A_778 = arith.muli %and3A_776, %mul3A_777 : i32
    %eq3A = arith.constant 0 : i32
    %eq3A_779 = vector.broadcast %eq3A : i32 to vector<16xi32>
    %eq3A_780 = arith.cmpi eq, %iota3A, %eq3A_779 : vector<16xi32>
    %jit3A = arith.constant 0 : i32
    %broadcast_in_dim3A_781 = vector.broadcast %jit3A : i32 to vector<16xi32>
    %select_n3A = arith.select %eq3A_780, %get3A_772, %broadcast_in_dim3A_781 : vector<16xi1>, vector<16xi32>
    %reduce_max3A = arith.constant true
    %reduce_max3A_782 = vector.broadcast %reduce_max3A : i1 to vector<16xi1>
    %reduce_max3A_783 = arith.constant -2147483648 : i32
    %reduce_max3A_784 = vector.broadcast %reduce_max3A_783 : i32 to vector<16xi32>
    %reduce_max3A_785 = arith.xori %select_n3A, %reduce_max3A_784 : vector<16xi32>
    %reduce_max3A_786 = tpu.scan <max>, %reduce_max3A_785 masked %reduce_max3A_782 : vector<16xi32>, vector<16xi1> -> vector<16xi32>
    %reduce_max3A_787 = arith.xori %reduce_max3A_786, %reduce_max3A_784 : vector<16xi32>
    %reduce_max3A_788 = vector.extract %reduce_max3A_787[15] : i32 from vector<16xi32>
    %add3A_789 = arith.constant 0 : i32
    %add3A_790 = arith.addi %add3A_789, %mul3A_778 : i32
    %lt3A = arith.cmpi slt, %mul3A_778, %reduce_max3A_788 : i32
    %convert_element_type3A = arith.extui %lt3A : i1 to i32
    %cond3A = arith.constant 0 : i32
    %cond3A_791 = arith.cmpi ne, %convert_element_type3A, %cond3A : i32
    scf.if %cond3A_791 {
      %dma_start3A_796 = arith.constant 0 : i32
      %dma_start3A_797 = tpu.memref_slice %arg3[%add3A_790, %dma_start3A_796] : memref<65536x64xf32, #tpu.memory_space<hbm>> -> memref<128x64xf32, #tpu.memory_space<hbm>>
      %dma_start3A_798 = arith.constant 0 : i32
      %dma_start3A_799 = tpu.memref_slice %arg3[%add3A_790, %dma_start3A_798] : memref<65536x64xf32, #tpu.memory_space<hbm>> -> memref<128x64xf32, #tpu.memory_space<hbm>>
      tpu.enqueue_dma source(%dma_start3A_799 : memref<128x64xf32, #tpu.memory_space<hbm>>) target(%arg10 : memref<128x64xf32, #tpu.memory_space<vmem>>) target_semaphore(%arg18 : memref<!tpu.dma_semaphore, #tpu.memory_space<semaphore_mem>>)
      %dma_start3A_800 = arith.constant 0 : i32
      %dma_start3A_801 = tpu.memref_slice %arg4[%add3A_790, %dma_start3A_800] : memref<65536x64xf32, #tpu.memory_space<hbm>> -> memref<128x64xf32, #tpu.memory_space<hbm>>
      %dma_start3A_802 = arith.constant 0 : i32
      %dma_start3A_803 = tpu.memref_slice %arg4[%add3A_790, %dma_start3A_802] : memref<65536x64xf32, #tpu.memory_space<hbm>> -> memref<128x64xf32, #tpu.memory_space<hbm>>
      tpu.enqueue_dma source(%dma_start3A_803 : memref<128x64xf32, #tpu.memory_space<hbm>>) target(%arg12 : memref<128x64xf32, #tpu.memory_space<vmem>>) target_semaphore(%arg18 : memref<!tpu.dma_semaphore, #tpu.memory_space<semaphore_mem>>)
    } else {
    }
    %scan3A = arith.constant 0 : i32
    %scan3A_792 = arith.constant 8 : i32
    %scan3A_793 = arith.addi %scan3A, %scan3A_792 : i32
    %scan3A_794 = arith.constant 1 : i32
    scf.for %scan3A_796 = %scan3A to %scan3A_793 step %scan3A_794  : i32 {
      %mul3A_797 = arith.constant 2 : i32
      %mul3A_798 = arith.muli %mul3A_797, %scan3A_796 : i32
      %add3A_799 = arith.constant 1 : i32
      %add3A_800 = arith.addi %mul3A_798, %add3A_799 : i32
      %mul3A_801 = arith.constant 2 : i32
      %mul3A_802 = arith.muli %mul3A_801, %add3A_800 : i32
      %add3A_803 = arith.addi %add3A, %mul3A_802 : i32
      %and3A_804 = arith.constant 31 : i32
      %and3A_805 = arith.andi %add3A_803, %and3A_804 : i32
      %mul3A_806 = arith.constant 128 : i32
      %mul3A_807 = arith.muli %and3A_805, %mul3A_806 : i32
      %eq3A_808 = vector.broadcast %add3A_800 : i32 to vector<16xi32>
      %eq3A_809 = arith.cmpi eq, %iota3A, %eq3A_808 : vector<16xi32>
      %jit3A_810 = arith.constant 0 : i32
      %broadcast_in_dim3A_811 = vector.broadcast %jit3A_810 : i32 to vector<16xi32>
      %select_n3A_812 = arith.select %eq3A_809, %get3A_772, %broadcast_in_dim3A_811 : vector<16xi1>, vector<16xi32>
      %reduce_max3A_813 = arith.constant true
      %reduce_max3A_814 = vector.broadcast %reduce_max3A_813 : i1 to vector<16xi1>
      %reduce_max3A_815 = arith.constant -2147483648 : i32
      %reduce_max3A_816 = vector.broadcast %reduce_max3A_815 : i32 to vector<16xi32>
      %reduce_max3A_817 = arith.xori %select_n3A_812, %reduce_max3A_816 : vector<16xi32>
      %reduce_max3A_818 = tpu.scan <max>, %reduce_max3A_817 masked %reduce_max3A_814 : vector<16xi32>, vector<16xi1> -> vector<16xi32>
      %reduce_max3A_819 = arith.xori %reduce_max3A_818, %reduce_max3A_816 : vector<16xi32>
      %reduce_max3A_820 = vector.extract %reduce_max3A_819[15] : i32 from vector<16xi32>
      %mul3A_821 = arith.constant 4096 : i32
      %mul3A_822 = arith.muli %add3A_800, %mul3A_821 : i32
      %add3A_823 = arith.addi %mul3A_822, %mul3A_807 : i32
      %lt3A_824 = arith.cmpi slt, %mul3A_807, %reduce_max3A_820 : i32
      %convert_element_type3A_825 = arith.extui %lt3A_824 : i1 to i32
      %cond3A_826 = arith.constant 0 : i32
      %cond3A_827 = arith.cmpi ne, %convert_element_type3A_825, %cond3A_826 : i32
      scf.if %cond3A_827 {
        %dma_start3A_889 = arith.constant 0 : i32
        %dma_start3A_890 = tpu.memref_slice %arg3[%add3A_823, %dma_start3A_889] : memref<65536x64xf32, #tpu.memory_space<hbm>> -> memref<128x64xf32, #tpu.memory_space<hbm>>
        %dma_start3A_891 = arith.constant 0 : i32
        %dma_start3A_892 = tpu.memref_slice %arg3[%add3A_823, %dma_start3A_891] : memref<65536x64xf32, #tpu.memory_space<hbm>> -> memref<128x64xf32, #tpu.memory_space<hbm>>
        tpu.enqueue_dma source(%dma_start3A_892 : memref<128x64xf32, #tpu.memory_space<hbm>>) target(%arg11 : memref<128x64xf32, #tpu.memory_space<vmem>>) target_semaphore(%arg19 : memref<!tpu.dma_semaphore, #tpu.memory_space<semaphore_mem>>)
        %dma_start3A_893 = arith.constant 0 : i32
        %dma_start3A_894 = tpu.memref_slice %arg4[%add3A_823, %dma_start3A_893] : memref<65536x64xf32, #tpu.memory_space<hbm>> -> memref<128x64xf32, #tpu.memory_space<hbm>>
        %dma_start3A_895 = arith.constant 0 : i32
        %dma_start3A_896 = tpu.memref_slice %arg4[%add3A_823, %dma_start3A_895] : memref<65536x64xf32, #tpu.memory_space<hbm>> -> memref<128x64xf32, #tpu.memory_space<hbm>>
        tpu.enqueue_dma source(%dma_start3A_896 : memref<128x64xf32, #tpu.memory_space<hbm>>) target(%arg13 : memref<128x64xf32, #tpu.memory_space<vmem>>) target_semaphore(%arg19 : memref<!tpu.dma_semaphore, #tpu.memory_space<semaphore_mem>>)
      } else {
      }
      %mul3A_828 = arith.constant 2 : i32
      %mul3A_829 = arith.muli %mul3A_828, %mul3A_798 : i32
      %add3A_830 = arith.addi %add3A, %mul3A_829 : i32
      %and3A_831 = arith.constant 31 : i32
      %and3A_832 = arith.andi %add3A_830, %and3A_831 : i32
      %mul3A_833 = arith.constant 128 : i32
      %mul3A_834 = arith.muli %and3A_832, %mul3A_833 : i32
      %eq3A_835 = vector.broadcast %mul3A_798 : i32 to vector<16xi32>
      %eq3A_836 = arith.cmpi eq, %iota3A, %eq3A_835 : vector<16xi32>
      %jit3A_837 = arith.constant 0 : i32
      %broadcast_in_dim3A_838 = vector.broadcast %jit3A_837 : i32 to vector<16xi32>
      %select_n3A_839 = arith.select %eq3A_836, %get3A_772, %broadcast_in_dim3A_838 : vector<16xi1>, vector<16xi32>
      %reduce_max3A_840 = arith.constant true
      %reduce_max3A_841 = vector.broadcast %reduce_max3A_840 : i1 to vector<16xi1>
      %reduce_max3A_842 = arith.constant -2147483648 : i32
      %reduce_max3A_843 = vector.broadcast %reduce_max3A_842 : i32 to vector<16xi32>
      %reduce_max3A_844 = arith.xori %select_n3A_839, %reduce_max3A_843 : vector<16xi32>
      %reduce_max3A_845 = tpu.scan <max>, %reduce_max3A_844 masked %reduce_max3A_841 : vector<16xi32>, vector<16xi1> -> vector<16xi32>
      %reduce_max3A_846 = arith.xori %reduce_max3A_845, %reduce_max3A_843 : vector<16xi32>
      %reduce_max3A_847 = vector.extract %reduce_max3A_846[15] : i32 from vector<16xi32>
      %mul3A_848 = arith.constant 4096 : i32
      %mul3A_849 = arith.muli %mul3A_798, %mul3A_848 : i32
      %add3A_850 = arith.addi %mul3A_849, %mul3A_834 : i32
      %lt3A_851 = arith.cmpi slt, %mul3A_834, %reduce_max3A_847 : i32
      %convert_element_type3A_852 = arith.extui %lt3A_851 : i1 to i32
      %cond3A_853 = arith.constant 0 : i32
      %cond3A_854 = arith.cmpi ne, %convert_element_type3A_852, %cond3A_853 : i32
      scf.if %cond3A_854 {
        %dma_wait3A_889 = arith.constant 0 : i32
        %dma_wait3A_890 = tpu.memref_slice %arg3[%add3A_850, %dma_wait3A_889] : memref<65536x64xf32, #tpu.memory_space<hbm>> -> memref<128x64xf32, #tpu.memory_space<hbm>>
        %dma_wait3A_891 = arith.constant 0 : i32
        %dma_wait3A_892 = tpu.memref_slice %arg3[%add3A_850, %dma_wait3A_891] : memref<65536x64xf32, #tpu.memory_space<hbm>> -> memref<128x64xf32, #tpu.memory_space<hbm>>
        tpu.wait_dma2 semaphore(%arg18 : memref<!tpu.dma_semaphore, #tpu.memory_space<semaphore_mem>>) src(%dma_wait3A_892 : memref<128x64xf32, #tpu.memory_space<hbm>>) dst(%arg10 : memref<128x64xf32, #tpu.memory_space<vmem>>)
        %dma_wait3A_893 = arith.constant 0 : i32
        %dma_wait3A_894 = tpu.memref_slice %arg4[%add3A_850, %dma_wait3A_893] : memref<65536x64xf32, #tpu.memory_space<hbm>> -> memref<128x64xf32, #tpu.memory_space<hbm>>
        %dma_wait3A_895 = arith.constant 0 : i32
        %dma_wait3A_896 = tpu.memref_slice %arg4[%add3A_850, %dma_wait3A_895] : memref<65536x64xf32, #tpu.memory_space<hbm>> -> memref<128x64xf32, #tpu.memory_space<hbm>>
        tpu.wait_dma2 semaphore(%arg18 : memref<!tpu.dma_semaphore, #tpu.memory_space<semaphore_mem>>) src(%dma_wait3A_896 : memref<128x64xf32, #tpu.memory_space<hbm>>) dst(%arg12 : memref<128x64xf32, #tpu.memory_space<vmem>>)
        %scan3A_897 = arith.constant 0 : i32
        %scan3A_898 = arith.constant 8 : i32
        %scan3A_899 = arith.addi %scan3A_897, %scan3A_898 : i32
        %scan3A_900 = arith.constant 1 : i32
        scf.for %scan3A_902 = %scan3A_897 to %scan3A_899 step %scan3A_900  : i32 {
          %mul3A_903 = arith.constant 16 : i32
          %mul3A_904 = arith.muli %scan3A_902, %mul3A_903 : i32
          %add3A_905 = vector.broadcast %mul3A_904 : i32 to vector<16xi32>
          %add3A_906 = arith.addi %add3A_905, %iota3A : vector<16xi32>
          %broadcast_in_dim3A_907 = arith.constant 0.000000e+00 : f32
          %broadcast_in_dim3A_908 = vector.broadcast %broadcast_in_dim3A_907 : f32 to vector<16xf32>
          %broadcast_in_dim3A_909 = arith.constant 0.000000e+00 : f32
          %broadcast_in_dim3A_910 = vector.broadcast %broadcast_in_dim3A_909 : f32 to vector<16xf32>
          %broadcast_in_dim3A_911 = arith.constant 0.000000e+00 : f32
          %broadcast_in_dim3A_912 = vector.broadcast %broadcast_in_dim3A_911 : f32 to vector<16xf32>
          %broadcast_in_dim3A_913 = arith.constant 0.000000e+00 : f32
          %broadcast_in_dim3A_914 = vector.broadcast %broadcast_in_dim3A_913 : f32 to vector<16xf32>
          %add3A_915 = arith.constant 0 : i32
          %add3A_916 = vector.broadcast %add3A_915 : i32 to vector<16xi32>
          %add3A_917 = arith.addi %iota3A, %add3A_916 : vector<16xi32>
          %and3A_918 = arith.constant 63 : i32
          %and3A_919 = vector.broadcast %and3A_918 : i32 to vector<16xi32>
          %and3A_920 = arith.andi %add3A_917, %and3A_919 : vector<16xi32>
          %gather3A = tpu.vector_load_idx %arg10[%add3A_906, %and3A_920] : memref<128x64xf32, #tpu.memory_space<vmem>>[vector<16xi32>, vector<16xi32>], vector<16xf32>,
          %gather3A_921 = tpu.vector_load_idx %arg12[%add3A_906, %and3A_920] : memref<128x64xf32, #tpu.memory_space<vmem>>[vector<16xi32>, vector<16xi32>], vector<16xf32>,
          %mul3A_922 = arith.mulf %gather3A, %gather3A_921 : vector<16xf32>
          %add3A_923 = arith.addf %broadcast_in_dim3A_908, %mul3A_922 : vector<16xf32>
          %add3A_924 = arith.constant 1 : i32
          %add3A_925 = vector.broadcast %add3A_924 : i32 to vector<16xi32>
          %add3A_926 = arith.addi %iota3A, %add3A_925 : vector<16xi32>
          %and3A_927 = arith.constant 63 : i32
          %and3A_928 = vector.broadcast %and3A_927 : i32 to vector<16xi32>
          %and3A_929 = arith.andi %add3A_926, %and3A_928 : vector<16xi32>
          %gather3A_930 = tpu.vector_load_idx %arg10[%add3A_906, %and3A_929] : memref<128x64xf32, #tpu.memory_space<vmem>>[vector<16xi32>, vector<16xi32>], vector<16xf32>,
          %gather3A_931 = tpu.vector_load_idx %arg12[%add3A_906, %and3A_929] : memref<128x64xf32, #tpu.memory_space<vmem>>[vector<16xi32>, vector<16xi32>], vector<16xf32>,
          %mul3A_932 = arith.mulf %gather3A_930, %gather3A_931 : vector<16xf32>
          %add3A_933 = arith.addf %broadcast_in_dim3A_910, %mul3A_932 : vector<16xf32>
          %add3A_934 = arith.constant 2 : i32
          %add3A_935 = vector.broadcast %add3A_934 : i32 to vector<16xi32>
          %add3A_936 = arith.addi %iota3A, %add3A_935 : vector<16xi32>
          %and3A_937 = arith.constant 63 : i32
          %and3A_938 = vector.broadcast %and3A_937 : i32 to vector<16xi32>
          %and3A_939 = arith.andi %add3A_936, %and3A_938 : vector<16xi32>
          %gather3A_940 = tpu.vector_load_idx %arg10[%add3A_906, %and3A_939] : memref<128x64xf32, #tpu.memory_space<vmem>>[vector<16xi32>, vector<16xi32>], vector<16xf32>,
          %gather3A_941 = tpu.vector_load_idx %arg12[%add3A_906, %and3A_939] : memref<128x64xf32, #tpu.memory_space<vmem>>[vector<16xi32>, vector<16xi32>], vector<16xf32>,
          %mul3A_942 = arith.mulf %gather3A_940, %gather3A_941 : vector<16xf32>
          %add3A_943 = arith.addf %broadcast_in_dim3A_912, %mul3A_942 : vector<16xf32>
          %add3A_944 = arith.constant 3 : i32
          %add3A_945 = vector.broadcast %add3A_944 : i32 to vector<16xi32>
          %add3A_946 = arith.addi %iota3A, %add3A_945 : vector<16xi32>
          %and3A_947 = arith.constant 63 : i32
          %and3A_948 = vector.broadcast %and3A_947 : i32 to vector<16xi32>
          %and3A_949 = arith.andi %add3A_946, %and3A_948 : vector<16xi32>
          %gather3A_950 = tpu.vector_load_idx %arg10[%add3A_906, %and3A_949] : memref<128x64xf32, #tpu.memory_space<vmem>>[vector<16xi32>, vector<16xi32>], vector<16xf32>,
          %gather3A_951 = tpu.vector_load_idx %arg12[%add3A_906, %and3A_949] : memref<128x64xf32, #tpu.memory_space<vmem>>[vector<16xi32>, vector<16xi32>], vector<16xf32>,
          %mul3A_952 = arith.mulf %gather3A_950, %gather3A_951 : vector<16xf32>
          %add3A_953 = arith.addf %broadcast_in_dim3A_914, %mul3A_952 : vector<16xf32>
          %add3A_954 = arith.constant 4 : i32
          %add3A_955 = vector.broadcast %add3A_954 : i32 to vector<16xi32>
          %add3A_956 = arith.addi %iota3A, %add3A_955 : vector<16xi32>
          %and3A_957 = arith.constant 63 : i32
          %and3A_958 = vector.broadcast %and3A_957 : i32 to vector<16xi32>
          %and3A_959 = arith.andi %add3A_956, %and3A_958 : vector<16xi32>
          %gather3A_960 = tpu.vector_load_idx %arg10[%add3A_906, %and3A_959] : memref<128x64xf32, #tpu.memory_space<vmem>>[vector<16xi32>, vector<16xi32>], vector<16xf32>,
          %gather3A_961 = tpu.vector_load_idx %arg12[%add3A_906, %and3A_959] : memref<128x64xf32, #tpu.memory_space<vmem>>[vector<16xi32>, vector<16xi32>], vector<16xf32>,
          %mul3A_962 = arith.mulf %gather3A_960, %gather3A_961 : vector<16xf32>
          %add3A_963 = arith.addf %add3A_923, %mul3A_962 : vector<16xf32>
          %add3A_964 = arith.constant 5 : i32
          %add3A_965 = vector.broadcast %add3A_964 : i32 to vector<16xi32>
          %add3A_966 = arith.addi %iota3A, %add3A_965 : vector<16xi32>
          %and3A_967 = arith.constant 63 : i32
          %and3A_968 = vector.broadcast %and3A_967 : i32 to vector<16xi32>
          %and3A_969 = arith.andi %add3A_966, %and3A_968 : vector<16xi32>
          %gather3A_970 = tpu.vector_load_idx %arg10[%add3A_906, %and3A_969] : memref<128x64xf32, #tpu.memory_space<vmem>>[vector<16xi32>, vector<16xi32>], vector<16xf32>,
          %gather3A_971 = tpu.vector_load_idx %arg12[%add3A_906, %and3A_969] : memref<128x64xf32, #tpu.memory_space<vmem>>[vector<16xi32>, vector<16xi32>], vector<16xf32>,
          %mul3A_972 = arith.mulf %gather3A_970, %gather3A_971 : vector<16xf32>
          %add3A_973 = arith.addf %add3A_933, %mul3A_972 : vector<16xf32>
          %add3A_974 = arith.constant 6 : i32
          %add3A_975 = vector.broadcast %add3A_974 : i32 to vector<16xi32>
          %add3A_976 = arith.addi %iota3A, %add3A_975 : vector<16xi32>
          %and3A_977 = arith.constant 63 : i32
          %and3A_978 = vector.broadcast %and3A_977 : i32 to vector<16xi32>
          %and3A_979 = arith.andi %add3A_976, %and3A_978 : vector<16xi32>
          %gather3A_980 = tpu.vector_load_idx %arg10[%add3A_906, %and3A_979] : memref<128x64xf32, #tpu.memory_space<vmem>>[vector<16xi32>, vector<16xi32>], vector<16xf32>,
          %gather3A_981 = tpu.vector_load_idx %arg12[%add3A_906, %and3A_979] : memref<128x64xf32, #tpu.memory_space<vmem>>[vector<16xi32>, vector<16xi32>], vector<16xf32>,
          %mul3A_982 = arith.mulf %gather3A_980, %gather3A_981 : vector<16xf32>
          %add3A_983 = arith.addf %add3A_943, %mul3A_982 : vector<16xf32>
          %add3A_984 = arith.constant 7 : i32
          %add3A_985 = vector.broadcast %add3A_984 : i32 to vector<16xi32>
          %add3A_986 = arith.addi %iota3A, %add3A_985 : vector<16xi32>
          %and3A_987 = arith.constant 63 : i32
          %and3A_988 = vector.broadcast %and3A_987 : i32 to vector<16xi32>
          %and3A_989 = arith.andi %add3A_986, %and3A_988 : vector<16xi32>
          %gather3A_990 = tpu.vector_load_idx %arg10[%add3A_906, %and3A_989] : memref<128x64xf32, #tpu.memory_space<vmem>>[vector<16xi32>, vector<16xi32>], vector<16xf32>,
          %gather3A_991 = tpu.vector_load_idx %arg12[%add3A_906, %and3A_989] : memref<128x64xf32, #tpu.memory_space<vmem>>[vector<16xi32>, vector<16xi32>], vector<16xf32>,
          %mul3A_992 = arith.mulf %gather3A_990, %gather3A_991 : vector<16xf32>
          %add3A_993 = arith.addf %add3A_953, %mul3A_992 : vector<16xf32>
          %add3A_994 = arith.constant 8 : i32
          %add3A_995 = vector.broadcast %add3A_994 : i32 to vector<16xi32>
          %add3A_996 = arith.addi %iota3A, %add3A_995 : vector<16xi32>
          %and3A_997 = arith.constant 63 : i32
          %and3A_998 = vector.broadcast %and3A_997 : i32 to vector<16xi32>
          %and3A_999 = arith.andi %add3A_996, %and3A_998 : vector<16xi32>
          %gather3A_1000 = tpu.vector_load_idx %arg10[%add3A_906, %and3A_999] : memref<128x64xf32, #tpu.memory_space<vmem>>[vector<16xi32>, vector<16xi32>], vector<16xf32>,
          %gather3A_1001 = tpu.vector_load_idx %arg12[%add3A_906, %and3A_999] : memref<128x64xf32, #tpu.memory_space<vmem>>[vector<16xi32>, vector<16xi32>], vector<16xf32>,
          %mul3A_1002 = arith.mulf %gather3A_1000, %gather3A_1001 : vector<16xf32>
          %add3A_1003 = arith.addf %add3A_963, %mul3A_1002 : vector<16xf32>
          %add3A_1004 = arith.constant 9 : i32
          %add3A_1005 = vector.broadcast %add3A_1004 : i32 to vector<16xi32>
          %add3A_1006 = arith.addi %iota3A, %add3A_1005 : vector<16xi32>
          %and3A_1007 = arith.constant 63 : i32
          %and3A_1008 = vector.broadcast %and3A_1007 : i32 to vector<16xi32>
          %and3A_1009 = arith.andi %add3A_1006, %and3A_1008 : vector<16xi32>
          %gather3A_1010 = tpu.vector_load_idx %arg10[%add3A_906, %and3A_1009] : memref<128x64xf32, #tpu.memory_space<vmem>>[vector<16xi32>, vector<16xi32>], vector<16xf32>,
          %gather3A_1011 = tpu.vector_load_idx %arg12[%add3A_906, %and3A_1009] : memref<128x64xf32, #tpu.memory_space<vmem>>[vector<16xi32>, vector<16xi32>], vector<16xf32>,
          %mul3A_1012 = arith.mulf %gather3A_1010, %gather3A_1011 : vector<16xf32>
          %add3A_1013 = arith.addf %add3A_973, %mul3A_1012 : vector<16xf32>
          %add3A_1014 = arith.constant 10 : i32
          %add3A_1015 = vector.broadcast %add3A_1014 : i32 to vector<16xi32>
          %add3A_1016 = arith.addi %iota3A, %add3A_1015 : vector<16xi32>
          %and3A_1017 = arith.constant 63 : i32
          %and3A_1018 = vector.broadcast %and3A_1017 : i32 to vector<16xi32>
          %and3A_1019 = arith.andi %add3A_1016, %and3A_1018 : vector<16xi32>
          %gather3A_1020 = tpu.vector_load_idx %arg10[%add3A_906, %and3A_1019] : memref<128x64xf32, #tpu.memory_space<vmem>>[vector<16xi32>, vector<16xi32>], vector<16xf32>,
          %gather3A_1021 = tpu.vector_load_idx %arg12[%add3A_906, %and3A_1019] : memref<128x64xf32, #tpu.memory_space<vmem>>[vector<16xi32>, vector<16xi32>], vector<16xf32>,
          %mul3A_1022 = arith.mulf %gather3A_1020, %gather3A_1021 : vector<16xf32>
          %add3A_1023 = arith.addf %add3A_983, %mul3A_1022 : vector<16xf32>
          %add3A_1024 = arith.constant 11 : i32
          %add3A_1025 = vector.broadcast %add3A_1024 : i32 to vector<16xi32>
          %add3A_1026 = arith.addi %iota3A, %add3A_1025 : vector<16xi32>
          %and3A_1027 = arith.constant 63 : i32
          %and3A_1028 = vector.broadcast %and3A_1027 : i32 to vector<16xi32>
          %and3A_1029 = arith.andi %add3A_1026, %and3A_1028 : vector<16xi32>
          %gather3A_1030 = tpu.vector_load_idx %arg10[%add3A_906, %and3A_1029] : memref<128x64xf32, #tpu.memory_space<vmem>>[vector<16xi32>, vector<16xi32>], vector<16xf32>,
          %gather3A_1031 = tpu.vector_load_idx %arg12[%add3A_906, %and3A_1029] : memref<128x64xf32, #tpu.memory_space<vmem>>[vector<16xi32>, vector<16xi32>], vector<16xf32>,
          %mul3A_1032 = arith.mulf %gather3A_1030, %gather3A_1031 : vector<16xf32>
          %add3A_1033 = arith.addf %add3A_993, %mul3A_1032 : vector<16xf32>
          %add3A_1034 = arith.constant 12 : i32
          %add3A_1035 = vector.broadcast %add3A_1034 : i32 to vector<16xi32>
          %add3A_1036 = arith.addi %iota3A, %add3A_1035 : vector<16xi32>
          %and3A_1037 = arith.constant 63 : i32
          %and3A_1038 = vector.broadcast %and3A_1037 : i32 to vector<16xi32>
          %and3A_1039 = arith.andi %add3A_1036, %and3A_1038 : vector<16xi32>
          %gather3A_1040 = tpu.vector_load_idx %arg10[%add3A_906, %and3A_1039] : memref<128x64xf32, #tpu.memory_space<vmem>>[vector<16xi32>, vector<16xi32>], vector<16xf32>,
          %gather3A_1041 = tpu.vector_load_idx %arg12[%add3A_906, %and3A_1039] : memref<128x64xf32, #tpu.memory_space<vmem>>[vector<16xi32>, vector<16xi32>], vector<16xf32>,
          %mul3A_1042 = arith.mulf %gather3A_1040, %gather3A_1041 : vector<16xf32>
          %add3A_1043 = arith.addf %add3A_1003, %mul3A_1042 : vector<16xf32>
          %add3A_1044 = arith.constant 13 : i32
          %add3A_1045 = vector.broadcast %add3A_1044 : i32 to vector<16xi32>
          %add3A_1046 = arith.addi %iota3A, %add3A_1045 : vector<16xi32>
          %and3A_1047 = arith.constant 63 : i32
          %and3A_1048 = vector.broadcast %and3A_1047 : i32 to vector<16xi32>
          %and3A_1049 = arith.andi %add3A_1046, %and3A_1048 : vector<16xi32>
          %gather3A_1050 = tpu.vector_load_idx %arg10[%add3A_906, %and3A_1049] : memref<128x64xf32, #tpu.memory_space<vmem>>[vector<16xi32>, vector<16xi32>], vector<16xf32>,
          %gather3A_1051 = tpu.vector_load_idx %arg12[%add3A_906, %and3A_1049] : memref<128x64xf32, #tpu.memory_space<vmem>>[vector<16xi32>, vector<16xi32>], vector<16xf32>,
          %mul3A_1052 = arith.mulf %gather3A_1050, %gather3A_1051 : vector<16xf32>
          %add3A_1053 = arith.addf %add3A_1013, %mul3A_1052 : vector<16xf32>
          %add3A_1054 = arith.constant 14 : i32
          %add3A_1055 = vector.broadcast %add3A_1054 : i32 to vector<16xi32>
          %add3A_1056 = arith.addi %iota3A, %add3A_1055 : vector<16xi32>
          %and3A_1057 = arith.constant 63 : i32
          %and3A_1058 = vector.broadcast %and3A_1057 : i32 to vector<16xi32>
          %and3A_1059 = arith.andi %add3A_1056, %and3A_1058 : vector<16xi32>
          %gather3A_1060 = tpu.vector_load_idx %arg10[%add3A_906, %and3A_1059] : memref<128x64xf32, #tpu.memory_space<vmem>>[vector<16xi32>, vector<16xi32>], vector<16xf32>,
          %gather3A_1061 = tpu.vector_load_idx %arg12[%add3A_906, %and3A_1059] : memref<128x64xf32, #tpu.memory_space<vmem>>[vector<16xi32>, vector<16xi32>], vector<16xf32>,
          %mul3A_1062 = arith.mulf %gather3A_1060, %gather3A_1061 : vector<16xf32>
          %add3A_1063 = arith.addf %add3A_1023, %mul3A_1062 : vector<16xf32>
          %add3A_1064 = arith.constant 15 : i32
          %add3A_1065 = vector.broadcast %add3A_1064 : i32 to vector<16xi32>
          %add3A_1066 = arith.addi %iota3A, %add3A_1065 : vector<16xi32>
          %and3A_1067 = arith.constant 63 : i32
          %and3A_1068 = vector.broadcast %and3A_1067 : i32 to vector<16xi32>
          %and3A_1069 = arith.andi %add3A_1066, %and3A_1068 : vector<16xi32>
          %gather3A_1070 = tpu.vector_load_idx %arg10[%add3A_906, %and3A_1069] : memref<128x64xf32, #tpu.memory_space<vmem>>[vector<16xi32>, vector<16xi32>], vector<16xf32>,
          %gather3A_1071 = tpu.vector_load_idx %arg12[%add3A_906, %and3A_1069] : memref<128x64xf32, #tpu.memory_space<vmem>>[vector<16xi32>, vector<16xi32>], vector<16xf32>,
          %mul3A_1072 = arith.mulf %gather3A_1070, %gather3A_1071 : vector<16xf32>
          %add3A_1073 = arith.addf %add3A_1033, %mul3A_1072 : vector<16xf32>
          %add3A_1074 = arith.constant 16 : i32
          %add3A_1075 = vector.broadcast %add3A_1074 : i32 to vector<16xi32>
          %add3A_1076 = arith.addi %iota3A, %add3A_1075 : vector<16xi32>
          %and3A_1077 = arith.constant 63 : i32
          %and3A_1078 = vector.broadcast %and3A_1077 : i32 to vector<16xi32>
          %and3A_1079 = arith.andi %add3A_1076, %and3A_1078 : vector<16xi32>
          %gather3A_1080 = tpu.vector_load_idx %arg10[%add3A_906, %and3A_1079] : memref<128x64xf32, #tpu.memory_space<vmem>>[vector<16xi32>, vector<16xi32>], vector<16xf32>,
          %gather3A_1081 = tpu.vector_load_idx %arg12[%add3A_906, %and3A_1079] : memref<128x64xf32, #tpu.memory_space<vmem>>[vector<16xi32>, vector<16xi32>], vector<16xf32>,
          %mul3A_1082 = arith.mulf %gather3A_1080, %gather3A_1081 : vector<16xf32>
          %add3A_1083 = arith.addf %add3A_1043, %mul3A_1082 : vector<16xf32>
          %add3A_1084 = arith.constant 17 : i32
          %add3A_1085 = vector.broadcast %add3A_1084 : i32 to vector<16xi32>
          %add3A_1086 = arith.addi %iota3A, %add3A_1085 : vector<16xi32>
          %and3A_1087 = arith.constant 63 : i32
          %and3A_1088 = vector.broadcast %and3A_1087 : i32 to vector<16xi32>
          %and3A_1089 = arith.andi %add3A_1086, %and3A_1088 : vector<16xi32>
          %gather3A_1090 = tpu.vector_load_idx %arg10[%add3A_906, %and3A_1089] : memref<128x64xf32, #tpu.memory_space<vmem>>[vector<16xi32>, vector<16xi32>], vector<16xf32>,
          %gather3A_1091 = tpu.vector_load_idx %arg12[%add3A_906, %and3A_1089] : memref<128x64xf32, #tpu.memory_space<vmem>>[vector<16xi32>, vector<16xi32>], vector<16xf32>,
          %mul3A_1092 = arith.mulf %gather3A_1090, %gather3A_1091 : vector<16xf32>
          %add3A_1093 = arith.addf %add3A_1053, %mul3A_1092 : vector<16xf32>
          %add3A_1094 = arith.constant 18 : i32
          %add3A_1095 = vector.broadcast %add3A_1094 : i32 to vector<16xi32>
          %add3A_1096 = arith.addi %iota3A, %add3A_1095 : vector<16xi32>
          %and3A_1097 = arith.constant 63 : i32
          %and3A_1098 = vector.broadcast %and3A_1097 : i32 to vector<16xi32>
          %and3A_1099 = arith.andi %add3A_1096, %and3A_1098 : vector<16xi32>
          %gather3A_1100 = tpu.vector_load_idx %arg10[%add3A_906, %and3A_1099] : memref<128x64xf32, #tpu.memory_space<vmem>>[vector<16xi32>, vector<16xi32>], vector<16xf32>,
          %gather3A_1101 = tpu.vector_load_idx %arg12[%add3A_906, %and3A_1099] : memref<128x64xf32, #tpu.memory_space<vmem>>[vector<16xi32>, vector<16xi32>], vector<16xf32>,
          %mul3A_1102 = arith.mulf %gather3A_1100, %gather3A_1101 : vector<16xf32>
          %add3A_1103 = arith.addf %add3A_1063, %mul3A_1102 : vector<16xf32>
          %add3A_1104 = arith.constant 19 : i32
          %add3A_1105 = vector.broadcast %add3A_1104 : i32 to vector<16xi32>
          %add3A_1106 = arith.addi %iota3A, %add3A_1105 : vector<16xi32>
          %and3A_1107 = arith.constant 63 : i32
          %and3A_1108 = vector.broadcast %and3A_1107 : i32 to vector<16xi32>
          %and3A_1109 = arith.andi %add3A_1106, %and3A_1108 : vector<16xi32>
          %gather3A_1110 = tpu.vector_load_idx %arg10[%add3A_906, %and3A_1109] : memref<128x64xf32, #tpu.memory_space<vmem>>[vector<16xi32>, vector<16xi32>], vector<16xf32>,
          %gather3A_1111 = tpu.vector_load_idx %arg12[%add3A_906, %and3A_1109] : memref<128x64xf32, #tpu.memory_space<vmem>>[vector<16xi32>, vector<16xi32>], vector<16xf32>,
          %mul3A_1112 = arith.mulf %gather3A_1110, %gather3A_1111 : vector<16xf32>
          %add3A_1113 = arith.addf %add3A_1073, %mul3A_1112 : vector<16xf32>
          %add3A_1114 = arith.constant 20 : i32
          %add3A_1115 = vector.broadcast %add3A_1114 : i32 to vector<16xi32>
          %add3A_1116 = arith.addi %iota3A, %add3A_1115 : vector<16xi32>
          %and3A_1117 = arith.constant 63 : i32
          %and3A_1118 = vector.broadcast %and3A_1117 : i32 to vector<16xi32>
          %and3A_1119 = arith.andi %add3A_1116, %and3A_1118 : vector<16xi32>
          %gather3A_1120 = tpu.vector_load_idx %arg10[%add3A_906, %and3A_1119] : memref<128x64xf32, #tpu.memory_space<vmem>>[vector<16xi32>, vector<16xi32>], vector<16xf32>,
          %gather3A_1121 = tpu.vector_load_idx %arg12[%add3A_906, %and3A_1119] : memref<128x64xf32, #tpu.memory_space<vmem>>[vector<16xi32>, vector<16xi32>], vector<16xf32>,
          %mul3A_1122 = arith.mulf %gather3A_1120, %gather3A_1121 : vector<16xf32>
          %add3A_1123 = arith.addf %add3A_1083, %mul3A_1122 : vector<16xf32>
          %add3A_1124 = arith.constant 21 : i32
          %add3A_1125 = vector.broadcast %add3A_1124 : i32 to vector<16xi32>
          %add3A_1126 = arith.addi %iota3A, %add3A_1125 : vector<16xi32>
          %and3A_1127 = arith.constant 63 : i32
          %and3A_1128 = vector.broadcast %and3A_1127 : i32 to vector<16xi32>
          %and3A_1129 = arith.andi %add3A_1126, %and3A_1128 : vector<16xi32>
          %gather3A_1130 = tpu.vector_load_idx %arg10[%add3A_906, %and3A_1129] : memref<128x64xf32, #tpu.memory_space<vmem>>[vector<16xi32>, vector<16xi32>], vector<16xf32>,
          %gather3A_1131 = tpu.vector_load_idx %arg12[%add3A_906, %and3A_1129] : memref<128x64xf32, #tpu.memory_space<vmem>>[vector<16xi32>, vector<16xi32>], vector<16xf32>,
          %mul3A_1132 = arith.mulf %gather3A_1130, %gather3A_1131 : vector<16xf32>
          %add3A_1133 = arith.addf %add3A_1093, %mul3A_1132 : vector<16xf32>
          %add3A_1134 = arith.constant 22 : i32
          %add3A_1135 = vector.broadcast %add3A_1134 : i32 to vector<16xi32>
          %add3A_1136 = arith.addi %iota3A, %add3A_1135 : vector<16xi32>
          %and3A_1137 = arith.constant 63 : i32
          %and3A_1138 = vector.broadcast %and3A_1137 : i32 to vector<16xi32>
          %and3A_1139 = arith.andi %add3A_1136, %and3A_1138 : vector<16xi32>
          %gather3A_1140 = tpu.vector_load_idx %arg10[%add3A_906, %and3A_1139] : memref<128x64xf32, #tpu.memory_space<vmem>>[vector<16xi32>, vector<16xi32>], vector<16xf32>,
          %gather3A_1141 = tpu.vector_load_idx %arg12[%add3A_906, %and3A_1139] : memref<128x64xf32, #tpu.memory_space<vmem>>[vector<16xi32>, vector<16xi32>], vector<16xf32>,
          %mul3A_1142 = arith.mulf %gather3A_1140, %gather3A_1141 : vector<16xf32>
          %add3A_1143 = arith.addf %add3A_1103, %mul3A_1142 : vector<16xf32>
          %add3A_1144 = arith.constant 23 : i32
          %add3A_1145 = vector.broadcast %add3A_1144 : i32 to vector<16xi32>
          %add3A_1146 = arith.addi %iota3A, %add3A_1145 : vector<16xi32>
          %and3A_1147 = arith.constant 63 : i32
          %and3A_1148 = vector.broadcast %and3A_1147 : i32 to vector<16xi32>
          %and3A_1149 = arith.andi %add3A_1146, %and3A_1148 : vector<16xi32>
          %gather3A_1150 = tpu.vector_load_idx %arg10[%add3A_906, %and3A_1149] : memref<128x64xf32, #tpu.memory_space<vmem>>[vector<16xi32>, vector<16xi32>], vector<16xf32>,
          %gather3A_1151 = tpu.vector_load_idx %arg12[%add3A_906, %and3A_1149] : memref<128x64xf32, #tpu.memory_space<vmem>>[vector<16xi32>, vector<16xi32>], vector<16xf32>,
          %mul3A_1152 = arith.mulf %gather3A_1150, %gather3A_1151 : vector<16xf32>
          %add3A_1153 = arith.addf %add3A_1113, %mul3A_1152 : vector<16xf32>
          %add3A_1154 = arith.constant 24 : i32
          %add3A_1155 = vector.broadcast %add3A_1154 : i32 to vector<16xi32>
          %add3A_1156 = arith.addi %iota3A, %add3A_1155 : vector<16xi32>
          %and3A_1157 = arith.constant 63 : i32
          %and3A_1158 = vector.broadcast %and3A_1157 : i32 to vector<16xi32>
          %and3A_1159 = arith.andi %add3A_1156, %and3A_1158 : vector<16xi32>
          %gather3A_1160 = tpu.vector_load_idx %arg10[%add3A_906, %and3A_1159] : memref<128x64xf32, #tpu.memory_space<vmem>>[vector<16xi32>, vector<16xi32>], vector<16xf32>,
          %gather3A_1161 = tpu.vector_load_idx %arg12[%add3A_906, %and3A_1159] : memref<128x64xf32, #tpu.memory_space<vmem>>[vector<16xi32>, vector<16xi32>], vector<16xf32>,
          %mul3A_1162 = arith.mulf %gather3A_1160, %gather3A_1161 : vector<16xf32>
          %add3A_1163 = arith.addf %add3A_1123, %mul3A_1162 : vector<16xf32>
          %add3A_1164 = arith.constant 25 : i32
          %add3A_1165 = vector.broadcast %add3A_1164 : i32 to vector<16xi32>
          %add3A_1166 = arith.addi %iota3A, %add3A_1165 : vector<16xi32>
          %and3A_1167 = arith.constant 63 : i32
          %and3A_1168 = vector.broadcast %and3A_1167 : i32 to vector<16xi32>
          %and3A_1169 = arith.andi %add3A_1166, %and3A_1168 : vector<16xi32>
          %gather3A_1170 = tpu.vector_load_idx %arg10[%add3A_906, %and3A_1169] : memref<128x64xf32, #tpu.memory_space<vmem>>[vector<16xi32>, vector<16xi32>], vector<16xf32>,
          %gather3A_1171 = tpu.vector_load_idx %arg12[%add3A_906, %and3A_1169] : memref<128x64xf32, #tpu.memory_space<vmem>>[vector<16xi32>, vector<16xi32>], vector<16xf32>,
          %mul3A_1172 = arith.mulf %gather3A_1170, %gather3A_1171 : vector<16xf32>
          %add3A_1173 = arith.addf %add3A_1133, %mul3A_1172 : vector<16xf32>
          %add3A_1174 = arith.constant 26 : i32
          %add3A_1175 = vector.broadcast %add3A_1174 : i32 to vector<16xi32>
          %add3A_1176 = arith.addi %iota3A, %add3A_1175 : vector<16xi32>
          %and3A_1177 = arith.constant 63 : i32
          %and3A_1178 = vector.broadcast %and3A_1177 : i32 to vector<16xi32>
          %and3A_1179 = arith.andi %add3A_1176, %and3A_1178 : vector<16xi32>
          %gather3A_1180 = tpu.vector_load_idx %arg10[%add3A_906, %and3A_1179] : memref<128x64xf32, #tpu.memory_space<vmem>>[vector<16xi32>, vector<16xi32>], vector<16xf32>,
          %gather3A_1181 = tpu.vector_load_idx %arg12[%add3A_906, %and3A_1179] : memref<128x64xf32, #tpu.memory_space<vmem>>[vector<16xi32>, vector<16xi32>], vector<16xf32>,
          %mul3A_1182 = arith.mulf %gather3A_1180, %gather3A_1181 : vector<16xf32>
          %add3A_1183 = arith.addf %add3A_1143, %mul3A_1182 : vector<16xf32>
          %add3A_1184 = arith.constant 27 : i32
          %add3A_1185 = vector.broadcast %add3A_1184 : i32 to vector<16xi32>
          %add3A_1186 = arith.addi %iota3A, %add3A_1185 : vector<16xi32>
          %and3A_1187 = arith.constant 63 : i32
          %and3A_1188 = vector.broadcast %and3A_1187 : i32 to vector<16xi32>
          %and3A_1189 = arith.andi %add3A_1186, %and3A_1188 : vector<16xi32>
          %gather3A_1190 = tpu.vector_load_idx %arg10[%add3A_906, %and3A_1189] : memref<128x64xf32, #tpu.memory_space<vmem>>[vector<16xi32>, vector<16xi32>], vector<16xf32>,
          %gather3A_1191 = tpu.vector_load_idx %arg12[%add3A_906, %and3A_1189] : memref<128x64xf32, #tpu.memory_space<vmem>>[vector<16xi32>, vector<16xi32>], vector<16xf32>,
          %mul3A_1192 = arith.mulf %gather3A_1190, %gather3A_1191 : vector<16xf32>
          %add3A_1193 = arith.addf %add3A_1153, %mul3A_1192 : vector<16xf32>
          %add3A_1194 = arith.constant 28 : i32
          %add3A_1195 = vector.broadcast %add3A_1194 : i32 to vector<16xi32>
          %add3A_1196 = arith.addi %iota3A, %add3A_1195 : vector<16xi32>
          %and3A_1197 = arith.constant 63 : i32
          %and3A_1198 = vector.broadcast %and3A_1197 : i32 to vector<16xi32>
          %and3A_1199 = arith.andi %add3A_1196, %and3A_1198 : vector<16xi32>
          %gather3A_1200 = tpu.vector_load_idx %arg10[%add3A_906, %and3A_1199] : memref<128x64xf32, #tpu.memory_space<vmem>>[vector<16xi32>, vector<16xi32>], vector<16xf32>,
          %gather3A_1201 = tpu.vector_load_idx %arg12[%add3A_906, %and3A_1199] : memref<128x64xf32, #tpu.memory_space<vmem>>[vector<16xi32>, vector<16xi32>], vector<16xf32>,
          %mul3A_1202 = arith.mulf %gather3A_1200, %gather3A_1201 : vector<16xf32>
          %add3A_1203 = arith.addf %add3A_1163, %mul3A_1202 : vector<16xf32>
          %add3A_1204 = arith.constant 29 : i32
          %add3A_1205 = vector.broadcast %add3A_1204 : i32 to vector<16xi32>
          %add3A_1206 = arith.addi %iota3A, %add3A_1205 : vector<16xi32>
          %and3A_1207 = arith.constant 63 : i32
          %and3A_1208 = vector.broadcast %and3A_1207 : i32 to vector<16xi32>
          %and3A_1209 = arith.andi %add3A_1206, %and3A_1208 : vector<16xi32>
          %gather3A_1210 = tpu.vector_load_idx %arg10[%add3A_906, %and3A_1209] : memref<128x64xf32, #tpu.memory_space<vmem>>[vector<16xi32>, vector<16xi32>], vector<16xf32>,
          %gather3A_1211 = tpu.vector_load_idx %arg12[%add3A_906, %and3A_1209] : memref<128x64xf32, #tpu.memory_space<vmem>>[vector<16xi32>, vector<16xi32>], vector<16xf32>,
          %mul3A_1212 = arith.mulf %gather3A_1210, %gather3A_1211 : vector<16xf32>
          %add3A_1213 = arith.addf %add3A_1173, %mul3A_1212 : vector<16xf32>
          %add3A_1214 = arith.constant 30 : i32
          %add3A_1215 = vector.broadcast %add3A_1214 : i32 to vector<16xi32>
          %add3A_1216 = arith.addi %iota3A, %add3A_1215 : vector<16xi32>
          %and3A_1217 = arith.constant 63 : i32
          %and3A_1218 = vector.broadcast %and3A_1217 : i32 to vector<16xi32>
          %and3A_1219 = arith.andi %add3A_1216, %and3A_1218 : vector<16xi32>
          %gather3A_1220 = tpu.vector_load_idx %arg10[%add3A_906, %and3A_1219] : memref<128x64xf32, #tpu.memory_space<vmem>>[vector<16xi32>, vector<16xi32>], vector<16xf32>,
          %gather3A_1221 = tpu.vector_load_idx %arg12[%add3A_906, %and3A_1219] : memref<128x64xf32, #tpu.memory_space<vmem>>[vector<16xi32>, vector<16xi32>], vector<16xf32>,
          %mul3A_1222 = arith.mulf %gather3A_1220, %gather3A_1221 : vector<16xf32>
          %add3A_1223 = arith.addf %add3A_1183, %mul3A_1222 : vector<16xf32>
          %add3A_1224 = arith.constant 31 : i32
          %add3A_1225 = vector.broadcast %add3A_1224 : i32 to vector<16xi32>
          %add3A_1226 = arith.addi %iota3A, %add3A_1225 : vector<16xi32>
          %and3A_1227 = arith.constant 63 : i32
          %and3A_1228 = vector.broadcast %and3A_1227 : i32 to vector<16xi32>
          %and3A_1229 = arith.andi %add3A_1226, %and3A_1228 : vector<16xi32>
          %gather3A_1230 = tpu.vector_load_idx %arg10[%add3A_906, %and3A_1229] : memref<128x64xf32, #tpu.memory_space<vmem>>[vector<16xi32>, vector<16xi32>], vector<16xf32>,
          %gather3A_1231 = tpu.vector_load_idx %arg12[%add3A_906, %and3A_1229] : memref<128x64xf32, #tpu.memory_space<vmem>>[vector<16xi32>, vector<16xi32>], vector<16xf32>,
          %mul3A_1232 = arith.mulf %gather3A_1230, %gather3A_1231 : vector<16xf32>
          %add3A_1233 = arith.addf %add3A_1193, %mul3A_1232 : vector<16xf32>
          %add3A_1234 = arith.constant 32 : i32
          %add3A_1235 = vector.broadcast %add3A_1234 : i32 to vector<16xi32>
          %add3A_1236 = arith.addi %iota3A, %add3A_1235 : vector<16xi32>
          %and3A_1237 = arith.constant 63 : i32
          %and3A_1238 = vector.broadcast %and3A_1237 : i32 to vector<16xi32>
          %and3A_1239 = arith.andi %add3A_1236, %and3A_1238 : vector<16xi32>
          %gather3A_1240 = tpu.vector_load_idx %arg10[%add3A_906, %and3A_1239] : memref<128x64xf32, #tpu.memory_space<vmem>>[vector<16xi32>, vector<16xi32>], vector<16xf32>,
          %gather3A_1241 = tpu.vector_load_idx %arg12[%add3A_906, %and3A_1239] : memref<128x64xf32, #tpu.memory_space<vmem>>[vector<16xi32>, vector<16xi32>], vector<16xf32>,
          %mul3A_1242 = arith.mulf %gather3A_1240, %gather3A_1241 : vector<16xf32>
          %add3A_1243 = arith.addf %add3A_1203, %mul3A_1242 : vector<16xf32>
          %add3A_1244 = arith.constant 33 : i32
          %add3A_1245 = vector.broadcast %add3A_1244 : i32 to vector<16xi32>
          %add3A_1246 = arith.addi %iota3A, %add3A_1245 : vector<16xi32>
          %and3A_1247 = arith.constant 63 : i32
          %and3A_1248 = vector.broadcast %and3A_1247 : i32 to vector<16xi32>
          %and3A_1249 = arith.andi %add3A_1246, %and3A_1248 : vector<16xi32>
          %gather3A_1250 = tpu.vector_load_idx %arg10[%add3A_906, %and3A_1249] : memref<128x64xf32, #tpu.memory_space<vmem>>[vector<16xi32>, vector<16xi32>], vector<16xf32>,
          %gather3A_1251 = tpu.vector_load_idx %arg12[%add3A_906, %and3A_1249] : memref<128x64xf32, #tpu.memory_space<vmem>>[vector<16xi32>, vector<16xi32>], vector<16xf32>,
          %mul3A_1252 = arith.mulf %gather3A_1250, %gather3A_1251 : vector<16xf32>
          %add3A_1253 = arith.addf %add3A_1213, %mul3A_1252 : vector<16xf32>
          %add3A_1254 = arith.constant 34 : i32
          %add3A_1255 = vector.broadcast %add3A_1254 : i32 to vector<16xi32>
          %add3A_1256 = arith.addi %iota3A, %add3A_1255 : vector<16xi32>
          %and3A_1257 = arith.constant 63 : i32
          %and3A_1258 = vector.broadcast %and3A_1257 : i32 to vector<16xi32>
          %and3A_1259 = arith.andi %add3A_1256, %and3A_1258 : vector<16xi32>
          %gather3A_1260 = tpu.vector_load_idx %arg10[%add3A_906, %and3A_1259] : memref<128x64xf32, #tpu.memory_space<vmem>>[vector<16xi32>, vector<16xi32>], vector<16xf32>,
          %gather3A_1261 = tpu.vector_load_idx %arg12[%add3A_906, %and3A_1259] : memref<128x64xf32, #tpu.memory_space<vmem>>[vector<16xi32>, vector<16xi32>], vector<16xf32>,
          %mul3A_1262 = arith.mulf %gather3A_1260, %gather3A_1261 : vector<16xf32>
          %add3A_1263 = arith.addf %add3A_1223, %mul3A_1262 : vector<16xf32>
          %add3A_1264 = arith.constant 35 : i32
          %add3A_1265 = vector.broadcast %add3A_1264 : i32 to vector<16xi32>
          %add3A_1266 = arith.addi %iota3A, %add3A_1265 : vector<16xi32>
          %and3A_1267 = arith.constant 63 : i32
          %and3A_1268 = vector.broadcast %and3A_1267 : i32 to vector<16xi32>
          %and3A_1269 = arith.andi %add3A_1266, %and3A_1268 : vector<16xi32>
          %gather3A_1270 = tpu.vector_load_idx %arg10[%add3A_906, %and3A_1269] : memref<128x64xf32, #tpu.memory_space<vmem>>[vector<16xi32>, vector<16xi32>], vector<16xf32>,
          %gather3A_1271 = tpu.vector_load_idx %arg12[%add3A_906, %and3A_1269] : memref<128x64xf32, #tpu.memory_space<vmem>>[vector<16xi32>, vector<16xi32>], vector<16xf32>,
          %mul3A_1272 = arith.mulf %gather3A_1270, %gather3A_1271 : vector<16xf32>
          %add3A_1273 = arith.addf %add3A_1233, %mul3A_1272 : vector<16xf32>
          %add3A_1274 = arith.constant 36 : i32
          %add3A_1275 = vector.broadcast %add3A_1274 : i32 to vector<16xi32>
          %add3A_1276 = arith.addi %iota3A, %add3A_1275 : vector<16xi32>
          %and3A_1277 = arith.constant 63 : i32
          %and3A_1278 = vector.broadcast %and3A_1277 : i32 to vector<16xi32>
          %and3A_1279 = arith.andi %add3A_1276, %and3A_1278 : vector<16xi32>
          %gather3A_1280 = tpu.vector_load_idx %arg10[%add3A_906, %and3A_1279] : memref<128x64xf32, #tpu.memory_space<vmem>>[vector<16xi32>, vector<16xi32>], vector<16xf32>,
          %gather3A_1281 = tpu.vector_load_idx %arg12[%add3A_906, %and3A_1279] : memref<128x64xf32, #tpu.memory_space<vmem>>[vector<16xi32>, vector<16xi32>], vector<16xf32>,
          %mul3A_1282 = arith.mulf %gather3A_1280, %gather3A_1281 : vector<16xf32>
          %add3A_1283 = arith.addf %add3A_1243, %mul3A_1282 : vector<16xf32>
          %add3A_1284 = arith.constant 37 : i32
          %add3A_1285 = vector.broadcast %add3A_1284 : i32 to vector<16xi32>
          %add3A_1286 = arith.addi %iota3A, %add3A_1285 : vector<16xi32>
          %and3A_1287 = arith.constant 63 : i32
          %and3A_1288 = vector.broadcast %and3A_1287 : i32 to vector<16xi32>
          %and3A_1289 = arith.andi %add3A_1286, %and3A_1288 : vector<16xi32>
          %gather3A_1290 = tpu.vector_load_idx %arg10[%add3A_906, %and3A_1289] : memref<128x64xf32, #tpu.memory_space<vmem>>[vector<16xi32>, vector<16xi32>], vector<16xf32>,
          %gather3A_1291 = tpu.vector_load_idx %arg12[%add3A_906, %and3A_1289] : memref<128x64xf32, #tpu.memory_space<vmem>>[vector<16xi32>, vector<16xi32>], vector<16xf32>,
          %mul3A_1292 = arith.mulf %gather3A_1290, %gather3A_1291 : vector<16xf32>
          %add3A_1293 = arith.addf %add3A_1253, %mul3A_1292 : vector<16xf32>
          %add3A_1294 = arith.constant 38 : i32
          %add3A_1295 = vector.broadcast %add3A_1294 : i32 to vector<16xi32>
          %add3A_1296 = arith.addi %iota3A, %add3A_1295 : vector<16xi32>
          %and3A_1297 = arith.constant 63 : i32
          %and3A_1298 = vector.broadcast %and3A_1297 : i32 to vector<16xi32>
          %and3A_1299 = arith.andi %add3A_1296, %and3A_1298 : vector<16xi32>
          %gather3A_1300 = tpu.vector_load_idx %arg10[%add3A_906, %and3A_1299] : memref<128x64xf32, #tpu.memory_space<vmem>>[vector<16xi32>, vector<16xi32>], vector<16xf32>,
          %gather3A_1301 = tpu.vector_load_idx %arg12[%add3A_906, %and3A_1299] : memref<128x64xf32, #tpu.memory_space<vmem>>[vector<16xi32>, vector<16xi32>], vector<16xf32>,
          %mul3A_1302 = arith.mulf %gather3A_1300, %gather3A_1301 : vector<16xf32>
          %add3A_1303 = arith.addf %add3A_1263, %mul3A_1302 : vector<16xf32>
          %add3A_1304 = arith.constant 39 : i32
          %add3A_1305 = vector.broadcast %add3A_1304 : i32 to vector<16xi32>
          %add3A_1306 = arith.addi %iota3A, %add3A_1305 : vector<16xi32>
          %and3A_1307 = arith.constant 63 : i32
          %and3A_1308 = vector.broadcast %and3A_1307 : i32 to vector<16xi32>
          %and3A_1309 = arith.andi %add3A_1306, %and3A_1308 : vector<16xi32>
          %gather3A_1310 = tpu.vector_load_idx %arg10[%add3A_906, %and3A_1309] : memref<128x64xf32, #tpu.memory_space<vmem>>[vector<16xi32>, vector<16xi32>], vector<16xf32>,
          %gather3A_1311 = tpu.vector_load_idx %arg12[%add3A_906, %and3A_1309] : memref<128x64xf32, #tpu.memory_space<vmem>>[vector<16xi32>, vector<16xi32>], vector<16xf32>,
          %mul3A_1312 = arith.mulf %gather3A_1310, %gather3A_1311 : vector<16xf32>
          %add3A_1313 = arith.addf %add3A_1273, %mul3A_1312 : vector<16xf32>
          %add3A_1314 = arith.constant 40 : i32
          %add3A_1315 = vector.broadcast %add3A_1314 : i32 to vector<16xi32>
          %add3A_1316 = arith.addi %iota3A, %add3A_1315 : vector<16xi32>
          %and3A_1317 = arith.constant 63 : i32
          %and3A_1318 = vector.broadcast %and3A_1317 : i32 to vector<16xi32>
          %and3A_1319 = arith.andi %add3A_1316, %and3A_1318 : vector<16xi32>
          %gather3A_1320 = tpu.vector_load_idx %arg10[%add3A_906, %and3A_1319] : memref<128x64xf32, #tpu.memory_space<vmem>>[vector<16xi32>, vector<16xi32>], vector<16xf32>,
          %gather3A_1321 = tpu.vector_load_idx %arg12[%add3A_906, %and3A_1319] : memref<128x64xf32, #tpu.memory_space<vmem>>[vector<16xi32>, vector<16xi32>], vector<16xf32>,
          %mul3A_1322 = arith.mulf %gather3A_1320, %gather3A_1321 : vector<16xf32>
          %add3A_1323 = arith.addf %add3A_1283, %mul3A_1322 : vector<16xf32>
          %add3A_1324 = arith.constant 41 : i32
          %add3A_1325 = vector.broadcast %add3A_1324 : i32 to vector<16xi32>
          %add3A_1326 = arith.addi %iota3A, %add3A_1325 : vector<16xi32>
          %and3A_1327 = arith.constant 63 : i32
          %and3A_1328 = vector.broadcast %and3A_1327 : i32 to vector<16xi32>
          %and3A_1329 = arith.andi %add3A_1326, %and3A_1328 : vector<16xi32>
          %gather3A_1330 = tpu.vector_load_idx %arg10[%add3A_906, %and3A_1329] : memref<128x64xf32, #tpu.memory_space<vmem>>[vector<16xi32>, vector<16xi32>], vector<16xf32>,
          %gather3A_1331 = tpu.vector_load_idx %arg12[%add3A_906, %and3A_1329] : memref<128x64xf32, #tpu.memory_space<vmem>>[vector<16xi32>, vector<16xi32>], vector<16xf32>,
          %mul3A_1332 = arith.mulf %gather3A_1330, %gather3A_1331 : vector<16xf32>
          %add3A_1333 = arith.addf %add3A_1293, %mul3A_1332 : vector<16xf32>
          %add3A_1334 = arith.constant 42 : i32
          %add3A_1335 = vector.broadcast %add3A_1334 : i32 to vector<16xi32>
          %add3A_1336 = arith.addi %iota3A, %add3A_1335 : vector<16xi32>
          %and3A_1337 = arith.constant 63 : i32
          %and3A_1338 = vector.broadcast %and3A_1337 : i32 to vector<16xi32>
          %and3A_1339 = arith.andi %add3A_1336, %and3A_1338 : vector<16xi32>
          %gather3A_1340 = tpu.vector_load_idx %arg10[%add3A_906, %and3A_1339] : memref<128x64xf32, #tpu.memory_space<vmem>>[vector<16xi32>, vector<16xi32>], vector<16xf32>,
          %gather3A_1341 = tpu.vector_load_idx %arg12[%add3A_906, %and3A_1339] : memref<128x64xf32, #tpu.memory_space<vmem>>[vector<16xi32>, vector<16xi32>], vector<16xf32>,
          %mul3A_1342 = arith.mulf %gather3A_1340, %gather3A_1341 : vector<16xf32>
          %add3A_1343 = arith.addf %add3A_1303, %mul3A_1342 : vector<16xf32>
          %add3A_1344 = arith.constant 43 : i32
          %add3A_1345 = vector.broadcast %add3A_1344 : i32 to vector<16xi32>
          %add3A_1346 = arith.addi %iota3A, %add3A_1345 : vector<16xi32>
          %and3A_1347 = arith.constant 63 : i32
          %and3A_1348 = vector.broadcast %and3A_1347 : i32 to vector<16xi32>
          %and3A_1349 = arith.andi %add3A_1346, %and3A_1348 : vector<16xi32>
          %gather3A_1350 = tpu.vector_load_idx %arg10[%add3A_906, %and3A_1349] : memref<128x64xf32, #tpu.memory_space<vmem>>[vector<16xi32>, vector<16xi32>], vector<16xf32>,
          %gather3A_1351 = tpu.vector_load_idx %arg12[%add3A_906, %and3A_1349] : memref<128x64xf32, #tpu.memory_space<vmem>>[vector<16xi32>, vector<16xi32>], vector<16xf32>,
          %mul3A_1352 = arith.mulf %gather3A_1350, %gather3A_1351 : vector<16xf32>
          %add3A_1353 = arith.addf %add3A_1313, %mul3A_1352 : vector<16xf32>
          %add3A_1354 = arith.constant 44 : i32
          %add3A_1355 = vector.broadcast %add3A_1354 : i32 to vector<16xi32>
          %add3A_1356 = arith.addi %iota3A, %add3A_1355 : vector<16xi32>
          %and3A_1357 = arith.constant 63 : i32
          %and3A_1358 = vector.broadcast %and3A_1357 : i32 to vector<16xi32>
          %and3A_1359 = arith.andi %add3A_1356, %and3A_1358 : vector<16xi32>
          %gather3A_1360 = tpu.vector_load_idx %arg10[%add3A_906, %and3A_1359] : memref<128x64xf32, #tpu.memory_space<vmem>>[vector<16xi32>, vector<16xi32>], vector<16xf32>,
          %gather3A_1361 = tpu.vector_load_idx %arg12[%add3A_906, %and3A_1359] : memref<128x64xf32, #tpu.memory_space<vmem>>[vector<16xi32>, vector<16xi32>], vector<16xf32>,
          %mul3A_1362 = arith.mulf %gather3A_1360, %gather3A_1361 : vector<16xf32>
          %add3A_1363 = arith.addf %add3A_1323, %mul3A_1362 : vector<16xf32>
          %add3A_1364 = arith.constant 45 : i32
          %add3A_1365 = vector.broadcast %add3A_1364 : i32 to vector<16xi32>
          %add3A_1366 = arith.addi %iota3A, %add3A_1365 : vector<16xi32>
          %and3A_1367 = arith.constant 63 : i32
          %and3A_1368 = vector.broadcast %and3A_1367 : i32 to vector<16xi32>
          %and3A_1369 = arith.andi %add3A_1366, %and3A_1368 : vector<16xi32>
          %gather3A_1370 = tpu.vector_load_idx %arg10[%add3A_906, %and3A_1369] : memref<128x64xf32, #tpu.memory_space<vmem>>[vector<16xi32>, vector<16xi32>], vector<16xf32>,
          %gather3A_1371 = tpu.vector_load_idx %arg12[%add3A_906, %and3A_1369] : memref<128x64xf32, #tpu.memory_space<vmem>>[vector<16xi32>, vector<16xi32>], vector<16xf32>,
          %mul3A_1372 = arith.mulf %gather3A_1370, %gather3A_1371 : vector<16xf32>
          %add3A_1373 = arith.addf %add3A_1333, %mul3A_1372 : vector<16xf32>
          %add3A_1374 = arith.constant 46 : i32
          %add3A_1375 = vector.broadcast %add3A_1374 : i32 to vector<16xi32>
          %add3A_1376 = arith.addi %iota3A, %add3A_1375 : vector<16xi32>
          %and3A_1377 = arith.constant 63 : i32
          %and3A_1378 = vector.broadcast %and3A_1377 : i32 to vector<16xi32>
          %and3A_1379 = arith.andi %add3A_1376, %and3A_1378 : vector<16xi32>
          %gather3A_1380 = tpu.vector_load_idx %arg10[%add3A_906, %and3A_1379] : memref<128x64xf32, #tpu.memory_space<vmem>>[vector<16xi32>, vector<16xi32>], vector<16xf32>,
          %gather3A_1381 = tpu.vector_load_idx %arg12[%add3A_906, %and3A_1379] : memref<128x64xf32, #tpu.memory_space<vmem>>[vector<16xi32>, vector<16xi32>], vector<16xf32>,
          %mul3A_1382 = arith.mulf %gather3A_1380, %gather3A_1381 : vector<16xf32>
          %add3A_1383 = arith.addf %add3A_1343, %mul3A_1382 : vector<16xf32>
          %add3A_1384 = arith.constant 47 : i32
          %add3A_1385 = vector.broadcast %add3A_1384 : i32 to vector<16xi32>
          %add3A_1386 = arith.addi %iota3A, %add3A_1385 : vector<16xi32>
          %and3A_1387 = arith.constant 63 : i32
          %and3A_1388 = vector.broadcast %and3A_1387 : i32 to vector<16xi32>
          %and3A_1389 = arith.andi %add3A_1386, %and3A_1388 : vector<16xi32>
          %gather3A_1390 = tpu.vector_load_idx %arg10[%add3A_906, %and3A_1389] : memref<128x64xf32, #tpu.memory_space<vmem>>[vector<16xi32>, vector<16xi32>], vector<16xf32>,
          %gather3A_1391 = tpu.vector_load_idx %arg12[%add3A_906, %and3A_1389] : memref<128x64xf32, #tpu.memory_space<vmem>>[vector<16xi32>, vector<16xi32>], vector<16xf32>,
          %mul3A_1392 = arith.mulf %gather3A_1390, %gather3A_1391 : vector<16xf32>
          %add3A_1393 = arith.addf %add3A_1353, %mul3A_1392 : vector<16xf32>
          %add3A_1394 = arith.constant 48 : i32
          %add3A_1395 = vector.broadcast %add3A_1394 : i32 to vector<16xi32>
          %add3A_1396 = arith.addi %iota3A, %add3A_1395 : vector<16xi32>
          %and3A_1397 = arith.constant 63 : i32
          %and3A_1398 = vector.broadcast %and3A_1397 : i32 to vector<16xi32>
          %and3A_1399 = arith.andi %add3A_1396, %and3A_1398 : vector<16xi32>
          %gather3A_1400 = tpu.vector_load_idx %arg10[%add3A_906, %and3A_1399] : memref<128x64xf32, #tpu.memory_space<vmem>>[vector<16xi32>, vector<16xi32>], vector<16xf32>,
          %gather3A_1401 = tpu.vector_load_idx %arg12[%add3A_906, %and3A_1399] : memref<128x64xf32, #tpu.memory_space<vmem>>[vector<16xi32>, vector<16xi32>], vector<16xf32>,
          %mul3A_1402 = arith.mulf %gather3A_1400, %gather3A_1401 : vector<16xf32>
          %add3A_1403 = arith.addf %add3A_1363, %mul3A_1402 : vector<16xf32>
          %add3A_1404 = arith.constant 49 : i32
          %add3A_1405 = vector.broadcast %add3A_1404 : i32 to vector<16xi32>
          %add3A_1406 = arith.addi %iota3A, %add3A_1405 : vector<16xi32>
          %and3A_1407 = arith.constant 63 : i32
          %and3A_1408 = vector.broadcast %and3A_1407 : i32 to vector<16xi32>
          %and3A_1409 = arith.andi %add3A_1406, %and3A_1408 : vector<16xi32>
          %gather3A_1410 = tpu.vector_load_idx %arg10[%add3A_906, %and3A_1409] : memref<128x64xf32, #tpu.memory_space<vmem>>[vector<16xi32>, vector<16xi32>], vector<16xf32>,
          %gather3A_1411 = tpu.vector_load_idx %arg12[%add3A_906, %and3A_1409] : memref<128x64xf32, #tpu.memory_space<vmem>>[vector<16xi32>, vector<16xi32>], vector<16xf32>,
          %mul3A_1412 = arith.mulf %gather3A_1410, %gather3A_1411 : vector<16xf32>
          %add3A_1413 = arith.addf %add3A_1373, %mul3A_1412 : vector<16xf32>
          %add3A_1414 = arith.constant 50 : i32
          %add3A_1415 = vector.broadcast %add3A_1414 : i32 to vector<16xi32>
          %add3A_1416 = arith.addi %iota3A, %add3A_1415 : vector<16xi32>
          %and3A_1417 = arith.constant 63 : i32
          %and3A_1418 = vector.broadcast %and3A_1417 : i32 to vector<16xi32>
          %and3A_1419 = arith.andi %add3A_1416, %and3A_1418 : vector<16xi32>
          %gather3A_1420 = tpu.vector_load_idx %arg10[%add3A_906, %and3A_1419] : memref<128x64xf32, #tpu.memory_space<vmem>>[vector<16xi32>, vector<16xi32>], vector<16xf32>,
          %gather3A_1421 = tpu.vector_load_idx %arg12[%add3A_906, %and3A_1419] : memref<128x64xf32, #tpu.memory_space<vmem>>[vector<16xi32>, vector<16xi32>], vector<16xf32>,
          %mul3A_1422 = arith.mulf %gather3A_1420, %gather3A_1421 : vector<16xf32>
          %add3A_1423 = arith.addf %add3A_1383, %mul3A_1422 : vector<16xf32>
          %add3A_1424 = arith.constant 51 : i32
          %add3A_1425 = vector.broadcast %add3A_1424 : i32 to vector<16xi32>
          %add3A_1426 = arith.addi %iota3A, %add3A_1425 : vector<16xi32>
          %and3A_1427 = arith.constant 63 : i32
          %and3A_1428 = vector.broadcast %and3A_1427 : i32 to vector<16xi32>
          %and3A_1429 = arith.andi %add3A_1426, %and3A_1428 : vector<16xi32>
          %gather3A_1430 = tpu.vector_load_idx %arg10[%add3A_906, %and3A_1429] : memref<128x64xf32, #tpu.memory_space<vmem>>[vector<16xi32>, vector<16xi32>], vector<16xf32>,
          %gather3A_1431 = tpu.vector_load_idx %arg12[%add3A_906, %and3A_1429] : memref<128x64xf32, #tpu.memory_space<vmem>>[vector<16xi32>, vector<16xi32>], vector<16xf32>,
          %mul3A_1432 = arith.mulf %gather3A_1430, %gather3A_1431 : vector<16xf32>
          %add3A_1433 = arith.addf %add3A_1393, %mul3A_1432 : vector<16xf32>
          %add3A_1434 = arith.constant 52 : i32
          %add3A_1435 = vector.broadcast %add3A_1434 : i32 to vector<16xi32>
          %add3A_1436 = arith.addi %iota3A, %add3A_1435 : vector<16xi32>
          %and3A_1437 = arith.constant 63 : i32
          %and3A_1438 = vector.broadcast %and3A_1437 : i32 to vector<16xi32>
          %and3A_1439 = arith.andi %add3A_1436, %and3A_1438 : vector<16xi32>
          %gather3A_1440 = tpu.vector_load_idx %arg10[%add3A_906, %and3A_1439] : memref<128x64xf32, #tpu.memory_space<vmem>>[vector<16xi32>, vector<16xi32>], vector<16xf32>,
          %gather3A_1441 = tpu.vector_load_idx %arg12[%add3A_906, %and3A_1439] : memref<128x64xf32, #tpu.memory_space<vmem>>[vector<16xi32>, vector<16xi32>], vector<16xf32>,
          %mul3A_1442 = arith.mulf %gather3A_1440, %gather3A_1441 : vector<16xf32>
          %add3A_1443 = arith.addf %add3A_1403, %mul3A_1442 : vector<16xf32>
          %add3A_1444 = arith.constant 53 : i32
          %add3A_1445 = vector.broadcast %add3A_1444 : i32 to vector<16xi32>
          %add3A_1446 = arith.addi %iota3A, %add3A_1445 : vector<16xi32>
          %and3A_1447 = arith.constant 63 : i32
          %and3A_1448 = vector.broadcast %and3A_1447 : i32 to vector<16xi32>
          %and3A_1449 = arith.andi %add3A_1446, %and3A_1448 : vector<16xi32>
          %gather3A_1450 = tpu.vector_load_idx %arg10[%add3A_906, %and3A_1449] : memref<128x64xf32, #tpu.memory_space<vmem>>[vector<16xi32>, vector<16xi32>], vector<16xf32>,
          %gather3A_1451 = tpu.vector_load_idx %arg12[%add3A_906, %and3A_1449] : memref<128x64xf32, #tpu.memory_space<vmem>>[vector<16xi32>, vector<16xi32>], vector<16xf32>,
          %mul3A_1452 = arith.mulf %gather3A_1450, %gather3A_1451 : vector<16xf32>
          %add3A_1453 = arith.addf %add3A_1413, %mul3A_1452 : vector<16xf32>
          %add3A_1454 = arith.constant 54 : i32
          %add3A_1455 = vector.broadcast %add3A_1454 : i32 to vector<16xi32>
          %add3A_1456 = arith.addi %iota3A, %add3A_1455 : vector<16xi32>
          %and3A_1457 = arith.constant 63 : i32
          %and3A_1458 = vector.broadcast %and3A_1457 : i32 to vector<16xi32>
          %and3A_1459 = arith.andi %add3A_1456, %and3A_1458 : vector<16xi32>
          %gather3A_1460 = tpu.vector_load_idx %arg10[%add3A_906, %and3A_1459] : memref<128x64xf32, #tpu.memory_space<vmem>>[vector<16xi32>, vector<16xi32>], vector<16xf32>,
          %gather3A_1461 = tpu.vector_load_idx %arg12[%add3A_906, %and3A_1459] : memref<128x64xf32, #tpu.memory_space<vmem>>[vector<16xi32>, vector<16xi32>], vector<16xf32>,
          %mul3A_1462 = arith.mulf %gather3A_1460, %gather3A_1461 : vector<16xf32>
          %add3A_1463 = arith.addf %add3A_1423, %mul3A_1462 : vector<16xf32>
          %add3A_1464 = arith.constant 55 : i32
          %add3A_1465 = vector.broadcast %add3A_1464 : i32 to vector<16xi32>
          %add3A_1466 = arith.addi %iota3A, %add3A_1465 : vector<16xi32>
          %and3A_1467 = arith.constant 63 : i32
          %and3A_1468 = vector.broadcast %and3A_1467 : i32 to vector<16xi32>
          %and3A_1469 = arith.andi %add3A_1466, %and3A_1468 : vector<16xi32>
          %gather3A_1470 = tpu.vector_load_idx %arg10[%add3A_906, %and3A_1469] : memref<128x64xf32, #tpu.memory_space<vmem>>[vector<16xi32>, vector<16xi32>], vector<16xf32>,
          %gather3A_1471 = tpu.vector_load_idx %arg12[%add3A_906, %and3A_1469] : memref<128x64xf32, #tpu.memory_space<vmem>>[vector<16xi32>, vector<16xi32>], vector<16xf32>,
          %mul3A_1472 = arith.mulf %gather3A_1470, %gather3A_1471 : vector<16xf32>
          %add3A_1473 = arith.addf %add3A_1433, %mul3A_1472 : vector<16xf32>
          %add3A_1474 = arith.constant 56 : i32
          %add3A_1475 = vector.broadcast %add3A_1474 : i32 to vector<16xi32>
          %add3A_1476 = arith.addi %iota3A, %add3A_1475 : vector<16xi32>
          %and3A_1477 = arith.constant 63 : i32
          %and3A_1478 = vector.broadcast %and3A_1477 : i32 to vector<16xi32>
          %and3A_1479 = arith.andi %add3A_1476, %and3A_1478 : vector<16xi32>
          %gather3A_1480 = tpu.vector_load_idx %arg10[%add3A_906, %and3A_1479] : memref<128x64xf32, #tpu.memory_space<vmem>>[vector<16xi32>, vector<16xi32>], vector<16xf32>,
          %gather3A_1481 = tpu.vector_load_idx %arg12[%add3A_906, %and3A_1479] : memref<128x64xf32, #tpu.memory_space<vmem>>[vector<16xi32>, vector<16xi32>], vector<16xf32>,
          %mul3A_1482 = arith.mulf %gather3A_1480, %gather3A_1481 : vector<16xf32>
          %add3A_1483 = arith.addf %add3A_1443, %mul3A_1482 : vector<16xf32>
          %add3A_1484 = arith.constant 57 : i32
          %add3A_1485 = vector.broadcast %add3A_1484 : i32 to vector<16xi32>
          %add3A_1486 = arith.addi %iota3A, %add3A_1485 : vector<16xi32>
          %and3A_1487 = arith.constant 63 : i32
          %and3A_1488 = vector.broadcast %and3A_1487 : i32 to vector<16xi32>
          %and3A_1489 = arith.andi %add3A_1486, %and3A_1488 : vector<16xi32>
          %gather3A_1490 = tpu.vector_load_idx %arg10[%add3A_906, %and3A_1489] : memref<128x64xf32, #tpu.memory_space<vmem>>[vector<16xi32>, vector<16xi32>], vector<16xf32>,
          %gather3A_1491 = tpu.vector_load_idx %arg12[%add3A_906, %and3A_1489] : memref<128x64xf32, #tpu.memory_space<vmem>>[vector<16xi32>, vector<16xi32>], vector<16xf32>,
          %mul3A_1492 = arith.mulf %gather3A_1490, %gather3A_1491 : vector<16xf32>
          %add3A_1493 = arith.addf %add3A_1453, %mul3A_1492 : vector<16xf32>
          %add3A_1494 = arith.constant 58 : i32
          %add3A_1495 = vector.broadcast %add3A_1494 : i32 to vector<16xi32>
          %add3A_1496 = arith.addi %iota3A, %add3A_1495 : vector<16xi32>
          %and3A_1497 = arith.constant 63 : i32
          %and3A_1498 = vector.broadcast %and3A_1497 : i32 to vector<16xi32>
          %and3A_1499 = arith.andi %add3A_1496, %and3A_1498 : vector<16xi32>
          %gather3A_1500 = tpu.vector_load_idx %arg10[%add3A_906, %and3A_1499] : memref<128x64xf32, #tpu.memory_space<vmem>>[vector<16xi32>, vector<16xi32>], vector<16xf32>,
          %gather3A_1501 = tpu.vector_load_idx %arg12[%add3A_906, %and3A_1499] : memref<128x64xf32, #tpu.memory_space<vmem>>[vector<16xi32>, vector<16xi32>], vector<16xf32>,
          %mul3A_1502 = arith.mulf %gather3A_1500, %gather3A_1501 : vector<16xf32>
          %add3A_1503 = arith.addf %add3A_1463, %mul3A_1502 : vector<16xf32>
          %add3A_1504 = arith.constant 59 : i32
          %add3A_1505 = vector.broadcast %add3A_1504 : i32 to vector<16xi32>
          %add3A_1506 = arith.addi %iota3A, %add3A_1505 : vector<16xi32>
          %and3A_1507 = arith.constant 63 : i32
          %and3A_1508 = vector.broadcast %and3A_1507 : i32 to vector<16xi32>
          %and3A_1509 = arith.andi %add3A_1506, %and3A_1508 : vector<16xi32>
          %gather3A_1510 = tpu.vector_load_idx %arg10[%add3A_906, %and3A_1509] : memref<128x64xf32, #tpu.memory_space<vmem>>[vector<16xi32>, vector<16xi32>], vector<16xf32>,
          %gather3A_1511 = tpu.vector_load_idx %arg12[%add3A_906, %and3A_1509] : memref<128x64xf32, #tpu.memory_space<vmem>>[vector<16xi32>, vector<16xi32>], vector<16xf32>,
          %mul3A_1512 = arith.mulf %gather3A_1510, %gather3A_1511 : vector<16xf32>
          %add3A_1513 = arith.addf %add3A_1473, %mul3A_1512 : vector<16xf32>
          %add3A_1514 = arith.constant 60 : i32
          %add3A_1515 = vector.broadcast %add3A_1514 : i32 to vector<16xi32>
          %add3A_1516 = arith.addi %iota3A, %add3A_1515 : vector<16xi32>
          %and3A_1517 = arith.constant 63 : i32
          %and3A_1518 = vector.broadcast %and3A_1517 : i32 to vector<16xi32>
          %and3A_1519 = arith.andi %add3A_1516, %and3A_1518 : vector<16xi32>
          %gather3A_1520 = tpu.vector_load_idx %arg10[%add3A_906, %and3A_1519] : memref<128x64xf32, #tpu.memory_space<vmem>>[vector<16xi32>, vector<16xi32>], vector<16xf32>,
          %gather3A_1521 = tpu.vector_load_idx %arg12[%add3A_906, %and3A_1519] : memref<128x64xf32, #tpu.memory_space<vmem>>[vector<16xi32>, vector<16xi32>], vector<16xf32>,
          %mul3A_1522 = arith.mulf %gather3A_1520, %gather3A_1521 : vector<16xf32>
          %add3A_1523 = arith.addf %add3A_1483, %mul3A_1522 : vector<16xf32>
          %add3A_1524 = arith.constant 61 : i32
          %add3A_1525 = vector.broadcast %add3A_1524 : i32 to vector<16xi32>
          %add3A_1526 = arith.addi %iota3A, %add3A_1525 : vector<16xi32>
          %and3A_1527 = arith.constant 63 : i32
          %and3A_1528 = vector.broadcast %and3A_1527 : i32 to vector<16xi32>
          %and3A_1529 = arith.andi %add3A_1526, %and3A_1528 : vector<16xi32>
          %gather3A_1530 = tpu.vector_load_idx %arg10[%add3A_906, %and3A_1529] : memref<128x64xf32, #tpu.memory_space<vmem>>[vector<16xi32>, vector<16xi32>], vector<16xf32>,
          %gather3A_1531 = tpu.vector_load_idx %arg12[%add3A_906, %and3A_1529] : memref<128x64xf32, #tpu.memory_space<vmem>>[vector<16xi32>, vector<16xi32>], vector<16xf32>,
          %mul3A_1532 = arith.mulf %gather3A_1530, %gather3A_1531 : vector<16xf32>
          %add3A_1533 = arith.addf %add3A_1493, %mul3A_1532 : vector<16xf32>
          %add3A_1534 = arith.constant 62 : i32
          %add3A_1535 = vector.broadcast %add3A_1534 : i32 to vector<16xi32>
          %add3A_1536 = arith.addi %iota3A, %add3A_1535 : vector<16xi32>
          %and3A_1537 = arith.constant 63 : i32
          %and3A_1538 = vector.broadcast %and3A_1537 : i32 to vector<16xi32>
          %and3A_1539 = arith.andi %add3A_1536, %and3A_1538 : vector<16xi32>
          %gather3A_1540 = tpu.vector_load_idx %arg10[%add3A_906, %and3A_1539] : memref<128x64xf32, #tpu.memory_space<vmem>>[vector<16xi32>, vector<16xi32>], vector<16xf32>,
          %gather3A_1541 = tpu.vector_load_idx %arg12[%add3A_906, %and3A_1539] : memref<128x64xf32, #tpu.memory_space<vmem>>[vector<16xi32>, vector<16xi32>], vector<16xf32>,
          %mul3A_1542 = arith.mulf %gather3A_1540, %gather3A_1541 : vector<16xf32>
          %add3A_1543 = arith.addf %add3A_1503, %mul3A_1542 : vector<16xf32>
          %add3A_1544 = arith.constant 63 : i32
          %add3A_1545 = vector.broadcast %add3A_1544 : i32 to vector<16xi32>
          %add3A_1546 = arith.addi %iota3A, %add3A_1545 : vector<16xi32>
          %and3A_1547 = arith.constant 63 : i32
          %and3A_1548 = vector.broadcast %and3A_1547 : i32 to vector<16xi32>
          %and3A_1549 = arith.andi %add3A_1546, %and3A_1548 : vector<16xi32>
          %gather3A_1550 = tpu.vector_load_idx %arg10[%add3A_906, %and3A_1549] : memref<128x64xf32, #tpu.memory_space<vmem>>[vector<16xi32>, vector<16xi32>], vector<16xf32>,
          %gather3A_1551 = tpu.vector_load_idx %arg12[%add3A_906, %and3A_1549] : memref<128x64xf32, #tpu.memory_space<vmem>>[vector<16xi32>, vector<16xi32>], vector<16xf32>,
          %mul3A_1552 = arith.mulf %gather3A_1550, %gather3A_1551 : vector<16xf32>
          %add3A_1553 = arith.addf %add3A_1513, %mul3A_1552 : vector<16xf32>
          %add3A_1554 = arith.addf %add3A_1523, %add3A_1533 : vector<16xf32>
          %add3A_1555 = arith.addf %add3A_1543, %add3A_1553 : vector<16xf32>
          %add3A_1556 = arith.addf %add3A_1554, %add3A_1555 : vector<16xf32>
          %mul3A_1557 = arith.constant 128 : i32
          %mul3A_1558 = arith.muli %mul3A_798, %mul3A_1557 : i32
          %add3A_1559 = arith.addi %mul3A_1558, %mul3A_904 : i32
          %get3A_1560 = arith.index_cast %add3A_1559 : i32 to index
          %get3A_1561 = tpu.vector_load %arg15[%get3A_1560] {strides = array<i32>} : memref<2048xf32, #tpu.memory_space<vmem>>, vector<16xf32>,
          %get3A_1562 = arith.index_cast %add3A_1559 : i32 to index
          %get3A_1563 = tpu.vector_load %arg14[%get3A_1562] {strides = array<i32>} : memref<2048xf32, #tpu.memory_space<vmem>>, vector<16xf32>,
          %add3A_1564 = vector.broadcast %mul3A_834 : i32 to vector<16xi32>
          %add3A_1565 = arith.addi %add3A_1564, %add3A_906 : vector<16xi32>
          %lt3A_1566 = vector.broadcast %reduce_max3A_847 : i32 to vector<16xi32>
          %lt3A_1567 = arith.cmpi slt, %add3A_1565, %lt3A_1566 : vector<16xi32>
          %jit3A_1568 = arith.constant 0.000000e+00 : f32
          %broadcast_in_dim3A_1569 = vector.broadcast %jit3A_1568 : f32 to vector<16xf32>
          %select_n3A_1570 = arith.select %lt3A_1567, %get3A_1563, %broadcast_in_dim3A_1569 : vector<16xi1>, vector<16xf32>
          %get3A_1571 = arith.constant 0 : index
          %get3A_1572 = tpu.vector_load %arg16[%get3A_1571] {strides = array<i32>} : memref<16xf32, #tpu.memory_space<vmem>>, vector<16xf32>,
          %mul3A_1573 = arith.constant 2.000000e+01 : f32
          %mul3A_1574 = vector.broadcast %mul3A_1573 : f32 to vector<16xf32>
          %mul3A_1575 = arith.mulf %add3A_1556, %mul3A_1574 : vector<16xf32>
          %abs3A = math.absf %mul3A_1575 : vector<16xf32>
          %neg3A = arith.constant 0.000000e+00 : f32
          %neg3A_1576 = vector.broadcast %neg3A : f32 to vector<16xf32>
          %neg3A_1577 = arith.subf %neg3A_1576, %abs3A : vector<16xf32>
          %exp3A = math.exp %neg3A_1577 : vector<16xf32>
          %add3A_1578 = arith.constant 2.000000e+00 : f32
          %add3A_1579 = vector.broadcast %add3A_1578 : f32 to vector<16xf32>
          %add3A_1580 = arith.addf %exp3A, %add3A_1579 : vector<16xf32>
          %div3A = arith.divf %exp3A, %add3A_1580 : vector<16xf32>
          %mul3A_1581 = arith.mulf %div3A, %div3A : vector<16xf32>
          %mul3A_1582 = arith.constant 2.000000e+00 : f32
          %mul3A_1583 = vector.broadcast %mul3A_1582 : f32 to vector<16xf32>
          %mul3A_1584 = arith.mulf %mul3A_1583, %div3A : vector<16xf32>
          %mul3A_1585 = arith.constant 0.111111112 : f32
          %mul3A_1586 = vector.broadcast %mul3A_1585 : f32 to vector<16xf32>
          %mul3A_1587 = arith.mulf %mul3A_1581, %mul3A_1586 : vector<16xf32>
          %add3A_1588 = arith.constant 0.142857149 : f32
          %add3A_1589 = vector.broadcast %add3A_1588 : f32 to vector<16xf32>
          %add3A_1590 = arith.addf %add3A_1589, %mul3A_1587 : vector<16xf32>
          %mul3A_1591 = arith.mulf %mul3A_1581, %add3A_1590 : vector<16xf32>
          %add3A_1592 = arith.constant 2.000000e-01 : f32
          %add3A_1593 = vector.broadcast %add3A_1592 : f32 to vector<16xf32>
          %add3A_1594 = arith.addf %add3A_1593, %mul3A_1591 : vector<16xf32>
          %mul3A_1595 = arith.mulf %mul3A_1581, %add3A_1594 : vector<16xf32>
          %add3A_1596 = arith.constant 0.333333343 : f32
          %add3A_1597 = vector.broadcast %add3A_1596 : f32 to vector<16xf32>
          %add3A_1598 = arith.addf %add3A_1597, %mul3A_1595 : vector<16xf32>
          %mul3A_1599 = arith.mulf %mul3A_1581, %add3A_1598 : vector<16xf32>
          %add3A_1600 = arith.constant 1.000000e+00 : f32
          %add3A_1601 = vector.broadcast %add3A_1600 : f32 to vector<16xf32>
          %add3A_1602 = arith.addf %add3A_1601, %mul3A_1599 : vector<16xf32>
          %mul3A_1603 = arith.mulf %mul3A_1584, %add3A_1602 : vector<16xf32>
          %max3A = arith.constant 0.000000e+00 : f32
          %max3A_1604 = vector.broadcast %max3A : f32 to vector<16xf32>
          %max3A_1605 = arith.maximumf %mul3A_1575, %max3A_1604 : vector<16xf32>
          %mul3A_1606 = arith.mulf %mul3A_1575, %get3A_1561 : vector<16xf32>
          %sub3A = arith.subf %max3A_1605, %mul3A_1606 : vector<16xf32>
          %add3A_1607 = arith.addf %sub3A, %mul3A_1603 : vector<16xf32>
          %mul3A_1608 = arith.mulf %add3A_1607, %select_n3A_1570 : vector<16xf32>
          %add3A_1609 = arith.addf %get3A_1572, %mul3A_1608 : vector<16xf32>
          %swap3A_1610 = arith.constant 0 : index
          %swap3A_1611 = tpu.vector_load %arg16[%swap3A_1610] {strides = array<i32>} : memref<16xf32, #tpu.memory_space<vmem>>, vector<16xf32>,
          tpu.vector_store %arg16[%swap3A_1610], %add3A_1609 {strides = array<i32>} : memref<16xf32, #tpu.memory_space<vmem>>, vector<16xf32>,
          %get3A_1612 = arith.constant 0 : index
          %get3A_1613 = tpu.vector_load %arg17[%get3A_1612] {strides = array<i32>} : memref<16xf32, #tpu.memory_space<vmem>>, vector<16xf32>,
          %add3A_1614 = arith.addf %get3A_1613, %select_n3A_1570 : vector<16xf32>
          %swap3A_1615 = arith.constant 0 : index
          %swap3A_1616 = tpu.vector_load %arg17[%swap3A_1615] {strides = array<i32>} : memref<16xf32, #tpu.memory_space<vmem>>, vector<16xf32>,
          tpu.vector_store %arg17[%swap3A_1615], %add3A_1614 {strides = array<i32>} : memref<16xf32, #tpu.memory_space<vmem>>, vector<16xf32>,
        }
        %scan3A_901 = arith.constant 8 : i32
      } else {
      }
      %lt3A_855 = arith.constant 7 : i32
      %lt3A_856 = arith.cmpi slt, %scan3A_796, %lt3A_855 : i32
      %convert_element_type3A_857 = arith.extui %lt3A_856 : i1 to i32
      %cond3A_858 = arith.constant 0 : i32
      %cond3A_859 = arith.cmpi ne, %convert_element_type3A_857, %cond3A_858 : i32
      scf.if %cond3A_859 {
        %add3A_889 = arith.constant 2 : i32
        %add3A_890 = arith.addi %mul3A_798, %add3A_889 : i32
        %mul3A_891 = arith.constant 2 : i32
        %mul3A_892 = arith.muli %mul3A_891, %add3A_890 : i32
        %add3A_893 = arith.addi %add3A, %mul3A_892 : i32
        %and3A_894 = arith.constant 31 : i32
        %and3A_895 = arith.andi %add3A_893, %and3A_894 : i32
        %mul3A_896 = arith.constant 128 : i32
        %mul3A_897 = arith.muli %and3A_895, %mul3A_896 : i32
        %eq3A_898 = vector.broadcast %add3A_890 : i32 to vector<16xi32>
        %eq3A_899 = arith.cmpi eq, %iota3A, %eq3A_898 : vector<16xi32>
        %jit3A_900 = arith.constant 0 : i32
        %broadcast_in_dim3A_901 = vector.broadcast %jit3A_900 : i32 to vector<16xi32>
        %select_n3A_902 = arith.select %eq3A_899, %get3A_772, %broadcast_in_dim3A_901 : vector<16xi1>, vector<16xi32>
        %reduce_max3A_903 = arith.constant true
        %reduce_max3A_904 = vector.broadcast %reduce_max3A_903 : i1 to vector<16xi1>
        %reduce_max3A_905 = arith.constant -2147483648 : i32
        %reduce_max3A_906 = vector.broadcast %reduce_max3A_905 : i32 to vector<16xi32>
        %reduce_max3A_907 = arith.xori %select_n3A_902, %reduce_max3A_906 : vector<16xi32>
        %reduce_max3A_908 = tpu.scan <max>, %reduce_max3A_907 masked %reduce_max3A_904 : vector<16xi32>, vector<16xi1> -> vector<16xi32>
        %reduce_max3A_909 = arith.xori %reduce_max3A_908, %reduce_max3A_906 : vector<16xi32>
        %reduce_max3A_910 = vector.extract %reduce_max3A_909[15] : i32 from vector<16xi32>
        %mul3A_911 = arith.constant 4096 : i32
        %mul3A_912 = arith.muli %add3A_890, %mul3A_911 : i32
        %add3A_913 = arith.addi %mul3A_912, %mul3A_897 : i32
        %lt3A_914 = arith.cmpi slt, %mul3A_897, %reduce_max3A_910 : i32
        %convert_element_type3A_915 = arith.extui %lt3A_914 : i1 to i32
        %cond3A_916 = arith.constant 0 : i32
        %cond3A_917 = arith.cmpi ne, %convert_element_type3A_915, %cond3A_916 : i32
        scf.if %cond3A_917 {
          %dma_start3A_918 = arith.constant 0 : i32
          %dma_start3A_919 = tpu.memref_slice %arg3[%add3A_913, %dma_start3A_918] : memref<65536x64xf32, #tpu.memory_space<hbm>> -> memref<128x64xf32, #tpu.memory_space<hbm>>
          %dma_start3A_920 = arith.constant 0 : i32
          %dma_start3A_921 = tpu.memref_slice %arg3[%add3A_913, %dma_start3A_920] : memref<65536x64xf32, #tpu.memory_space<hbm>> -> memref<128x64xf32, #tpu.memory_space<hbm>>
          tpu.enqueue_dma source(%dma_start3A_921 : memref<128x64xf32, #tpu.memory_space<hbm>>) target(%arg10 : memref<128x64xf32, #tpu.memory_space<vmem>>) target_semaphore(%arg18 : memref<!tpu.dma_semaphore, #tpu.memory_space<semaphore_mem>>)
          %dma_start3A_922 = arith.constant 0 : i32
          %dma_start3A_923 = tpu.memref_slice %arg4[%add3A_913, %dma_start3A_922] : memref<65536x64xf32, #tpu.memory_space<hbm>> -> memref<128x64xf32, #tpu.memory_space<hbm>>
          %dma_start3A_924 = arith.constant 0 : i32
          %dma_start3A_925 = tpu.memref_slice %arg4[%add3A_913, %dma_start3A_924] : memref<65536x64xf32, #tpu.memory_space<hbm>> -> memref<128x64xf32, #tpu.memory_space<hbm>>
          tpu.enqueue_dma source(%dma_start3A_925 : memref<128x64xf32, #tpu.memory_space<hbm>>) target(%arg12 : memref<128x64xf32, #tpu.memory_space<vmem>>) target_semaphore(%arg18 : memref<!tpu.dma_semaphore, #tpu.memory_space<semaphore_mem>>)
        } else {
        }
      } else {
      }
      %add3A_860 = arith.constant 1 : i32
      %add3A_861 = arith.addi %mul3A_798, %add3A_860 : i32
      %mul3A_862 = arith.constant 2 : i32
      %mul3A_863 = arith.muli %mul3A_862, %add3A_861 : i32
      %add3A_864 = arith.addi %add3A, %mul3A_863 : i32
      %and3A_865 = arith.constant 31 : i32
      %and3A_866 = arith.andi %add3A_864, %and3A_865 : i32
      %mul3A_867 = arith.constant 128 : i32
      %mul3A_868 = arith.muli %and3A_866, %mul3A_867 : i32
      %eq3A_869 = vector.broadcast %add3A_861 : i32 to vector<16xi32>
      %eq3A_870 = arith.cmpi eq, %iota3A, %eq3A_869 : vector<16xi32>
      %jit3A_871 = arith.constant 0 : i32
      %broadcast_in_dim3A_872 = vector.broadcast %jit3A_871 : i32 to vector<16xi32>
      %select_n3A_873 = arith.select %eq3A_870, %get3A_772, %broadcast_in_dim3A_872 : vector<16xi1>, vector<16xi32>
      %reduce_max3A_874 = arith.constant true
      %reduce_max3A_875 = vector.broadcast %reduce_max3A_874 : i1 to vector<16xi1>
      %reduce_max3A_876 = arith.constant -2147483648 : i32
      %reduce_max3A_877 = vector.broadcast %reduce_max3A_876 : i32 to vector<16xi32>
      %reduce_max3A_878 = arith.xori %select_n3A_873, %reduce_max3A_877 : vector<16xi32>
      %reduce_max3A_879 = tpu.scan <max>, %reduce_max3A_878 masked %reduce_max3A_875 : vector<16xi32>, vector<16xi1> -> vector<16xi32>
      %reduce_max3A_880 = arith.xori %reduce_max3A_879, %reduce_max3A_877 : vector<16xi32>
      %reduce_max3A_881 = vector.extract %reduce_max3A_880[15] : i32 from vector<16xi32>
      %mul3A_882 = arith.constant 4096 : i32
      %mul3A_883 = arith.muli %add3A_861, %mul3A_882 : i32
      %add3A_884 = arith.addi %mul3A_883, %mul3A_868 : i32
      %lt3A_885 = arith.cmpi slt, %mul3A_868, %reduce_max3A_881 : i32
      %convert_element_type3A_886 = arith.extui %lt3A_885 : i1 to i32
      %cond3A_887 = arith.constant 0 : i32
      %cond3A_888 = arith.cmpi ne, %convert_element_type3A_886, %cond3A_887 : i32
      scf.if %cond3A_888 {
        %dma_wait3A_889 = arith.constant 0 : i32
        %dma_wait3A_890 = tpu.memref_slice %arg3[%add3A_884, %dma_wait3A_889] : memref<65536x64xf32, #tpu.memory_space<hbm>> -> memref<128x64xf32, #tpu.memory_space<hbm>>
        %dma_wait3A_891 = arith.constant 0 : i32
        %dma_wait3A_892 = tpu.memref_slice %arg3[%add3A_884, %dma_wait3A_891] : memref<65536x64xf32, #tpu.memory_space<hbm>> -> memref<128x64xf32, #tpu.memory_space<hbm>>
        tpu.wait_dma2 semaphore(%arg19 : memref<!tpu.dma_semaphore, #tpu.memory_space<semaphore_mem>>) src(%dma_wait3A_892 : memref<128x64xf32, #tpu.memory_space<hbm>>) dst(%arg11 : memref<128x64xf32, #tpu.memory_space<vmem>>)
        %dma_wait3A_893 = arith.constant 0 : i32
        %dma_wait3A_894 = tpu.memref_slice %arg4[%add3A_884, %dma_wait3A_893] : memref<65536x64xf32, #tpu.memory_space<hbm>> -> memref<128x64xf32, #tpu.memory_space<hbm>>
        %dma_wait3A_895 = arith.constant 0 : i32
        %dma_wait3A_896 = tpu.memref_slice %arg4[%add3A_884, %dma_wait3A_895] : memref<65536x64xf32, #tpu.memory_space<hbm>> -> memref<128x64xf32, #tpu.memory_space<hbm>>
        tpu.wait_dma2 semaphore(%arg19 : memref<!tpu.dma_semaphore, #tpu.memory_space<semaphore_mem>>) src(%dma_wait3A_896 : memref<128x64xf32, #tpu.memory_space<hbm>>) dst(%arg13 : memref<128x64xf32, #tpu.memory_space<vmem>>)
        %scan3A_897 = arith.constant 0 : i32
        %scan3A_898 = arith.constant 8 : i32
        %scan3A_899 = arith.addi %scan3A_897, %scan3A_898 : i32
        %scan3A_900 = arith.constant 1 : i32
        scf.for %scan3A_902 = %scan3A_897 to %scan3A_899 step %scan3A_900  : i32 {
          %mul3A_903 = arith.constant 16 : i32
          %mul3A_904 = arith.muli %scan3A_902, %mul3A_903 : i32
          %add3A_905 = vector.broadcast %mul3A_904 : i32 to vector<16xi32>
          %add3A_906 = arith.addi %add3A_905, %iota3A : vector<16xi32>
          %broadcast_in_dim3A_907 = arith.constant 0.000000e+00 : f32
          %broadcast_in_dim3A_908 = vector.broadcast %broadcast_in_dim3A_907 : f32 to vector<16xf32>
          %broadcast_in_dim3A_909 = arith.constant 0.000000e+00 : f32
          %broadcast_in_dim3A_910 = vector.broadcast %broadcast_in_dim3A_909 : f32 to vector<16xf32>
          %broadcast_in_dim3A_911 = arith.constant 0.000000e+00 : f32
          %broadcast_in_dim3A_912 = vector.broadcast %broadcast_in_dim3A_911 : f32 to vector<16xf32>
          %broadcast_in_dim3A_913 = arith.constant 0.000000e+00 : f32
          %broadcast_in_dim3A_914 = vector.broadcast %broadcast_in_dim3A_913 : f32 to vector<16xf32>
          %add3A_915 = arith.constant 0 : i32
          %add3A_916 = vector.broadcast %add3A_915 : i32 to vector<16xi32>
          %add3A_917 = arith.addi %iota3A, %add3A_916 : vector<16xi32>
          %and3A_918 = arith.constant 63 : i32
          %and3A_919 = vector.broadcast %and3A_918 : i32 to vector<16xi32>
          %and3A_920 = arith.andi %add3A_917, %and3A_919 : vector<16xi32>
          %gather3A = tpu.vector_load_idx %arg11[%add3A_906, %and3A_920] : memref<128x64xf32, #tpu.memory_space<vmem>>[vector<16xi32>, vector<16xi32>], vector<16xf32>,
          %gather3A_921 = tpu.vector_load_idx %arg13[%add3A_906, %and3A_920] : memref<128x64xf32, #tpu.memory_space<vmem>>[vector<16xi32>, vector<16xi32>], vector<16xf32>,
          %mul3A_922 = arith.mulf %gather3A, %gather3A_921 : vector<16xf32>
          %add3A_923 = arith.addf %broadcast_in_dim3A_908, %mul3A_922 : vector<16xf32>
          %add3A_924 = arith.constant 1 : i32
          %add3A_925 = vector.broadcast %add3A_924 : i32 to vector<16xi32>
          %add3A_926 = arith.addi %iota3A, %add3A_925 : vector<16xi32>
          %and3A_927 = arith.constant 63 : i32
          %and3A_928 = vector.broadcast %and3A_927 : i32 to vector<16xi32>
          %and3A_929 = arith.andi %add3A_926, %and3A_928 : vector<16xi32>
          %gather3A_930 = tpu.vector_load_idx %arg11[%add3A_906, %and3A_929] : memref<128x64xf32, #tpu.memory_space<vmem>>[vector<16xi32>, vector<16xi32>], vector<16xf32>,
          %gather3A_931 = tpu.vector_load_idx %arg13[%add3A_906, %and3A_929] : memref<128x64xf32, #tpu.memory_space<vmem>>[vector<16xi32>, vector<16xi32>], vector<16xf32>,
          %mul3A_932 = arith.mulf %gather3A_930, %gather3A_931 : vector<16xf32>
          %add3A_933 = arith.addf %broadcast_in_dim3A_910, %mul3A_932 : vector<16xf32>
          %add3A_934 = arith.constant 2 : i32
          %add3A_935 = vector.broadcast %add3A_934 : i32 to vector<16xi32>
          %add3A_936 = arith.addi %iota3A, %add3A_935 : vector<16xi32>
          %and3A_937 = arith.constant 63 : i32
          %and3A_938 = vector.broadcast %and3A_937 : i32 to vector<16xi32>
          %and3A_939 = arith.andi %add3A_936, %and3A_938 : vector<16xi32>
          %gather3A_940 = tpu.vector_load_idx %arg11[%add3A_906, %and3A_939] : memref<128x64xf32, #tpu.memory_space<vmem>>[vector<16xi32>, vector<16xi32>], vector<16xf32>,
          %gather3A_941 = tpu.vector_load_idx %arg13[%add3A_906, %and3A_939] : memref<128x64xf32, #tpu.memory_space<vmem>>[vector<16xi32>, vector<16xi32>], vector<16xf32>,
          %mul3A_942 = arith.mulf %gather3A_940, %gather3A_941 : vector<16xf32>
          %add3A_943 = arith.addf %broadcast_in_dim3A_912, %mul3A_942 : vector<16xf32>
          %add3A_944 = arith.constant 3 : i32
          %add3A_945 = vector.broadcast %add3A_944 : i32 to vector<16xi32>
          %add3A_946 = arith.addi %iota3A, %add3A_945 : vector<16xi32>
          %and3A_947 = arith.constant 63 : i32
          %and3A_948 = vector.broadcast %and3A_947 : i32 to vector<16xi32>
          %and3A_949 = arith.andi %add3A_946, %and3A_948 : vector<16xi32>
          %gather3A_950 = tpu.vector_load_idx %arg11[%add3A_906, %and3A_949] : memref<128x64xf32, #tpu.memory_space<vmem>>[vector<16xi32>, vector<16xi32>], vector<16xf32>,
          %gather3A_951 = tpu.vector_load_idx %arg13[%add3A_906, %and3A_949] : memref<128x64xf32, #tpu.memory_space<vmem>>[vector<16xi32>, vector<16xi32>], vector<16xf32>,
          %mul3A_952 = arith.mulf %gather3A_950, %gather3A_951 : vector<16xf32>
          %add3A_953 = arith.addf %broadcast_in_dim3A_914, %mul3A_952 : vector<16xf32>
          %add3A_954 = arith.constant 4 : i32
          %add3A_955 = vector.broadcast %add3A_954 : i32 to vector<16xi32>
          %add3A_956 = arith.addi %iota3A, %add3A_955 : vector<16xi32>
          %and3A_957 = arith.constant 63 : i32
          %and3A_958 = vector.broadcast %and3A_957 : i32 to vector<16xi32>
          %and3A_959 = arith.andi %add3A_956, %and3A_958 : vector<16xi32>
          %gather3A_960 = tpu.vector_load_idx %arg11[%add3A_906, %and3A_959] : memref<128x64xf32, #tpu.memory_space<vmem>>[vector<16xi32>, vector<16xi32>], vector<16xf32>,
          %gather3A_961 = tpu.vector_load_idx %arg13[%add3A_906, %and3A_959] : memref<128x64xf32, #tpu.memory_space<vmem>>[vector<16xi32>, vector<16xi32>], vector<16xf32>,
          %mul3A_962 = arith.mulf %gather3A_960, %gather3A_961 : vector<16xf32>
          %add3A_963 = arith.addf %add3A_923, %mul3A_962 : vector<16xf32>
          %add3A_964 = arith.constant 5 : i32
          %add3A_965 = vector.broadcast %add3A_964 : i32 to vector<16xi32>
          %add3A_966 = arith.addi %iota3A, %add3A_965 : vector<16xi32>
          %and3A_967 = arith.constant 63 : i32
          %and3A_968 = vector.broadcast %and3A_967 : i32 to vector<16xi32>
          %and3A_969 = arith.andi %add3A_966, %and3A_968 : vector<16xi32>
          %gather3A_970 = tpu.vector_load_idx %arg11[%add3A_906, %and3A_969] : memref<128x64xf32, #tpu.memory_space<vmem>>[vector<16xi32>, vector<16xi32>], vector<16xf32>,
          %gather3A_971 = tpu.vector_load_idx %arg13[%add3A_906, %and3A_969] : memref<128x64xf32, #tpu.memory_space<vmem>>[vector<16xi32>, vector<16xi32>], vector<16xf32>,
          %mul3A_972 = arith.mulf %gather3A_970, %gather3A_971 : vector<16xf32>
          %add3A_973 = arith.addf %add3A_933, %mul3A_972 : vector<16xf32>
          %add3A_974 = arith.constant 6 : i32
          %add3A_975 = vector.broadcast %add3A_974 : i32 to vector<16xi32>
          %add3A_976 = arith.addi %iota3A, %add3A_975 : vector<16xi32>
          %and3A_977 = arith.constant 63 : i32
          %and3A_978 = vector.broadcast %and3A_977 : i32 to vector<16xi32>
          %and3A_979 = arith.andi %add3A_976, %and3A_978 : vector<16xi32>
          %gather3A_980 = tpu.vector_load_idx %arg11[%add3A_906, %and3A_979] : memref<128x64xf32, #tpu.memory_space<vmem>>[vector<16xi32>, vector<16xi32>], vector<16xf32>,
          %gather3A_981 = tpu.vector_load_idx %arg13[%add3A_906, %and3A_979] : memref<128x64xf32, #tpu.memory_space<vmem>>[vector<16xi32>, vector<16xi32>], vector<16xf32>,
          %mul3A_982 = arith.mulf %gather3A_980, %gather3A_981 : vector<16xf32>
          %add3A_983 = arith.addf %add3A_943, %mul3A_982 : vector<16xf32>
          %add3A_984 = arith.constant 7 : i32
          %add3A_985 = vector.broadcast %add3A_984 : i32 to vector<16xi32>
          %add3A_986 = arith.addi %iota3A, %add3A_985 : vector<16xi32>
          %and3A_987 = arith.constant 63 : i32
          %and3A_988 = vector.broadcast %and3A_987 : i32 to vector<16xi32>
          %and3A_989 = arith.andi %add3A_986, %and3A_988 : vector<16xi32>
          %gather3A_990 = tpu.vector_load_idx %arg11[%add3A_906, %and3A_989] : memref<128x64xf32, #tpu.memory_space<vmem>>[vector<16xi32>, vector<16xi32>], vector<16xf32>,
          %gather3A_991 = tpu.vector_load_idx %arg13[%add3A_906, %and3A_989] : memref<128x64xf32, #tpu.memory_space<vmem>>[vector<16xi32>, vector<16xi32>], vector<16xf32>,
          %mul3A_992 = arith.mulf %gather3A_990, %gather3A_991 : vector<16xf32>
          %add3A_993 = arith.addf %add3A_953, %mul3A_992 : vector<16xf32>
          %add3A_994 = arith.constant 8 : i32
          %add3A_995 = vector.broadcast %add3A_994 : i32 to vector<16xi32>
          %add3A_996 = arith.addi %iota3A, %add3A_995 : vector<16xi32>
          %and3A_997 = arith.constant 63 : i32
          %and3A_998 = vector.broadcast %and3A_997 : i32 to vector<16xi32>
          %and3A_999 = arith.andi %add3A_996, %and3A_998 : vector<16xi32>
          %gather3A_1000 = tpu.vector_load_idx %arg11[%add3A_906, %and3A_999] : memref<128x64xf32, #tpu.memory_space<vmem>>[vector<16xi32>, vector<16xi32>], vector<16xf32>,
          %gather3A_1001 = tpu.vector_load_idx %arg13[%add3A_906, %and3A_999] : memref<128x64xf32, #tpu.memory_space<vmem>>[vector<16xi32>, vector<16xi32>], vector<16xf32>,
          %mul3A_1002 = arith.mulf %gather3A_1000, %gather3A_1001 : vector<16xf32>
          %add3A_1003 = arith.addf %add3A_963, %mul3A_1002 : vector<16xf32>
          %add3A_1004 = arith.constant 9 : i32
          %add3A_1005 = vector.broadcast %add3A_1004 : i32 to vector<16xi32>
          %add3A_1006 = arith.addi %iota3A, %add3A_1005 : vector<16xi32>
          %and3A_1007 = arith.constant 63 : i32
          %and3A_1008 = vector.broadcast %and3A_1007 : i32 to vector<16xi32>
          %and3A_1009 = arith.andi %add3A_1006, %and3A_1008 : vector<16xi32>
          %gather3A_1010 = tpu.vector_load_idx %arg11[%add3A_906, %and3A_1009] : memref<128x64xf32, #tpu.memory_space<vmem>>[vector<16xi32>, vector<16xi32>], vector<16xf32>,
          %gather3A_1011 = tpu.vector_load_idx %arg13[%add3A_906, %and3A_1009] : memref<128x64xf32, #tpu.memory_space<vmem>>[vector<16xi32>, vector<16xi32>], vector<16xf32>,
          %mul3A_1012 = arith.mulf %gather3A_1010, %gather3A_1011 : vector<16xf32>
          %add3A_1013 = arith.addf %add3A_973, %mul3A_1012 : vector<16xf32>
          %add3A_1014 = arith.constant 10 : i32
          %add3A_1015 = vector.broadcast %add3A_1014 : i32 to vector<16xi32>
          %add3A_1016 = arith.addi %iota3A, %add3A_1015 : vector<16xi32>
          %and3A_1017 = arith.constant 63 : i32
          %and3A_1018 = vector.broadcast %and3A_1017 : i32 to vector<16xi32>
          %and3A_1019 = arith.andi %add3A_1016, %and3A_1018 : vector<16xi32>
          %gather3A_1020 = tpu.vector_load_idx %arg11[%add3A_906, %and3A_1019] : memref<128x64xf32, #tpu.memory_space<vmem>>[vector<16xi32>, vector<16xi32>], vector<16xf32>,
          %gather3A_1021 = tpu.vector_load_idx %arg13[%add3A_906, %and3A_1019] : memref<128x64xf32, #tpu.memory_space<vmem>>[vector<16xi32>, vector<16xi32>], vector<16xf32>,
          %mul3A_1022 = arith.mulf %gather3A_1020, %gather3A_1021 : vector<16xf32>
          %add3A_1023 = arith.addf %add3A_983, %mul3A_1022 : vector<16xf32>
          %add3A_1024 = arith.constant 11 : i32
          %add3A_1025 = vector.broadcast %add3A_1024 : i32 to vector<16xi32>
          %add3A_1026 = arith.addi %iota3A, %add3A_1025 : vector<16xi32>
          %and3A_1027 = arith.constant 63 : i32
          %and3A_1028 = vector.broadcast %and3A_1027 : i32 to vector<16xi32>
          %and3A_1029 = arith.andi %add3A_1026, %and3A_1028 : vector<16xi32>
          %gather3A_1030 = tpu.vector_load_idx %arg11[%add3A_906, %and3A_1029] : memref<128x64xf32, #tpu.memory_space<vmem>>[vector<16xi32>, vector<16xi32>], vector<16xf32>,
          %gather3A_1031 = tpu.vector_load_idx %arg13[%add3A_906, %and3A_1029] : memref<128x64xf32, #tpu.memory_space<vmem>>[vector<16xi32>, vector<16xi32>], vector<16xf32>,
          %mul3A_1032 = arith.mulf %gather3A_1030, %gather3A_1031 : vector<16xf32>
          %add3A_1033 = arith.addf %add3A_993, %mul3A_1032 : vector<16xf32>
          %add3A_1034 = arith.constant 12 : i32
          %add3A_1035 = vector.broadcast %add3A_1034 : i32 to vector<16xi32>
          %add3A_1036 = arith.addi %iota3A, %add3A_1035 : vector<16xi32>
          %and3A_1037 = arith.constant 63 : i32
          %and3A_1038 = vector.broadcast %and3A_1037 : i32 to vector<16xi32>
          %and3A_1039 = arith.andi %add3A_1036, %and3A_1038 : vector<16xi32>
          %gather3A_1040 = tpu.vector_load_idx %arg11[%add3A_906, %and3A_1039] : memref<128x64xf32, #tpu.memory_space<vmem>>[vector<16xi32>, vector<16xi32>], vector<16xf32>,
          %gather3A_1041 = tpu.vector_load_idx %arg13[%add3A_906, %and3A_1039] : memref<128x64xf32, #tpu.memory_space<vmem>>[vector<16xi32>, vector<16xi32>], vector<16xf32>,
          %mul3A_1042 = arith.mulf %gather3A_1040, %gather3A_1041 : vector<16xf32>
          %add3A_1043 = arith.addf %add3A_1003, %mul3A_1042 : vector<16xf32>
          %add3A_1044 = arith.constant 13 : i32
          %add3A_1045 = vector.broadcast %add3A_1044 : i32 to vector<16xi32>
          %add3A_1046 = arith.addi %iota3A, %add3A_1045 : vector<16xi32>
          %and3A_1047 = arith.constant 63 : i32
          %and3A_1048 = vector.broadcast %and3A_1047 : i32 to vector<16xi32>
          %and3A_1049 = arith.andi %add3A_1046, %and3A_1048 : vector<16xi32>
          %gather3A_1050 = tpu.vector_load_idx %arg11[%add3A_906, %and3A_1049] : memref<128x64xf32, #tpu.memory_space<vmem>>[vector<16xi32>, vector<16xi32>], vector<16xf32>,
          %gather3A_1051 = tpu.vector_load_idx %arg13[%add3A_906, %and3A_1049] : memref<128x64xf32, #tpu.memory_space<vmem>>[vector<16xi32>, vector<16xi32>], vector<16xf32>,
          %mul3A_1052 = arith.mulf %gather3A_1050, %gather3A_1051 : vector<16xf32>
          %add3A_1053 = arith.addf %add3A_1013, %mul3A_1052 : vector<16xf32>
          %add3A_1054 = arith.constant 14 : i32
          %add3A_1055 = vector.broadcast %add3A_1054 : i32 to vector<16xi32>
          %add3A_1056 = arith.addi %iota3A, %add3A_1055 : vector<16xi32>
          %and3A_1057 = arith.constant 63 : i32
          %and3A_1058 = vector.broadcast %and3A_1057 : i32 to vector<16xi32>
          %and3A_1059 = arith.andi %add3A_1056, %and3A_1058 : vector<16xi32>
          %gather3A_1060 = tpu.vector_load_idx %arg11[%add3A_906, %and3A_1059] : memref<128x64xf32, #tpu.memory_space<vmem>>[vector<16xi32>, vector<16xi32>], vector<16xf32>,
          %gather3A_1061 = tpu.vector_load_idx %arg13[%add3A_906, %and3A_1059] : memref<128x64xf32, #tpu.memory_space<vmem>>[vector<16xi32>, vector<16xi32>], vector<16xf32>,
          %mul3A_1062 = arith.mulf %gather3A_1060, %gather3A_1061 : vector<16xf32>
          %add3A_1063 = arith.addf %add3A_1023, %mul3A_1062 : vector<16xf32>
          %add3A_1064 = arith.constant 15 : i32
          %add3A_1065 = vector.broadcast %add3A_1064 : i32 to vector<16xi32>
          %add3A_1066 = arith.addi %iota3A, %add3A_1065 : vector<16xi32>
          %and3A_1067 = arith.constant 63 : i32
          %and3A_1068 = vector.broadcast %and3A_1067 : i32 to vector<16xi32>
          %and3A_1069 = arith.andi %add3A_1066, %and3A_1068 : vector<16xi32>
          %gather3A_1070 = tpu.vector_load_idx %arg11[%add3A_906, %and3A_1069] : memref<128x64xf32, #tpu.memory_space<vmem>>[vector<16xi32>, vector<16xi32>], vector<16xf32>,
          %gather3A_1071 = tpu.vector_load_idx %arg13[%add3A_906, %and3A_1069] : memref<128x64xf32, #tpu.memory_space<vmem>>[vector<16xi32>, vector<16xi32>], vector<16xf32>,
          %mul3A_1072 = arith.mulf %gather3A_1070, %gather3A_1071 : vector<16xf32>
          %add3A_1073 = arith.addf %add3A_1033, %mul3A_1072 : vector<16xf32>
          %add3A_1074 = arith.constant 16 : i32
          %add3A_1075 = vector.broadcast %add3A_1074 : i32 to vector<16xi32>
          %add3A_1076 = arith.addi %iota3A, %add3A_1075 : vector<16xi32>
          %and3A_1077 = arith.constant 63 : i32
          %and3A_1078 = vector.broadcast %and3A_1077 : i32 to vector<16xi32>
          %and3A_1079 = arith.andi %add3A_1076, %and3A_1078 : vector<16xi32>
          %gather3A_1080 = tpu.vector_load_idx %arg11[%add3A_906, %and3A_1079] : memref<128x64xf32, #tpu.memory_space<vmem>>[vector<16xi32>, vector<16xi32>], vector<16xf32>,
          %gather3A_1081 = tpu.vector_load_idx %arg13[%add3A_906, %and3A_1079] : memref<128x64xf32, #tpu.memory_space<vmem>>[vector<16xi32>, vector<16xi32>], vector<16xf32>,
          %mul3A_1082 = arith.mulf %gather3A_1080, %gather3A_1081 : vector<16xf32>
          %add3A_1083 = arith.addf %add3A_1043, %mul3A_1082 : vector<16xf32>
          %add3A_1084 = arith.constant 17 : i32
          %add3A_1085 = vector.broadcast %add3A_1084 : i32 to vector<16xi32>
          %add3A_1086 = arith.addi %iota3A, %add3A_1085 : vector<16xi32>
          %and3A_1087 = arith.constant 63 : i32
          %and3A_1088 = vector.broadcast %and3A_1087 : i32 to vector<16xi32>
          %and3A_1089 = arith.andi %add3A_1086, %and3A_1088 : vector<16xi32>
          %gather3A_1090 = tpu.vector_load_idx %arg11[%add3A_906, %and3A_1089] : memref<128x64xf32, #tpu.memory_space<vmem>>[vector<16xi32>, vector<16xi32>], vector<16xf32>,
          %gather3A_1091 = tpu.vector_load_idx %arg13[%add3A_906, %and3A_1089] : memref<128x64xf32, #tpu.memory_space<vmem>>[vector<16xi32>, vector<16xi32>], vector<16xf32>,
          %mul3A_1092 = arith.mulf %gather3A_1090, %gather3A_1091 : vector<16xf32>
          %add3A_1093 = arith.addf %add3A_1053, %mul3A_1092 : vector<16xf32>
          %add3A_1094 = arith.constant 18 : i32
          %add3A_1095 = vector.broadcast %add3A_1094 : i32 to vector<16xi32>
          %add3A_1096 = arith.addi %iota3A, %add3A_1095 : vector<16xi32>
          %and3A_1097 = arith.constant 63 : i32
          %and3A_1098 = vector.broadcast %and3A_1097 : i32 to vector<16xi32>
          %and3A_1099 = arith.andi %add3A_1096, %and3A_1098 : vector<16xi32>
          %gather3A_1100 = tpu.vector_load_idx %arg11[%add3A_906, %and3A_1099] : memref<128x64xf32, #tpu.memory_space<vmem>>[vector<16xi32>, vector<16xi32>], vector<16xf32>,
          %gather3A_1101 = tpu.vector_load_idx %arg13[%add3A_906, %and3A_1099] : memref<128x64xf32, #tpu.memory_space<vmem>>[vector<16xi32>, vector<16xi32>], vector<16xf32>,
          %mul3A_1102 = arith.mulf %gather3A_1100, %gather3A_1101 : vector<16xf32>
          %add3A_1103 = arith.addf %add3A_1063, %mul3A_1102 : vector<16xf32>
          %add3A_1104 = arith.constant 19 : i32
          %add3A_1105 = vector.broadcast %add3A_1104 : i32 to vector<16xi32>
          %add3A_1106 = arith.addi %iota3A, %add3A_1105 : vector<16xi32>
          %and3A_1107 = arith.constant 63 : i32
          %and3A_1108 = vector.broadcast %and3A_1107 : i32 to vector<16xi32>
          %and3A_1109 = arith.andi %add3A_1106, %and3A_1108 : vector<16xi32>
          %gather3A_1110 = tpu.vector_load_idx %arg11[%add3A_906, %and3A_1109] : memref<128x64xf32, #tpu.memory_space<vmem>>[vector<16xi32>, vector<16xi32>], vector<16xf32>,
          %gather3A_1111 = tpu.vector_load_idx %arg13[%add3A_906, %and3A_1109] : memref<128x64xf32, #tpu.memory_space<vmem>>[vector<16xi32>, vector<16xi32>], vector<16xf32>,
          %mul3A_1112 = arith.mulf %gather3A_1110, %gather3A_1111 : vector<16xf32>
          %add3A_1113 = arith.addf %add3A_1073, %mul3A_1112 : vector<16xf32>
          %add3A_1114 = arith.constant 20 : i32
          %add3A_1115 = vector.broadcast %add3A_1114 : i32 to vector<16xi32>
          %add3A_1116 = arith.addi %iota3A, %add3A_1115 : vector<16xi32>
          %and3A_1117 = arith.constant 63 : i32
          %and3A_1118 = vector.broadcast %and3A_1117 : i32 to vector<16xi32>
          %and3A_1119 = arith.andi %add3A_1116, %and3A_1118 : vector<16xi32>
          %gather3A_1120 = tpu.vector_load_idx %arg11[%add3A_906, %and3A_1119] : memref<128x64xf32, #tpu.memory_space<vmem>>[vector<16xi32>, vector<16xi32>], vector<16xf32>,
          %gather3A_1121 = tpu.vector_load_idx %arg13[%add3A_906, %and3A_1119] : memref<128x64xf32, #tpu.memory_space<vmem>>[vector<16xi32>, vector<16xi32>], vector<16xf32>,
          %mul3A_1122 = arith.mulf %gather3A_1120, %gather3A_1121 : vector<16xf32>
          %add3A_1123 = arith.addf %add3A_1083, %mul3A_1122 : vector<16xf32>
          %add3A_1124 = arith.constant 21 : i32
          %add3A_1125 = vector.broadcast %add3A_1124 : i32 to vector<16xi32>
          %add3A_1126 = arith.addi %iota3A, %add3A_1125 : vector<16xi32>
          %and3A_1127 = arith.constant 63 : i32
          %and3A_1128 = vector.broadcast %and3A_1127 : i32 to vector<16xi32>
          %and3A_1129 = arith.andi %add3A_1126, %and3A_1128 : vector<16xi32>
          %gather3A_1130 = tpu.vector_load_idx %arg11[%add3A_906, %and3A_1129] : memref<128x64xf32, #tpu.memory_space<vmem>>[vector<16xi32>, vector<16xi32>], vector<16xf32>,
          %gather3A_1131 = tpu.vector_load_idx %arg13[%add3A_906, %and3A_1129] : memref<128x64xf32, #tpu.memory_space<vmem>>[vector<16xi32>, vector<16xi32>], vector<16xf32>,
          %mul3A_1132 = arith.mulf %gather3A_1130, %gather3A_1131 : vector<16xf32>
          %add3A_1133 = arith.addf %add3A_1093, %mul3A_1132 : vector<16xf32>
          %add3A_1134 = arith.constant 22 : i32
          %add3A_1135 = vector.broadcast %add3A_1134 : i32 to vector<16xi32>
          %add3A_1136 = arith.addi %iota3A, %add3A_1135 : vector<16xi32>
          %and3A_1137 = arith.constant 63 : i32
          %and3A_1138 = vector.broadcast %and3A_1137 : i32 to vector<16xi32>
          %and3A_1139 = arith.andi %add3A_1136, %and3A_1138 : vector<16xi32>
          %gather3A_1140 = tpu.vector_load_idx %arg11[%add3A_906, %and3A_1139] : memref<128x64xf32, #tpu.memory_space<vmem>>[vector<16xi32>, vector<16xi32>], vector<16xf32>,
          %gather3A_1141 = tpu.vector_load_idx %arg13[%add3A_906, %and3A_1139] : memref<128x64xf32, #tpu.memory_space<vmem>>[vector<16xi32>, vector<16xi32>], vector<16xf32>,
          %mul3A_1142 = arith.mulf %gather3A_1140, %gather3A_1141 : vector<16xf32>
          %add3A_1143 = arith.addf %add3A_1103, %mul3A_1142 : vector<16xf32>
          %add3A_1144 = arith.constant 23 : i32
          %add3A_1145 = vector.broadcast %add3A_1144 : i32 to vector<16xi32>
          %add3A_1146 = arith.addi %iota3A, %add3A_1145 : vector<16xi32>
          %and3A_1147 = arith.constant 63 : i32
          %and3A_1148 = vector.broadcast %and3A_1147 : i32 to vector<16xi32>
          %and3A_1149 = arith.andi %add3A_1146, %and3A_1148 : vector<16xi32>
          %gather3A_1150 = tpu.vector_load_idx %arg11[%add3A_906, %and3A_1149] : memref<128x64xf32, #tpu.memory_space<vmem>>[vector<16xi32>, vector<16xi32>], vector<16xf32>,
          %gather3A_1151 = tpu.vector_load_idx %arg13[%add3A_906, %and3A_1149] : memref<128x64xf32, #tpu.memory_space<vmem>>[vector<16xi32>, vector<16xi32>], vector<16xf32>,
          %mul3A_1152 = arith.mulf %gather3A_1150, %gather3A_1151 : vector<16xf32>
          %add3A_1153 = arith.addf %add3A_1113, %mul3A_1152 : vector<16xf32>
          %add3A_1154 = arith.constant 24 : i32
          %add3A_1155 = vector.broadcast %add3A_1154 : i32 to vector<16xi32>
          %add3A_1156 = arith.addi %iota3A, %add3A_1155 : vector<16xi32>
          %and3A_1157 = arith.constant 63 : i32
          %and3A_1158 = vector.broadcast %and3A_1157 : i32 to vector<16xi32>
          %and3A_1159 = arith.andi %add3A_1156, %and3A_1158 : vector<16xi32>
          %gather3A_1160 = tpu.vector_load_idx %arg11[%add3A_906, %and3A_1159] : memref<128x64xf32, #tpu.memory_space<vmem>>[vector<16xi32>, vector<16xi32>], vector<16xf32>,
          %gather3A_1161 = tpu.vector_load_idx %arg13[%add3A_906, %and3A_1159] : memref<128x64xf32, #tpu.memory_space<vmem>>[vector<16xi32>, vector<16xi32>], vector<16xf32>,
          %mul3A_1162 = arith.mulf %gather3A_1160, %gather3A_1161 : vector<16xf32>
          %add3A_1163 = arith.addf %add3A_1123, %mul3A_1162 : vector<16xf32>
          %add3A_1164 = arith.constant 25 : i32
          %add3A_1165 = vector.broadcast %add3A_1164 : i32 to vector<16xi32>
          %add3A_1166 = arith.addi %iota3A, %add3A_1165 : vector<16xi32>
          %and3A_1167 = arith.constant 63 : i32
          %and3A_1168 = vector.broadcast %and3A_1167 : i32 to vector<16xi32>
          %and3A_1169 = arith.andi %add3A_1166, %and3A_1168 : vector<16xi32>
          %gather3A_1170 = tpu.vector_load_idx %arg11[%add3A_906, %and3A_1169] : memref<128x64xf32, #tpu.memory_space<vmem>>[vector<16xi32>, vector<16xi32>], vector<16xf32>,
          %gather3A_1171 = tpu.vector_load_idx %arg13[%add3A_906, %and3A_1169] : memref<128x64xf32, #tpu.memory_space<vmem>>[vector<16xi32>, vector<16xi32>], vector<16xf32>,
          %mul3A_1172 = arith.mulf %gather3A_1170, %gather3A_1171 : vector<16xf32>
          %add3A_1173 = arith.addf %add3A_1133, %mul3A_1172 : vector<16xf32>
          %add3A_1174 = arith.constant 26 : i32
          %add3A_1175 = vector.broadcast %add3A_1174 : i32 to vector<16xi32>
          %add3A_1176 = arith.addi %iota3A, %add3A_1175 : vector<16xi32>
          %and3A_1177 = arith.constant 63 : i32
          %and3A_1178 = vector.broadcast %and3A_1177 : i32 to vector<16xi32>
          %and3A_1179 = arith.andi %add3A_1176, %and3A_1178 : vector<16xi32>
          %gather3A_1180 = tpu.vector_load_idx %arg11[%add3A_906, %and3A_1179] : memref<128x64xf32, #tpu.memory_space<vmem>>[vector<16xi32>, vector<16xi32>], vector<16xf32>,
          %gather3A_1181 = tpu.vector_load_idx %arg13[%add3A_906, %and3A_1179] : memref<128x64xf32, #tpu.memory_space<vmem>>[vector<16xi32>, vector<16xi32>], vector<16xf32>,
          %mul3A_1182 = arith.mulf %gather3A_1180, %gather3A_1181 : vector<16xf32>
          %add3A_1183 = arith.addf %add3A_1143, %mul3A_1182 : vector<16xf32>
          %add3A_1184 = arith.constant 27 : i32
          %add3A_1185 = vector.broadcast %add3A_1184 : i32 to vector<16xi32>
          %add3A_1186 = arith.addi %iota3A, %add3A_1185 : vector<16xi32>
          %and3A_1187 = arith.constant 63 : i32
          %and3A_1188 = vector.broadcast %and3A_1187 : i32 to vector<16xi32>
          %and3A_1189 = arith.andi %add3A_1186, %and3A_1188 : vector<16xi32>
          %gather3A_1190 = tpu.vector_load_idx %arg11[%add3A_906, %and3A_1189] : memref<128x64xf32, #tpu.memory_space<vmem>>[vector<16xi32>, vector<16xi32>], vector<16xf32>,
          %gather3A_1191 = tpu.vector_load_idx %arg13[%add3A_906, %and3A_1189] : memref<128x64xf32, #tpu.memory_space<vmem>>[vector<16xi32>, vector<16xi32>], vector<16xf32>,
          %mul3A_1192 = arith.mulf %gather3A_1190, %gather3A_1191 : vector<16xf32>
          %add3A_1193 = arith.addf %add3A_1153, %mul3A_1192 : vector<16xf32>
          %add3A_1194 = arith.constant 28 : i32
          %add3A_1195 = vector.broadcast %add3A_1194 : i32 to vector<16xi32>
          %add3A_1196 = arith.addi %iota3A, %add3A_1195 : vector<16xi32>
          %and3A_1197 = arith.constant 63 : i32
          %and3A_1198 = vector.broadcast %and3A_1197 : i32 to vector<16xi32>
          %and3A_1199 = arith.andi %add3A_1196, %and3A_1198 : vector<16xi32>
          %gather3A_1200 = tpu.vector_load_idx %arg11[%add3A_906, %and3A_1199] : memref<128x64xf32, #tpu.memory_space<vmem>>[vector<16xi32>, vector<16xi32>], vector<16xf32>,
          %gather3A_1201 = tpu.vector_load_idx %arg13[%add3A_906, %and3A_1199] : memref<128x64xf32, #tpu.memory_space<vmem>>[vector<16xi32>, vector<16xi32>], vector<16xf32>,
          %mul3A_1202 = arith.mulf %gather3A_1200, %gather3A_1201 : vector<16xf32>
          %add3A_1203 = arith.addf %add3A_1163, %mul3A_1202 : vector<16xf32>
          %add3A_1204 = arith.constant 29 : i32
          %add3A_1205 = vector.broadcast %add3A_1204 : i32 to vector<16xi32>
          %add3A_1206 = arith.addi %iota3A, %add3A_1205 : vector<16xi32>
          %and3A_1207 = arith.constant 63 : i32
          %and3A_1208 = vector.broadcast %and3A_1207 : i32 to vector<16xi32>
          %and3A_1209 = arith.andi %add3A_1206, %and3A_1208 : vector<16xi32>
          %gather3A_1210 = tpu.vector_load_idx %arg11[%add3A_906, %and3A_1209] : memref<128x64xf32, #tpu.memory_space<vmem>>[vector<16xi32>, vector<16xi32>], vector<16xf32>,
          %gather3A_1211 = tpu.vector_load_idx %arg13[%add3A_906, %and3A_1209] : memref<128x64xf32, #tpu.memory_space<vmem>>[vector<16xi32>, vector<16xi32>], vector<16xf32>,
          %mul3A_1212 = arith.mulf %gather3A_1210, %gather3A_1211 : vector<16xf32>
          %add3A_1213 = arith.addf %add3A_1173, %mul3A_1212 : vector<16xf32>
          %add3A_1214 = arith.constant 30 : i32
          %add3A_1215 = vector.broadcast %add3A_1214 : i32 to vector<16xi32>
          %add3A_1216 = arith.addi %iota3A, %add3A_1215 : vector<16xi32>
          %and3A_1217 = arith.constant 63 : i32
          %and3A_1218 = vector.broadcast %and3A_1217 : i32 to vector<16xi32>
          %and3A_1219 = arith.andi %add3A_1216, %and3A_1218 : vector<16xi32>
          %gather3A_1220 = tpu.vector_load_idx %arg11[%add3A_906, %and3A_1219] : memref<128x64xf32, #tpu.memory_space<vmem>>[vector<16xi32>, vector<16xi32>], vector<16xf32>,
          %gather3A_1221 = tpu.vector_load_idx %arg13[%add3A_906, %and3A_1219] : memref<128x64xf32, #tpu.memory_space<vmem>>[vector<16xi32>, vector<16xi32>], vector<16xf32>,
          %mul3A_1222 = arith.mulf %gather3A_1220, %gather3A_1221 : vector<16xf32>
          %add3A_1223 = arith.addf %add3A_1183, %mul3A_1222 : vector<16xf32>
          %add3A_1224 = arith.constant 31 : i32
          %add3A_1225 = vector.broadcast %add3A_1224 : i32 to vector<16xi32>
          %add3A_1226 = arith.addi %iota3A, %add3A_1225 : vector<16xi32>
          %and3A_1227 = arith.constant 63 : i32
          %and3A_1228 = vector.broadcast %and3A_1227 : i32 to vector<16xi32>
          %and3A_1229 = arith.andi %add3A_1226, %and3A_1228 : vector<16xi32>
          %gather3A_1230 = tpu.vector_load_idx %arg11[%add3A_906, %and3A_1229] : memref<128x64xf32, #tpu.memory_space<vmem>>[vector<16xi32>, vector<16xi32>], vector<16xf32>,
          %gather3A_1231 = tpu.vector_load_idx %arg13[%add3A_906, %and3A_1229] : memref<128x64xf32, #tpu.memory_space<vmem>>[vector<16xi32>, vector<16xi32>], vector<16xf32>,
          %mul3A_1232 = arith.mulf %gather3A_1230, %gather3A_1231 : vector<16xf32>
          %add3A_1233 = arith.addf %add3A_1193, %mul3A_1232 : vector<16xf32>
          %add3A_1234 = arith.constant 32 : i32
          %add3A_1235 = vector.broadcast %add3A_1234 : i32 to vector<16xi32>
          %add3A_1236 = arith.addi %iota3A, %add3A_1235 : vector<16xi32>
          %and3A_1237 = arith.constant 63 : i32
          %and3A_1238 = vector.broadcast %and3A_1237 : i32 to vector<16xi32>
          %and3A_1239 = arith.andi %add3A_1236, %and3A_1238 : vector<16xi32>
          %gather3A_1240 = tpu.vector_load_idx %arg11[%add3A_906, %and3A_1239] : memref<128x64xf32, #tpu.memory_space<vmem>>[vector<16xi32>, vector<16xi32>], vector<16xf32>,
          %gather3A_1241 = tpu.vector_load_idx %arg13[%add3A_906, %and3A_1239] : memref<128x64xf32, #tpu.memory_space<vmem>>[vector<16xi32>, vector<16xi32>], vector<16xf32>,
          %mul3A_1242 = arith.mulf %gather3A_1240, %gather3A_1241 : vector<16xf32>
          %add3A_1243 = arith.addf %add3A_1203, %mul3A_1242 : vector<16xf32>
          %add3A_1244 = arith.constant 33 : i32
          %add3A_1245 = vector.broadcast %add3A_1244 : i32 to vector<16xi32>
          %add3A_1246 = arith.addi %iota3A, %add3A_1245 : vector<16xi32>
          %and3A_1247 = arith.constant 63 : i32
          %and3A_1248 = vector.broadcast %and3A_1247 : i32 to vector<16xi32>
          %and3A_1249 = arith.andi %add3A_1246, %and3A_1248 : vector<16xi32>
          %gather3A_1250 = tpu.vector_load_idx %arg11[%add3A_906, %and3A_1249] : memref<128x64xf32, #tpu.memory_space<vmem>>[vector<16xi32>, vector<16xi32>], vector<16xf32>,
          %gather3A_1251 = tpu.vector_load_idx %arg13[%add3A_906, %and3A_1249] : memref<128x64xf32, #tpu.memory_space<vmem>>[vector<16xi32>, vector<16xi32>], vector<16xf32>,
          %mul3A_1252 = arith.mulf %gather3A_1250, %gather3A_1251 : vector<16xf32>
          %add3A_1253 = arith.addf %add3A_1213, %mul3A_1252 : vector<16xf32>
          %add3A_1254 = arith.constant 34 : i32
          %add3A_1255 = vector.broadcast %add3A_1254 : i32 to vector<16xi32>
          %add3A_1256 = arith.addi %iota3A, %add3A_1255 : vector<16xi32>
          %and3A_1257 = arith.constant 63 : i32
          %and3A_1258 = vector.broadcast %and3A_1257 : i32 to vector<16xi32>
          %and3A_1259 = arith.andi %add3A_1256, %and3A_1258 : vector<16xi32>
          %gather3A_1260 = tpu.vector_load_idx %arg11[%add3A_906, %and3A_1259] : memref<128x64xf32, #tpu.memory_space<vmem>>[vector<16xi32>, vector<16xi32>], vector<16xf32>,
          %gather3A_1261 = tpu.vector_load_idx %arg13[%add3A_906, %and3A_1259] : memref<128x64xf32, #tpu.memory_space<vmem>>[vector<16xi32>, vector<16xi32>], vector<16xf32>,
          %mul3A_1262 = arith.mulf %gather3A_1260, %gather3A_1261 : vector<16xf32>
          %add3A_1263 = arith.addf %add3A_1223, %mul3A_1262 : vector<16xf32>
          %add3A_1264 = arith.constant 35 : i32
          %add3A_1265 = vector.broadcast %add3A_1264 : i32 to vector<16xi32>
          %add3A_1266 = arith.addi %iota3A, %add3A_1265 : vector<16xi32>
          %and3A_1267 = arith.constant 63 : i32
          %and3A_1268 = vector.broadcast %and3A_1267 : i32 to vector<16xi32>
          %and3A_1269 = arith.andi %add3A_1266, %and3A_1268 : vector<16xi32>
          %gather3A_1270 = tpu.vector_load_idx %arg11[%add3A_906, %and3A_1269] : memref<128x64xf32, #tpu.memory_space<vmem>>[vector<16xi32>, vector<16xi32>], vector<16xf32>,
          %gather3A_1271 = tpu.vector_load_idx %arg13[%add3A_906, %and3A_1269] : memref<128x64xf32, #tpu.memory_space<vmem>>[vector<16xi32>, vector<16xi32>], vector<16xf32>,
          %mul3A_1272 = arith.mulf %gather3A_1270, %gather3A_1271 : vector<16xf32>
          %add3A_1273 = arith.addf %add3A_1233, %mul3A_1272 : vector<16xf32>
          %add3A_1274 = arith.constant 36 : i32
          %add3A_1275 = vector.broadcast %add3A_1274 : i32 to vector<16xi32>
          %add3A_1276 = arith.addi %iota3A, %add3A_1275 : vector<16xi32>
          %and3A_1277 = arith.constant 63 : i32
          %and3A_1278 = vector.broadcast %and3A_1277 : i32 to vector<16xi32>
          %and3A_1279 = arith.andi %add3A_1276, %and3A_1278 : vector<16xi32>
          %gather3A_1280 = tpu.vector_load_idx %arg11[%add3A_906, %and3A_1279] : memref<128x64xf32, #tpu.memory_space<vmem>>[vector<16xi32>, vector<16xi32>], vector<16xf32>,
          %gather3A_1281 = tpu.vector_load_idx %arg13[%add3A_906, %and3A_1279] : memref<128x64xf32, #tpu.memory_space<vmem>>[vector<16xi32>, vector<16xi32>], vector<16xf32>,
          %mul3A_1282 = arith.mulf %gather3A_1280, %gather3A_1281 : vector<16xf32>
          %add3A_1283 = arith.addf %add3A_1243, %mul3A_1282 : vector<16xf32>
          %add3A_1284 = arith.constant 37 : i32
          %add3A_1285 = vector.broadcast %add3A_1284 : i32 to vector<16xi32>
          %add3A_1286 = arith.addi %iota3A, %add3A_1285 : vector<16xi32>
          %and3A_1287 = arith.constant 63 : i32
          %and3A_1288 = vector.broadcast %and3A_1287 : i32 to vector<16xi32>
          %and3A_1289 = arith.andi %add3A_1286, %and3A_1288 : vector<16xi32>
          %gather3A_1290 = tpu.vector_load_idx %arg11[%add3A_906, %and3A_1289] : memref<128x64xf32, #tpu.memory_space<vmem>>[vector<16xi32>, vector<16xi32>], vector<16xf32>,
          %gather3A_1291 = tpu.vector_load_idx %arg13[%add3A_906, %and3A_1289] : memref<128x64xf32, #tpu.memory_space<vmem>>[vector<16xi32>, vector<16xi32>], vector<16xf32>,
          %mul3A_1292 = arith.mulf %gather3A_1290, %gather3A_1291 : vector<16xf32>
          %add3A_1293 = arith.addf %add3A_1253, %mul3A_1292 : vector<16xf32>
          %add3A_1294 = arith.constant 38 : i32
          %add3A_1295 = vector.broadcast %add3A_1294 : i32 to vector<16xi32>
          %add3A_1296 = arith.addi %iota3A, %add3A_1295 : vector<16xi32>
          %and3A_1297 = arith.constant 63 : i32
          %and3A_1298 = vector.broadcast %and3A_1297 : i32 to vector<16xi32>
          %and3A_1299 = arith.andi %add3A_1296, %and3A_1298 : vector<16xi32>
          %gather3A_1300 = tpu.vector_load_idx %arg11[%add3A_906, %and3A_1299] : memref<128x64xf32, #tpu.memory_space<vmem>>[vector<16xi32>, vector<16xi32>], vector<16xf32>,
          %gather3A_1301 = tpu.vector_load_idx %arg13[%add3A_906, %and3A_1299] : memref<128x64xf32, #tpu.memory_space<vmem>>[vector<16xi32>, vector<16xi32>], vector<16xf32>,
          %mul3A_1302 = arith.mulf %gather3A_1300, %gather3A_1301 : vector<16xf32>
          %add3A_1303 = arith.addf %add3A_1263, %mul3A_1302 : vector<16xf32>
          %add3A_1304 = arith.constant 39 : i32
          %add3A_1305 = vector.broadcast %add3A_1304 : i32 to vector<16xi32>
          %add3A_1306 = arith.addi %iota3A, %add3A_1305 : vector<16xi32>
          %and3A_1307 = arith.constant 63 : i32
          %and3A_1308 = vector.broadcast %and3A_1307 : i32 to vector<16xi32>
          %and3A_1309 = arith.andi %add3A_1306, %and3A_1308 : vector<16xi32>
          %gather3A_1310 = tpu.vector_load_idx %arg11[%add3A_906, %and3A_1309] : memref<128x64xf32, #tpu.memory_space<vmem>>[vector<16xi32>, vector<16xi32>], vector<16xf32>,
          %gather3A_1311 = tpu.vector_load_idx %arg13[%add3A_906, %and3A_1309] : memref<128x64xf32, #tpu.memory_space<vmem>>[vector<16xi32>, vector<16xi32>], vector<16xf32>,
          %mul3A_1312 = arith.mulf %gather3A_1310, %gather3A_1311 : vector<16xf32>
          %add3A_1313 = arith.addf %add3A_1273, %mul3A_1312 : vector<16xf32>
          %add3A_1314 = arith.constant 40 : i32
          %add3A_1315 = vector.broadcast %add3A_1314 : i32 to vector<16xi32>
          %add3A_1316 = arith.addi %iota3A, %add3A_1315 : vector<16xi32>
          %and3A_1317 = arith.constant 63 : i32
          %and3A_1318 = vector.broadcast %and3A_1317 : i32 to vector<16xi32>
          %and3A_1319 = arith.andi %add3A_1316, %and3A_1318 : vector<16xi32>
          %gather3A_1320 = tpu.vector_load_idx %arg11[%add3A_906, %and3A_1319] : memref<128x64xf32, #tpu.memory_space<vmem>>[vector<16xi32>, vector<16xi32>], vector<16xf32>,
          %gather3A_1321 = tpu.vector_load_idx %arg13[%add3A_906, %and3A_1319] : memref<128x64xf32, #tpu.memory_space<vmem>>[vector<16xi32>, vector<16xi32>], vector<16xf32>,
          %mul3A_1322 = arith.mulf %gather3A_1320, %gather3A_1321 : vector<16xf32>
          %add3A_1323 = arith.addf %add3A_1283, %mul3A_1322 : vector<16xf32>
          %add3A_1324 = arith.constant 41 : i32
          %add3A_1325 = vector.broadcast %add3A_1324 : i32 to vector<16xi32>
          %add3A_1326 = arith.addi %iota3A, %add3A_1325 : vector<16xi32>
          %and3A_1327 = arith.constant 63 : i32
          %and3A_1328 = vector.broadcast %and3A_1327 : i32 to vector<16xi32>
          %and3A_1329 = arith.andi %add3A_1326, %and3A_1328 : vector<16xi32>
          %gather3A_1330 = tpu.vector_load_idx %arg11[%add3A_906, %and3A_1329] : memref<128x64xf32, #tpu.memory_space<vmem>>[vector<16xi32>, vector<16xi32>], vector<16xf32>,
          %gather3A_1331 = tpu.vector_load_idx %arg13[%add3A_906, %and3A_1329] : memref<128x64xf32, #tpu.memory_space<vmem>>[vector<16xi32>, vector<16xi32>], vector<16xf32>,
          %mul3A_1332 = arith.mulf %gather3A_1330, %gather3A_1331 : vector<16xf32>
          %add3A_1333 = arith.addf %add3A_1293, %mul3A_1332 : vector<16xf32>
          %add3A_1334 = arith.constant 42 : i32
          %add3A_1335 = vector.broadcast %add3A_1334 : i32 to vector<16xi32>
          %add3A_1336 = arith.addi %iota3A, %add3A_1335 : vector<16xi32>
          %and3A_1337 = arith.constant 63 : i32
          %and3A_1338 = vector.broadcast %and3A_1337 : i32 to vector<16xi32>
          %and3A_1339 = arith.andi %add3A_1336, %and3A_1338 : vector<16xi32>
          %gather3A_1340 = tpu.vector_load_idx %arg11[%add3A_906, %and3A_1339] : memref<128x64xf32, #tpu.memory_space<vmem>>[vector<16xi32>, vector<16xi32>], vector<16xf32>,
          %gather3A_1341 = tpu.vector_load_idx %arg13[%add3A_906, %and3A_1339] : memref<128x64xf32, #tpu.memory_space<vmem>>[vector<16xi32>, vector<16xi32>], vector<16xf32>,
          %mul3A_1342 = arith.mulf %gather3A_1340, %gather3A_1341 : vector<16xf32>
          %add3A_1343 = arith.addf %add3A_1303, %mul3A_1342 : vector<16xf32>
          %add3A_1344 = arith.constant 43 : i32
          %add3A_1345 = vector.broadcast %add3A_1344 : i32 to vector<16xi32>
          %add3A_1346 = arith.addi %iota3A, %add3A_1345 : vector<16xi32>
          %and3A_1347 = arith.constant 63 : i32
          %and3A_1348 = vector.broadcast %and3A_1347 : i32 to vector<16xi32>
          %and3A_1349 = arith.andi %add3A_1346, %and3A_1348 : vector<16xi32>
          %gather3A_1350 = tpu.vector_load_idx %arg11[%add3A_906, %and3A_1349] : memref<128x64xf32, #tpu.memory_space<vmem>>[vector<16xi32>, vector<16xi32>], vector<16xf32>,
          %gather3A_1351 = tpu.vector_load_idx %arg13[%add3A_906, %and3A_1349] : memref<128x64xf32, #tpu.memory_space<vmem>>[vector<16xi32>, vector<16xi32>], vector<16xf32>,
          %mul3A_1352 = arith.mulf %gather3A_1350, %gather3A_1351 : vector<16xf32>
          %add3A_1353 = arith.addf %add3A_1313, %mul3A_1352 : vector<16xf32>
          %add3A_1354 = arith.constant 44 : i32
          %add3A_1355 = vector.broadcast %add3A_1354 : i32 to vector<16xi32>
          %add3A_1356 = arith.addi %iota3A, %add3A_1355 : vector<16xi32>
          %and3A_1357 = arith.constant 63 : i32
          %and3A_1358 = vector.broadcast %and3A_1357 : i32 to vector<16xi32>
          %and3A_1359 = arith.andi %add3A_1356, %and3A_1358 : vector<16xi32>
          %gather3A_1360 = tpu.vector_load_idx %arg11[%add3A_906, %and3A_1359] : memref<128x64xf32, #tpu.memory_space<vmem>>[vector<16xi32>, vector<16xi32>], vector<16xf32>,
          %gather3A_1361 = tpu.vector_load_idx %arg13[%add3A_906, %and3A_1359] : memref<128x64xf32, #tpu.memory_space<vmem>>[vector<16xi32>, vector<16xi32>], vector<16xf32>,
          %mul3A_1362 = arith.mulf %gather3A_1360, %gather3A_1361 : vector<16xf32>
          %add3A_1363 = arith.addf %add3A_1323, %mul3A_1362 : vector<16xf32>
          %add3A_1364 = arith.constant 45 : i32
          %add3A_1365 = vector.broadcast %add3A_1364 : i32 to vector<16xi32>
          %add3A_1366 = arith.addi %iota3A, %add3A_1365 : vector<16xi32>
          %and3A_1367 = arith.constant 63 : i32
          %and3A_1368 = vector.broadcast %and3A_1367 : i32 to vector<16xi32>
          %and3A_1369 = arith.andi %add3A_1366, %and3A_1368 : vector<16xi32>
          %gather3A_1370 = tpu.vector_load_idx %arg11[%add3A_906, %and3A_1369] : memref<128x64xf32, #tpu.memory_space<vmem>>[vector<16xi32>, vector<16xi32>], vector<16xf32>,
          %gather3A_1371 = tpu.vector_load_idx %arg13[%add3A_906, %and3A_1369] : memref<128x64xf32, #tpu.memory_space<vmem>>[vector<16xi32>, vector<16xi32>], vector<16xf32>,
          %mul3A_1372 = arith.mulf %gather3A_1370, %gather3A_1371 : vector<16xf32>
          %add3A_1373 = arith.addf %add3A_1333, %mul3A_1372 : vector<16xf32>
          %add3A_1374 = arith.constant 46 : i32
          %add3A_1375 = vector.broadcast %add3A_1374 : i32 to vector<16xi32>
          %add3A_1376 = arith.addi %iota3A, %add3A_1375 : vector<16xi32>
          %and3A_1377 = arith.constant 63 : i32
          %and3A_1378 = vector.broadcast %and3A_1377 : i32 to vector<16xi32>
          %and3A_1379 = arith.andi %add3A_1376, %and3A_1378 : vector<16xi32>
          %gather3A_1380 = tpu.vector_load_idx %arg11[%add3A_906, %and3A_1379] : memref<128x64xf32, #tpu.memory_space<vmem>>[vector<16xi32>, vector<16xi32>], vector<16xf32>,
          %gather3A_1381 = tpu.vector_load_idx %arg13[%add3A_906, %and3A_1379] : memref<128x64xf32, #tpu.memory_space<vmem>>[vector<16xi32>, vector<16xi32>], vector<16xf32>,
          %mul3A_1382 = arith.mulf %gather3A_1380, %gather3A_1381 : vector<16xf32>
          %add3A_1383 = arith.addf %add3A_1343, %mul3A_1382 : vector<16xf32>
          %add3A_1384 = arith.constant 47 : i32
          %add3A_1385 = vector.broadcast %add3A_1384 : i32 to vector<16xi32>
          %add3A_1386 = arith.addi %iota3A, %add3A_1385 : vector<16xi32>
          %and3A_1387 = arith.constant 63 : i32
          %and3A_1388 = vector.broadcast %and3A_1387 : i32 to vector<16xi32>
          %and3A_1389 = arith.andi %add3A_1386, %and3A_1388 : vector<16xi32>
          %gather3A_1390 = tpu.vector_load_idx %arg11[%add3A_906, %and3A_1389] : memref<128x64xf32, #tpu.memory_space<vmem>>[vector<16xi32>, vector<16xi32>], vector<16xf32>,
          %gather3A_1391 = tpu.vector_load_idx %arg13[%add3A_906, %and3A_1389] : memref<128x64xf32, #tpu.memory_space<vmem>>[vector<16xi32>, vector<16xi32>], vector<16xf32>,
          %mul3A_1392 = arith.mulf %gather3A_1390, %gather3A_1391 : vector<16xf32>
          %add3A_1393 = arith.addf %add3A_1353, %mul3A_1392 : vector<16xf32>
          %add3A_1394 = arith.constant 48 : i32
          %add3A_1395 = vector.broadcast %add3A_1394 : i32 to vector<16xi32>
          %add3A_1396 = arith.addi %iota3A, %add3A_1395 : vector<16xi32>
          %and3A_1397 = arith.constant 63 : i32
          %and3A_1398 = vector.broadcast %and3A_1397 : i32 to vector<16xi32>
          %and3A_1399 = arith.andi %add3A_1396, %and3A_1398 : vector<16xi32>
          %gather3A_1400 = tpu.vector_load_idx %arg11[%add3A_906, %and3A_1399] : memref<128x64xf32, #tpu.memory_space<vmem>>[vector<16xi32>, vector<16xi32>], vector<16xf32>,
          %gather3A_1401 = tpu.vector_load_idx %arg13[%add3A_906, %and3A_1399] : memref<128x64xf32, #tpu.memory_space<vmem>>[vector<16xi32>, vector<16xi32>], vector<16xf32>,
          %mul3A_1402 = arith.mulf %gather3A_1400, %gather3A_1401 : vector<16xf32>
          %add3A_1403 = arith.addf %add3A_1363, %mul3A_1402 : vector<16xf32>
          %add3A_1404 = arith.constant 49 : i32
          %add3A_1405 = vector.broadcast %add3A_1404 : i32 to vector<16xi32>
          %add3A_1406 = arith.addi %iota3A, %add3A_1405 : vector<16xi32>
          %and3A_1407 = arith.constant 63 : i32
          %and3A_1408 = vector.broadcast %and3A_1407 : i32 to vector<16xi32>
          %and3A_1409 = arith.andi %add3A_1406, %and3A_1408 : vector<16xi32>
          %gather3A_1410 = tpu.vector_load_idx %arg11[%add3A_906, %and3A_1409] : memref<128x64xf32, #tpu.memory_space<vmem>>[vector<16xi32>, vector<16xi32>], vector<16xf32>,
          %gather3A_1411 = tpu.vector_load_idx %arg13[%add3A_906, %and3A_1409] : memref<128x64xf32, #tpu.memory_space<vmem>>[vector<16xi32>, vector<16xi32>], vector<16xf32>,
          %mul3A_1412 = arith.mulf %gather3A_1410, %gather3A_1411 : vector<16xf32>
          %add3A_1413 = arith.addf %add3A_1373, %mul3A_1412 : vector<16xf32>
          %add3A_1414 = arith.constant 50 : i32
          %add3A_1415 = vector.broadcast %add3A_1414 : i32 to vector<16xi32>
          %add3A_1416 = arith.addi %iota3A, %add3A_1415 : vector<16xi32>
          %and3A_1417 = arith.constant 63 : i32
          %and3A_1418 = vector.broadcast %and3A_1417 : i32 to vector<16xi32>
          %and3A_1419 = arith.andi %add3A_1416, %and3A_1418 : vector<16xi32>
          %gather3A_1420 = tpu.vector_load_idx %arg11[%add3A_906, %and3A_1419] : memref<128x64xf32, #tpu.memory_space<vmem>>[vector<16xi32>, vector<16xi32>], vector<16xf32>,
          %gather3A_1421 = tpu.vector_load_idx %arg13[%add3A_906, %and3A_1419] : memref<128x64xf32, #tpu.memory_space<vmem>>[vector<16xi32>, vector<16xi32>], vector<16xf32>,
          %mul3A_1422 = arith.mulf %gather3A_1420, %gather3A_1421 : vector<16xf32>
          %add3A_1423 = arith.addf %add3A_1383, %mul3A_1422 : vector<16xf32>
          %add3A_1424 = arith.constant 51 : i32
          %add3A_1425 = vector.broadcast %add3A_1424 : i32 to vector<16xi32>
          %add3A_1426 = arith.addi %iota3A, %add3A_1425 : vector<16xi32>
          %and3A_1427 = arith.constant 63 : i32
          %and3A_1428 = vector.broadcast %and3A_1427 : i32 to vector<16xi32>
          %and3A_1429 = arith.andi %add3A_1426, %and3A_1428 : vector<16xi32>
          %gather3A_1430 = tpu.vector_load_idx %arg11[%add3A_906, %and3A_1429] : memref<128x64xf32, #tpu.memory_space<vmem>>[vector<16xi32>, vector<16xi32>], vector<16xf32>,
          %gather3A_1431 = tpu.vector_load_idx %arg13[%add3A_906, %and3A_1429] : memref<128x64xf32, #tpu.memory_space<vmem>>[vector<16xi32>, vector<16xi32>], vector<16xf32>,
          %mul3A_1432 = arith.mulf %gather3A_1430, %gather3A_1431 : vector<16xf32>
          %add3A_1433 = arith.addf %add3A_1393, %mul3A_1432 : vector<16xf32>
          %add3A_1434 = arith.constant 52 : i32
          %add3A_1435 = vector.broadcast %add3A_1434 : i32 to vector<16xi32>
          %add3A_1436 = arith.addi %iota3A, %add3A_1435 : vector<16xi32>
          %and3A_1437 = arith.constant 63 : i32
          %and3A_1438 = vector.broadcast %and3A_1437 : i32 to vector<16xi32>
          %and3A_1439 = arith.andi %add3A_1436, %and3A_1438 : vector<16xi32>
          %gather3A_1440 = tpu.vector_load_idx %arg11[%add3A_906, %and3A_1439] : memref<128x64xf32, #tpu.memory_space<vmem>>[vector<16xi32>, vector<16xi32>], vector<16xf32>,
          %gather3A_1441 = tpu.vector_load_idx %arg13[%add3A_906, %and3A_1439] : memref<128x64xf32, #tpu.memory_space<vmem>>[vector<16xi32>, vector<16xi32>], vector<16xf32>,
          %mul3A_1442 = arith.mulf %gather3A_1440, %gather3A_1441 : vector<16xf32>
          %add3A_1443 = arith.addf %add3A_1403, %mul3A_1442 : vector<16xf32>
          %add3A_1444 = arith.constant 53 : i32
          %add3A_1445 = vector.broadcast %add3A_1444 : i32 to vector<16xi32>
          %add3A_1446 = arith.addi %iota3A, %add3A_1445 : vector<16xi32>
          %and3A_1447 = arith.constant 63 : i32
          %and3A_1448 = vector.broadcast %and3A_1447 : i32 to vector<16xi32>
          %and3A_1449 = arith.andi %add3A_1446, %and3A_1448 : vector<16xi32>
          %gather3A_1450 = tpu.vector_load_idx %arg11[%add3A_906, %and3A_1449] : memref<128x64xf32, #tpu.memory_space<vmem>>[vector<16xi32>, vector<16xi32>], vector<16xf32>,
          %gather3A_1451 = tpu.vector_load_idx %arg13[%add3A_906, %and3A_1449] : memref<128x64xf32, #tpu.memory_space<vmem>>[vector<16xi32>, vector<16xi32>], vector<16xf32>,
          %mul3A_1452 = arith.mulf %gather3A_1450, %gather3A_1451 : vector<16xf32>
          %add3A_1453 = arith.addf %add3A_1413, %mul3A_1452 : vector<16xf32>
          %add3A_1454 = arith.constant 54 : i32
          %add3A_1455 = vector.broadcast %add3A_1454 : i32 to vector<16xi32>
          %add3A_1456 = arith.addi %iota3A, %add3A_1455 : vector<16xi32>
          %and3A_1457 = arith.constant 63 : i32
          %and3A_1458 = vector.broadcast %and3A_1457 : i32 to vector<16xi32>
          %and3A_1459 = arith.andi %add3A_1456, %and3A_1458 : vector<16xi32>
          %gather3A_1460 = tpu.vector_load_idx %arg11[%add3A_906, %and3A_1459] : memref<128x64xf32, #tpu.memory_space<vmem>>[vector<16xi32>, vector<16xi32>], vector<16xf32>,
          %gather3A_1461 = tpu.vector_load_idx %arg13[%add3A_906, %and3A_1459] : memref<128x64xf32, #tpu.memory_space<vmem>>[vector<16xi32>, vector<16xi32>], vector<16xf32>,
          %mul3A_1462 = arith.mulf %gather3A_1460, %gather3A_1461 : vector<16xf32>
          %add3A_1463 = arith.addf %add3A_1423, %mul3A_1462 : vector<16xf32>
          %add3A_1464 = arith.constant 55 : i32
          %add3A_1465 = vector.broadcast %add3A_1464 : i32 to vector<16xi32>
          %add3A_1466 = arith.addi %iota3A, %add3A_1465 : vector<16xi32>
          %and3A_1467 = arith.constant 63 : i32
          %and3A_1468 = vector.broadcast %and3A_1467 : i32 to vector<16xi32>
          %and3A_1469 = arith.andi %add3A_1466, %and3A_1468 : vector<16xi32>
          %gather3A_1470 = tpu.vector_load_idx %arg11[%add3A_906, %and3A_1469] : memref<128x64xf32, #tpu.memory_space<vmem>>[vector<16xi32>, vector<16xi32>], vector<16xf32>,
          %gather3A_1471 = tpu.vector_load_idx %arg13[%add3A_906, %and3A_1469] : memref<128x64xf32, #tpu.memory_space<vmem>>[vector<16xi32>, vector<16xi32>], vector<16xf32>,
          %mul3A_1472 = arith.mulf %gather3A_1470, %gather3A_1471 : vector<16xf32>
          %add3A_1473 = arith.addf %add3A_1433, %mul3A_1472 : vector<16xf32>
          %add3A_1474 = arith.constant 56 : i32
          %add3A_1475 = vector.broadcast %add3A_1474 : i32 to vector<16xi32>
          %add3A_1476 = arith.addi %iota3A, %add3A_1475 : vector<16xi32>
          %and3A_1477 = arith.constant 63 : i32
          %and3A_1478 = vector.broadcast %and3A_1477 : i32 to vector<16xi32>
          %and3A_1479 = arith.andi %add3A_1476, %and3A_1478 : vector<16xi32>
          %gather3A_1480 = tpu.vector_load_idx %arg11[%add3A_906, %and3A_1479] : memref<128x64xf32, #tpu.memory_space<vmem>>[vector<16xi32>, vector<16xi32>], vector<16xf32>,
          %gather3A_1481 = tpu.vector_load_idx %arg13[%add3A_906, %and3A_1479] : memref<128x64xf32, #tpu.memory_space<vmem>>[vector<16xi32>, vector<16xi32>], vector<16xf32>,
          %mul3A_1482 = arith.mulf %gather3A_1480, %gather3A_1481 : vector<16xf32>
          %add3A_1483 = arith.addf %add3A_1443, %mul3A_1482 : vector<16xf32>
          %add3A_1484 = arith.constant 57 : i32
          %add3A_1485 = vector.broadcast %add3A_1484 : i32 to vector<16xi32>
          %add3A_1486 = arith.addi %iota3A, %add3A_1485 : vector<16xi32>
          %and3A_1487 = arith.constant 63 : i32
          %and3A_1488 = vector.broadcast %and3A_1487 : i32 to vector<16xi32>
          %and3A_1489 = arith.andi %add3A_1486, %and3A_1488 : vector<16xi32>
          %gather3A_1490 = tpu.vector_load_idx %arg11[%add3A_906, %and3A_1489] : memref<128x64xf32, #tpu.memory_space<vmem>>[vector<16xi32>, vector<16xi32>], vector<16xf32>,
          %gather3A_1491 = tpu.vector_load_idx %arg13[%add3A_906, %and3A_1489] : memref<128x64xf32, #tpu.memory_space<vmem>>[vector<16xi32>, vector<16xi32>], vector<16xf32>,
          %mul3A_1492 = arith.mulf %gather3A_1490, %gather3A_1491 : vector<16xf32>
          %add3A_1493 = arith.addf %add3A_1453, %mul3A_1492 : vector<16xf32>
          %add3A_1494 = arith.constant 58 : i32
          %add3A_1495 = vector.broadcast %add3A_1494 : i32 to vector<16xi32>
          %add3A_1496 = arith.addi %iota3A, %add3A_1495 : vector<16xi32>
          %and3A_1497 = arith.constant 63 : i32
          %and3A_1498 = vector.broadcast %and3A_1497 : i32 to vector<16xi32>
          %and3A_1499 = arith.andi %add3A_1496, %and3A_1498 : vector<16xi32>
          %gather3A_1500 = tpu.vector_load_idx %arg11[%add3A_906, %and3A_1499] : memref<128x64xf32, #tpu.memory_space<vmem>>[vector<16xi32>, vector<16xi32>], vector<16xf32>,
          %gather3A_1501 = tpu.vector_load_idx %arg13[%add3A_906, %and3A_1499] : memref<128x64xf32, #tpu.memory_space<vmem>>[vector<16xi32>, vector<16xi32>], vector<16xf32>,
          %mul3A_1502 = arith.mulf %gather3A_1500, %gather3A_1501 : vector<16xf32>
          %add3A_1503 = arith.addf %add3A_1463, %mul3A_1502 : vector<16xf32>
          %add3A_1504 = arith.constant 59 : i32
          %add3A_1505 = vector.broadcast %add3A_1504 : i32 to vector<16xi32>
          %add3A_1506 = arith.addi %iota3A, %add3A_1505 : vector<16xi32>
          %and3A_1507 = arith.constant 63 : i32
          %and3A_1508 = vector.broadcast %and3A_1507 : i32 to vector<16xi32>
          %and3A_1509 = arith.andi %add3A_1506, %and3A_1508 : vector<16xi32>
          %gather3A_1510 = tpu.vector_load_idx %arg11[%add3A_906, %and3A_1509] : memref<128x64xf32, #tpu.memory_space<vmem>>[vector<16xi32>, vector<16xi32>], vector<16xf32>,
          %gather3A_1511 = tpu.vector_load_idx %arg13[%add3A_906, %and3A_1509] : memref<128x64xf32, #tpu.memory_space<vmem>>[vector<16xi32>, vector<16xi32>], vector<16xf32>,
          %mul3A_1512 = arith.mulf %gather3A_1510, %gather3A_1511 : vector<16xf32>
          %add3A_1513 = arith.addf %add3A_1473, %mul3A_1512 : vector<16xf32>
          %add3A_1514 = arith.constant 60 : i32
          %add3A_1515 = vector.broadcast %add3A_1514 : i32 to vector<16xi32>
          %add3A_1516 = arith.addi %iota3A, %add3A_1515 : vector<16xi32>
          %and3A_1517 = arith.constant 63 : i32
          %and3A_1518 = vector.broadcast %and3A_1517 : i32 to vector<16xi32>
          %and3A_1519 = arith.andi %add3A_1516, %and3A_1518 : vector<16xi32>
          %gather3A_1520 = tpu.vector_load_idx %arg11[%add3A_906, %and3A_1519] : memref<128x64xf32, #tpu.memory_space<vmem>>[vector<16xi32>, vector<16xi32>], vector<16xf32>,
          %gather3A_1521 = tpu.vector_load_idx %arg13[%add3A_906, %and3A_1519] : memref<128x64xf32, #tpu.memory_space<vmem>>[vector<16xi32>, vector<16xi32>], vector<16xf32>,
          %mul3A_1522 = arith.mulf %gather3A_1520, %gather3A_1521 : vector<16xf32>
          %add3A_1523 = arith.addf %add3A_1483, %mul3A_1522 : vector<16xf32>
          %add3A_1524 = arith.constant 61 : i32
          %add3A_1525 = vector.broadcast %add3A_1524 : i32 to vector<16xi32>
          %add3A_1526 = arith.addi %iota3A, %add3A_1525 : vector<16xi32>
          %and3A_1527 = arith.constant 63 : i32
          %and3A_1528 = vector.broadcast %and3A_1527 : i32 to vector<16xi32>
          %and3A_1529 = arith.andi %add3A_1526, %and3A_1528 : vector<16xi32>
          %gather3A_1530 = tpu.vector_load_idx %arg11[%add3A_906, %and3A_1529] : memref<128x64xf32, #tpu.memory_space<vmem>>[vector<16xi32>, vector<16xi32>], vector<16xf32>,
          %gather3A_1531 = tpu.vector_load_idx %arg13[%add3A_906, %and3A_1529] : memref<128x64xf32, #tpu.memory_space<vmem>>[vector<16xi32>, vector<16xi32>], vector<16xf32>,
          %mul3A_1532 = arith.mulf %gather3A_1530, %gather3A_1531 : vector<16xf32>
          %add3A_1533 = arith.addf %add3A_1493, %mul3A_1532 : vector<16xf32>
          %add3A_1534 = arith.constant 62 : i32
          %add3A_1535 = vector.broadcast %add3A_1534 : i32 to vector<16xi32>
          %add3A_1536 = arith.addi %iota3A, %add3A_1535 : vector<16xi32>
          %and3A_1537 = arith.constant 63 : i32
          %and3A_1538 = vector.broadcast %and3A_1537 : i32 to vector<16xi32>
          %and3A_1539 = arith.andi %add3A_1536, %and3A_1538 : vector<16xi32>
          %gather3A_1540 = tpu.vector_load_idx %arg11[%add3A_906, %and3A_1539] : memref<128x64xf32, #tpu.memory_space<vmem>>[vector<16xi32>, vector<16xi32>], vector<16xf32>,
          %gather3A_1541 = tpu.vector_load_idx %arg13[%add3A_906, %and3A_1539] : memref<128x64xf32, #tpu.memory_space<vmem>>[vector<16xi32>, vector<16xi32>], vector<16xf32>,
          %mul3A_1542 = arith.mulf %gather3A_1540, %gather3A_1541 : vector<16xf32>
          %add3A_1543 = arith.addf %add3A_1503, %mul3A_1542 : vector<16xf32>
          %add3A_1544 = arith.constant 63 : i32
          %add3A_1545 = vector.broadcast %add3A_1544 : i32 to vector<16xi32>
          %add3A_1546 = arith.addi %iota3A, %add3A_1545 : vector<16xi32>
          %and3A_1547 = arith.constant 63 : i32
          %and3A_1548 = vector.broadcast %and3A_1547 : i32 to vector<16xi32>
          %and3A_1549 = arith.andi %add3A_1546, %and3A_1548 : vector<16xi32>
          %gather3A_1550 = tpu.vector_load_idx %arg11[%add3A_906, %and3A_1549] : memref<128x64xf32, #tpu.memory_space<vmem>>[vector<16xi32>, vector<16xi32>], vector<16xf32>,
          %gather3A_1551 = tpu.vector_load_idx %arg13[%add3A_906, %and3A_1549] : memref<128x64xf32, #tpu.memory_space<vmem>>[vector<16xi32>, vector<16xi32>], vector<16xf32>,
          %mul3A_1552 = arith.mulf %gather3A_1550, %gather3A_1551 : vector<16xf32>
          %add3A_1553 = arith.addf %add3A_1513, %mul3A_1552 : vector<16xf32>
          %add3A_1554 = arith.addf %add3A_1523, %add3A_1533 : vector<16xf32>
          %add3A_1555 = arith.addf %add3A_1543, %add3A_1553 : vector<16xf32>
          %add3A_1556 = arith.addf %add3A_1554, %add3A_1555 : vector<16xf32>
          %mul3A_1557 = arith.constant 128 : i32
          %mul3A_1558 = arith.muli %add3A_861, %mul3A_1557 : i32
          %add3A_1559 = arith.addi %mul3A_1558, %mul3A_904 : i32
          %get3A_1560 = arith.index_cast %add3A_1559 : i32 to index
          %get3A_1561 = tpu.vector_load %arg15[%get3A_1560] {strides = array<i32>} : memref<2048xf32, #tpu.memory_space<vmem>>, vector<16xf32>,
          %get3A_1562 = arith.index_cast %add3A_1559 : i32 to index
          %get3A_1563 = tpu.vector_load %arg14[%get3A_1562] {strides = array<i32>} : memref<2048xf32, #tpu.memory_space<vmem>>, vector<16xf32>,
          %add3A_1564 = vector.broadcast %mul3A_868 : i32 to vector<16xi32>
          %add3A_1565 = arith.addi %add3A_1564, %add3A_906 : vector<16xi32>
          %lt3A_1566 = vector.broadcast %reduce_max3A_881 : i32 to vector<16xi32>
          %lt3A_1567 = arith.cmpi slt, %add3A_1565, %lt3A_1566 : vector<16xi32>
          %jit3A_1568 = arith.constant 0.000000e+00 : f32
          %broadcast_in_dim3A_1569 = vector.broadcast %jit3A_1568 : f32 to vector<16xf32>
          %select_n3A_1570 = arith.select %lt3A_1567, %get3A_1563, %broadcast_in_dim3A_1569 : vector<16xi1>, vector<16xf32>
          %get3A_1571 = arith.constant 0 : index
          %get3A_1572 = tpu.vector_load %arg16[%get3A_1571] {strides = array<i32>} : memref<16xf32, #tpu.memory_space<vmem>>, vector<16xf32>,
          %mul3A_1573 = arith.constant 2.000000e+01 : f32
          %mul3A_1574 = vector.broadcast %mul3A_1573 : f32 to vector<16xf32>
          %mul3A_1575 = arith.mulf %add3A_1556, %mul3A_1574 : vector<16xf32>
          %abs3A = math.absf %mul3A_1575 : vector<16xf32>
          %neg3A = arith.constant 0.000000e+00 : f32
          %neg3A_1576 = vector.broadcast %neg3A : f32 to vector<16xf32>
          %neg3A_1577 = arith.subf %neg3A_1576, %abs3A : vector<16xf32>
          %exp3A = math.exp %neg3A_1577 : vector<16xf32>
          %add3A_1578 = arith.constant 2.000000e+00 : f32
          %add3A_1579 = vector.broadcast %add3A_1578 : f32 to vector<16xf32>
          %add3A_1580 = arith.addf %exp3A, %add3A_1579 : vector<16xf32>
          %div3A = arith.divf %exp3A, %add3A_1580 : vector<16xf32>
          %mul3A_1581 = arith.mulf %div3A, %div3A : vector<16xf32>
          %mul3A_1582 = arith.constant 2.000000e+00 : f32
          %mul3A_1583 = vector.broadcast %mul3A_1582 : f32 to vector<16xf32>
          %mul3A_1584 = arith.mulf %mul3A_1583, %div3A : vector<16xf32>
          %mul3A_1585 = arith.constant 0.111111112 : f32
          %mul3A_1586 = vector.broadcast %mul3A_1585 : f32 to vector<16xf32>
          %mul3A_1587 = arith.mulf %mul3A_1581, %mul3A_1586 : vector<16xf32>
          %add3A_1588 = arith.constant 0.142857149 : f32
          %add3A_1589 = vector.broadcast %add3A_1588 : f32 to vector<16xf32>
          %add3A_1590 = arith.addf %add3A_1589, %mul3A_1587 : vector<16xf32>
          %mul3A_1591 = arith.mulf %mul3A_1581, %add3A_1590 : vector<16xf32>
          %add3A_1592 = arith.constant 2.000000e-01 : f32
          %add3A_1593 = vector.broadcast %add3A_1592 : f32 to vector<16xf32>
          %add3A_1594 = arith.addf %add3A_1593, %mul3A_1591 : vector<16xf32>
          %mul3A_1595 = arith.mulf %mul3A_1581, %add3A_1594 : vector<16xf32>
          %add3A_1596 = arith.constant 0.333333343 : f32
          %add3A_1597 = vector.broadcast %add3A_1596 : f32 to vector<16xf32>
          %add3A_1598 = arith.addf %add3A_1597, %mul3A_1595 : vector<16xf32>
          %mul3A_1599 = arith.mulf %mul3A_1581, %add3A_1598 : vector<16xf32>
          %add3A_1600 = arith.constant 1.000000e+00 : f32
          %add3A_1601 = vector.broadcast %add3A_1600 : f32 to vector<16xf32>
          %add3A_1602 = arith.addf %add3A_1601, %mul3A_1599 : vector<16xf32>
          %mul3A_1603 = arith.mulf %mul3A_1584, %add3A_1602 : vector<16xf32>
          %max3A = arith.constant 0.000000e+00 : f32
          %max3A_1604 = vector.broadcast %max3A : f32 to vector<16xf32>
          %max3A_1605 = arith.maximumf %mul3A_1575, %max3A_1604 : vector<16xf32>
          %mul3A_1606 = arith.mulf %mul3A_1575, %get3A_1561 : vector<16xf32>
          %sub3A = arith.subf %max3A_1605, %mul3A_1606 : vector<16xf32>
          %add3A_1607 = arith.addf %sub3A, %mul3A_1603 : vector<16xf32>
          %mul3A_1608 = arith.mulf %add3A_1607, %select_n3A_1570 : vector<16xf32>
          %add3A_1609 = arith.addf %get3A_1572, %mul3A_1608 : vector<16xf32>
          %swap3A_1610 = arith.constant 0 : index
          %swap3A_1611 = tpu.vector_load %arg16[%swap3A_1610] {strides = array<i32>} : memref<16xf32, #tpu.memory_space<vmem>>, vector<16xf32>,
          tpu.vector_store %arg16[%swap3A_1610], %add3A_1609 {strides = array<i32>} : memref<16xf32, #tpu.memory_space<vmem>>, vector<16xf32>,
          %get3A_1612 = arith.constant 0 : index
          %get3A_1613 = tpu.vector_load %arg17[%get3A_1612] {strides = array<i32>} : memref<16xf32, #tpu.memory_space<vmem>>, vector<16xf32>,
          %add3A_1614 = arith.addf %get3A_1613, %select_n3A_1570 : vector<16xf32>
          %swap3A_1615 = arith.constant 0 : index
          %swap3A_1616 = tpu.vector_load %arg17[%swap3A_1615] {strides = array<i32>} : memref<16xf32, #tpu.memory_space<vmem>>, vector<16xf32>,
          tpu.vector_store %arg17[%swap3A_1615], %add3A_1614 {strides = array<i32>} : memref<16xf32, #tpu.memory_space<vmem>>, vector<16xf32>,
        }
        %scan3A_901 = arith.constant 8 : i32
      } else {
      }
    }
    %scan3A_795 = arith.constant 8 : i32
    "tpu.region"() ({
      %run_scoped3A = tpu.sem_alloc : memref<!tpu.dma_semaphore, #tpu.memory_space<semaphore_mem>>
      %dma_start3A_796 = arith.constant 0 : i32
      %dma_start3A_797 = tpu.memref_slice %arg7[%add3A, %dma_start3A_796] : memref<32x16xf32, #tpu.memory_space<hbm>> -> memref<1x16xf32, #tpu.memory_space<hbm>>
      %dma_start3A_798 = tpu.memref_squeeze %dma_start3A_797 : memref<1x16xf32, #tpu.memory_space<hbm>> -> memref<16xf32, #tpu.memory_space<hbm>>
      %dma_start3A_799 = arith.constant 0 : i32
      %dma_start3A_800 = tpu.memref_slice %arg7[%add3A, %dma_start3A_799] : memref<32x16xf32, #tpu.memory_space<hbm>> -> memref<1x16xf32, #tpu.memory_space<hbm>>
      %dma_start3A_801 = tpu.memref_squeeze %dma_start3A_800 : memref<1x16xf32, #tpu.memory_space<hbm>> -> memref<16xf32, #tpu.memory_space<hbm>>
      tpu.enqueue_dma source(%arg16 : memref<16xf32, #tpu.memory_space<vmem>>) target(%dma_start3A_801 : memref<16xf32, #tpu.memory_space<hbm>>) target_semaphore(%run_scoped3A : memref<!tpu.dma_semaphore, #tpu.memory_space<semaphore_mem>>)
      %dma_wait3A_802 = arith.constant 0 : i32
      %dma_wait3A_803 = tpu.memref_slice %arg7[%add3A, %dma_wait3A_802] : memref<32x16xf32, #tpu.memory_space<hbm>> -> memref<1x16xf32, #tpu.memory_space<hbm>>
      %dma_wait3A_804 = tpu.memref_squeeze %dma_wait3A_803 : memref<1x16xf32, #tpu.memory_space<hbm>> -> memref<16xf32, #tpu.memory_space<hbm>>
      %dma_wait3A_805 = arith.constant 0 : i32
      %dma_wait3A_806 = tpu.memref_slice %arg7[%add3A, %dma_wait3A_805] : memref<32x16xf32, #tpu.memory_space<hbm>> -> memref<1x16xf32, #tpu.memory_space<hbm>>
      %dma_wait3A_807 = tpu.memref_squeeze %dma_wait3A_806 : memref<1x16xf32, #tpu.memory_space<hbm>> -> memref<16xf32, #tpu.memory_space<hbm>>
      tpu.wait_dma2 semaphore(%run_scoped3A : memref<!tpu.dma_semaphore, #tpu.memory_space<semaphore_mem>>) src(%arg16 : memref<16xf32, #tpu.memory_space<vmem>>) dst(%dma_wait3A_807 : memref<16xf32, #tpu.memory_space<hbm>>)
      tpu.yield
    }) : () -> ()
    "tpu.region"() ({
      %run_scoped3A = tpu.sem_alloc : memref<!tpu.dma_semaphore, #tpu.memory_space<semaphore_mem>>
      %dma_start3A_796 = arith.constant 0 : i32
      %dma_start3A_797 = tpu.memref_slice %arg8[%add3A, %dma_start3A_796] : memref<32x16xf32, #tpu.memory_space<hbm>> -> memref<1x16xf32, #tpu.memory_space<hbm>>
      %dma_start3A_798 = tpu.memref_squeeze %dma_start3A_797 : memref<1x16xf32, #tpu.memory_space<hbm>> -> memref<16xf32, #tpu.memory_space<hbm>>
      %dma_start3A_799 = arith.constant 0 : i32
      %dma_start3A_800 = tpu.memref_slice %arg8[%add3A, %dma_start3A_799] : memref<32x16xf32, #tpu.memory_space<hbm>> -> memref<1x16xf32, #tpu.memory_space<hbm>>
      %dma_start3A_801 = tpu.memref_squeeze %dma_start3A_800 : memref<1x16xf32, #tpu.memory_space<hbm>> -> memref<16xf32, #tpu.memory_space<hbm>>
      tpu.enqueue_dma source(%arg17 : memref<16xf32, #tpu.memory_space<vmem>>) target(%dma_start3A_801 : memref<16xf32, #tpu.memory_space<hbm>>) target_semaphore(%run_scoped3A : memref<!tpu.dma_semaphore, #tpu.memory_space<semaphore_mem>>)
      %dma_wait3A_802 = arith.constant 0 : i32
      %dma_wait3A_803 = tpu.memref_slice %arg8[%add3A, %dma_wait3A_802] : memref<32x16xf32, #tpu.memory_space<hbm>> -> memref<1x16xf32, #tpu.memory_space<hbm>>
      %dma_wait3A_804 = tpu.memref_squeeze %dma_wait3A_803 : memref<1x16xf32, #tpu.memory_space<hbm>> -> memref<16xf32, #tpu.memory_space<hbm>>
      %dma_wait3A_805 = arith.constant 0 : i32
      %dma_wait3A_806 = tpu.memref_slice %arg8[%add3A, %dma_wait3A_805] : memref<32x16xf32, #tpu.memory_space<hbm>> -> memref<1x16xf32, #tpu.memory_space<hbm>>
      %dma_wait3A_807 = tpu.memref_squeeze %dma_wait3A_806 : memref<1x16xf32, #tpu.memory_space<hbm>> -> memref<16xf32, #tpu.memory_space<hbm>>
      tpu.wait_dma2 semaphore(%run_scoped3A : memref<!tpu.dma_semaphore, #tpu.memory_space<semaphore_mem>>) src(%arg17 : memref<16xf32, #tpu.memory_space<vmem>>) dst(%dma_wait3A_807 : memref<16xf32, #tpu.memory_space<hbm>>)
      tpu.yield
    }) : () -> ()
    return
  }
}

</mosaic_0001>

<sc_bundles>
// kernel: kernel.3.cloned.1.call-start
scs
__scs_entry_jumppad:
0x0: {  	(pc) =	sbr.rel $0x88, $3  }
0x1: {  	(tag) =	ssettag $0x0;
	lr =	simm.s32 $0x1  }
0x2: {  	[smem:$0x3F9C] =	sst lr;
	_ =	strace $0xD0000000  }
0x3: {  	_ = 	snop  }
0x4: {  	_ = 	snop  }
0x5: {  	_ = 	snop  }
0x6: {  	_ = 	snop  }
0x7: {  	_ = 	snop  }
__scs_overlays_trampoline_lowered:
0x8: {  	[smem:$0x3FAB] =	sst s0  }
0x9: {  	[smem:$0x3FAC] =	sst s1  }
0xa: {  	[smem:$0x3FAD] =	sst s2  }
0xb: {  	[smem:$0x3FAE] =	sst s3  }
0xc: {  	[smem:$0x3FAF] =	sst s4  }
0xd: {  	[smem:$0x3FB0] =	sst s5  }
0xe: {  	[smem:$0x3FB1] =	sst s6  }
0xf: {  	[smem:$0x3FB2] =	sst s7  }
0x10: {  	[smem:$0x3FB3] =	sst s8  }
0x11: {  	[smem:$0x3FB4] =	sst s9;
	s0 =	simm.s32 @!p0 $0x0  }
0x12: {  	s1 =	sld [smem:$0x3F9A];
	s0 =	simm.s32 @p0 $0x1  }
0x13: {  	[smem:$0x3FB5] =	sst s0;
	s0 =	simm.s32 @!p1 $0x0  }
0x14: {  	s2 =	sld [smem:$0x3F99];
	s0 =	simm.s32 @p1 $0x1  }
0x15: {  	[smem:$0x3FB6] =	sst s0;
	s0 =	simm.s32 @!p2 $0x0  }
0x16: {  	s3 =	sld [smem:$0x3FDB];
	s0 =	simm.s32 @p2 $0x1  }
0x17: {  	s4 =	simm.s32 $0x1BF5;
	[smem:$0x3FB8] =	sst s0  }
0x18: {  	s0 =	sld [smem:$0x3F9B];
	_ =	swait.ge [sflag:s4], $0x0  }
0x19: {  	s7 =	sld [smem:$0x3F9C]  }
0x1a: {  	s8 =	sadd.s32 $0xFFFFE003, lr  }
0x1b: {  	s9 =	sadd.s32 $0xFFFFFEF7, lr;
	s5 =	simm.s32 $0xFFFFFFFF;
	p2 =	slt.u32 s8, $0xFFFFF086  }
0x1c: {  	p1 =	slt.u32 s9, $0xF7A;
	s5 =	simm.s32 @!p2 $0x0  }
0x1d: {  	s5 =	simm.s32 @p1 $0x1;
	p0 =	seq.s32 s7, s2  }
0x1e: {  	s7 =	smul.u32 @!p0 $0xF7A, s2;
	p2 =	seq.s32 @!p0 s5, $0x0  }
0x1f: {  	s9 =	smul.u32 $0xF7A, s1;
	s8 =	simm.s32 @!p0 $0x1BF5;
	p2 =	por !p2, p0  }
0x20: {  	[sflag:s8] =	ssyncset.s32 @!p0 $0xFFFFF086;
	s6 =	sadd.s32 @!p0 s3, s7;
	s7 =	simm.s32 @!p0 $0x108  }
0x21: {  	s3 =	sadd.s32 s3, s9;
	s6 =	sadd.s32 @!p0 $0x88, s6;
	s7 =	simm.s32 @p2 $0x1082  }
0x22: {  	[simem:s7], [sflag:s8] =	dma.local @!p0 [hbm:s6], $0xF7A  }
0x23: {  	s9 =	sor.u32 $0xD0000000, s2;
	s6 =	simm.s32 $0x108;
	_ =	swait.ge @!p0 [sflag:s8], $0x0  }
0x24: {  	s3 =	sadd.s32 $0x88, s3;
	s6 =	simm.s32 @!p1 $0x1082;
	[sflag:s4] =	ssyncset.s32 $0xFFFFF086  }
0x25: {  	[simem:s6], [sflag:s4] =	dma.local [hbm:s3], $0xF7A  }
0x26: {  	[smem:$0x3F9C] =	sst s1;
	(tag) =	ssettag s2;
	_ =	strace s9  }
0x27: {  	s1 =	sld [smem:$0x3FAC]  }
0x28: {  	s2 =	sld [smem:$0x3FAD]  }
0x29: {  	s4 =	sld [smem:$0x3FAF]  }
0x2a: {  	p0 =	seq.s32 s5, $0x0;
	s5 =	sld [smem:$0x3FB0]  }
0x2b: {  	s6 =	sld [smem:$0x3FB1]  }
0x2c: {  	s7 =	sld [smem:$0x3FB2]  }
0x2d: {  	s3 =	simm.s32 $0x108;
	s8 =	sld [smem:$0x3FB3]  }
0x2e: {  	s3 =	simm.s32 @!p0 $0x1082;
	s9 =	sld [smem:$0x3FB4]  }
0x2f: {  	lr =	sadd.s32 s0, s3;
	s0 =	sld [smem:$0x3FAB]  }
0x30: {  	s3 =	sld [smem:$0x3FAE]  }
0x31: {  	[smem:$0x3FB7] =	sst s10  }
0x32: {  	s10 =	sld [smem:$0x3FB5];
	_ =	sdelay $0x3  }
0x33: {  	p0 =	seq.s32 s10, $0x1;
	s10 =	sld [smem:$0x3FB7];
	_ =	sdelay $0x3  }
0x34: {  	[smem:$0x3FB7] =	sst s10  }
0x35: {  	s10 =	sld [smem:$0x3FB6];
	_ =	sdelay $0x3  }
0x36: {  	p1 =	seq.s32 s10, $0x1;
	s10 =	sld [smem:$0x3FB7];
	_ =	sdelay $0x3  }
0x37: {  	[smem:$0x3FB7] =	sst s10  }
0x38: {  	s10 =	sld [smem:$0x3FB8]  }
0x39: {  	_ = 	snop;
	(pc) =	sbr.ind lr, $3  }
0x3a: {  	_ = 	snop  }
0x3b: {  	_ = 	snop  }
0x3c: {  	p2 =	seq.s32 s10, $0x1;
	s10 =	sld [smem:$0x3FB7]  }
0x3d: {  	_ =	shalt  }
0x3e: {  	_ =	shalt  }
0x3f: {  	_ =	shalt  }
0x40: {  	_ =	shalt  }
0x41: {  	_ =	shalt  }
0x42: {  	_ =	shalt  }
0x43: {  	_ =	shalt  }
0x44: {  	_ =	shalt  }
0x45: {  	_ =	shalt  }
0x46: {  	_ =	shalt  }
0x47: {  	_ =	shalt  }
0x48: {  	_ =	shalt  }
0x49: {  	_ =	shalt  }
0x4a: {  	_ =	shalt  }
0x4b: {  	_ =	shalt  }
0x4c: {  	_ =	shalt  }
0x4d: {  	_ =	shalt  }
0x4e: {  	_ =	shalt  }
0x4f: {  	_ =	shalt  }
0x50: {  	_ =	shalt  }
0x51: {  	_ =	shalt  }
0x52: {  	_ =	shalt  }
0x53: {  	_ =	shalt  }
0x54: {  	_ =	shalt  }
0x55: {  	_ =	shalt  }
0x56: {  	_ =	shalt  }
0x57: {  	_ =	shalt  }
0x58: {  	_ =	shalt  }
0x59: {  	_ =	shalt  }
0x5a: {  	_ =	shalt  }
0x5b: {  	_ =	shalt  }
0x5c: {  	_ =	shalt  }
0x5d: {  	_ =	shalt  }
0x5e: {  	_ =	shalt  }
0x5f: {  	_ =	shalt  }
0x60: {  	_ =	shalt  }
0x61: {  	_ =	shalt  }
0x62: {  	_ =	shalt  }
0x63: {  	_ =	shalt  }
0x64: {  	_ =	shalt  }
0x65: {  	_ =	shalt  }
0x66: {  	_ =	shalt  }
0x67: {  	_ =	shalt  }
0x68: {  	_ =	shalt  }
0x69: {  	_ =	shalt  }
0x6a: {  	_ =	shalt  }
0x6b: {  	_ =	shalt  }
0x6c: {  	_ =	shalt  }
0x6d: {  	_ =	shalt  }
0x6e: {  	_ =	shalt  }
0x6f: {  	_ =	shalt  }
0x70: {  	_ =	shalt  }
0x71: {  	_ =	shalt  }
0x72: {  	_ =	shalt  }
0x73: {  	_ =	shalt  }
0x74: {  	_ =	shalt  }
0x75: {  	_ =	shalt  }
0x76: {  	_ =	shalt  }
0x77: {  	_ =	shalt  }
0x78: {  	_ =	shalt  }
0x79: {  	_ =	shalt  }
0x7a: {  	_ =	shalt  }
0x7b: {  	_ =	shalt  }
0x7c: {  	_ =	shalt  }
0x7d: {  	_ =	shalt  }
0x7e: {  	_ =	shalt  }
0x7f: {  	_ =	shalt  }
0x80: {  	_ =	shalt  }
0x81: {  	_ =	shalt  }
0x82: {  	_ =	shalt  }
0x83: {  	_ =	shalt  }
0x84: {  	_ =	shalt  }
0x85: {  	_ =	shalt  }
0x86: {  	_ =	shalt  }
0x87: {  	_ =	shalt  }
.Lfunc_end0:
.L_simem_size_0:
called_computation_lowered:
.L_overlay_start_0:
0x88: {  	s2 =	sld [smem:$0x3FD9]  }
0x89: {  	s3 =	sld [smem:$0x3FFE];
	_ =	sdelay $0x1  }
0x8a: {  	s1 =	srdreg.scid  }
0x8b: {  	s0 =	sand.u32 $0x1, s1  }
0x8c: {  	s17 =	sshll.u32 s0, $0xA;
	s2 =	sadd.s32 s3, s2  }
0x8d: {  	s2 =	sadd.s32 s2, s17  }
0x8e: {  	[smem:$0x3FC3] =	sst s2  }
0x8f: {  	_ = 	snop  }
0x90: {  	s2 =	sld [smem:$0x3FC9]  }
0x91: {  	s18 =	sld [smem:$0x3FC6]  }
0x92: {  	s4 =	sld [smem:$0x3FC5];
	(tm) =	ssettm $0x1  }
0x93: {  	s5 =	sld [smem:$0x3FFB];
	_ =	sdelay $0x3  }
0x94: {  	_ =	strace s5  }
0x95: {  	s5 =	sld [smem:$0x3FFC];
	_ =	sdelay $0x3  }
0x96: {  	_ =	strace s5  }
0x97: {  	s5 =	sld [smem:$0x3FFD];
	_ =	sdelay $0x3  }
0x98: {  	_ =	strace s5  }
0x99: {  	_ =	strace $0x8FFFFFFF  }
0x9a: {  	s19 =	sld [smem:$0x3FDB];
	_ =	sdelay $0x1  }
0x9b: {  	s6 =	simm.s32 $_scs_section_size  }
0x9c: {  	s7 =	simm.s32 $_size__tile_overlayer_lowered;
	s8 =	simm.s32 $_tile_overlayer_lowered  }
0x9d: {  	s22 =	simm.s32 $0x1BFF;
	s21 =	sshll.u32 s8, $0x1;
	s5 =	sadd.s32 s6, s19  }
0x9e: {  	s9 =	simm.s32 $0x0;
	s20 =	sshll.u32 s7, $0x1;
	s7 =	sadd.s32 s21, s5  }
0x9f: {  	[timem:s9], [sflag:s22] =	dma.local [hbm:s7], s20  }
0xa0: {  	_ =	swait.ge [sflag:s22], s20  }
0xa1: {  	s6 =	ssub.s32 $0x0, s20;
	[sflag:s22] =	ssyncset.done $0x0  }
0xa2: {  	[sflag:s22] =	ssyncadd.s32 s6;
	_ =	sdelay $0x1  }
0xa3: {  	s23 =	simm.s32 $0x1B8B  }
0xa4: {  	_ =	swait.ge [sflag:s23], $0x1  }
0xa5: {  	[sflag:s23] =	ssyncset.done $0x0  }
0xa6: {  	s25 =	simm.s32 $0x1B8E;
	s24 =	sld [smem:$0x3FFE];
	[sflag:s23] =	ssyncadd.s32 $0xFFFFFFFF  }
0xa7: {  	s26 =	simm.s32 $execute0_lowered;
	[smem:$0x3FD2] =	sst s25  }
0xa8: {  	s7 =	sshll.u32 s26, $0x1;
	_ =	strace $0x80000046;
	[dreg:$0x1] =	wrdreg $0xFFFFFFFF  }
0xa9: {  	s28 =	simm.s32 $_size_execute0_lowered;
	s5 =	sadd.s32 s5, s7;
	[dreg:$0x0] =	wrdreg $0x0  }
0xaa: {  	s7 =	sshll.u32 s28, $0x1;
	[dreg:$0x2] =	wrdreg s5  }
0xab: {  	[dreg:$0x3] =	wrdreg s7  }
0xac: {  	[dreg:$0x4] =	wrdreg $0xC0  }
0xad: {  	_ =	task [dreg:s9], $0x5FFFF  }
0xae: {  	[dreg:$0x1] =	wrdreg $0xFFFFFFFF  }
0xaf: {  	[dreg:$0x0] =	wrdreg $0x60  }
0xb0: {  	[dreg:$0x2] =	wrdreg s2  }
0xb1: {  	[dreg:$0x3] =	wrdreg s24  }
0xb2: {  	[dreg:$0x4] =	wrdreg s18  }
0xb3: {  	[dreg:$0x5] =	wrdreg s4  }
0xb4: {  	[dreg:$0x6] =	wrdreg $0x9  }
0xb5: {  	_ =	task.clear_ibuf [dreg:s9], $0x7FFFF;
	_ =	strace $0x90000046  }
0xb6: {  	s29 =	simm.s32 $0x9;
	_ =	strace $0x80000048  }
0xb7: {  	_ =	swait.ge [sflag:s29], $0x1  }
0xb8: {  	[sflag:s29] =	ssyncadd.s32 $0xFFFFFFFF  }
0xb9: {  	_ =	strace $0x90000048  }
0xba: {  	_ =	sfence  }
0xbb: {  	s30 =	sld [smem:$0x0];
	_ =	sdelay $0x2  }
0xbc: {  	s31 =	sshll.u32 s1, $0xD;
	s1 =	sshrl.u32 s1, $0x2  }
0xbd: {  	s3 =	sand.u32 $0x4000, s31;
	s1 =	sadd.s32 s1, s30  }
0xbe: {  	s0 =	sor.u32 s3, s0;
	s1 =	sshll.u32 s1, $0x11  }
0xbf: {  	s0 =	sor.u32 s1, s0  }
0xc0: {  	s0 =	sadd.s32 $0x8F2B, s0  }
0xc1: {  	[sflag:s0] =	ssyncadd.remote.s32 $0x1  }
0xc2: {  	_ =	sfence.sel $0xFFFF  }
0xc3: {  	[dreg:$0x0] =	wrdreg $0xFFFFFFFF;
	(pc) =	sbr.abs _section_cstart, $3  }
0xc4: {  	[dreg:$0x1] =	wrdreg $0xFFFFFFFF  }
0xc5: {  	_ =	task.clear_ibuf [dreg:s9], $0x2FFFF;
	_ =	strace $0x9FFFFFFF  }
0xc6: {  	(tm) =	ssettm $0x7FFFFFFF  }
0xc7: {  	_ =	shalt  }
tec
execute0_lowered:
.L_overlay_start_1:
0x0: {  	(tag) =	ssettag $0x1  }
0x1: {  	s7 =	rddreg [dreg:$0x1]  }
0x2: {  	v10 =	vlaneseq.u32;
	s1 =	rddreg [dreg:$0x2];
	s3 =	simm.s32 $0x0  }
0x3: {  	[smem:$0x7FF] =	sst s3;
	v0 =	vadd.s32 $0x1B, v10  }
0x4: {  	s0 =	rddreg [dreg:$0x3];
	v13 =	vadd.s32 $0x1C, v10;
	_ =	strace $0x80000047;
	[tilespmem:$0x1FB60] =	vst v0  }
0x5: {  	v14 =	vadd.s32 $0x1D, v10;
	[tilespmem:$0x1FB70] =	vst v13  }
0x6: {  	v32 =	vadd.s32 $0x1E, v10;
	[tilespmem:$0x1FB80] =	vst v14  }
0x7: {  	v42 =	vadd.s32 $0x1F, v10;
	[tilespmem:$0x1FB90] =	vst v32  }
0x8: {  	v45 =	vor.u32 $0x20, v10;
	[tilespmem:$0x1FBA0] =	vst v42  }
0x9: {  	v48 =	vadd.s32 $0x21, v10;
	[tilespmem:$0x1FBB0] =	vst v45  }
0xa: {  	v1 =	vadd.s32 $0x22, v10;
	[tilespmem:$0x1FBC0] =	vst v48  }
0xb: {  	v52 =	vadd.s32 $0x23, v10;
	[tilespmem:$0x1FBD0] =	vst v1  }
0xc: {  	v53 =	vadd.s32 $0x24, v10;
	[tilespmem:$0x1FC00] =	vst v52  }
0xd: {  	v16 =	vadd.s32 $0x1, v10;
	[tilespmem:$0x1FC10] =	vst v53  }
0xe: {  	v17 =	vadd.s32 $0x2, v10;
	[tilespmem:$0x1FE60] =	vst v16  }
0xf: {  	v19 =	vadd.s32 $0x3, v10;
	[tilespmem:$0x1FE70] =	vst v17  }
0x10: {  	v20 =	vadd.s32 $0x4, v10;
	[tilespmem:$0x1FE80] =	vst v19  }
0x11: {  	v21 =	vadd.s32 $0x5, v10;
	[tilespmem:$0x1FE90] =	vst v20  }
0x12: {  	v22 =	vadd.s32 $0x6, v10;
	[tilespmem:$0x1FEA0] =	vst v21  }
0x13: {  	v24 =	vadd.s32 $0x7, v10;
	[tilespmem:$0x1FEB0] =	vst v22  }
0x14: {  	v26 =	vadd.s32 $0x8, v10;
	[tilespmem:$0x1FEC0] =	vst v24  }
0x15: {  	v27 =	vadd.s32 $0x9, v10;
	[tilespmem:$0x1FED0] =	vst v26  }
0x16: {  	v28 =	vadd.s32 $0xA, v10;
	[tilespmem:$0x1FEE0] =	vst v27  }
0x17: {  	v30 =	vadd.s32 $0xB, v10;
	[tilespmem:$0x1FEF0] =	vst v28  }
0x18: {  	v31 =	vadd.s32 $0xC, v10;
	[tilespmem:$0x1FF00] =	vst v30  }
0x19: {  	v33 =	vadd.s32 $0xD, v10;
	[tilespmem:$0x1FF10] =	vst v31  }
0x1a: {  	v34 =	vadd.s32 $0xE, v10;
	[tilespmem:$0x1FF20] =	vst v33  }
0x1b: {  	v35 =	vadd.s32 $0xF, v10;
	[tilespmem:$0x1FF30] =	vst v34  }
0x1c: {  	v36 =	vor.u32 $0x10, v10;
	[tilespmem:$0x1FF40] =	vst v35  }
0x1d: {  	v37 =	vadd.s32 $0x11, v10;
	[tilespmem:$0x1FF50] =	vst v36  }
0x1e: {  	v38 =	vadd.s32 $0x12, v10;
	[tilespmem:$0x1FF60] =	vst v37  }
0x1f: {  	v39 =	vadd.s32 $0x13, v10;
	[tilespmem:$0x1FF70] =	vst v38  }
0x20: {  	v40 =	vadd.s32 $0x14, v10;
	[tilespmem:$0x1FF80] =	vst v39  }
0x21: {  	v49 =	vimm.s32 $0x34333231;
	v50 =	vimm.s32 $0x38373635;
	v41 =	vadd.s32 $0x15, v10;
	[tilespmem:$0x1FF90] =	vst v40  }
0x22: {  	v51 =	vimm.s32 $0x3C3B3A39;
	v2 =	vimm.s32 $0x3F3E3D;
	v43 =	vadd.s32 $0x16, v10;
	[tilespmem:$0x1FFA0] =	vst v41  }
0x23: {  	v55 =	vimm.s32 $0x35343332;
	v56 =	vimm.s32 $0x39383736;
	v44 =	vadd.s32 $0x17, v10;
	[tilespmem:$0x1FFB0] =	vst v43  }
0x24: {  	s2 =	srdreg.scid;
	s4 =	stileid.u32;
	v58 =	vimm.s32 $0x3D3C3B3A;
	v59 =	vimm.s32 $0x36353433;
	v46 =	vadd.s32 $0x18, v10;
	[tilespmem:$0x1FFC0] =	vst v44  }
0x25: {  	v5 =	vimm.s32 $0x3A393837;
	s8 =	sand.u32 $0x1, s2;
	s28 =	sshll.u32 s4, $0x1;
	s4 =	sadd.s32 $0xE00, s7;
	v47 =	vadd.s32 $0x19, v10;
	[tilespmem:$0x1FFD0] =	vst v46  }
0x26: {  	v6 =	vimm.s32 $0x1003F3E;
	s6 =	sadd.s32 $0x100E00, s7;
	v54 =	vadd.s32 $0x1A, v10;
	v3 =	vunpack.c.0.s8.s32 v50;
	s2 =	sor.u32 s8, s28;
	s8 =	ssub.s32 $0x2, s8;
	[tilespmem:$0x1FFE0] =	vst v47  }
0x27: {  	v62 =	vimm.s32 $0x3020100;
	v63 =	vimm.s32 $0x201003F;
	v4 =	vunpack.c.0.s8.s32 v51;
	[tilespmem:$0x1FFF0] =	vst v54;
	s5 =	sshll.u32 s2, $0x7;
	s9 =	sshll.u32 s2, $0x4;
	s30 =	sshrl.u32 s8, $0x1  }
0x28: {  	v9 =	vimm.s32 $0x54329876;
	v7 =	vunpack.c.0.s8.s32 v56;
	[tilespmem:$0x1FBE0] =	vst v3;
	s10 =	sadd.s32 $0x100, s5;
	s7 =	sadd.s32 s9, s7;
	s11 =	sadd.s32 $0x200, s5  }
0x29: {  	v57 =	vunpack.c.0.s8.s32 v55;
	v5 =	vunpack.c.0.s8.s32 v5;
	v55 =	vimm.s32 $0x98765432;
	[tilespmem:$0x1FBF0] =	vst v4;
	s8 =	ssub.s32 s8, s30;
	s14 =	sadd.s32 $0x300, s5;
	s17 =	sadd.s32 $0x400, s5  }
0x2a: {  	v60 =	vunpack.c.0.s8.s32 v58;
	[tilespmem:$0x1FC30] =	vst v7;
	s18 =	sadd.s32 $0x500, s5;
	s19 =	sadd.s32 $0x600, s5;
	s24 =	sadd.s32 $0x700, s5  }
0x2b: {  	vm1 =	vcmask $0x1F10;
	v12 =	vunpack.c.0.s8.s32 v6;
	v58 =	vimm.s32 $0xD0C0B0A;
	[tilespmem:$0x1FC40] =	vst v5;
	s28 =	sxor.u32 $0x1800, s5;
	s29 =	sand.u32 $0xF80, s10;
	s12 =	sand.u32 $0xF80, s11  }
0x2c: {  	v11 =	vmul.u32 $0x80, v10;
	v0 =	vunpack.c.0.s8.s32 v49;
	v14 =	vimm.s32 $0x3F3E3D3C;
	[tilespmem:$0x1FC60] =	vst v60;
	s16 =	sand.u32 $0xF80, s14;
	s10 =	sand.u32 $0xF80, s17;
	s11 =	sand.u32 $0xF80, s18  }
0x2d: {  	v1 =	vunpack.c.0.s8.s32 v2;
	v42 =	vimm.s32 $0x3B3A3938;
	[tilespmem:$0x1FC70] =	vst v12;
	v13 =	vunpack.c.0.s8.s32 v14;
	s23 =	sand.u32 $0xF80, s19;
	s17 =	sadd.s32 $0xC00, s5;
	s9 =	sor.u32 $0x10, s29  }
0x2e: {  	v52 =	vimm.s32 $0x5040302;
	v8 =	vunpack.c.0.s8.s32 v42;
	[tilespmem:$0x1FE50] =	vst v11;
	v0 =	vsel vm1, v3, v0;
	s13 =	sor.u32 $0x20, s12;
	s10 =	sor.u32 $0x40, s10;
	s31 =	sadd.s32 s1, s9  }
0x2f: {  	v2 =	vsel vm1, v1, v4;
	v4 =	vunpack.c.0.s8.s32 v59;
	v3 =	vunpack.c.0.s8.s32 v62;
	[tilespmem:$0x1FC90] =	vst v13;
	s11 =	sor.u32 $0x50, s11;
	s9 =	sadd.s32 s0, s9;
	[dreg:$0x5] =	wrdreg s31  }
0x30: {  	v62 =	vunpack.c.0.s8.s32 v52;
	v52 =	vadd.s32 $0x26, v10;
	v0 =	vcombine.low v0, v2;
	[tilespmem:$0x1FCA0] =	vst v8;
	s29 =	sadd.s32 $0x900, s5;
	s15 =	sadd.s32 s1, s13;
	[dreg:$0x6] =	wrdreg s9  }
0x31: {  	vm2 =	vcmask $0x2F10;
	vm3 =	vcmask $0x3F30;
	v45 =	vimm.s32 $0x87654321;
	[tilespmem:$0x1FDA0] =	vst v52;
	s18 =	sor.u32 $0x1040, s17;
	s20 =	sadd.s32 s1, s10;
	[dreg:$0x7] =	wrdreg s15  }
0x32: {  	v32 =	vimm.s32 $0x37363534;
	v6 =	vunpack.c.l.s4.s8 v45;
	v61 =	vsel vm1, v5, v4;
	s17 =	simm.s32 $0x4;
	[tilespmem:$0x1FC20] =	vst v0;
	s21 =	sadd.s32 s0, s10;
	[dreg:$0xb] =	wrdreg s20  }
0x33: {  	v48 =	vimm.s32 $0x4030201;
	v53 =	vimm.s32 $0x6050403;
	v42 =	vsel vm1, v62, v12;
	s22 =	sadd.s32 s1, s11;
	s11 =	sadd.s32 s0, s11;
	[tilespmem:$0x1FC80] =	vst v61;
	[dreg:$0xc] =	wrdreg s21  }
0x34: {  	v49 =	vunpack.c.0.s8.s32 v6;
	v5 =	vunpack.c.0.s8.s32 v32;
	s10 =	sand.u32 $0xF80, s24;
	v0 =	vsel vm1, v7, v57;
	s30 =	sor.u32 $0x1010, s29;
	[tilespmem:$0x1FD40] =	vst v42;
	[dreg:$0xd] =	wrdreg s22  }
0x35: {  	v3 =	vsel vm1, v3, v13;
	v62 =	vadd.s32 $0x2F, v10;
	v7 =	vunpack.c.0.s8.s32 v48;
	s29 =	sadd.s32 s1, s5;
	s9 =	sadd.s32 s0, s13;
	[dreg:$0xe] =	wrdreg s11;
	[tilespmem:$0x1FC50] =	vst v0  }
0x36: {  	s26 =	sor.u32 $0x70, s10;
	v0 =	vimm.s32 $0x3E3D3C3B;
	s31 =	sadd.s32 s1, s28;
	s13 =	sadd.s32 $0xA00, s5;
	v5 =	vsel vm1, v8, v5;
	v8 =	vimm.s32 $0x32107654  }
0x37: {  	[tilespmem:$0x1FE30] =	vst v62;
	s15 =	sadd.s32 $0xB00, s5;
	s20 =	sadd.s32 s1, s18;
	[smem:$0x7FB] =	sst s29;
	v3 =	vcombine.low v5, v3;
	v50 =	vunpack.c.l.s4.s8 v8;
	v51 =	vsel vm1, v7, v1  }
0x38: {  	v9 =	vunpack.c.l.s4.s8 v9;
	s21 =	sadd.s32 $0xD00, s5;
	s11 =	sadd.s32 s0, s5;
	[dreg:$0x8] =	wrdreg s9;
	v8 =	vimm.s32 $0x43218765;
	v0 =	vunpack.c.0.s8.s32 v0;
	[tilespmem:$0x1FCC0] =	vst v51  }
0x39: {  	s9 =	sor.u32 $0x30, s16;
	s10 =	sadd.s32 s1, s26;
	[dreg:$0x13] =	wrdreg s31;
	v56 =	vunpack.c.l.s4.s8 v8;
	[tilespmem:$0x1FCB0] =	vst v3;
	v3 =	vand.u32 $0xF, v49;
	v5 =	vunpack.c.0.s8.s32 v50  }
0x3a: {  	s14 =	sor.u32 $0x1020, s13;
	[dreg:$0x1b] =	wrdreg s20;
	s22 =	sor.u32 $0x1050, s21;
	v8 =	vimm.s32 $0xB0A0908;
	v51 =	vadd.s32 $0x25, v10;
	[tilespmem:$0x1FD30] =	vst v0;
	v2 =	vcombine.low v2, v3  }
0x3b: {  	s31 =	sshll.u32 s2, $0xB;
	s12 =	sadd.s32 s1, s9;
	[dreg:$0x11] =	wrdreg s10;
	[tilespmem:$0x1FD90] =	vst v51;
	v3 =	vunpack.c.0.s8.s32 v56;
	v56 =	vadd.s32 $0x29, v10;
	v5 =	vand.u32 $0xF, v5  }
0x3c: {  	v57 =	vimm.s32 $0xC0B0A09;
	s20 =	simm.s32 $0x80;
	s9 =	sadd.s32 s0, s9;
	[dreg:$0x9] =	wrdreg s12;
	v8 =	vunpack.c.0.s8.s32 v8;
	[tilespmem:$0x1FDD0] =	vst v56;
	v5 =	vsel vm2, v5, v13  }
0x3d: {  	s21 =	simm.s32 $0x8080;
	s10 =	sadd.s32 s0, s28;
	[dreg:$0xa] =	wrdreg s9;
	[tilespmem:$0x1FCD0] =	vst v2;
	v3 =	vand.u32 $0xF, v3;
	v13 =	vunpack.c.0.s8.s32 v53;
	v53 =	vadd.s32 $0x27, v10  }
0x3e: {  	s16 =	sadd.s32 s1, s14;
	s24 =	sadd.s32 s1, s22;
	[dreg:$0x14] =	wrdreg s10;
	v2 =	vunpack.c.l.s4.s8 v55;
	v55 =	vadd.s32 $0x28, v10;
	v5 =	vsel vm3, v8, v5;
	[tilespmem:$0x1FDB0] =	vst v53  }
0x3f: {  	s13 =	sadd.s32 s6, s31;
	s9 =	sor.u32 $0x60, s23;
	[dreg:$0x17] =	wrdreg s16;
	v8 =	vunpack.c.0.s8.s32 v9;
	v9 =	vimm.s32 $0x6543A987;
	v1 =	vsel vm2, v3, v1;
	[tilespmem:$0x1FDC0] =	vst v55  }
0x40: {  	s12 =	sadd.s32 s1, s30;
	s10 =	sor.u32 $0x1030, s15;
	[dreg:$0x1d] =	wrdreg s24;
	v3 =	vunpack.c.0.s8.s32 v58;
	v58 =	vadd.s32 $0x2B, v10;
	[tilespmem:$0x1FCE0] =	vst v5;
	v5 =	vunpack.c.0.s8.s32 v57  }
0x41: {  	s23 =	sadd.s32 $0xE00, s5;
	s25 =	sadd.s32 s1, s9;
	[dreg:$0x15] =	wrdreg s12;
	v9 =	vunpack.c.l.s4.s8 v9;
	v2 =	vunpack.c.0.s8.s32 v2;
	v57 =	vadd.s32 $0x2A, v10;
	[tilespmem:$0x1FDF0] =	vst v58  }
0x42: {  	v60 =	vimm.s32 $0xA9876543;
	s15 =	sadd.s32 $0x200E00, s7;
	s9 =	sadd.s32 s0, s9;
	[dreg:$0xf] =	wrdreg s25;
	[tilespmem:$0x1FDE0] =	vst v57;
	v1 =	vsel vm3, v5, v1  }
0x43: {  	s16 =	smax.u32 s8, $0x1;
	s19 =	sadd.s32 s1, s10;
	[dreg:$0x10] =	wrdreg s9;
	v59 =	vand.u32 $0xF, v8;
	v8 =	vunpack.c.0.s8.s32 v9;
	v49 =	vand.u32 $0xF, v2;
	[tilespmem:$0x1FCF0] =	vst v1  }
0x44: {  	s24 =	simm.s32 $0xC080;
	s10 =	sadd.s32 s0, s10;
	[dreg:$0x19] =	wrdreg s19;
	v9 =	vunpack.c.0.s8.s32 v63;
	v5 =	vunpack.c.l.s4.s8 v60;
	v60 =	vadd.s32 $0x2D, v10;
	[tilespmem:$0x1FD70] =	vst v49  }
0x45: {  	s12 =	sadd.s32 s4, s31;
	s9 =	sadd.s32 s0, s26;
	[dreg:$0x1a] =	wrdreg s10;
	v1 =	vsel vm2, v59, v12;
	[tilespmem:$0x1FE10] =	vst v60  }
0x46: {  	v61 =	vimm.s32 $0xE0D0C0B;
	s10 =	sor.u32 $0x1060, s23;
	[dreg:$0x12] =	wrdreg s9;
	s9 =	sadd.s32 s0, s30;
	[tilespmem:$0x1FD00] =	vst v9;
	v1 =	vsel vm3, v3, v1  }
0x47: {  	s25 =	sadd.s32 $0xF00, s5;
	s28 =	sadd.s32 s1, s10;
	[dreg:$0x16] =	wrdreg s9;
	v59 =	vadd.s32 $0x2C, v10;
	v63 =	vand.u32 $0xF, v8;
	[tilespmem:$0x1FD10] =	vst v1;
	v1 =	vunpack.c.0.s8.s32 v61  }
0x48: {  	s19 =	simm.s32 $0x1;
	s10 =	sadd.s32 s0, s10;
	[dreg:$0x1f] =	wrdreg s28;
	v45 =	vsel vm1, v13, v9;
	[tilespmem:$0x1FE00] =	vst v59;
	v4 =	vsel vm2, v63, v9  }
0x49: {  	v14 =	vimm.s32 $0x76543210;
	s26 =	sor.u32 $0x1070, s25;
	s9 =	sadd.s32 s0, s14;
	[smem:$0x7FA] =	sst s10;
	[tilespmem:$0x1FD50] =	vst v45;
	v1 =	vsel vm3, v1, v4  }
.Ltmp0:
0x4a: {  	s1 =	sadd.s32 s1, s26;
	[dreg:$0x18] =	wrdreg s9;
	v32 =	vunpack.c.0.s8.s32 v5;
	v61 =	vadd.s32 $0x2E, v10;
	[tilespmem:$0x1FD20] =	vst v1;
	v1 =	vunpack.c.l.s4.s8 v14;
	(pc) =	sbr.rel .LBB2_1-.Ltmp0, $4  }
0x4b: {  	s23 =	simm.s32 $0x4080;
	s30 =	sadd.s32 s0, s26;
	[smem:$0x7FC] =	sst s1;
	v63 =	vor.u32 $0x30, v10;
	[tilespmem:$0x1FE20] =	vst v61  }
0x4c: {  	s25 =	simm.s32 $0x0;
	s9 =	sadd.s32 s0, s18;
	[smem:$0x7FD] =	sst s30;
	v50 =	vand.u32 $0xF, v32;
	[tilespmem:$0x1FE40] =	vst v63;
	v48 =	vunpack.c.0.s8.s32 v1  }
0x4d: {  	s14 =	sadd.s32 $0x201000, s7;
	[dreg:$0x1c] =	wrdreg s9;
	s9 =	sadd.s32 s0, s22;
	[tilespmem:$0x1FD80] =	vst v50  }
0x4e: {  	vm0 =	vmmov $0x1;
	s18 =	simm.s32 $0x3;
	s22 =	simm.s32 $0x2;
	[dreg:$0x1e] =	wrdreg s9;
	[tilespmem:$0x1FD60] =	vst v48  }
.LBB2_9:
0x4f: {  	s0 =	simm.s32 $0x11080  }
0x50: {  	[hbm4b:s14+s3] =	stream.linear.scatter [tilespmem:s0], [sflag:$0x4], $0x80, $0x38;
	[tilespmem:$0x11180] =	vst v63  }
0x51: {  	s25 =	sadd.s32 $0x1, s25;
	_ =	swait.ge [sflag:s17], $0x80  }
0x52: {  	p0 =	sne.s32 s25, s16;
	[sflag:s17] =	ssyncset.done $0x0  }
.Ltmp1:
0x53: {  	s31 =	simm.s32 $0x11100;
	[sflag:s17] =	ssyncadd.s32 $0xFFFFFF80;
	(pc) =	sbr.rel @!p0 .LBB2_10-.Ltmp1, $4  }
0x54: {  	[hbm4b:s15+s3] =	stream.linear.scatter [tilespmem:s31], [sflag:$0x4], $0x80, $0x38;
	[tilespmem:$0x11180] =	vst v63  }
0x55: {  	_ =	swait.ge [sflag:s17], $0x80  }
0x56: {  	[sflag:s17] =	ssyncset.done $0x0  }
0x57: {  	[sflag:s17] =	ssyncadd.s32 $0xFFFFFF80  }
.LBB2_1:
0x58: {  	s0 =	sld [smem:$0x7FB];
	_ =	sdelay $0x1  }
0x59: {  	s1 =	simm.s32 $0x10080  }
0x5a: {  	[tilespmem:s1], [sflag:$0x3] =	stream.linear.gather [hbm4b:s0+s3], $0x80, $0x38;
	[tilespmem:$0x11180] =	vst v63  }
0x5b: {  	s7 =	simm.s32 $0x10880;
	s8 =	rddreg [dreg:$0x5]  }
0x5c: {  	[tilespmem:s7], [sflag:$0x3] =	stream.linear.gather [hbm4b:s11+s3], $0x80, $0x38;
	[tilespmem:$0x11180] =	vst v63  }
0x5d: {  	s9 =	simm.s32 $0x10100;
	s10 =	rddreg [dreg:$0x6]  }
0x5e: {  	[tilespmem:s9], [sflag:$0x3] =	stream.linear.gather [hbm4b:s8+s3], $0x80, $0x38;
	[tilespmem:$0x11180] =	vst v63  }
0x5f: {  	s26 =	simm.s32 $0x10900;
	s29 =	rddreg [dreg:$0x7]  }
0x60: {  	[tilespmem:s26], [sflag:$0x3] =	stream.linear.gather [hbm4b:s10+s3], $0x80, $0x38;
	[tilespmem:$0x11180] =	vst v63  }
0x61: {  	s30 =	simm.s32 $0x10180;
	s2 =	rddreg [dreg:$0x8]  }
0x62: {  	[tilespmem:s30], [sflag:$0x3] =	stream.linear.gather [hbm4b:s29+s3], $0x80, $0x38;
	[tilespmem:$0x11180] =	vst v63  }
0x63: {  	s7 =	simm.s32 $0x10980;
	s8 =	rddreg [dreg:$0x9]  }
0x64: {  	[tilespmem:s7], [sflag:$0x3] =	stream.linear.gather [hbm4b:s2+s3], $0x80, $0x38;
	[tilespmem:$0x11180] =	vst v63  }
0x65: {  	s9 =	simm.s32 $0x10200;
	s10 =	rddreg [dreg:$0xa]  }
0x66: {  	[tilespmem:s9], [sflag:$0x3] =	stream.linear.gather [hbm4b:s8+s3], $0x80, $0x38;
	[tilespmem:$0x11180] =	vst v63  }
0x67: {  	s26 =	simm.s32 $0x10A00;
	s29 =	rddreg [dreg:$0xb]  }
0x68: {  	[tilespmem:s26], [sflag:$0x3] =	stream.linear.gather [hbm4b:s10+s3], $0x80, $0x38;
	[tilespmem:$0x11180] =	vst v63  }
0x69: {  	s30 =	simm.s32 $0x10280;
	s2 =	rddreg [dreg:$0xc]  }
0x6a: {  	[tilespmem:s30], [sflag:$0x3] =	stream.linear.gather [hbm4b:s29+s3], $0x80, $0x38;
	[tilespmem:$0x11180] =	vst v63  }
0x6b: {  	s7 =	simm.s32 $0x10A80;
	s8 =	rddreg [dreg:$0xd]  }
0x6c: {  	[tilespmem:s7], [sflag:$0x3] =	stream.linear.gather [hbm4b:s2+s3], $0x80, $0x38;
	[tilespmem:$0x11180] =	vst v63  }
0x6d: {  	s9 =	simm.s32 $0x10300;
	s10 =	rddreg [dreg:$0xe]  }
0x6e: {  	[tilespmem:s9], [sflag:$0x3] =	stream.linear.gather [hbm4b:s8+s3], $0x80, $0x38;
	[tilespmem:$0x11180] =	vst v63  }
0x6f: {  	s26 =	simm.s32 $0x10B00;
	s29 =	rddreg [dreg:$0xf]  }
0x70: {  	[tilespmem:s26], [sflag:$0x3] =	stream.linear.gather [hbm4b:s10+s3], $0x80, $0x38;
	[tilespmem:$0x11180] =	vst v63  }
0x71: {  	s30 =	simm.s32 $0x10380;
	s2 =	rddreg [dreg:$0x10]  }
0x72: {  	[tilespmem:s30], [sflag:$0x3] =	stream.linear.gather [hbm4b:s29+s3], $0x80, $0x38;
	[tilespmem:$0x11180] =	vst v63  }
0x73: {  	s7 =	simm.s32 $0x10B80;
	s8 =	rddreg [dreg:$0x11]  }
0x74: {  	[tilespmem:s7], [sflag:$0x3] =	stream.linear.gather [hbm4b:s2+s3], $0x80, $0x38;
	[tilespmem:$0x11180] =	vst v63  }
0x75: {  	s9 =	simm.s32 $0x10400;
	s10 =	rddreg [dreg:$0x12]  }
0x76: {  	[tilespmem:s9], [sflag:$0x3] =	stream.linear.gather [hbm4b:s8+s3], $0x80, $0x38;
	[tilespmem:$0x11180] =	vst v63  }
0x77: {  	s26 =	simm.s32 $0x10C00;
	s29 =	rddreg [dreg:$0x13]  }
0x78: {  	[tilespmem:s26], [sflag:$0x3] =	stream.linear.gather [hbm4b:s10+s3], $0x80, $0x38;
	[tilespmem:$0x11180] =	vst v63  }
0x79: {  	s30 =	simm.s32 $0x10480;
	s2 =	rddreg [dreg:$0x14]  }
0x7a: {  	[tilespmem:s30], [sflag:$0x3] =	stream.linear.gather [hbm4b:s29+s3], $0x80, $0x38;
	[tilespmem:$0x11180] =	vst v63  }
0x7b: {  	s7 =	simm.s32 $0x10C80;
	s8 =	rddreg [dreg:$0x15]  }
0x7c: {  	[tilespmem:s7], [sflag:$0x3] =	stream.linear.gather [hbm4b:s2+s3], $0x80, $0x38;
	[tilespmem:$0x11180] =	vst v63  }
0x7d: {  	s9 =	simm.s32 $0x10500;
	s10 =	rddreg [dreg:$0x16]  }
0x7e: {  	[tilespmem:s9], [sflag:$0x3] =	stream.linear.gather [hbm4b:s8+s3], $0x80, $0x38;
	[tilespmem:$0x11180] =	vst v63  }
0x7f: {  	s26 =	simm.s32 $0x10D00;
	s29 =	rddreg [dreg:$0x17]  }
0x80: {  	[tilespmem:s26], [sflag:$0x3] =	stream.linear.gather [hbm4b:s10+s3], $0x80, $0x38;
	[tilespmem:$0x11180] =	vst v63  }
0x81: {  	s30 =	simm.s32 $0x10580;
	s2 =	rddreg [dreg:$0x18]  }
0x82: {  	[tilespmem:s30], [sflag:$0x3] =	stream.linear.gather [hbm4b:s29+s3], $0x80, $0x38;
	[tilespmem:$0x11180] =	vst v63  }
0x83: {  	s7 =	simm.s32 $0x10D80;
	s8 =	rddreg [dreg:$0x19]  }
0x84: {  	[tilespmem:s7], [sflag:$0x3] =	stream.linear.gather [hbm4b:s2+s3], $0x80, $0x38;
	[tilespmem:$0x11180] =	vst v63  }
0x85: {  	s9 =	simm.s32 $0x10600;
	s10 =	rddreg [dreg:$0x1a]  }
0x86: {  	[tilespmem:s9], [sflag:$0x3] =	stream.linear.gather [hbm4b:s8+s3], $0x80, $0x38;
	[tilespmem:$0x11180] =	vst v63  }
0x87: {  	s26 =	simm.s32 $0x10E00;
	s29 =	rddreg [dreg:$0x1b]  }
0x88: {  	[tilespmem:s26], [sflag:$0x3] =	stream.linear.gather [hbm4b:s10+s3], $0x80, $0x38;
	[tilespmem:$0x11180] =	vst v63  }
0x89: {  	s30 =	simm.s32 $0x10680;
	s2 =	rddreg [dreg:$0x1c]  }
0x8a: {  	[tilespmem:s30], [sflag:$0x3] =	stream.linear.gather [hbm4b:s29+s3], $0x80, $0x38;
	[tilespmem:$0x11180] =	vst v63  }
0x8b: {  	s7 =	simm.s32 $0x10E80;
	s8 =	rddreg [dreg:$0x1d]  }
0x8c: {  	[tilespmem:s7], [sflag:$0x3] =	stream.linear.gather [hbm4b:s2+s3], $0x80, $0x38;
	[tilespmem:$0x11180] =	vst v63  }
0x8d: {  	s9 =	simm.s32 $0x10700;
	s10 =	rddreg [dreg:$0x1e]  }
0x8e: {  	[tilespmem:s9], [sflag:$0x3] =	stream.linear.gather [hbm4b:s8+s3], $0x80, $0x38;
	[tilespmem:$0x11180] =	vst v63  }
0x8f: {  	s26 =	simm.s32 $0x10F00;
	s29 =	rddreg [dreg:$0x1f]  }
0x90: {  	[tilespmem:s26], [sflag:$0x3] =	stream.linear.gather [hbm4b:s10+s3], $0x80, $0x38;
	[tilespmem:$0x11180] =	vst v63  }
0x91: {  	s30 =	simm.s32 $0x10780;
	s2 =	sld [smem:$0x7FA]  }
0x92: {  	[tilespmem:s30], [sflag:$0x3] =	stream.linear.gather [hbm4b:s29+s3], $0x80, $0x38;
	[tilespmem:$0x11180] =	vst v63  }
0x93: {  	s7 =	simm.s32 $0x10F80;
	s8 =	sld [smem:$0x7FC]  }
0x94: {  	[tilespmem:s7], [sflag:$0x3] =	stream.linear.gather [hbm4b:s2+s3], $0x80, $0x38;
	[tilespmem:$0x11180] =	vst v63  }
0x95: {  	s9 =	simm.s32 $0x10800;
	s10 =	sld [smem:$0x7FD]  }
0x96: {  	[tilespmem:s9], [sflag:$0x3] =	stream.linear.gather [hbm4b:s8+s3], $0x80, $0x38;
	[tilespmem:$0x11180] =	vst v63  }
0x97: {  	s26 =	simm.s32 $0x11000  }
0x98: {  	[tilespmem:s26], [sflag:$0x3] =	stream.linear.gather [hbm4b:s10+s3], $0x80, $0x38;
	[tilespmem:$0x11180] =	vst v63  }
0x99: {  	s29 =	rddreg [dreg:$0x0]  }
0x9a: {  	[tilespmem:s3], [sflag:$0x4] =	stream.linear.gather [hbm4b:s29+s3], $0x80, $0x38;
	[tilespmem:$0x11180] =	vst v63  }
0x9b: {  	_ =	swait.ge [sflag:s17], $0x80  }
0x9c: {  	[sflag:s17] =	ssyncset.done $0x0  }
0x9d: {  	[sflag:s17] =	ssyncadd.s32 $0xFFFFFF80  }
0x9e: {  	_ =	swait.ge [sflag:s18], $0x80  }
0x9f: {  	[sflag:s18] =	ssyncset.done $0x0  }
0xa0: {  	[sflag:s18] =	ssyncadd.s32 $0xFFFFFF80  }
0xa1: {  	_ =	swait.ge [sflag:s18], $0x80  }
0xa2: {  	[sflag:s18] =	ssyncset.done $0x0  }
0xa3: {  	[sflag:s18] =	ssyncadd.s32 $0xFFFFFF80  }
0xa4: {  	_ =	swait.ge [sflag:s18], $0x80  }
0xa5: {  	[sflag:s18] =	ssyncset.done $0x0  }
0xa6: {  	[sflag:s18] =	ssyncadd.s32 $0xFFFFFF80  }
0xa7: {  	_ =	swait.ge [sflag:s18], $0x80  }
0xa8: {  	[sflag:s18] =	ssyncset.done $0x0  }
0xa9: {  	[sflag:s18] =	ssyncadd.s32 $0xFFFFFF80  }
0xaa: {  	_ =	swait.ge [sflag:s18], $0x80  }
0xab: {  	[sflag:s18] =	ssyncset.done $0x0  }
0xac: {  	[sflag:s18] =	ssyncadd.s32 $0xFFFFFF80  }
0xad: {  	_ =	swait.ge [sflag:s18], $0x80  }
0xae: {  	[sflag:s18] =	ssyncset.done $0x0  }
0xaf: {  	[sflag:s18] =	ssyncadd.s32 $0xFFFFFF80  }
0xb0: {  	_ =	swait.ge [sflag:s18], $0x80  }
0xb1: {  	[sflag:s18] =	ssyncset.done $0x0  }
0xb2: {  	[sflag:s18] =	ssyncadd.s32 $0xFFFFFF80  }
0xb3: {  	_ =	swait.ge [sflag:s18], $0x80  }
0xb4: {  	[sflag:s18] =	ssyncset.done $0x0  }
0xb5: {  	[sflag:s18] =	ssyncadd.s32 $0xFFFFFF80  }
0xb6: {  	_ =	swait.ge [sflag:s18], $0x80  }
0xb7: {  	[sflag:s18] =	ssyncset.done $0x0  }
0xb8: {  	[sflag:s18] =	ssyncadd.s32 $0xFFFFFF80  }
0xb9: {  	_ =	swait.ge [sflag:s18], $0x80  }
0xba: {  	[sflag:s18] =	ssyncset.done $0x0  }
0xbb: {  	[sflag:s18] =	ssyncadd.s32 $0xFFFFFF80  }
0xbc: {  	_ =	swait.ge [sflag:s18], $0x80  }
0xbd: {  	[sflag:s18] =	ssyncset.done $0x0  }
0xbe: {  	[sflag:s18] =	ssyncadd.s32 $0xFFFFFF80  }
0xbf: {  	_ =	swait.ge [sflag:s18], $0x80  }
0xc0: {  	[sflag:s18] =	ssyncset.done $0x0  }
0xc1: {  	[sflag:s18] =	ssyncadd.s32 $0xFFFFFF80  }
0xc2: {  	_ =	swait.ge [sflag:s18], $0x80  }
0xc3: {  	[sflag:s18] =	ssyncset.done $0x0  }
0xc4: {  	[sflag:s18] =	ssyncadd.s32 $0xFFFFFF80  }
0xc5: {  	_ =	swait.ge [sflag:s18], $0x80  }
0xc6: {  	[sflag:s18] =	ssyncset.done $0x0  }
0xc7: {  	[sflag:s18] =	ssyncadd.s32 $0xFFFFFF80  }
0xc8: {  	_ =	swait.ge [sflag:s18], $0x80  }
0xc9: {  	[sflag:s18] =	ssyncset.done $0x0  }
0xca: {  	[sflag:s18] =	ssyncadd.s32 $0xFFFFFF80  }
0xcb: {  	_ =	swait.ge [sflag:s18], $0x80  }
0xcc: {  	[sflag:s18] =	ssyncset.done $0x0  }
0xcd: {  	[sflag:s18] =	ssyncadd.s32 $0xFFFFFF80  }
0xce: {  	_ =	swait.ge [sflag:s18], $0x80  }
0xcf: {  	[sflag:s18] =	ssyncset.done $0x0  }
0xd0: {  	[sflag:s18] =	ssyncadd.s32 $0xFFFFFF80  }
0xd1: {  	_ =	swait.ge [sflag:s18], $0x80  }
0xd2: {  	[sflag:s18] =	ssyncset.done $0x0  }
0xd3: {  	[sflag:s18] =	ssyncadd.s32 $0xFFFFFF80  }
0xd4: {  	_ =	swait.ge [sflag:s18], $0x80  }
0xd5: {  	[sflag:s18] =	ssyncset.done $0x0  }
0xd6: {  	[sflag:s18] =	ssyncadd.s32 $0xFFFFFF80  }
0xd7: {  	_ =	swait.ge [sflag:s18], $0x80  }
0xd8: {  	[sflag:s18] =	ssyncset.done $0x0  }
0xd9: {  	[sflag:s18] =	ssyncadd.s32 $0xFFFFFF80  }
0xda: {  	_ =	swait.ge [sflag:s18], $0x80  }
0xdb: {  	[sflag:s18] =	ssyncset.done $0x0  }
0xdc: {  	[sflag:s18] =	ssyncadd.s32 $0xFFFFFF80  }
0xdd: {  	_ =	swait.ge [sflag:s18], $0x80  }
0xde: {  	[sflag:s18] =	ssyncset.done $0x0  }
0xdf: {  	[sflag:s18] =	ssyncadd.s32 $0xFFFFFF80  }
0xe0: {  	_ =	swait.ge [sflag:s18], $0x80  }
0xe1: {  	[sflag:s18] =	ssyncset.done $0x0  }
0xe2: {  	[sflag:s18] =	ssyncadd.s32 $0xFFFFFF80  }
0xe3: {  	_ =	swait.ge [sflag:s18], $0x80  }
0xe4: {  	[sflag:s18] =	ssyncset.done $0x0  }
0xe5: {  	[sflag:s18] =	ssyncadd.s32 $0xFFFFFF80  }
0xe6: {  	_ =	swait.ge [sflag:s18], $0x80  }
0xe7: {  	[sflag:s18] =	ssyncset.done $0x0  }
0xe8: {  	[sflag:s18] =	ssyncadd.s32 $0xFFFFFF80  }
0xe9: {  	_ =	swait.ge [sflag:s18], $0x80  }
0xea: {  	[sflag:s18] =	ssyncset.done $0x0  }
0xeb: {  	[sflag:s18] =	ssyncadd.s32 $0xFFFFFF80  }
0xec: {  	_ =	swait.ge [sflag:s18], $0x80  }
0xed: {  	[sflag:s18] =	ssyncset.done $0x0  }
0xee: {  	[sflag:s18] =	ssyncadd.s32 $0xFFFFFF80  }
0xef: {  	_ =	swait.ge [sflag:s18], $0x80  }
0xf0: {  	[sflag:s18] =	ssyncset.done $0x0  }
0xf1: {  	[sflag:s18] =	ssyncadd.s32 $0xFFFFFF80  }
0xf2: {  	_ =	swait.ge [sflag:s18], $0x80  }
0xf3: {  	[sflag:s18] =	ssyncset.done $0x0  }
0xf4: {  	[sflag:s18] =	ssyncadd.s32 $0xFFFFFF80  }
0xf5: {  	_ =	swait.ge [sflag:s18], $0x80  }
0xf6: {  	[sflag:s18] =	ssyncset.done $0x0  }
0xf7: {  	[sflag:s18] =	ssyncadd.s32 $0xFFFFFF80  }
0xf8: {  	_ =	swait.ge [sflag:s18], $0x80  }
0xf9: {  	[sflag:s18] =	ssyncset.done $0x0  }
0xfa: {  	[sflag:s18] =	ssyncadd.s32 $0xFFFFFF80  }
0xfb: {  	_ =	swait.ge [sflag:s18], $0x80  }
0xfc: {  	[sflag:s18] =	ssyncset.done $0x0  }
0xfd: {  	[sflag:s18] =	ssyncadd.s32 $0xFFFFFF80  }
0xfe: {  	v12 =	vld [tilespmem:$0x0];
	_ =	sdelay $0x4  }
0xff: {  	v13 =	vnsel vm0, $0x0, v12  }
0x100: {  	v13 =	vxor.u32 $0x80000000, v13  }
0x101: {  	(xrf0) =	vmax.scan.msk.u32 $0xffff, v13;
	_ =	sdelay $0x5  }
0x102: {  	v13, _, _ =	vpop (xrf0)  }
0x103: {  	(v2sf) =	vpush v13, $0xF;
	_ =	sdelay $0xe  }
0x104: {  	s30 =	spop (v2sf)  }
0x105: {  	v0 =	vimm.f32 $0.0e+00;
	s28 =	simm.s32 $0x10100;
	s0 =	sxor.u32 $0x80000000, s30  }
.Ltmp2:
0x106: {  	s31 =	simm.s32 $0x0;
	[tilespmem:$0x11080] =	vst v0;
	p0 =	sge.s32 s5, s0;
	(pc) =	sbr.rel .LBB2_2-.Ltmp2, $4  }
0x107: {  	s8 =	simm.s32 $0x10880;
	[tilespmem:$0x11100] =	vst v0;
	s0 =	simm.s32 @!p0 $0x0;
	s1 =	simm.s32 @!p0 $0x80  }
0x108: {  	v63 =	vxor.u32 $0x80000000, v12;
	[tilespmem:s1], [sflag:$0x1] =	stream.linear.gather @!p0 [hbm4b:s12+s0], $0x4000, $0x38;
	[tilespmem:$0x11180] =	vst v63  }
0x109: {  	s9 =	simm.s32 $0x10080;
	s26 =	simm.s32 $0x10900;
	[tilespmem:$0x1FB50] =	vst v63;
	s1 =	simm.s32 @!p0 $0x8080  }
0x10a: {  	[tilespmem:s1], [sflag:$0x1] =	stream.linear.gather @!p0 [hbm4b:s13+s0], $0x4000, $0x38;
	[tilespmem:$0x11180] =	vst v63  }
.LBB2_8:
0x10b: {  	s31 =	sadd.s32 $0x1, s31  }
0x10c: {  	p0 =	sne.s32 s31, $0x8  }
.Ltmp3:
0x10d: {  	_ = 	snop;
	(pc) =	sbr.rel @!p0 .LBB2_9-.Ltmp3, $3  }
0x10e: {  	_ =	sdelay $0x1  }
0x10f: {  	s9 =	sadd.s32 $0x100, s9  }
0x110: {  	s8 =	sadd.s32 $0x100, s8;
	s28 =	sadd.s32 $0x100, s28;
	s26 =	sadd.s32 $0x100, s26  }
.LBB2_2:
0x111: {  	v0 =	vld [tilespmem:$0x1FB50];
	_ =	sdelay $0x1  }
0x112: {  	s7 =	sshllo.u32 s31, $0x1  }
0x113: {  	v12 =	vmov s7  }
0x114: {  	vm2 =	veq.s32 v12, v10  }
0x115: {  	v12 =	vnsel vm2, $0x80000000, v0  }
0x116: {  	(xrf0) =	vmax.scan.msk.u32 $0xffff, v12;
	_ =	sdelay $0x5  }
0x117: {  	s0 =	sshll.u32 s31, $0x1;
	v12, _, _ =	vpop (xrf0)  }
0x118: {  	v63 =	vmov s0;
	(v2sf) =	vpush v12, $0xF  }
0x119: {  	vm2 =	veq.s32 v63, v10  }
0x11a: {  	v12 =	vnsel vm2, $0x80000000, v0  }
0x11b: {  	(xrf0) =	vmax.scan.msk.u32 $0xffff, v12;
	_ =	sdelay $0x5  }
0x11c: {  	v12, _, _ =	vpop (xrf0)  }
0x11d: {  	(v2sf) =	vpush v12, $0xF;
	_ =	sdelay $0x3  }
0x11e: {  	s1 =	sshll.u32 s7, $0x8  }
0x11f: {  	s1 =	sadd.s32 s5, s1;
	s2 =	spop (v2sf)  }
0x120: {  	s1 =	sand.u32 $0xF80, s1;
	s2 =	sxor.u32 $0x80000000, s2  }
0x121: {  	p0 =	sge.s32 s1, s2  }
0x122: {  	s7 =	sshll.u32 @!p0 s7, $0x10;
	s29 =	sshll.u32 @!p0 s1, $0x4  }
0x123: {  	s7 =	sor.u32 @!p0 s7, s29  }
0x124: {  	s30 =	simm.s32 @!p0 $0x0;
	s10 =	simm.s32 @!p0 $0x4080;
	s29 =	sadd.s32 @!p0 s4, s7  }
0x125: {  	[tilespmem:s10], [sflag:$0x2] =	stream.linear.gather @!p0 [hbm4b:s29+s30], $0x4000, $0x38;
	[tilespmem:$0x11180] =	vst v63  }
0x126: {  	s7 =	sadd.s32 @!p0 s6, s7;
	s10 =	simm.s32 @!p0 $0xC080  }
0x127: {  	[tilespmem:s10], [sflag:$0x2] =	stream.linear.gather @!p0 [hbm4b:s7+s30], $0x4000, $0x38;
	[tilespmem:$0x11180] =	vst v63  }
0x128: {  	s10 =	sshll.u32 s31, $0x9  }
0x129: {  	s30 =	spop (v2sf);
	s7 =	sadd.s32 s5, s10  }
0x12a: {  	s29 =	sxor.u32 $0x80000000, s30;
	s7 =	sand.u32 $0xF80, s7  }
0x12b: {  	p1 =	sge.s32 s7, s29  }
.Ltmp4:
0x12c: {  	_ = 	snop;
	(pc) =	sbr.rel @p1 .LBB2_5-.Ltmp4, $1  }
0x12d: {  	_ =	sdelay $0x3  }
0x12e: {  	_ =	swait.ge [sflag:s19], $0x4000  }
0x12f: {  	[sflag:s19] =	ssyncset.done $0x0  }
0x130: {  	[sflag:s19] =	ssyncadd.s32 $0xFFFFC000  }
0x131: {  	v0 =	vor.u32 s7, v10;
	_ =	swait.ge [sflag:s19], $0x4000  }
0x132: {  	v63 =	vmov s29;
	s7 =	simm.s32 $0x0;
	[sflag:s19] =	ssyncset.done $0x0;
	[tilespmem:$0x1FB30] =	vst v0  }
0x133: {  	s29 =	smov.u32 s8;
	s30 =	smov.u32 s9;
	[tilespmem:$0x1FB40] =	vst v63;
	[sflag:s19] =	ssyncadd.s32 $0xFFFFC000  }
.LBB2_4:
0x134: {  	v14 =	vmov s7;
	v0 =	vld [tilespmem:$0x1FE60]  }
0x135: {  	v14 =	vshll.u32 v14, $0x7  }
0x136: {  	v42 =	vld [tilespmem:$0x1FE70];
	v14 =	vor.u32 v11, v14  }
0x137: {  	v15 =	vor.u32 v10, v14;
	_ =	sdelay $0x1  }
0x138: {  	v16 =	vor.u32 v0, v14;
	_ =	sdelay $0x1  }
0x139: {  	v2 =	vld [tilespmem:$0x1FBD0];
	v17 =	vor.u32 v42, v14  }
0x13a: {  	v18 =	vld.idx.msk [tilespmem:v15+s20+$0x0], $0xffff  }
0x13b: {  	v23 =	vld.idx.msk [tilespmem:v15+s21+$0x0], $0xffff  }
0x13c: {  	v15 =	vor.u32 v19, v14;
	v42 =	vld.idx.msk [tilespmem:v16+s20+$0x0], $0xffff  }
0x13d: {  	v48 =	vld.idx.msk [tilespmem:v16+s21+$0x0], $0xffff  }
0x13e: {  	v16 =	vor.u32 v20, v14;
	v49 =	vld.idx.msk [tilespmem:v17+s20+$0x0], $0xffff  }
0x13f: {  	v50 =	vld.idx.msk [tilespmem:v17+s21+$0x0], $0xffff  }
0x140: {  	v17 =	vor.u32 v21, v14;
	v21 =	vor.u32 v38, v14;
	v38 =	vld [tilespmem:$0x1FB80]  }
0x141: {  	v55 =	vld.idx.msk [tilespmem:v15+s20+$0x0], $0xffff  }
0x142: {  	v59 =	vld.idx.msk [tilespmem:v15+s21+$0x0], $0xffff  }
0x143: {  	v32 =	vld.idx.msk [tilespmem:v16+s20+$0x0], $0xffff  }
0x144: {  	v15 =	vor.u32 v22, v14;
	v60 =	vld.idx.msk [tilespmem:v16+s21+$0x0], $0xffff  }
0x145: {  	v61 =	vld.idx.msk [tilespmem:v17+s20+$0x0], $0xffff  }
0x146: {  	v16 =	vor.u32 v24, v14;
	v62 =	vld.idx.msk [tilespmem:v17+s21+$0x0], $0xffff  }
0x147: {  	v24 =	vor.u32 v39, v14;
	v39 =	vld [tilespmem:$0x1FB90]  }
0x148: {  	v17 =	vor.u32 v26, v14;
	v50 =	vmul.f32 v50, v49;
	v49 =	vld [tilespmem:$0x1FDF0]  }
0x149: {  	v63 =	vld.idx.msk [tilespmem:v15+s20+$0x0], $0xffff  }
0x14a: {  	v3 =	vld.idx.msk [tilespmem:v15+s21+$0x0], $0xffff  }
0x14b: {  	v5 =	vld.idx.msk [tilespmem:v16+s20+$0x0], $0xffff  }
0x14c: {  	v38 =	vor.u32 v38, v14;
	v4 =	vld.idx.msk [tilespmem:v16+s21+$0x0], $0xffff  }
0x14d: {  	v7 =	vld.idx.msk [tilespmem:v17+s20+$0x0], $0xffff  }
0x14e: {  	v42 =	vmul.f32 v48, v42;
	v6 =	vld.idx.msk [tilespmem:v17+s21+$0x0], $0xffff  }
0x14f: {  	v26 =	vor.u32 v40, v14;
	v15 =	vor.u32 v27, v14;
	v40 =	vld.idx.msk [tilespmem:v24+s20+$0x0], $0xffff  }
0x150: {  	v42 =	vadd.f32 $0.0e+00, v42;
	v17 =	vor.u32 v30, v14;
	v30 =	vor.u32 v43, v14;
	v43 =	vld [tilespmem:$0x1FB60]  }
0x151: {  	v16 =	vor.u32 v28, v14;
	v0 =	vld.idx.msk [tilespmem:v38+s20+$0x0], $0xffff;
	v55 =	vmul.f32 v59, v55;
	v59 =	vmul.f32 v62, v61  }
0x152: {  	v38 =	vld.idx.msk [tilespmem:v38+s21+$0x0], $0xffff  }
0x153: {  	v42 =	vadd.f32 v59, v42;
	v59 =	vld [tilespmem:$0x1FE10]  }
0x154: {  	v19 =	vld.idx.msk [tilespmem:v15+s20+$0x0], $0xffff  }
0x155: {  	v9 =	vld.idx.msk [tilespmem:v15+s21+$0x0], $0xffff  }
0x156: {  	v20 =	vld.idx.msk [tilespmem:v16+s20+$0x0], $0xffff  }
0x157: {  	v28 =	vor.u32 v41, v14;
	v8 =	vld.idx.msk [tilespmem:v16+s21+$0x0], $0xffff  }
0x158: {  	v27 =	vld.idx.msk [tilespmem:v17+s20+$0x0], $0xffff  }
0x159: {  	v10 =	vld.idx.msk [tilespmem:v17+s21+$0x0], $0xffff  }
0x15a: {  	v17 =	vor.u32 v34, v14;
	v34 =	vld.idx.msk [tilespmem:v21+s20+$0x0], $0xffff  }
0x15b: {  	v21 =	vld.idx.msk [tilespmem:v21+s21+$0x0], $0xffff  }
0x15c: {  	v23 =	vmul.f32 v23, v18;
	v39 =	vor.u32 v39, v14;
	v15 =	vor.u32 v31, v14;
	v31 =	vld.idx.msk [tilespmem:v28+s21+$0x0], $0xffff  }
0x15d: {  	v51 =	vld.idx.msk [tilespmem:v30+s20+$0x0], $0xffff  }
0x15e: {  	v23 =	vadd.f32 $0.0e+00, v23;
	v60 =	vmul.f32 v60, v32;
	v52 =	vld.idx.msk [tilespmem:v30+s21+$0x0], $0xffff  }
0x15f: {  	v30 =	vor.u32 v47, v14;
	v47 =	vld [tilespmem:$0x1FB70]  }
0x160: {  	v23 =	vadd.f32 v60, v23;
	[tilespmem:$0x1FA10] =	vst v0;
	v0 =	vld [tilespmem:$0x1FBB0]  }
0x161: {  	v60 =	vadd.f32 $0.0e+00, v55;
	v16 =	vor.u32 v33, v14;
	v1 =	vld.idx.msk [tilespmem:v39+s20+$0x0], $0xffff;
	v4 =	vmul.f32 v4, v5  }
0x162: {  	v3 =	vmul.f32 v3, v63;
	v63 =	vld [tilespmem:$0x1FE00]  }
0x163: {  	v4 =	vadd.f32 v4, v60;
	v60 =	vld [tilespmem:$0x1FE30]  }
0x164: {  	v11 =	vld.idx.msk [tilespmem:v15+s20+$0x0], $0xffff  }
0x165: {  	v12 =	vld.idx.msk [tilespmem:v15+s21+$0x0], $0xffff  }
0x166: {  	v13 =	vld.idx.msk [tilespmem:v16+s20+$0x0], $0xffff  }
0x167: {  	v45 =	vld.idx.msk [tilespmem:v16+s21+$0x0], $0xffff  }
0x168: {  	v58 =	vld.idx.msk [tilespmem:v17+s20+$0x0], $0xffff  }
0x169: {  	v22 =	vld.idx.msk [tilespmem:v17+s21+$0x0], $0xffff  }
0x16a: {  	v17 =	vor.u32 v37, v14;
	v37 =	vld.idx.msk [tilespmem:v24+s21+$0x0], $0xffff  }
0x16b: {  	v15 =	vor.u32 v35, v14;
	v35 =	vld.idx.msk [tilespmem:v26+s20+$0x0], $0xffff  }
0x16c: {  	v24 =	vld.idx.msk [tilespmem:v26+s21+$0x0], $0xffff  }
0x16d: {  	v16 =	vor.u32 v36, v14;
	v36 =	vld.idx.msk [tilespmem:v28+s20+$0x0], $0xffff  }
0x16e: {  	v26 =	vor.u32 v44, v14;
	v44 =	vld.idx.msk [tilespmem:v30+s20+$0x0], $0xffff  }
0x16f: {  	v28 =	vor.u32 v46, v14;
	v46 =	vld.idx.msk [tilespmem:v30+s21+$0x0], $0xffff  }
0x170: {  	v62 =	vmul.f32 v8, v20;
	v8 =	vld [tilespmem:$0x1FE20]  }
0x171: {  	v5 =	vadd.f32 $0.0e+00, v50;
	v61 =	vmul.f32 v9, v19;
	v19 =	vld [tilespmem:$0x1FC50]  }
0x172: {  	v20 =	vld [tilespmem:$0x1FD00]  }
0x173: {  	v3 =	vadd.f32 v3, v5;
	v5 =	vadd.f32 v61, v42;
	v42 =	vld [tilespmem:$0x1FC60]  }
0x174: {  	v61 =	vld [tilespmem:$0x1FD30]  }
0x175: {  	v25 =	vld.idx.msk [tilespmem:v15+s20+$0x0], $0xffff  }
0x176: {  	v15 =	vld.idx.msk [tilespmem:v15+s21+$0x0], $0xffff  }
0x177: {  	v29 =	vld.idx.msk [tilespmem:v16+s20+$0x0], $0xffff  }
0x178: {  	v16 =	vld.idx.msk [tilespmem:v16+s21+$0x0], $0xffff  }
0x179: {  	v33 =	vld.idx.msk [tilespmem:v17+s20+$0x0], $0xffff  }
0x17a: {  	v30 =	vor.u32 v47, v14;
	v17 =	vld.idx.msk [tilespmem:v17+s21+$0x0], $0xffff  }
0x17b: {  	v53 =	vld.idx.msk [tilespmem:v26+s20+$0x0], $0xffff  }
0x17c: {  	v56 =	vld.idx.msk [tilespmem:v26+s21+$0x0], $0xffff  }
0x17d: {  	v9 =	vmul.f32 v10, v27;
	v26 =	vor.u32 v54, v14;
	v54 =	vld.idx.msk [tilespmem:v28+s20+$0x0], $0xffff  }
0x17e: {  	v57 =	vld.idx.msk [tilespmem:v28+s21+$0x0], $0xffff  }
0x17f: {  	v3 =	vadd.f32 v62, v3;
	v4 =	vadd.f32 v9, v4;
	v41 =	vld.idx.msk [tilespmem:v30+s20+$0x0], $0xffff;
	v9 =	vmul.f32 v22, v58  }
0x180: {  	v22 =	vld [tilespmem:$0x1FC80]  }
0x181: {  	v21 =	vmul.f32 v21, v34;
	v28 =	vor.u32 v43, v14;
	v58 =	vld [tilespmem:$0x1FC90];
	v3 =	vadd.f32 v9, v3  }
0x182: {  	v10 =	vmul.f32 v12, v11;
	v12 =	vor.u32 v60, v14;
	v60 =	vld [tilespmem:$0x1FCA0]  }
0x183: {  	v3 =	vadd.f32 v21, v3;
	v21 =	vmul.f32 v31, v36;
	v31 =	vld [tilespmem:$0x1FC30]  }
0x184: {  	v43 =	vld.idx.msk [tilespmem:v26+s20+$0x0], $0xffff  }
0x185: {  	[tilespmem:$0x1F9F0] =	vst v46;
	v46 =	vld.idx.msk [tilespmem:v26+s21+$0x0], $0xffff  }
0x186: {  	[tilespmem:$0x1F9E0] =	vst v44;
	v44 =	vld.idx.msk [tilespmem:v28+s20+$0x0], $0xffff  }
0x187: {  	v0 =	vor.u32 v0, v14;
	v47 =	vld.idx.msk [tilespmem:v28+s21+$0x0], $0xffff  }
0x188: {  	v26 =	vld.idx.msk [tilespmem:v30+s21+$0x0], $0xffff  }
0x189: {  	v8 =	vor.u32 v8, v14;
	[tilespmem:$0x1FA00] =	vst v41;
	v41 =	vld [tilespmem:$0x1FBA0]  }
0x18a: {  	v30 =	vld.idx.msk [tilespmem:v39+s21+$0x0], $0xffff  }
0x18b: {  	v39 =	vld [tilespmem:$0x1FBC0]  }
0x18c: {  	v28 =	vld.idx.msk [tilespmem:v0+s20+$0x0], $0xffff  }
0x18d: {  	v0 =	vld.idx.msk [tilespmem:v0+s21+$0x0], $0xffff  }
0x18e: {  	v62 =	vmul.f32 v15, v25;
	v15 =	vld.idx.msk [tilespmem:v8+s20+$0x0], $0xffff  }
0x18f: {  	v9 =	vmul.f32 v16, v29;
	v16 =	vld [tilespmem:$0x1FC70]  }
0x190: {  	v6 =	vmul.f32 v6, v7;
	[tilespmem:$0x1FA20] =	vst v1;
	v7 =	vld.idx.msk [tilespmem:v8+s21+$0x0], $0xffff;
	v1 =	vor.u32 v39, v14  }
0x191: {  	v8 =	vld [tilespmem:$0x1FC20]  }
0x192: {  	v25 =	vld [tilespmem:$0x1FBF0]  }
0x193: {  	v27 =	vmul.f32 v56, v53;
	v53 =	vld [tilespmem:$0x1FD50]  }
0x194: {  	v6 =	vadd.f32 v6, v23;
	[tilespmem:$0x1FA40] =	vst v0;
	v0 =	vld [tilespmem:$0x1FC00]  }
0x195: {  	v2 =	vor.u32 v2, v14;
	[tilespmem:$0x1FA30] =	vst v28;
	v28 =	vld.idx.msk [tilespmem:v1+s20+$0x0], $0xffff  }
0x196: {  	v6 =	vadd.f32 v10, v6;
	v1 =	vld.idx.msk [tilespmem:v1+s21+$0x0], $0xffff  }
0x197: {  	v56 =	vld [tilespmem:$0x1F9F0]  }
0x198: {  	v6 =	vadd.f32 v9, v6;
	v9 =	vmul.f32 v17, v33;
	v17 =	vld.idx.msk [tilespmem:v12+s20+$0x0], $0xffff  }
0x199: {  	v12 =	vld.idx.msk [tilespmem:v12+s21+$0x0], $0xffff  }
0x19a: {  	v0 =	vor.u32 v0, v14;
	[tilespmem:$0x1FA50] =	vst v28;
	v28 =	vld.idx.msk [tilespmem:v2+s20+$0x0], $0xffff  }
0x19b: {  	v23 =	vmul.f32 v24, v35;
	[tilespmem:$0x1FA60] =	vst v1;
	v1 =	vld [tilespmem:$0x1FC10]  }
0x19c: {  	v2 =	vld.idx.msk [tilespmem:v2+s21+$0x0], $0xffff  }
0x19d: {  	v6 =	vadd.f32 v23, v6;
	v23 =	vld [tilespmem:$0x1FBE0]  }
0x19e: {  	v4 =	vadd.f32 v62, v4;
	v62 =	vld [tilespmem:$0x1FD60];
	v41 =	vor.u32 v41, v14  }
0x19f: {  	v20 =	vsel vm1, v20, v61;
	[tilespmem:$0x1FA70] =	vst v28;
	v28 =	vld.idx.msk [tilespmem:v0+s20+$0x0], $0xffff  }
0x1a0: {  	v22 =	vcombine.low v22, v20;
	v0 =	vld.idx.msk [tilespmem:v0+s21+$0x0], $0xffff  }
0x1a1: {  	v1 =	vor.u32 v1, v14;
	[tilespmem:$0x1FA80] =	vst v2;
	v2 =	vld [tilespmem:$0x1FD90]  }
0x1a2: {  	v22 =	vor.u32 v22, v14;
	v23 =	vsel vm1, v25, v23;
	v25 =	vmul.f32 v52, v51;
	v52 =	vld [tilespmem:$0x1FD40]  }
0x1a3: {  	v39 =	vld.idx.msk [tilespmem:v41+s20+$0x0], $0xffff  }
0x1a4: {  	v16 =	vsel vm1, v16, v42;
	v41 =	vld.idx.msk [tilespmem:v41+s21+$0x0], $0xffff  }
0x1a5: {  	v19 =	vcombine.low v19, v16;
	[tilespmem:$0x1FAA0] =	vst v0;
	v0 =	vld [tilespmem:$0x1FDA0]  }
0x1a6: {  	v2 =	vor.u32 v2, v14;
	[tilespmem:$0x1FA90] =	vst v28;
	v28 =	vld.idx.msk [tilespmem:v1+s20+$0x0], $0xffff  }
0x1a7: {  	v19 =	vor.u32 v19, v14;
	v3 =	vadd.f32 v25, v3;
	v25 =	vld.idx.msk [tilespmem:v22+s20+$0x0], $0xffff  }
0x1a8: {  	v51 =	vmul.f32 v57, v54;
	v1 =	vld.idx.msk [tilespmem:v1+s21+$0x0], $0xffff  }
0x1a9: {  	v22 =	vld.idx.msk [tilespmem:v22+s21+$0x0], $0xffff  }
0x1aa: {  	v6 =	vadd.f32 v51, v6;
	v51 =	vld [tilespmem:$0x1FD80]  }
0x1ab: {  	v0 =	vor.u32 v0, v14;
	[tilespmem:$0x1FAB0] =	vst v28;
	v28 =	vld.idx.msk [tilespmem:v2+s20+$0x0], $0xffff  }
0x1ac: {  	v29 =	vld.idx.msk [tilespmem:v19+s20+$0x0], $0xffff  }
0x1ad: {  	[tilespmem:$0x1FAC0] =	vst v1;
	v1 =	vld [tilespmem:$0x1FDB0]  }
0x1ae: {  	v19 =	vld.idx.msk [tilespmem:v19+s21+$0x0], $0xffff  }
0x1af: {  	v2 =	vld.idx.msk [tilespmem:v2+s21+$0x0], $0xffff  }
0x1b0: {  	[tilespmem:$0x1FAD0] =	vst v28;
	v28 =	vld.idx.msk [tilespmem:v0+s20+$0x0], $0xffff  }
0x1b1: {  	v0 =	vld.idx.msk [tilespmem:v0+s21+$0x0], $0xffff  }
0x1b2: {  	v31 =	vsel vm1, v42, v31;
	v42 =	vld [tilespmem:$0x1FA50];
	v1 =	vor.u32 v1, v14  }
0x1b3: {  	v57 =	vmul.f32 v46, v43;
	v31 =	vcombine.low v31, v52;
	v52 =	vld [tilespmem:$0x1FA80]  }
0x1b4: {  	[tilespmem:$0x1FAE0] =	vst v2;
	v2 =	vld [tilespmem:$0x1FDC0]  }
0x1b5: {  	v3 =	vadd.f32 v57, v3;
	v57 =	vld [tilespmem:$0x1FAB0]  }
0x1b6: {  	[tilespmem:$0x1FB00] =	vst v0;
	v0 =	vld [tilespmem:$0x1FDD0]  }
0x1b7: {  	v18 =	vld.idx.msk [tilespmem:v1+s20+$0x0], $0xffff  }
0x1b8: {  	v1 =	vld.idx.msk [tilespmem:v1+s21+$0x0], $0xffff  }
0x1b9: {  	v36 =	vsel vm1, v58, v60;
	v58 =	vld [tilespmem:$0x1FAC0];
	v2 =	vor.u32 v2, v14  }
0x1ba: {  	[tilespmem:$0x1FAF0] =	vst v28;
	v28 =	vld [tilespmem:$0x1F9E0]  }
0x1bb: {  	v60 =	vld [tilespmem:$0x1FAE0]  }
0x1bc: {  	v36 =	vcombine.low v36, v62;
	v62 =	vld [tilespmem:$0x1FB00]  }
0x1bd: {  	v0 =	vor.u32 v0, v14;
	[tilespmem:$0x1FB20] =	vst v1;
	v1 =	vld [tilespmem:$0x1FDE0]  }
0x1be: {  	v32 =	vld.idx.msk [tilespmem:v2+s20+$0x0], $0xffff  }
0x1bf: {  	v33 =	vmul.f32 v56, v28;
	v28 =	vld [tilespmem:$0x1FA00]  }
0x1c0: {  	[tilespmem:$0x1FB10] =	vst v18;
	v18 =	vld.idx.msk [tilespmem:v2+s21+$0x0], $0xffff  }
0x1c1: {  	v56 =	vld [tilespmem:$0x1FAA0]  }
0x1c2: {  	v48 =	vld.idx.msk [tilespmem:v0+s20+$0x0], $0xffff  }
0x1c3: {  	v2 =	vor.u32 v49, v14;
	v1 =	vor.u32 v1, v14;
	v49 =	vld.idx.msk [tilespmem:v0+s21+$0x0], $0xffff  }
0x1c4: {  	v0 =	vor.u32 v63, v14;
	v63 =	vmul.f32 v45, v13;
	v26 =	vmul.f32 v26, v28;
	v28 =	vld [tilespmem:$0x1FA10]  }
0x1c5: {  	v45 =	vld [tilespmem:$0x1FA60]  }
0x1c6: {  	v5 =	vadd.f32 v63, v5;
	v63 =	vld [tilespmem:$0x1FE40]  }
0x1c7: {  	v6 =	vadd.f32 v26, v6;
	v26 =	vld [tilespmem:$0x1FA20]  }
0x1c8: {  	v50 =	vld.idx.msk [tilespmem:v1+s20+$0x0], $0xffff  }
0x1c9: {  	v55 =	vld.idx.msk [tilespmem:v1+s21+$0x0], $0xffff  }
0x1ca: {  	v1 =	vor.u32 v59, v14;
	v59 =	vld.idx.msk [tilespmem:v2+s20+$0x0], $0xffff  }
0x1cb: {  	v8 =	vor.u32 v8, v14;
	v2 =	vld.idx.msk [tilespmem:v2+s21+$0x0], $0xffff  }
0x1cc: {  	v11 =	vld.idx.msk [tilespmem:v0+s20+$0x0], $0xffff  }
0x1cd: {  	v0 =	vld.idx.msk [tilespmem:v0+s21+$0x0], $0xffff  }
0x1ce: {  	v5 =	vadd.f32 v9, v5;
	v9 =	vmul.f32 v37, v40;
	v37 =	vmul.f32 v45, v42;
	v45 =	vld [tilespmem:$0x1FB20]  }
0x1cf: {  	v31 =	vor.u32 v31, v14;
	v48 =	vmul.f32 v49, v48;
	v49 =	vld [tilespmem:$0x1FCF0]  }
0x1d0: {  	v4 =	vadd.f32 v9, v4;
	v9 =	vld.idx.msk [tilespmem:v8+s20+$0x0], $0xffff  }
0x1d1: {  	v8 =	vld.idx.msk [tilespmem:v8+s21+$0x0], $0xffff  }
0x1d2: {  	v4 =	vadd.f32 v27, v4;
	v27 =	vld [tilespmem:$0x1FC40]  }
0x1d3: {  	v5 =	vadd.f32 v21, v5;
	v21 =	vld [tilespmem:$0x1FCC0]  }
0x1d4: {  	v13 =	vor.u32 v63, v14;
	v63 =	vor.u32 v36, v14;
	v26 =	vmul.f32 v30, v26;
	v36 =	vld.idx.msk [tilespmem:v31+s20+$0x0], $0xffff  }
0x1d5: {  	v30 =	vmul.f32 v41, v39;
	v41 =	vld [tilespmem:$0x1FD70]  }
0x1d6: {  	v28 =	vmul.f32 v38, v28;
	v3 =	vadd.f32 v26, v3;
	v26 =	vld [tilespmem:$0x1FA30]  }
0x1d7: {  	v5 =	vadd.f32 v33, v5;
	v10 =	vld.idx.msk [tilespmem:v1+s20+$0x0], $0xffff;
	v27 =	vsel vm1, v61, v27;
	v61 =	vmul.f32 v47, v44  }
0x1d8: {  	v1 =	vld.idx.msk [tilespmem:v1+s21+$0x0], $0xffff  }
0x1d9: {  	v5 =	vadd.f32 v28, v5;
	v28 =	vld.idx.msk [tilespmem:v31+s21+$0x0], $0xffff;
	v4 =	vadd.f32 v61, v4  }
0x1da: {  	v31 =	vld [tilespmem:$0x1FCD0]  }
0x1db: {  	v4 =	vadd.f32 v30, v4;
	v30 =	vld [tilespmem:$0x1FA40]  }
0x1dc: {  	v0 =	vmul.f32 v0, v11;
	v11 =	vld [tilespmem:$0x1FD20]  }
0x1dd: {  	v21 =	vcombine.low v23, v21;
	v23 =	vld [tilespmem:$0x1FCB0]  }
0x1de: {  	v24 =	vld.idx.msk [tilespmem:v13+s20+$0x0], $0xffff  }
0x1df: {  	v13 =	vld.idx.msk [tilespmem:v13+s21+$0x0], $0xffff  }
0x1e0: {  	v39 =	vld.idx.msk [tilespmem:v63+s20+$0x0], $0xffff;
	v26 =	vmul.f32 v30, v26  }
0x1e1: {  	v16 =	vcombine.low v16, v41;
	v34 =	vld.idx.msk [tilespmem:v63+s21+$0x0], $0xffff;
	v41 =	vor.u32 v49, v14  }
0x1e2: {  	v21 =	vor.u32 v21, v14;
	v6 =	vadd.f32 v26, v6;
	v26 =	vld [tilespmem:$0x1FA70]  }
0x1e3: {  	v63 =	vld [tilespmem:$0x1FCE0]  }
0x1e4: {  	v27 =	vcombine.low v27, v53;
	v53 =	vld [tilespmem:$0x1FA90]  }
0x1e5: {  	v16 =	vor.u32 v16, v14;
	v61 =	vld [tilespmem:$0x1FAF0]  }
0x1e6: {  	v8 =	vmul.f32 v8, v9;
	v9 =	vld.idx.msk [tilespmem:v41+s21+$0x0], $0xffff  }
0x1e7: {  	v23 =	vor.u32 v23, v14;
	v33 =	vld.idx.msk [tilespmem:v21+s20+$0x0], $0xffff;
	v26 =	vmul.f32 v52, v26  }
0x1e8: {  	v21 =	vld.idx.msk [tilespmem:v21+s21+$0x0], $0xffff  }
0x1e9: {  	v31 =	vor.u32 v31, v14;
	v3 =	vadd.f32 v26, v3;
	v26 =	vld [tilespmem:$0x1FAD0]  }
0x1ea: {  	v18 =	vmul.f32 v18, v32;
	v32 =	vld.idx.msk [tilespmem:v16+s20+$0x0], $0xffff  }
0x1eb: {  	v16 =	vld.idx.msk [tilespmem:v16+s21+$0x0], $0xffff  }
0x1ec: {  	v38 =	vmul.f32 v56, v53;
	v35 =	vld.idx.msk [tilespmem:v23+s20+$0x0], $0xffff  }
0x1ed: {  	v5 =	vadd.f32 v37, v5;
	v37 =	vmul.f32 v58, v57;
	v27 =	vor.u32 v27, v14;
	v23 =	vld.idx.msk [tilespmem:v23+s21+$0x0], $0xffff  }
0x1ee: {  	v4 =	vadd.f32 v38, v4;
	v38 =	vld.idx.msk [tilespmem:v31+s20+$0x0], $0xffff;
	v26 =	vmul.f32 v60, v26  }
0x1ef: {  	v40 =	vor.u32 v63, v14;
	v31 =	vld.idx.msk [tilespmem:v31+s21+$0x0], $0xffff;
	v6 =	vadd.f32 v37, v6  }
0x1f0: {  	v11 =	vor.u32 v11, v14;
	v5 =	vadd.f32 v26, v5;
	v26 =	vld [tilespmem:$0x1FB10]  }
0x1f1: {  	v6 =	vadd.f32 v18, v6;
	v18 =	vmul.f32 v55, v50;
	v50 =	vld [tilespmem:$0x1FD10]  }
0x1f2: {  	v20 =	vcombine.low v20, v51;
	v51 =	vmul.f32 v7, v15;
	v30 =	vld.idx.msk [tilespmem:v27+s20+$0x0], $0xffff  }
0x1f3: {  	v2 =	vmul.f32 v2, v59;
	v57 =	vmul.f32 v19, v29;
	v27 =	vld.idx.msk [tilespmem:v27+s21+$0x0], $0xffff  }
0x1f4: {  	v20 =	vor.u32 v20, v14;
	v1 =	vmul.f32 v1, v10;
	v10 =	vld.idx.msk [tilespmem:v40+s20+$0x0], $0xffff;
	v37 =	vmul.f32 v62, v61  }
0x1f5: {  	v58 =	vmul.f32 v22, v25;
	v62 =	vld.idx.msk [tilespmem:v11+s20+$0x0], $0xffff;
	v26 =	vmul.f32 v45, v26  }
0x1f6: {  	v63 =	vmul.f32 v28, v36;
	v11 =	vld.idx.msk [tilespmem:v11+s21+$0x0], $0xffff;
	v3 =	vadd.f32 v37, v3;
	v37 =	vor.u32 v50, v14  }
0x1f7: {  	v53 =	vmul.f32 v12, v17;
	v56 =	vmul.f32 v13, v24;
	v55 =	vld.idx.msk [tilespmem:v41+s20+$0x0], $0xffff;
	v4 =	vadd.f32 v26, v4  }
0x1f8: {  	v61 =	vmul.f32 v21, v33;
	v52 =	vld.idx.msk [tilespmem:v40+s21+$0x0], $0xffff;
	v0 =	vadd.f32 v0, v6;
	v5 =	vadd.f32 v48, v5  }
0x1f9: {  	v15 =	vmul.f32 v31, v38;
	v3 =	vadd.f32 v18, v3;
	v26 =	vld.idx.msk [tilespmem:v20+s20+$0x0], $0xffff;
	v2 =	vadd.f32 v2, v4  }
0x1fa: {  	v0 =	vadd.f32 v56, v0;
	v60 =	vmul.f32 v23, v35;
	v1 =	vadd.f32 v1, v5;
	v20 =	vld.idx.msk [tilespmem:v20+s21+$0x0], $0xffff  }
0x1fb: {  	v42 =	vmul.f32 v27, v30;
	v3 =	vadd.f32 v51, v3;
	v59 =	vld.idx.msk [tilespmem:v37+s20+$0x0], $0xffff;
	v2 =	vadd.f32 v53, v2  }
0x1fc: {  	v6 =	vmul.f32 v9, v55;
	v0 =	vadd.f32 v60, v0;
	v1 =	vadd.f32 v8, v1;
	v8 =	vld.idx.msk [tilespmem:v37+s21+$0x0], $0xffff  }
0x1fd: {  	v50 =	vmul.f32 v52, v10;
	v3 =	vadd.f32 v57, v3;
	v2 =	vadd.f32 v58, v2  }
0x1fe: {  	v48 =	vmul.f32 v16, v32;
	v45 =	vmul.f32 v34, v39;
	v1 =	vadd.f32 v61, v1  }
0x1ff: {  	v3 =	vadd.f32 v63, v3;
	v49 =	vmul.f32 v20, v26;
	v2 =	vadd.f32 v42, v2  }
0x200: {  	v52 =	vmul.f32 v11, v62;
	v0 =	vadd.f32 v45, v0;
	v1 =	vadd.f32 v15, v1  }
0x201: {  	v3 =	vadd.f32 v48, v3;
	v51 =	vmul.f32 v8, v59;
	v2 =	vadd.f32 v49, v2  }
0x202: {  	v0 =	vadd.f32 v50, v0;
	v1 =	vadd.f32 v6, v1  }
0x203: {  	v3 =	vadd.f32 v51, v3;
	v2 =	vadd.f32 v52, v2;
	_ =	sdelay $0x1  }
0x204: {  	v0 =	vadd.f32 v1, v0;
	v53 =	vadd.f32 v2, v3;
	_ =	sdelay $0x1  }
0x205: {  	v0 =	vadd.f32 v53, v0;
	_ =	sdelay $0x1  }
0x206: {  	v0 =	vmul.f32 $2.000000000e+01, v0;
	_ =	sdelay $0x1  }
0x207: {  	v55 =	vand.u32 $0x7FFFFFFF, v0  }
0x208: {  	v1 =	vsub.f32 $0.0e+00, v55;
	_ =	sdelay $0x1  }
0x209: {  	v1 =	vmul.f32 $1.442695020e+00, v1;
	_ =	sdelay $0x1  }
0x20a: {  	(erf) = vpow2.f32 v1;
	_ =	sdelay $0x8  }
0x20b: {  	v1 =	vpop (erf)  }
0x20c: {  	v56 =	vadd.f32 $2.000000000e+00, v1;
	_ =	sdelay $0x1  }
0x20d: {  	(erf) = vrcp.f32 v56;
	_ =	sdelay $0x5  }
0x20e: {  	v54 =	vld [tilespmem:$0x1FFF0]  }
0x20f: {  	v46 =	vld [tilespmem:$0x1FFD0]  }
0x210: {  	v43 =	vld [tilespmem:$0x1FFB0]  }
0x211: {  	v19 =	vld [tilespmem:$0x1FE80];
	v2 =	vpop (erf)  }
0x212: {  	v22 =	vld [tilespmem:$0x1FEB0];
	v1 =	vmul.f32 v2, v1  }
0x213: {  	v47 =	vld [tilespmem:$0x1FFE0]  }
0x214: {  	v44 =	vld [tilespmem:$0x1FFC0];
	v2 =	vmul.f32 v1, v1  }
0x215: {  	v36 =	vld [tilespmem:$0x1FF50]  }
0x216: {  	v28 =	vld [tilespmem:$0x1FEF0];
	v57 =	vmul.f32 $1.111111120e-01, v2  }
0x217: {  	v17 =	vld [tilespmem:$0x1FE70]  }
0x218: {  	v24 =	vld [tilespmem:$0x1FEC0];
	v3 =	vadd.f32 $1.428571490e-01, v57  }
0x219: {  	v33 =	vld [tilespmem:$0x1FF20]  }
0x21a: {  	v21 =	vld [tilespmem:$0x1FEA0];
	v3 =	vmul.f32 v3, v2  }
0x21b: {  	v38 =	vld [tilespmem:$0x1FF70]  }
0x21c: {  	v31 =	vld [tilespmem:$0x1FF10];
	v3 =	vadd.f32 $2.000000030e-01, v3  }
0x21d: {  	v30 =	vld [tilespmem:$0x1FF00]  }
0x21e: {  	v27 =	vld [tilespmem:$0x1FEE0];
	v3 =	vmul.f32 v3, v2  }
0x21f: {  	v58 =	vld [tilespmem:s29+$0x0]  }
0x220: {  	v41 =	vld [tilespmem:$0x1FFA0];
	v3 =	vadd.f32 $3.333333430e-01, v3  }
0x221: {  	v40 =	vld [tilespmem:$0x1FF90]  }
0x222: {  	v60 =	vld [tilespmem:$0x1FB30];
	v2 =	vmul.f32 v3, v2  }
0x223: {  	v62 =	vld [tilespmem:$0x1FB40]  }
0x224: {  	v59 =	vld [tilespmem:s30+$0x0];
	v4 =	vmul.f32 v0, v58;
	v1 =	vadd.f32 v1, v1;
	v2 =	vadd.f32 $1.000000000e+00, v2  }
0x225: {  	v11 =	vld [tilespmem:$0x1FE50];
	v0 =	vmax.f32 v0, $0.0e+00  }
0x226: {  	v63 =	vld [tilespmem:$0x11100];
	v0 =	vsub.f32 v0, v4;
	v1 =	vmul.f32 v2, v1  }
0x227: {  	v61 =	vld [tilespmem:$0x11080];
	v2 =	vor.u32 s7, v60  }
0x228: {  	v35 =	vld [tilespmem:$0x1FF40];
	vm2 =	vlt.s32 v2, v62;
	v0 =	vadd.f32 v1, v0  }
0x229: {  	p1 =	sne.s32 s7, $0x70;
	v16 =	vld [tilespmem:$0x1FE60];
	v2 =	vnsel vm2, $0x0, v59  }
.Ltmp5:
0x22a: {  	v39 =	vld [tilespmem:$0x1FF80];
	v0 =	vmul.f32 v0, v2;
	(pc) =	sbr.rel @p1 .LBB2_4-.Ltmp5, $4  }
0x22b: {  	v34 =	vld [tilespmem:$0x1FF30];
	v1 =	vadd.f32 v63, v2  }
0x22c: {  	v37 =	vld [tilespmem:$0x1FF60];
	v0 =	vadd.f32 v0, v61  }
0x22d: {  	v26 =	vld [tilespmem:$0x1FED0];
	[tilespmem:$0x11100] =	vst v1  }
0x22e: {  	v10 =	vlaneseq.u32;
	s30 =	sadd.s32 $0x10, s30;
	v20 =	vld [tilespmem:$0x1FE90];
	s29 =	sadd.s32 $0x10, s29;
	s7 =	sadd.s32 $0x10, s7;
	[tilespmem:$0x11080] =	vst v0  }
.LBB2_5:
0x22f: {  	p1 =	seq.s32 s31, $0x7  }
0x230: {  	s0 =	sadd.s32 @!p1 $0x2, s0  }
0x231: {  	v1 =	vlaneseq.u32 @!p1;
	v0 =	vmov @!p1 s0  }
0x232: {  	vm2 =	veq.s32 @!p1 v0, v1;
	v0 =	vld [tilespmem:$0x1FB50];
	_ =	sdelay $0x4  }
0x233: {  	v0 =	vnsel @!p1 vm2, $0x80000000, v0  }
0x234: {  	(xrf0) =	vmax.scan.msk.u32 @!p1 $0xffff, v0;
	_ =	sdelay $0x5  }
0x235: {  	v0, _, _ =	vpop @!p1 (xrf0)  }
0x236: {  	(v2sf) =	vpush @!p1 v0, $0xF;
	_ =	sdelay $0xd  }
0x237: {  	s7 =	sshll.u32 @!p1 s0, $0x8  }
0x238: {  	s7 =	sadd.s32 @!p1 s5, s7;
	s10 =	spop @!p1 (v2sf)  }
0x239: {  	s7 =	sand.u32 @!p1 $0xF80, s7;
	s10 =	sxor.u32 @!p1 $0x80000000, s10  }
0x23a: {  	p2 =	sge.s32 @!p1 s7, s10  }
0x23b: {  	p1 =	por p2, p1  }
0x23c: {  	s0 =	sshll.u32 @!p1 s0, $0x10;
	s7 =	sshll.u32 @!p1 s7, $0x4  }
.Ltmp6:
0x23d: {  	s0 =	sor.u32 @!p1 s0, s7;
	(pc) =	sbr.rel @p0 .LBB2_8-.Ltmp6, $4  }
0x23e: {  	s10 =	simm.s32 @!p1 $0x0;
	s29 =	simm.s32 @!p1 $0x80;
	s7 =	sadd.s32 @!p1 s4, s0  }
0x23f: {  	[tilespmem:s29], [sflag:$0x1] =	stream.linear.gather @!p1 [hbm4b:s7+s10], $0x4000, $0x38;
	[tilespmem:$0x11180] =	vst v63  }
0x240: {  	s0 =	sadd.s32 @!p1 s6, s0;
	s7 =	simm.s32 @!p1 $0x8080  }
0x241: {  	[tilespmem:s7], [sflag:$0x1] =	stream.linear.gather @!p1 [hbm4b:s0+s10], $0x4000, $0x38;
	[tilespmem:$0x11180] =	vst v63  }
0x242: {  	_ =	swait.ge [sflag:s22], $0x4000  }
0x243: {  	[sflag:s22] =	ssyncset.done $0x0  }
0x244: {  	[sflag:s22] =	ssyncadd.s32 $0xFFFFC000  }
0x245: {  	v0 =	vor.u32 s1, v10;
	_ =	swait.ge [sflag:s22], $0x4000  }
0x246: {  	v63 =	vmov s2;
	s0 =	simm.s32 $0x0;
	[sflag:s22] =	ssyncset.done $0x0;
	[tilespmem:$0x1F9C0] =	vst v0  }
0x247: {  	s1 =	smov.u32 s26;
	s2 =	smov.u32 s28;
	[tilespmem:$0x1F9D0] =	vst v63;
	[sflag:s22] =	ssyncadd.s32 $0xFFFFC000  }
.LBB2_7:
0x248: {  	v0 =	vmov s0  }
0x249: {  	v0 =	vshll.u32 v0, $0x7  }
0x24a: {  	v14 =	vor.u32 v11, v0  }
0x24b: {  	v0 =	vor.u32 v10, v14;
	_ =	sdelay $0x1  }
0x24c: {  	v1 =	vor.u32 v16, v14;
	_ =	sdelay $0x1  }
0x24d: {  	v2 =	vor.u32 v17, v14;
	v15 =	vor.u32 v24, v14;
	v24 =	vor.u32 v39, v14;
	v39 =	vld [tilespmem:$0x1FB90]  }
0x24e: {  	v5 =	vld.idx.msk [tilespmem:v0+s23+$0x0], $0xffff  }
0x24f: {  	v4 =	vor.u32 v19, v14;
	v3 =	vld.idx.msk [tilespmem:v0+s24+$0x0], $0xffff  }
0x250: {  	v29 =	vld.idx.msk [tilespmem:v1+s23+$0x0], $0xffff  }
0x251: {  	v8 =	vor.u32 v21, v14;
	v25 =	vld.idx.msk [tilespmem:v1+s24+$0x0], $0xffff  }
0x252: {  	v6 =	vor.u32 v20, v14;
	v20 =	vld.idx.msk [tilespmem:v2+s23+$0x0], $0xffff  }
0x253: {  	v10 =	vor.u32 v22, v14;
	v7 =	vld.idx.msk [tilespmem:v2+s24+$0x0], $0xffff  }
0x254: {  	v9 =	vld.idx.msk [tilespmem:v4+s23+$0x0], $0xffff  }
0x255: {  	v4 =	vld.idx.msk [tilespmem:v4+s24+$0x0], $0xffff  }
0x256: {  	v45 =	vld.idx.msk [tilespmem:v8+s23+$0x0], $0xffff  }
0x257: {  	v16 =	vor.u32 v26, v14;
	v8 =	vld.idx.msk [tilespmem:v8+s24+$0x0], $0xffff  }
0x258: {  	v49 =	vld.idx.msk [tilespmem:v10+s23+$0x0], $0xffff  }
0x259: {  	v17 =	vor.u32 v27, v14;
	v10 =	vld.idx.msk [tilespmem:v10+s24+$0x0], $0xffff  }
0x25a: {  	v50 =	vld.idx.msk [tilespmem:v15+s23+$0x0], $0xffff  }
0x25b: {  	v55 =	vld.idx.msk [tilespmem:v15+s24+$0x0], $0xffff  }
0x25c: {  	v58 =	vld.idx.msk [tilespmem:v16+s23+$0x0], $0xffff  }
0x25d: {  	v59 =	vld.idx.msk [tilespmem:v16+s24+$0x0], $0xffff  }
0x25e: {  	v60 =	vld.idx.msk [tilespmem:v17+s23+$0x0], $0xffff  }
0x25f: {  	v61 =	vld.idx.msk [tilespmem:v17+s24+$0x0], $0xffff  }
0x260: {  	v26 =	vor.u32 v40, v14;
	v15 =	vor.u32 v28, v14;
	v40 =	vld.idx.msk [tilespmem:v24+s23+$0x0], $0xffff  }
0x261: {  	v16 =	vor.u32 v30, v14;
	v30 =	vor.u32 v43, v14;
	v43 =	vld [tilespmem:$0x1FB60]  }
0x262: {  	v2 =	vld [tilespmem:$0x1FBD0]  }
0x263: {  	v11 =	vld.idx.msk [tilespmem:v6+s23+$0x0], $0xffff  }
0x264: {  	v17 =	vor.u32 v31, v14;
	v6 =	vld.idx.msk [tilespmem:v6+s24+$0x0], $0xffff  }
0x265: {  	v62 =	vld.idx.msk [tilespmem:v15+s23+$0x0], $0xffff  }
0x266: {  	v63 =	vld.idx.msk [tilespmem:v15+s24+$0x0], $0xffff  }
0x267: {  	v28 =	vor.u32 v41, v14;
	v21 =	vld.idx.msk [tilespmem:v16+s23+$0x0], $0xffff  }
0x268: {  	v13 =	vld.idx.msk [tilespmem:v16+s24+$0x0], $0xffff  }
0x269: {  	v18 =	vld.idx.msk [tilespmem:v17+s23+$0x0], $0xffff  }
0x26a: {  	v23 =	vld.idx.msk [tilespmem:v17+s24+$0x0], $0xffff  }
0x26b: {  	v39 =	vor.u32 v39, v14;
	v17 =	vor.u32 v35, v14;
	v35 =	vld.idx.msk [tilespmem:v26+s23+$0x0], $0xffff  }
0x26c: {  	v31 =	vld.idx.msk [tilespmem:v28+s24+$0x0], $0xffff  }
0x26d: {  	v51 =	vld.idx.msk [tilespmem:v30+s23+$0x0], $0xffff  }
0x26e: {  	v52 =	vld.idx.msk [tilespmem:v30+s24+$0x0], $0xffff  }
0x26f: {  	v30 =	vor.u32 v47, v14;
	v47 =	vld [tilespmem:$0x1FB70];
	v25 =	vmul.f32 v25, v29  }
0x270: {  	v15 =	vor.u32 v33, v14;
	v1 =	vld.idx.msk [tilespmem:v39+s23+$0x0], $0xffff;
	v4 =	vmul.f32 v4, v9  }
0x271: {  	v8 =	vmul.f32 v8, v45;
	v45 =	vld [tilespmem:$0x1FC60];
	v9 =	vmul.f32 v10, v49;
	v10 =	vadd.f32 $0.0e+00, v25  }
0x272: {  	v16 =	vor.u32 v34, v14;
	v25 =	vld [tilespmem:$0x1FE20]  }
0x273: {  	v8 =	vadd.f32 v8, v10;
	v10 =	vmul.f32 v59, v58;
	v58 =	vld [tilespmem:$0x1FD30]  }
0x274: {  	v59 =	vld [tilespmem:$0x1FE10]  }
0x275: {  	v32 =	vld.idx.msk [tilespmem:v15+s23+$0x0], $0xffff  }
0x276: {  	v42 =	vld.idx.msk [tilespmem:v15+s24+$0x0], $0xffff  }
0x277: {  	v48 =	vld.idx.msk [tilespmem:v16+s23+$0x0], $0xffff  }
0x278: {  	v19 =	vld.idx.msk [tilespmem:v16+s24+$0x0], $0xffff  }
0x279: {  	v22 =	vld.idx.msk [tilespmem:v17+s23+$0x0], $0xffff  }
0x27a: {  	v12 =	vld.idx.msk [tilespmem:v17+s24+$0x0], $0xffff  }
0x27b: {  	v3 =	vmul.f32 v3, v5;
	v16 =	vor.u32 v37, v14;
	v37 =	vld.idx.msk [tilespmem:v24+s24+$0x0], $0xffff  }
0x27c: {  	v24 =	vld.idx.msk [tilespmem:v26+s24+$0x0], $0xffff  }
0x27d: {  	v11 =	vmul.f32 v6, v11;
	v3 =	vadd.f32 $0.0e+00, v3;
	v15 =	vor.u32 v36, v14;
	v36 =	vld.idx.msk [tilespmem:v28+s23+$0x0], $0xffff  }
0x27e: {  	v26 =	vor.u32 v44, v14;
	v44 =	vld.idx.msk [tilespmem:v30+s23+$0x0], $0xffff  }
0x27f: {  	v3 =	vadd.f32 v11, v3;
	v28 =	vor.u32 v46, v14;
	v46 =	vld.idx.msk [tilespmem:v30+s24+$0x0], $0xffff  }
0x280: {  	v4 =	vadd.f32 $0.0e+00, v4;
	v11 =	vmul.f32 v55, v50;
	v17 =	vor.u32 v38, v14;
	v38 =	vld [tilespmem:$0x1FB80]  }
0x281: {  	v3 =	vadd.f32 v10, v3;
	v10 =	vmul.f32 v63, v62;
	v63 =	vmul.f32 v23, v18;
	v23 =	vld [tilespmem:$0x1FC50]  }
0x282: {  	v4 =	vadd.f32 v11, v4;
	v11 =	vmul.f32 v61, v60;
	v60 =	vld [tilespmem:$0x1FC90]  }
0x283: {  	v61 =	vld [tilespmem:$0x1FCA0]  }
0x284: {  	v8 =	vadd.f32 v11, v8;
	v11 =	vmul.f32 v13, v21;
	v21 =	vld [tilespmem:$0x1FE30]  }
0x285: {  	v3 =	vadd.f32 v63, v3;
	v63 =	vld [tilespmem:$0x1FD60]  }
0x286: {  	v27 =	vld.idx.msk [tilespmem:v15+s23+$0x0], $0xffff  }
0x287: {  	v15 =	vld.idx.msk [tilespmem:v15+s24+$0x0], $0xffff  }
0x288: {  	v33 =	vld.idx.msk [tilespmem:v16+s23+$0x0], $0xffff  }
0x289: {  	v16 =	vld.idx.msk [tilespmem:v16+s24+$0x0], $0xffff  }
0x28a: {  	v34 =	vld.idx.msk [tilespmem:v17+s23+$0x0], $0xffff  }
0x28b: {  	v20 =	vmul.f32 v7, v20;
	v30 =	vor.u32 v47, v14;
	v17 =	vld.idx.msk [tilespmem:v17+s24+$0x0], $0xffff  }
0x28c: {  	v53 =	vld.idx.msk [tilespmem:v26+s23+$0x0], $0xffff  }
0x28d: {  	v20 =	vadd.f32 $0.0e+00, v20;
	v56 =	vld.idx.msk [tilespmem:v26+s24+$0x0], $0xffff  }
0x28e: {  	v26 =	vor.u32 v54, v14;
	v54 =	vld.idx.msk [tilespmem:v28+s23+$0x0], $0xffff  }
0x28f: {  	v9 =	vadd.f32 v9, v20;
	v57 =	vld.idx.msk [tilespmem:v28+s24+$0x0], $0xffff  }
0x290: {  	v25 =	vor.u32 v25, v14;
	v41 =	vld.idx.msk [tilespmem:v30+s23+$0x0], $0xffff  }
0x291: {  	v9 =	vadd.f32 v10, v9;
	v10 =	vmul.f32 v42, v32;
	v32 =	vld [tilespmem:$0x1FE40]  }
0x292: {  	v4 =	vadd.f32 v11, v4;
	v11 =	vmul.f32 v19, v48;
	v19 =	vld [tilespmem:$0x1FC70]  }
0x293: {  	v28 =	vor.u32 v43, v14;
	v48 =	vld [tilespmem:$0x1FC30];
	v8 =	vadd.f32 v10, v8;
	v10 =	vmul.f32 v12, v22  }
0x294: {  	v22 =	vld [tilespmem:$0x1FC20]  }
0x295: {  	v4 =	vadd.f32 v10, v4;
	v10 =	vld.idx.msk [tilespmem:v25+s24+$0x0], $0xffff  }
0x296: {  	v43 =	vld.idx.msk [tilespmem:v26+s23+$0x0], $0xffff  }
0x297: {  	[tilespmem:$0x1F890] =	vst v46;
	v38 =	vor.u32 v38, v14;
	v46 =	vld.idx.msk [tilespmem:v26+s24+$0x0], $0xffff  }
0x298: {  	[tilespmem:$0x1F880] =	vst v44;
	v44 =	vld.idx.msk [tilespmem:v28+s23+$0x0], $0xffff  }
0x299: {  	v47 =	vld.idx.msk [tilespmem:v28+s24+$0x0], $0xffff  }
0x29a: {  	v26 =	vld.idx.msk [tilespmem:v30+s24+$0x0], $0xffff  }
0x29b: {  	[tilespmem:$0x1F8A0] =	vst v41;
	v41 =	vld [tilespmem:$0x1FBA0]  }
0x29c: {  	v0 =	vld.idx.msk [tilespmem:v38+s23+$0x0], $0xffff  }
0x29d: {  	v38 =	vld.idx.msk [tilespmem:v38+s24+$0x0], $0xffff  }
0x29e: {  	v30 =	vld.idx.msk [tilespmem:v39+s24+$0x0], $0xffff  }
0x29f: {  	v39 =	vld [tilespmem:$0x1FBC0]  }
0x2a0: {  	v9 =	vadd.f32 v11, v9;
	v11 =	vmul.f32 v15, v27;
	v15 =	vld.idx.msk [tilespmem:v25+s23+$0x0], $0xffff  }
0x2a1: {  	v25 =	vld [tilespmem:$0x1FD00]  }
0x2a2: {  	v27 =	vld [tilespmem:$0x1FC80]  }
0x2a3: {  	v21 =	vor.u32 v21, v14;
	v42 =	vmul.f32 v56, v53;
	v53 =	vld [tilespmem:$0x1FC40]  }
0x2a4: {  	v56 =	vld [tilespmem:$0x1FD50]  }
0x2a5: {  	v17 =	vmul.f32 v17, v34;
	[tilespmem:$0x1F8B0] =	vst v0;
	v0 =	vld [tilespmem:$0x1FBB0]  }
0x2a6: {  	v34 =	vsel vm1, v45, v48;
	v48 =	vld [tilespmem:$0x1FCD0];
	v22 =	vor.u32 v22, v14;
	v3 =	vadd.f32 v11, v3  }
0x2a7: {  	v11 =	vmul.f32 v16, v33;
	v9 =	vadd.f32 v17, v9;
	v17 =	vmul.f32 v31, v36;
	v31 =	vld [tilespmem:$0x1FBF0]  }
0x2a8: {  	v24 =	vmul.f32 v24, v35;
	v12 =	vor.u32 v32, v14;
	v19 =	vsel vm1, v19, v45;
	v16 =	vld.idx.msk [tilespmem:v21+s23+$0x0], $0xffff  }
0x2a9: {  	v23 =	vcombine.low v23, v19;
	v21 =	vld.idx.msk [tilespmem:v21+s24+$0x0], $0xffff;
	v8 =	vadd.f32 v11, v8;
	v11 =	vmul.f32 v37, v40  }
0x2aa: {  	v3 =	vadd.f32 v24, v3;
	v24 =	vld [tilespmem:$0x1FBE0];
	v32 =	vsel vm1, v58, v53;
	v0 =	vor.u32 v0, v14  }
0x2ab: {  	v32 =	vcombine.low v32, v56;
	v56 =	vld [tilespmem:$0x1FD80]  }
0x2ac: {  	v23 =	vor.u32 v23, v14;
	v4 =	vadd.f32 v11, v4;
	v11 =	vld.idx.msk [tilespmem:v22+s23+$0x0], $0xffff  }
0x2ad: {  	v8 =	vadd.f32 v17, v8;
	v17 =	vld.idx.msk [tilespmem:v22+s24+$0x0], $0xffff  }
0x2ae: {  	v22 =	vld [tilespmem:$0x1FCC0]  }
0x2af: {  	v28 =	vld.idx.msk [tilespmem:v0+s23+$0x0], $0xffff  }
0x2b0: {  	v0 =	vld.idx.msk [tilespmem:v0+s24+$0x0], $0xffff  }
0x2b1: {  	[tilespmem:$0x1F8C0] =	vst v1;
	v1 =	vor.u32 v39, v14;
	v33 =	vld.idx.msk [tilespmem:v23+s23+$0x0], $0xffff  }
0x2b2: {  	v23 =	vld.idx.msk [tilespmem:v23+s24+$0x0], $0xffff  }
0x2b3: {  	v41 =	vor.u32 v41, v14;
	v24 =	vsel vm1, v31, v24;
	v31 =	vmul.f32 v52, v51;
	v52 =	vld [tilespmem:$0x1FD40]  }
0x2b4: {  	v51 =	vmul.f32 v57, v54;
	v57 =	vld [tilespmem:$0x1F890]  }
0x2b5: {  	[tilespmem:$0x1F8E0] =	vst v0;
	v0 =	vld [tilespmem:$0x1FC00]  }
0x2b6: {  	v2 =	vor.u32 v2, v14;
	[tilespmem:$0x1F8D0] =	vst v28;
	v28 =	vld.idx.msk [tilespmem:v1+s23+$0x0], $0xffff  }
0x2b7: {  	v1 =	vld.idx.msk [tilespmem:v1+s24+$0x0], $0xffff  }
0x2b8: {  	v39 =	vld.idx.msk [tilespmem:v41+s23+$0x0], $0xffff  }
0x2b9: {  	v41 =	vld.idx.msk [tilespmem:v41+s24+$0x0], $0xffff  }
0x2ba: {  	v3 =	vadd.f32 v51, v3;
	v51 =	vld [tilespmem:$0x1FD70]  }
0x2bb: {  	v40 =	vsel vm1, v60, v61;
	v0 =	vor.u32 v0, v14;
	[tilespmem:$0x1F8F0] =	vst v28;
	v28 =	vld.idx.msk [tilespmem:v2+s23+$0x0], $0xffff  }
0x2bc: {  	v25 =	vsel vm1, v25, v58;
	v40 =	vcombine.low v40, v63;
	[tilespmem:$0x1F900] =	vst v1;
	v1 =	vld [tilespmem:$0x1FC10]  }
0x2bd: {  	v27 =	vcombine.low v27, v25;
	v2 =	vld.idx.msk [tilespmem:v2+s24+$0x0], $0xffff  }
0x2be: {  	v45 =	vor.u32 v40, v14;
	v25 =	vcombine.low v25, v56;
	v56 =	vld [tilespmem:$0x1FD20]  }
0x2bf: {  	v27 =	vor.u32 v27, v14;
	v22 =	vcombine.low v24, v22;
	v24 =	vld [tilespmem:$0x1FCB0]  }
0x2c0: {  	[tilespmem:$0x1F910] =	vst v28;
	v28 =	vld.idx.msk [tilespmem:v0+s23+$0x0], $0xffff  }
0x2c1: {  	v0 =	vld.idx.msk [tilespmem:v0+s24+$0x0], $0xffff  }
0x2c2: {  	v1 =	vor.u32 v1, v14;
	[tilespmem:$0x1F920] =	vst v2;
	v2 =	vld [tilespmem:$0x1FD90]  }
0x2c3: {  	v36 =	vld.idx.msk [tilespmem:v45+s24+$0x0], $0xffff  }
0x2c4: {  	v9 =	vadd.f32 v31, v9;
	v31 =	vld.idx.msk [tilespmem:v27+s23+$0x0], $0xffff  }
0x2c5: {  	v27 =	vld.idx.msk [tilespmem:v27+s24+$0x0], $0xffff;
	v24 =	vor.u32 v24, v14  }
0x2c6: {  	[tilespmem:$0x1F940] =	vst v0;
	v0 =	vld [tilespmem:$0x1FDA0]  }
0x2c7: {  	v2 =	vor.u32 v2, v14;
	[tilespmem:$0x1F930] =	vst v28;
	v28 =	vld.idx.msk [tilespmem:v1+s23+$0x0], $0xffff  }
0x2c8: {  	v19 =	vcombine.low v19, v51;
	v51 =	vld [tilespmem:$0x1FCE0]  }
0x2c9: {  	v1 =	vld.idx.msk [tilespmem:v1+s24+$0x0], $0xffff  }
0x2ca: {  	v37 =	vld.idx.msk [tilespmem:v24+s23+$0x0], $0xffff  }
0x2cb: {  	v24 =	vld.idx.msk [tilespmem:v24+s24+$0x0], $0xffff  }
0x2cc: {  	v0 =	vor.u32 v0, v14;
	[tilespmem:$0x1F950] =	vst v28;
	v28 =	vld.idx.msk [tilespmem:v2+s23+$0x0], $0xffff  }
0x2cd: {  	v34 =	vcombine.low v34, v52;
	v52 =	vld [tilespmem:$0x1F8F0]  }
0x2ce: {  	[tilespmem:$0x1F960] =	vst v1;
	v1 =	vld [tilespmem:$0x1FDB0]  }
0x2cf: {  	v53 =	vld [tilespmem:$0x1F900]  }
0x2d0: {  	v58 =	vmul.f32 v46, v43;
	v2 =	vld.idx.msk [tilespmem:v2+s24+$0x0], $0xffff  }
0x2d1: {  	[tilespmem:$0x1F970] =	vst v28;
	v28 =	vld.idx.msk [tilespmem:v0+s23+$0x0], $0xffff  }
0x2d2: {  	v9 =	vadd.f32 v58, v9;
	v58 =	vld [tilespmem:$0x1F930]  }
0x2d3: {  	v60 =	vld [tilespmem:$0x1F940];
	v1 =	vor.u32 v1, v14  }
0x2d4: {  	v61 =	vld [tilespmem:$0x1F950]  }
0x2d5: {  	[tilespmem:$0x1F980] =	vst v2;
	v2 =	vld [tilespmem:$0x1FDC0]  }
0x2d6: {  	[tilespmem:$0x1F990] =	vst v28;
	v28 =	vld [tilespmem:$0x1F880]  }
0x2d7: {  	v62 =	vmul.f32 v47, v44;
	v4 =	vadd.f32 v42, v4;
	v0 =	vld.idx.msk [tilespmem:v0+s24+$0x0], $0xffff  }
0x2d8: {  	v5 =	vld.idx.msk [tilespmem:v1+s23+$0x0], $0xffff  }
0x2d9: {  	v4 =	vadd.f32 v62, v4;
	v62 =	vld [tilespmem:$0x1F960]  }
0x2da: {  	v63 =	vld [tilespmem:$0x1F980];
	v2 =	vor.u32 v2, v14  }
0x2db: {  	v35 =	vmul.f32 v57, v28;
	v28 =	vld [tilespmem:$0x1F8A0]  }
0x2dc: {  	[tilespmem:$0x1F9A0] =	vst v0;
	v0 =	vld [tilespmem:$0x1FDD0]  }
0x2dd: {  	[tilespmem:$0x1F9B0] =	vst v5;
	v5 =	vld.idx.msk [tilespmem:v1+s24+$0x0], $0xffff  }
0x2de: {  	v1 =	vld [tilespmem:$0x1FDE0]  }
0x2df: {  	v22 =	vor.u32 v22, v14;
	v6 =	vld.idx.msk [tilespmem:v2+s23+$0x0], $0xffff  }
0x2e0: {  	v7 =	vld.idx.msk [tilespmem:v2+s24+$0x0], $0xffff;
	v26 =	vmul.f32 v26, v28  }
0x2e1: {  	v0 =	vor.u32 v0, v14;
	v2 =	vld [tilespmem:$0x1FDF0]  }
0x2e2: {  	v3 =	vadd.f32 v26, v3;
	v26 =	vld [tilespmem:$0x1F8C0]  }
0x2e3: {  	v57 =	vld [tilespmem:$0x1F920]  }
0x2e4: {  	v8 =	vadd.f32 v35, v8;
	v35 =	vld.idx.msk [tilespmem:v22+s23+$0x0], $0xffff  }
0x2e5: {  	v22 =	vld.idx.msk [tilespmem:v22+s24+$0x0], $0xffff  }
0x2e6: {  	v29 =	vor.u32 v2, v14;
	v2 =	vld.idx.msk [tilespmem:v0+s23+$0x0], $0xffff  }
0x2e7: {  	v1 =	vor.u32 v1, v14;
	v49 =	vld.idx.msk [tilespmem:v0+s24+$0x0], $0xffff;
	v26 =	vmul.f32 v30, v26  }
0x2e8: {  	v0 =	vld [tilespmem:$0x1FE00];
	v30 =	vmul.f32 v41, v39  }
0x2e9: {  	v9 =	vadd.f32 v26, v9;
	v26 =	vld [tilespmem:$0x1F8D0]  }
0x2ea: {  	v4 =	vadd.f32 v30, v4;
	v30 =	vld [tilespmem:$0x1F8E0]  }
0x2eb: {  	v28 =	vld [tilespmem:$0x1F8B0]  }
0x2ec: {  	v50 =	vld.idx.msk [tilespmem:v1+s23+$0x0], $0xffff  }
0x2ed: {  	v55 =	vld.idx.msk [tilespmem:v1+s24+$0x0], $0xffff  }
0x2ee: {  	v34 =	vor.u32 v34, v14;
	v1 =	vor.u32 v59, v14;
	v59 =	vld.idx.msk [tilespmem:v29+s23+$0x0], $0xffff  }
0x2ef: {  	v20 =	vld.idx.msk [tilespmem:v29+s24+$0x0], $0xffff;
	v26 =	vmul.f32 v30, v26  }
0x2f0: {  	v29 =	vld.idx.msk [tilespmem:v12+s23+$0x0], $0xffff  }
0x2f1: {  	v3 =	vadd.f32 v26, v3;
	v26 =	vld [tilespmem:$0x1F910]  }
0x2f2: {  	v12 =	vld.idx.msk [tilespmem:v12+s24+$0x0], $0xffff;
	v28 =	vmul.f32 v38, v28  }
0x2f3: {  	v38 =	vld.idx.msk [tilespmem:v34+s23+$0x0], $0xffff  }
0x2f4: {  	v19 =	vor.u32 v19, v14;
	v8 =	vadd.f32 v28, v8;
	v28 =	vld.idx.msk [tilespmem:v34+s24+$0x0], $0xffff  }
0x2f5: {  	v41 =	vld.idx.msk [tilespmem:v45+s23+$0x0], $0xffff  }
0x2f6: {  	v0 =	vor.u32 v0, v14;
	v45 =	vld [tilespmem:$0x1F990];
	v26 =	vmul.f32 v57, v26  }
0x2f7: {  	v34 =	vor.u32 v48, v14;
	v48 =	vld [tilespmem:$0x1F9A0]  }
0x2f8: {  	v9 =	vadd.f32 v26, v9;
	v26 =	vld [tilespmem:$0x1F970]  }
0x2f9: {  	v39 =	vmul.f32 v53, v52;
	v52 =	vld.idx.msk [tilespmem:v19+s23+$0x0], $0xffff  }
0x2fa: {  	v19 =	vld.idx.msk [tilespmem:v19+s24+$0x0], $0xffff  }
0x2fb: {  	v25 =	vor.u32 v25, v14;
	v18 =	vld.idx.msk [tilespmem:v0+s23+$0x0], $0xffff  }
0x2fc: {  	v0 =	vld.idx.msk [tilespmem:v0+s24+$0x0], $0xffff  }
0x2fd: {  	v8 =	vadd.f32 v39, v8;
	v13 =	vld.idx.msk [tilespmem:v1+s23+$0x0], $0xffff;
	v26 =	vmul.f32 v63, v26  }
0x2fe: {  	v1 =	vld.idx.msk [tilespmem:v1+s24+$0x0], $0xffff  }
0x2ff: {  	v2 =	vmul.f32 v49, v2;
	v8 =	vadd.f32 v26, v8;
	v26 =	vld [tilespmem:$0x1F9B0]  }
0x300: {  	v32 =	vor.u32 v32, v14;
	v53 =	vmul.f32 v55, v50;
	v55 =	vld.idx.msk [tilespmem:v25+s23+$0x0], $0xffff  }
0x301: {  	v40 =	vmul.f32 v60, v58;
	v2 =	vadd.f32 v2, v8;
	v8 =	vmul.f32 v20, v59;
	v20 =	vld.idx.msk [tilespmem:v25+s24+$0x0], $0xffff  }
0x302: {  	v25 =	vld [tilespmem:$0x1FD10]  }
0x303: {  	v4 =	vadd.f32 v40, v4;
	v40 =	vld.idx.msk [tilespmem:v34+s23+$0x0], $0xffff;
	v1 =	vmul.f32 v1, v13;
	v13 =	vor.u32 v56, v14  }
0x304: {  	v39 =	vmul.f32 v62, v61;
	v5 =	vmul.f32 v5, v26;
	v26 =	vld [tilespmem:$0x1FCF0]  }
0x305: {  	v42 =	vor.u32 v51, v14;
	v34 =	vld.idx.msk [tilespmem:v34+s24+$0x0], $0xffff  }
0x306: {  	v11 =	vmul.f32 v17, v11;
	v30 =	vld.idx.msk [tilespmem:v32+s23+$0x0], $0xffff;
	v3 =	vadd.f32 v39, v3;
	v39 =	vmul.f32 v48, v45  }
0x307: {  	v60 =	vmul.f32 v23, v33;
	v6 =	vmul.f32 v7, v6;
	v32 =	vld.idx.msk [tilespmem:v32+s24+$0x0], $0xffff;
	v25 =	vor.u32 v25, v14  }
0x308: {  	v61 =	vmul.f32 v27, v31;
	v9 =	vadd.f32 v39, v9;
	v63 =	vld.idx.msk [tilespmem:v13+s23+$0x0], $0xffff;
	v4 =	vadd.f32 v5, v4  }
0x309: {  	v0 =	vmul.f32 v0, v18;
	v3 =	vadd.f32 v6, v3;
	v13 =	vld.idx.msk [tilespmem:v13+s24+$0x0], $0xffff;
	v26 =	vor.u32 v26, v14  }
0x30a: {  	v5 =	vadd.f32 v53, v9;
	v9 =	vld.idx.msk [tilespmem:v42+s23+$0x0], $0xffff;
	v4 =	vadd.f32 v8, v4;
	v8 =	vmul.f32 v10, v15  }
0x30b: {  	v62 =	vmul.f32 v22, v35;
	v57 =	vmul.f32 v21, v16;
	v1 =	vadd.f32 v1, v2;
	v10 =	vld.idx.msk [tilespmem:v42+s24+$0x0], $0xffff  }
0x30c: {  	v0 =	vadd.f32 v0, v3;
	v5 =	vadd.f32 v8, v5;
	v8 =	vmul.f32 v12, v29;
	v15 =	vld.idx.msk [tilespmem:v25+s23+$0x0], $0xffff  }
0x30d: {  	v7 =	vmul.f32 v19, v52;
	v1 =	vadd.f32 v11, v1;
	v2 =	vadd.f32 v57, v4;
	v11 =	vld.idx.msk [tilespmem:v25+s24+$0x0], $0xffff  }
0x30e: {  	v17 =	vmul.f32 v34, v40;
	v0 =	vadd.f32 v8, v0;
	v8 =	vmul.f32 v24, v37;
	v58 =	vld.idx.msk [tilespmem:v26+s23+$0x0], $0xffff  }
0x30f: {  	v16 =	vmul.f32 v32, v30;
	v1 =	vadd.f32 v62, v1;
	v2 =	vadd.f32 v61, v2;
	v59 =	vld.idx.msk [tilespmem:v26+s24+$0x0], $0xffff  }
0x310: {  	v4 =	vadd.f32 v60, v5;
	v0 =	vadd.f32 v8, v0;
	v8 =	vmul.f32 v28, v38  }
0x311: {  	v45 =	vmul.f32 v36, v41;
	v48 =	vmul.f32 v20, v55;
	v2 =	vadd.f32 v16, v2  }
0x312: {  	v51 =	vmul.f32 v13, v63;
	v1 =	vadd.f32 v17, v1;
	v4 =	vadd.f32 v8, v4  }
0x313: {  	v49 =	vmul.f32 v10, v9;
	v0 =	vadd.f32 v45, v0;
	v2 =	vadd.f32 v48, v2  }
0x314: {  	v50 =	vmul.f32 v11, v15;
	v4 =	vadd.f32 v7, v4;
	v3 =	vmul.f32 v59, v58  }
0x315: {  	v0 =	vadd.f32 v49, v0;
	v2 =	vadd.f32 v51, v2  }
0x316: {  	v52 =	vadd.f32 v50, v4;
	v1 =	vadd.f32 v3, v1;
	_ =	sdelay $0x1  }
0x317: {  	v53 =	vadd.f32 v2, v52;
	v0 =	vadd.f32 v1, v0;
	_ =	sdelay $0x1  }
0x318: {  	v0 =	vadd.f32 v53, v0;
	_ =	sdelay $0x1  }
0x319: {  	v0 =	vmul.f32 $2.000000000e+01, v0;
	_ =	sdelay $0x1  }
0x31a: {  	v55 =	vand.u32 $0x7FFFFFFF, v0  }
0x31b: {  	v1 =	vsub.f32 $0.0e+00, v55;
	_ =	sdelay $0x1  }
0x31c: {  	v1 =	vmul.f32 $1.442695020e+00, v1;
	_ =	sdelay $0x1  }
0x31d: {  	(erf) = vpow2.f32 v1;
	_ =	sdelay $0x8  }
0x31e: {  	v1 =	vpop (erf)  }
0x31f: {  	v56 =	vadd.f32 $2.000000000e+00, v1;
	_ =	sdelay $0x1  }
0x320: {  	(erf) = vrcp.f32 v56;
	_ =	sdelay $0x5  }
0x321: {  	v46 =	vld [tilespmem:$0x1FFD0]  }
0x322: {  	v43 =	vld [tilespmem:$0x1FFB0]  }
0x323: {  	v47 =	vld [tilespmem:$0x1FFE0]  }
0x324: {  	v44 =	vld [tilespmem:$0x1FFC0];
	v2 =	vpop (erf)  }
0x325: {  	v54 =	vld [tilespmem:$0x1FFF0];
	v1 =	vmul.f32 v2, v1  }
0x326: {  	v33 =	vld [tilespmem:$0x1FF20]  }
0x327: {  	v31 =	vld [tilespmem:$0x1FF10];
	v2 =	vmul.f32 v1, v1  }
0x328: {  	v27 =	vld [tilespmem:$0x1FEE0]  }
0x329: {  	v35 =	vld [tilespmem:$0x1FF40];
	v57 =	vmul.f32 $1.111111120e-01, v2  }
0x32a: {  	v22 =	vld [tilespmem:$0x1FEB0]  }
0x32b: {  	v19 =	vld [tilespmem:$0x1FE80];
	v3 =	vadd.f32 $1.428571490e-01, v57  }
0x32c: {  	v40 =	vld [tilespmem:$0x1FF90]  }
0x32d: {  	v34 =	vld [tilespmem:$0x1FF30];
	v3 =	vmul.f32 v3, v2  }
0x32e: {  	v41 =	vld [tilespmem:$0x1FFA0]  }
0x32f: {  	v36 =	vld [tilespmem:$0x1FF50];
	v3 =	vadd.f32 $2.000000030e-01, v3  }
0x330: {  	v21 =	vld [tilespmem:$0x1FEA0]  }
0x331: {  	v30 =	vld [tilespmem:$0x1FF00];
	v3 =	vmul.f32 v3, v2  }
0x332: {  	v58 =	vld [tilespmem:s1+$0x0]  }
0x333: {  	v39 =	vld [tilespmem:$0x1FF80];
	v3 =	vadd.f32 $3.333333430e-01, v3  }
0x334: {  	v63 =	vld [tilespmem:$0x11100]  }
0x335: {  	v60 =	vld [tilespmem:$0x1F9C0];
	v2 =	vmul.f32 v3, v2  }
0x336: {  	v62 =	vld [tilespmem:$0x1F9D0]  }
0x337: {  	v59 =	vld [tilespmem:s2+$0x0];
	v4 =	vmul.f32 v0, v58;
	v1 =	vadd.f32 v1, v1;
	v2 =	vadd.f32 $1.000000000e+00, v2  }
0x338: {  	v20 =	vld [tilespmem:$0x1FE90];
	v0 =	vmax.f32 v0, $0.0e+00  }
0x339: {  	v17 =	vld [tilespmem:$0x1FE70];
	v0 =	vsub.f32 v0, v4;
	v1 =	vmul.f32 v2, v1  }
0x33a: {  	v61 =	vld [tilespmem:$0x11080];
	v2 =	vor.u32 s0, v60  }
0x33b: {  	v37 =	vld [tilespmem:$0x1FF60];
	vm2 =	vlt.s32 v2, v62;
	v0 =	vadd.f32 v1, v0  }
0x33c: {  	p0 =	sne.s32 s0, $0x70;
	v24 =	vld [tilespmem:$0x1FEC0];
	v2 =	vnsel vm2, $0x0, v59  }
.Ltmp7:
0x33d: {  	v26 =	vld [tilespmem:$0x1FED0];
	v0 =	vmul.f32 v0, v2;
	(pc) =	sbr.rel @p0 .LBB2_7-.Ltmp7, $4  }
0x33e: {  	v38 =	vld [tilespmem:$0x1FF70];
	v1 =	vadd.f32 v63, v2  }
0x33f: {  	v28 =	vld [tilespmem:$0x1FEF0];
	v0 =	vadd.f32 v0, v61  }
0x340: {  	v16 =	vld [tilespmem:$0x1FE60];
	[tilespmem:$0x11100] =	vst v1  }
0x341: {  	v10 =	vlaneseq.u32;
	v11 =	vld [tilespmem:$0x1FE50];
	s2 =	sadd.s32 $0x10, s2;
	s1 =	sadd.s32 $0x10, s1;
	s0 =	sadd.s32 $0x10, s0;
	[tilespmem:$0x11080] =	vst v0  }
.Ltmp8:
0x342: {  	_ = 	snop;
	(pc) =	sbr.rel .LBB2_8-.Ltmp8, $1  }
0x343: {  	_ =	sdelay $0x3  }
.LBB2_10:
0x344: {  	_ =	sfence.sel $0x180000  }
0x345: {  	[bflag:$0x0] =	sbarrier.arrive $0xFFFF  }
0x346: {  	_ =	strace $0x90000047  }
0x347: {  	s0 =	stileid.u32;
	[bflag:$0x2] =	sbarrier.arrive $0xFFFF  }
0x348: {  	p0 =	sne.s32 s0, $0x0;
	s0 =	rddreg [dreg:$0x4]  }
0x349: {  	s0 =	sadd.s32 @!p0 $0x100000, s0  }
0x34a: {  	[sflag:s0] =	ssyncadd.tile.s32 @!p0 $0x1;
	_ =	shalt  }
.Lfunc_end2:
_tile_overlayer_lowered:
.L_overlay_start_2:
0x34b: {  	(tag) =	ssettag $0x2  }
0x34c: {  	s0 =	rddreg [dreg:$0x0];
	s2 =	stileid.u32  }
0x34d: {  	s1 =	rddreg [dreg:$0x1];
	p0 =	sne.s32 s2, $0x0  }
0x34e: {  	s3 =	rddreg [dreg:$0x2];
	[bflag:$0x3] =	sbarrier.arrive $0xFFFF;
	s2 =	simm.s32 @!p0 $0x1C04  }
0x34f: {  	[timem:s3], [sflag:s2] =	dma.local @!p0 [hbm:s0], s1  }
0x350: {  	s0 =	simm.s32 @!p0 $0x4  }
0x351: {  	_ =	swait.ge @!p0 [sflag:s0], s1  }
0x352: {  	s1 =	ssub.s32 @!p0 $0x0, s1;
	[sflag:s0] =	ssyncset.done @!p0 $0x0  }
0x353: {  	[sflag:s0] =	ssyncadd.s32 @!p0 s1  }
0x354: {  	[bflag:$0x3] =	sbarrier.arrive $0xFFFF  }
0x355: {  	_ =	shalt  }

</sc_bundles>
